<compile_context>
chip_gen: v7x
topology: tpu7x:2x2x1
jax: 0.10.2.dev20260603
libtpu: 0.0.44.dev20260713+nightly
codegen_flags: <defaults>
</compile_context>

<pallas_src>
import functools

import jax
import jax.numpy as jnp
from jax import lax
from jax.experimental import pallas as pl
from jax.experimental.pallas import tpu as pltpu
from jax.experimental.pallas import tpu_sc as plsc

_NC = 2
_NS = 16
_NW = _NC * _NS
_LANES = 16
_B = 4
_L = 256
_CH = 96
_STRIDE = 97
_PADW = 272
_NB = 4
_ROWS_W = (_NB * _L) // _NW
_ROW_ELEMS = _L * _CH


def _sc_generate(pseq_flat, legal_flat):
    mesh = plsc.VectorSubcoreMesh(
        core_axis_name="c", subcore_axis_name="s",
        num_cores=_NC, num_subcores=_NS)

    @functools.partial(
        pl.kernel,
        out_type=jax.ShapeDtypeStruct((_NB, _L, _L, _CH), jnp.float32),
        mesh=mesh,
        scratch_types=[
            pltpu.VMEM((_NB * _PADW,), jnp.int32),
            pltpu.VMEM((_ROWS_W * _L,), jnp.float32),
            pltpu.VMEM((_L * _STRIDE,), jnp.float32),
            pltpu.VMEM((_L, _CH), jnp.float32),
            pltpu.VMEM((_L, _CH), jnp.float32),
            pltpu.SemaphoreType.DMA,
            pltpu.SemaphoreType.DMA,
        ],
        compiler_params=pltpu.CompilerParams(needs_layout_passes=False),
    )
    def gen(pseq_hbm, legal_hbm, out_hbm, pseq_v, legal_v, stage_v,
            row0_v, row1_v, sem0, sem1):
        wid = lax.axis_index("s") * _NC + lax.axis_index("c")
        b = wid // (_L // _ROWS_W)
        i0 = (wid % (_L // _ROWS_W)) * _ROWS_W

        pltpu.sync_copy(pseq_hbm, pseq_v)
        pltpu.sync_copy(
            legal_hbm.at[pl.ds(wid * _ROWS_W * _L, _ROWS_W * _L)], legal_v)

        iota = lax.iota(jnp.int32, _LANES)
        one = jnp.full((_LANES,), 1.0, jnp.float32)
        zero = jnp.full((_LANES,), 0.0, jnp.float32)
        bufs = ((row0_v, sem0), (row1_v, sem1))

        def fill_row(t):
            i = i0 + t
            pbase = b * _PADW + i
            ri = [plsc.load_gather(
                pseq_v, [jnp.full((_LANES,), pbase + k, jnp.int32)])
                for k in range(11)]

            @plsc.parallel_loop(0, _L // _LANES, unroll=4)
            def _jgroup(jg):
                jbase = jg * _LANES
                jvec = iota + jbase
                jidx = jvec * _STRIDE
                legal_vec = legal_v[pl.ds(t * _L + jbase, _LANES)]

                cj5 = pseq_v[pl.ds(b * _PADW + jbase + 5, _LANES)]
                for d in range(4):
                    plsc.store_scatter(
                        stage_v, [jidx + d], jnp.where(ri[5] == d, one, zero))
                    plsc.store_scatter(
                        stage_v, [jidx + (4 + d)],
                        jnp.where(cj5 == d, one, zero))

                for k in range(11):
                    cj = cj5 if k == 5 else (
                        pseq_v[pl.ds(b * _PADW + jbase + 10 - k, _LANES)])
                    canon = ((ri[k] + cj) == 3) | ((ri[k] * cj) == 6)
                    m = canon & (jvec > (i + 2 * k - 7))
                    w = jnp.where(m, legal_vec, zero)
                    ch = 8 + 8 * k
                    for d in range(4):
                        plsc.store_scatter(
                            stage_v, [jidx + (ch + d)],
                            jnp.where(ri[k] == d, w, zero))
                        plsc.store_scatter(
                            stage_v, [jidx + (ch + 4 + d)],
                            jnp.where(cj == d, w, zero))

        def repack(buf):
            @plsc.parallel_loop(0, _L, unroll=4)
            def _j(j):
                src = j * _STRIDE
                for tt in range(_CH // _LANES):
                    v = plsc.load_gather(
                        stage_v, [iota + (src + _LANES * tt)])
                    buf[j, pl.ds(_LANES * tt, _LANES)] = v

        @pl.loop(0, _ROWS_W, step=2)
        def _rowpair(t2):
            for p, (buf, sem) in enumerate(bufs):
                t = t2 + p
                fill_row(t)

                @pl.when(t2 > 0)
                def _wait_prev():
                    pltpu.make_async_copy(
                        buf, out_hbm.at[0, 0], sem).wait()

                repack(buf)
                pltpu.async_copy(buf, out_hbm.at[b, i0 + t], sem)

        for buf, sem in bufs:
            pltpu.make_async_copy(buf, out_hbm.at[0, 0], sem).wait()

    return gen(pseq_flat, legal_flat)


def kernel(seq_indices, legal_mask):
    B, L = seq_indices.shape
    pseq = jnp.full((B, _PADW), 4, jnp.int32)
    pseq = pseq.at[:, 5:5 + L].set(seq_indices.astype(jnp.int32))
    return _sc_generate(pseq.reshape(-1), legal_mask.reshape(-1))

# --- scband reference (transcript-rebuilt; emitter-appended) ---
"""Pipeline reference for scband-helix-center-masked-prior-generator-3264175145149 (READ-ONLY COPY).

The authoritative reference and input builder live on the scoring server;
editing this copy changes nothing except your own understanding.
"""

import jax, jax.numpy as jnp
import numpy as np

K = 5
MIN_DIST = 3

def _embedding_table():
    # torch.eye(5)[:4].T -> [5,4]; rows 0..3 = identity basis, row 4 (pad) = zeros
    return jnp.concatenate([jnp.eye(4, dtype=jnp.float32), jnp.zeros((1, 4), dtype=jnp.float32)], axis=0)

def _canonical_lookup():
    # Canonical Watson-Crick + wobble pairs with A=0, C=1, G=2, U=3, pad=4
    tab = np.zeros((5, 5), dtype=bool)
    for a, b in [(0, 3), (3, 0), (1, 2), (2, 1), (2, 3), (3, 2)]:
        tab[a, b] = True
    return jnp.asarray(tab)

def setup_inputs(seed: int = 0) -> dict:
    key = jax.random.key(seed)
    k1, k2 = jax.random.split(key)
    B, L = 4, 256
    seq_indices = jax.random.randint(k1, (B, L), 0, 4, dtype=jnp.int64 if jax.config.jax_enable_x64 else jnp.int32).astype(jnp.int32)
    legal_mask = jax.random.uniform(k2, (B, L, L), dtype=jnp.float32)
    return {"seq_indices": seq_indices, "legal_mask": legal_mask}

def reference(seq_indices, legal_mask):
    emb = _embedding_table()
    canonical = _canonical_lookup()
    B, L = seq_indices.shape
    one_hot = jnp.take(emb, seq_indices, axis=0)  # [B, L, 4]
    rows = jnp.broadcast_to(one_hot[:, :, None, :], (B, L, L, 4))
    cols = jnp.broadcast_to(one_hot[:, None, :, :], (B, L, L, 4))
    base_info = jnp.concatenate([rows, cols], axis=-1)  # [B, L, L, 8]
    padded_seq = jnp.pad(seq_indices, ((0, 0), (K, K)), constant_values=4)
    flat_padded = padded_seq.reshape(-1)
    k_offsets = jnp.arange(-K, K + 1).reshape(1, 1, 1, -1)
    i_idx = jnp.arange(L).reshape(1, L, 1, 1)
    j_idx = jnp.arange(L).reshape(1, 1, L, 1)
    ik_rel = i_idx + K + k_offsets
    jk_rel = j_idx + K - k_offsets
    stride = L + 2 * K
    batch_offsets = (jnp.arange(B) * stride).reshape(B, 1, 1, 1)
    ik_global = jnp.broadcast_to(ik_rel + batch_offsets, (B, L, L, 2 * K + 1))
    jk_global = jnp.broadcast_to(jk_rel + batch_offsets, (B, L, L, 2 * K + 1))
    bases_ik = jnp.take(flat_padded, ik_global, axis=0)
    bases_jk = jnp.take(flat_padded, jk_global, axis=0)
    dist_matrix = (j_idx - i_idx).squeeze(-1)  # [1, L, L]
    mask_dist = dist_matrix[..., None] > (MIN_DIST + 2 * k_offsets)
    mask_canonical = canonical[bases_ik, bases_jk]
    final_mask = (mask_dist & mask_canonical).astype(jnp.float32)
    feat_ik = jnp.take(emb, bases_ik, axis=0)
    feat_jk = jnp.take(emb, bases_jk, axis=0)
    feat_stack = jnp.concatenate([feat_ik, feat_jk], axis=-1)
    feat_stack = feat_stack * final_mask[..., None]
    feat_stack = feat_stack.reshape(B, L, L, -1)
    feat_stack = feat_stack * legal_mask[..., None]
    result = jnp.concatenate([base_info, feat_stack], axis=-1)
    return result

if __name__ == "__main__":
    import jax
    _d = setup_inputs()
    print(jax.jit(kernel)(*tuple(_d.values())))

</pallas_src>

<mosaic_0001>
#map = affine_map<(d0, d1) -> (0)>
#map1 = affine_map<(d0, d1) -> (0, 0, 0, 0)>
module attributes {stable_mosaic.version = 14 : i64} {
  func.func @gen(%arg0: i32, %arg1: i32, %arg2: memref<1088xi32, #tpu.memory_space<hbm>>, %arg3: memref<262144xf32, #tpu.memory_space<hbm>>, %arg4: memref<4x256x256x96xf32, #tpu.memory_space<hbm>>, %arg5: memref<1088xi32, #tpu.memory_space<vmem>>, %arg6: memref<8192xf32, #tpu.memory_space<vmem>>, %arg7: memref<24832xf32, #tpu.memory_space<vmem>>, %arg8: memref<256x96xf32, #tpu.memory_space<vmem>>, %arg9: memref<256x96xf32, #tpu.memory_space<vmem>>, %arg10: memref<!tpu.dma_semaphore, #tpu.memory_space<semaphore_mem>>, %arg11: memref<!tpu.dma_semaphore, #tpu.memory_space<semaphore_mem>>) attributes {dimension_semantics = [#tpu.dimension_semantics<core_parallel>, #tpu.dimension_semantics<subcore_parallel>], iteration_bounds = array<i64: 2, 16>, scalar_prefetch = 0 : i64, scratch_operands = 7 : i64, tpu.core_type = #tpu.core_type<sc_vector_subcore>, window_params = [{transform_indices = #map}, {transform_indices = #map}, {transform_indices = #map1}]} {
    %mul3A = arith.constant 2 : i32
    %mul3A_0 = arith.muli %arg1, %mul3A : i32
    %add3A = arith.addi %mul3A_0, %arg0 : i32
    %jit3A = arith.constant 8 : i32
    %div3A = arith.divsi %add3A, %jit3A : i32
    %sign3A = arith.constant 0 : i32
    %sign3A_1 = arith.cmpi sgt, %add3A, %sign3A : i32
    %sign3A_2 = arith.extui %sign3A_1 : i1 to i32
    %sign3A_3 = arith.constant 0 : i32
    %sign3A_4 = arith.cmpi slt, %add3A, %sign3A_3 : i32
    %sign3A_5 = arith.extui %sign3A_4 : i1 to i32
    %sign3A_6 = arith.subi %sign3A_2, %sign3A_5 : i32
    %sign3A_7 = arith.constant 0 : i32
    %sign3A_8 = arith.cmpi sgt, %jit3A, %sign3A_7 : i32
    %sign3A_9 = arith.extui %sign3A_8 : i1 to i32
    %sign3A_10 = arith.constant 0 : i32
    %sign3A_11 = arith.cmpi slt, %jit3A, %sign3A_10 : i32
    %sign3A_12 = arith.extui %sign3A_11 : i1 to i32
    %sign3A_13 = arith.subi %sign3A_9, %sign3A_12 : i32
    %ne3A = arith.cmpi ne, %sign3A_6, %sign3A_13 : i32
    %rem3A = arith.remsi %add3A, %jit3A : i32
    %ne3A_14 = arith.constant 0 : i32
    %ne3A_15 = arith.cmpi ne, %rem3A, %ne3A_14 : i32
    %and3A = arith.andi %ne3A, %ne3A_15 : i1
    %sub3A = arith.constant 1 : i32
    %sub3A_16 = arith.subi %div3A, %sub3A : i32
    %select_n3A = arith.select %and3A, %sub3A_16, %div3A : i32
    %jit3A_17 = arith.constant 8 : i32
    %eq3A = arith.constant 0 : i32
    %eq3A_18 = arith.cmpi eq, %jit3A_17, %eq3A : i32
    %jit3A_19 = arith.constant 1 : i32
    %select_n3A_20 = arith.select %eq3A_18, %jit3A_19, %jit3A_17 : i32
    %rem3A_21 = arith.remsi %add3A, %select_n3A_20 : i32
    %ne3A_22 = arith.constant 0 : i32
    %ne3A_23 = arith.cmpi ne, %rem3A_21, %ne3A_22 : i32
    %lt3A = arith.constant 0 : i32
    %lt3A_24 = arith.cmpi slt, %rem3A_21, %lt3A : i32
    %lt3A_25 = arith.constant 0 : i32
    %lt3A_26 = arith.cmpi slt, %select_n3A_20, %lt3A_25 : i32
    %ne3A_27 = arith.xori %lt3A_24, %lt3A_26 : i1
    %and3A_28 = arith.andi %ne3A_27, %ne3A_23 : i1
    %add3A_29 = arith.addi %rem3A_21, %select_n3A_20 : i32
    %select_n3A_30 = arith.select %and3A_28, %add3A_29, %rem3A_21 : i32
    %mul3A_31 = arith.constant 32 : i32
    %mul3A_32 = arith.muli %select_n3A_30, %mul3A_31 : i32
    "tpu.region"() ({
      %run_scoped3A = tpu.sem_alloc : memref<!tpu.dma_semaphore, #tpu.memory_space<semaphore_mem>>
      tpu.enqueue_dma source(%arg2 : memref<1088xi32, #tpu.memory_space<hbm>>) target(%arg5 : memref<1088xi32, #tpu.memory_space<vmem>>) target_semaphore(%run_scoped3A : memref<!tpu.dma_semaphore, #tpu.memory_space<semaphore_mem>>)
      tpu.wait_dma2 semaphore(%run_scoped3A : memref<!tpu.dma_semaphore, #tpu.memory_space<semaphore_mem>>) src(%arg2 : memref<1088xi32, #tpu.memory_space<hbm>>) dst(%arg5 : memref<1088xi32, #tpu.memory_space<vmem>>)
      tpu.yield
    }) : () -> ()
    %mul3A_33 = arith.constant 32 : i32
    %mul3A_34 = arith.muli %add3A, %mul3A_33 : i32
    %mul3A_35 = arith.constant 256 : i32
    %mul3A_36 = arith.muli %mul3A_34, %mul3A_35 : i32
    "tpu.region"() ({
      %run_scoped3A = tpu.sem_alloc : memref<!tpu.dma_semaphore, #tpu.memory_space<semaphore_mem>>
      %dma_start3A = tpu.memref_slice %arg3[%mul3A_36] : memref<262144xf32, #tpu.memory_space<hbm>> -> memref<8192xf32, #tpu.memory_space<hbm>>
      %dma_start3A_63 = tpu.memref_slice %arg3[%mul3A_36] : memref<262144xf32, #tpu.memory_space<hbm>> -> memref<8192xf32, #tpu.memory_space<hbm>>
      tpu.enqueue_dma source(%dma_start3A_63 : memref<8192xf32, #tpu.memory_space<hbm>>) target(%arg6 : memref<8192xf32, #tpu.memory_space<vmem>>) target_semaphore(%run_scoped3A : memref<!tpu.dma_semaphore, #tpu.memory_space<semaphore_mem>>)
      %dma_wait3A_64 = tpu.memref_slice %arg3[%mul3A_36] : memref<262144xf32, #tpu.memory_space<hbm>> -> memref<8192xf32, #tpu.memory_space<hbm>>
      %dma_wait3A_65 = tpu.memref_slice %arg3[%mul3A_36] : memref<262144xf32, #tpu.memory_space<hbm>> -> memref<8192xf32, #tpu.memory_space<hbm>>
      tpu.wait_dma2 semaphore(%run_scoped3A : memref<!tpu.dma_semaphore, #tpu.memory_space<semaphore_mem>>) src(%dma_wait3A_65 : memref<8192xf32, #tpu.memory_space<hbm>>) dst(%arg6 : memref<8192xf32, #tpu.memory_space<vmem>>)
      tpu.yield
    }) : () -> ()
    %iota3A = tpu.iota {dimensions = array<i32: 0>} : vector<16xi32>
    %broadcast_in_dim3A = arith.constant 1.000000e+00 : f32
    %broadcast_in_dim3A_37 = vector.broadcast %broadcast_in_dim3A : f32 to vector<16xf32>
    %broadcast_in_dim3A_38 = arith.constant 0.000000e+00 : f32
    %broadcast_in_dim3A_39 = vector.broadcast %broadcast_in_dim3A_38 : f32 to vector<16xf32>
    %scan3A = arith.constant 0 : i32
    %scan3A_40 = arith.constant 16 : i32
    %scan3A_41 = arith.addi %scan3A, %scan3A_40 : i32
    %scan3A_42 = arith.constant 1 : i32
    scf.for %scan3A_63 = %scan3A to %scan3A_41 step %scan3A_42  : i32 {
      %mul3A_64 = arith.constant 2 : i32
      %mul3A_65 = arith.muli %scan3A_63, %mul3A_64 : i32
      %add3A_66 = arith.constant 0 : i32
      %add3A_67 = arith.addi %add3A_66, %mul3A_65 : i32
      %add3A_68 = arith.constant 0 : i32
      %add3A_69 = arith.addi %add3A_67, %add3A_68 : i32
      %add3A_70 = arith.addi %mul3A_32, %add3A_69 : i32
      %mul3A_71 = arith.constant 272 : i32
      %mul3A_72 = arith.muli %select_n3A, %mul3A_71 : i32
      %add3A_73 = arith.addi %mul3A_72, %add3A_70 : i32
      %add3A_74 = arith.constant 0 : i32
      %add3A_75 = arith.addi %add3A_73, %add3A_74 : i32
      %broadcast_in_dim3A_76 = vector.broadcast %add3A_75 : i32 to vector<16xi32>
      %gather3A = tpu.vector_load_idx %arg5[%broadcast_in_dim3A_76] : memref<1088xi32, #tpu.memory_space<vmem>>[vector<16xi32>], vector<16xi32>,
      %add3A_77 = arith.constant 1 : i32
      %add3A_78 = arith.addi %add3A_73, %add3A_77 : i32
      %broadcast_in_dim3A_79 = vector.broadcast %add3A_78 : i32 to vector<16xi32>
      %gather3A_80 = tpu.vector_load_idx %arg5[%broadcast_in_dim3A_79] : memref<1088xi32, #tpu.memory_space<vmem>>[vector<16xi32>], vector<16xi32>,
      %add3A_81 = arith.constant 2 : i32
      %add3A_82 = arith.addi %add3A_73, %add3A_81 : i32
      %broadcast_in_dim3A_83 = vector.broadcast %add3A_82 : i32 to vector<16xi32>
      %gather3A_84 = tpu.vector_load_idx %arg5[%broadcast_in_dim3A_83] : memref<1088xi32, #tpu.memory_space<vmem>>[vector<16xi32>], vector<16xi32>,
      %add3A_85 = arith.constant 3 : i32
      %add3A_86 = arith.addi %add3A_73, %add3A_85 : i32
      %broadcast_in_dim3A_87 = vector.broadcast %add3A_86 : i32 to vector<16xi32>
      %gather3A_88 = tpu.vector_load_idx %arg5[%broadcast_in_dim3A_87] : memref<1088xi32, #tpu.memory_space<vmem>>[vector<16xi32>], vector<16xi32>,
      %add3A_89 = arith.constant 4 : i32
      %add3A_90 = arith.addi %add3A_73, %add3A_89 : i32
      %broadcast_in_dim3A_91 = vector.broadcast %add3A_90 : i32 to vector<16xi32>
      %gather3A_92 = tpu.vector_load_idx %arg5[%broadcast_in_dim3A_91] : memref<1088xi32, #tpu.memory_space<vmem>>[vector<16xi32>], vector<16xi32>,
      %add3A_93 = arith.constant 5 : i32
      %add3A_94 = arith.addi %add3A_73, %add3A_93 : i32
      %broadcast_in_dim3A_95 = vector.broadcast %add3A_94 : i32 to vector<16xi32>
      %gather3A_96 = tpu.vector_load_idx %arg5[%broadcast_in_dim3A_95] : memref<1088xi32, #tpu.memory_space<vmem>>[vector<16xi32>], vector<16xi32>,
      %add3A_97 = arith.constant 6 : i32
      %add3A_98 = arith.addi %add3A_73, %add3A_97 : i32
      %broadcast_in_dim3A_99 = vector.broadcast %add3A_98 : i32 to vector<16xi32>
      %gather3A_100 = tpu.vector_load_idx %arg5[%broadcast_in_dim3A_99] : memref<1088xi32, #tpu.memory_space<vmem>>[vector<16xi32>], vector<16xi32>,
      %add3A_101 = arith.constant 7 : i32
      %add3A_102 = arith.addi %add3A_73, %add3A_101 : i32
      %broadcast_in_dim3A_103 = vector.broadcast %add3A_102 : i32 to vector<16xi32>
      %gather3A_104 = tpu.vector_load_idx %arg5[%broadcast_in_dim3A_103] : memref<1088xi32, #tpu.memory_space<vmem>>[vector<16xi32>], vector<16xi32>,
      %add3A_105 = arith.constant 8 : i32
      %add3A_106 = arith.addi %add3A_73, %add3A_105 : i32
      %broadcast_in_dim3A_107 = vector.broadcast %add3A_106 : i32 to vector<16xi32>
      %gather3A_108 = tpu.vector_load_idx %arg5[%broadcast_in_dim3A_107] : memref<1088xi32, #tpu.memory_space<vmem>>[vector<16xi32>], vector<16xi32>,
      %add3A_109 = arith.constant 9 : i32
      %add3A_110 = arith.addi %add3A_73, %add3A_109 : i32
      %broadcast_in_dim3A_111 = vector.broadcast %add3A_110 : i32 to vector<16xi32>
      %gather3A_112 = tpu.vector_load_idx %arg5[%broadcast_in_dim3A_111] : memref<1088xi32, #tpu.memory_space<vmem>>[vector<16xi32>], vector<16xi32>,
      %add3A_113 = arith.constant 10 : i32
      %add3A_114 = arith.addi %add3A_73, %add3A_113 : i32
      %broadcast_in_dim3A_115 = vector.broadcast %add3A_114 : i32 to vector<16xi32>
      %gather3A_116 = tpu.vector_load_idx %arg5[%broadcast_in_dim3A_115] : memref<1088xi32, #tpu.memory_space<vmem>>[vector<16xi32>], vector<16xi32>,
      %parallel_loop3A = arith.constant 0 : i32
      %parallel_loop3A_117 = arith.constant 16 : i32
      %parallel_loop3A_118 = arith.constant 1 : i32
      scf.for %parallel_loop3A_202 = %parallel_loop3A to %parallel_loop3A_117 step %parallel_loop3A_118  : i32 {
        %parallel_loop3A_203 = arith.constant 16 : i32
        %parallel_loop3A_204 = arith.muli %parallel_loop3A_202, %parallel_loop3A_203 : i32
        %parallel_loop3A_205 = vector.broadcast %parallel_loop3A_204 : i32 to vector<16xi32>
        %parallel_loop3A_206 = arith.addi %iota3A, %parallel_loop3A_205 : vector<16xi32>
        %parallel_loop3A_207 = arith.constant 97 : i32
        %parallel_loop3A_208 = vector.broadcast %parallel_loop3A_207 : i32 to vector<16xi32>
        %parallel_loop3A_209 = arith.muli %parallel_loop3A_206, %parallel_loop3A_208 : vector<16xi32>
        %parallel_loop3A_210 = arith.constant 256 : i32
        %parallel_loop3A_211 = arith.muli %add3A_69, %parallel_loop3A_210 : i32
        %parallel_loop3A_212 = arith.addi %parallel_loop3A_211, %parallel_loop3A_204 : i32
        %parallel_loop3A_213 = arith.index_cast %parallel_loop3A_212 : i32 to index
        %parallel_loop3A_214 = tpu.vector_load %arg6[%parallel_loop3A_213] {strides = array<i32>} : memref<8192xf32, #tpu.memory_space<vmem>>, vector<16xf32>,
        %parallel_loop3A_215 = arith.constant 272 : i32
        %parallel_loop3A_216 = arith.muli %select_n3A, %parallel_loop3A_215 : i32
        %parallel_loop3A_217 = arith.addi %parallel_loop3A_216, %parallel_loop3A_204 : i32
        %parallel_loop3A_218 = arith.constant 5 : i32
        %parallel_loop3A_219 = arith.addi %parallel_loop3A_217, %parallel_loop3A_218 : i32
        %parallel_loop3A_220 = arith.index_cast %parallel_loop3A_219 : i32 to index
        %parallel_loop3A_221 = tpu.vector_load %arg5[%parallel_loop3A_220] {strides = array<i32>} : memref<1088xi32, #tpu.memory_space<vmem>>, vector<16xi32>,
        %parallel_loop3A_222 = arith.constant 0 : i32
        %parallel_loop3A_223 = vector.broadcast %parallel_loop3A_222 : i32 to vector<16xi32>
        %parallel_loop3A_224 = arith.addi %parallel_loop3A_209, %parallel_loop3A_223 : vector<16xi32>
        %parallel_loop3A_225 = arith.constant 0 : i32
        %parallel_loop3A_226 = vector.broadcast %parallel_loop3A_225 : i32 to vector<16xi32>
        %parallel_loop3A_227 = arith.cmpi eq, %gather3A_96, %parallel_loop3A_226 : vector<16xi32>
        %parallel_loop3A_228 = arith.select %parallel_loop3A_227, %broadcast_in_dim3A_37, %broadcast_in_dim3A_39 : vector<16xi1>, vector<16xf32>
        tpu.vector_store_idx %arg7[%parallel_loop3A_224], %parallel_loop3A_228 : memref<24832xf32, #tpu.memory_space<vmem>>[vector<16xi32>], vector<16xf32>,
        %parallel_loop3A_229 = arith.constant 4 : i32
        %parallel_loop3A_230 = vector.broadcast %parallel_loop3A_229 : i32 to vector<16xi32>
        %parallel_loop3A_231 = arith.addi %parallel_loop3A_209, %parallel_loop3A_230 : vector<16xi32>
        %parallel_loop3A_232 = arith.constant 0 : i32
        %parallel_loop3A_233 = vector.broadcast %parallel_loop3A_232 : i32 to vector<16xi32>
        %parallel_loop3A_234 = arith.cmpi eq, %parallel_loop3A_221, %parallel_loop3A_233 : vector<16xi32>
        %parallel_loop3A_235 = arith.select %parallel_loop3A_234, %broadcast_in_dim3A_37, %broadcast_in_dim3A_39 : vector<16xi1>, vector<16xf32>
        tpu.vector_store_idx %arg7[%parallel_loop3A_231], %parallel_loop3A_235 : memref<24832xf32, #tpu.memory_space<vmem>>[vector<16xi32>], vector<16xf32>,
        %parallel_loop3A_236 = arith.constant 1 : i32
        %parallel_loop3A_237 = vector.broadcast %parallel_loop3A_236 : i32 to vector<16xi32>
        %parallel_loop3A_238 = arith.addi %parallel_loop3A_209, %parallel_loop3A_237 : vector<16xi32>
        %parallel_loop3A_239 = arith.constant 1 : i32
        %parallel_loop3A_240 = vector.broadcast %parallel_loop3A_239 : i32 to vector<16xi32>
        %parallel_loop3A_241 = arith.cmpi eq, %gather3A_96, %parallel_loop3A_240 : vector<16xi32>
        %parallel_loop3A_242 = arith.select %parallel_loop3A_241, %broadcast_in_dim3A_37, %broadcast_in_dim3A_39 : vector<16xi1>, vector<16xf32>
        tpu.vector_store_idx %arg7[%parallel_loop3A_238], %parallel_loop3A_242 : memref<24832xf32, #tpu.memory_space<vmem>>[vector<16xi32>], vector<16xf32>,
        %parallel_loop3A_243 = arith.constant 5 : i32
        %parallel_loop3A_244 = vector.broadcast %parallel_loop3A_243 : i32 to vector<16xi32>
        %parallel_loop3A_245 = arith.addi %parallel_loop3A_209, %parallel_loop3A_244 : vector<16xi32>
        %parallel_loop3A_246 = arith.constant 1 : i32
        %parallel_loop3A_247 = vector.broadcast %parallel_loop3A_246 : i32 to vector<16xi32>
        %parallel_loop3A_248 = arith.cmpi eq, %parallel_loop3A_221, %parallel_loop3A_247 : vector<16xi32>
        %parallel_loop3A_249 = arith.select %parallel_loop3A_248, %broadcast_in_dim3A_37, %broadcast_in_dim3A_39 : vector<16xi1>, vector<16xf32>
        tpu.vector_store_idx %arg7[%parallel_loop3A_245], %parallel_loop3A_249 : memref<24832xf32, #tpu.memory_space<vmem>>[vector<16xi32>], vector<16xf32>,
        %parallel_loop3A_250 = arith.constant 2 : i32
        %parallel_loop3A_251 = vector.broadcast %parallel_loop3A_250 : i32 to vector<16xi32>
        %parallel_loop3A_252 = arith.addi %parallel_loop3A_209, %parallel_loop3A_251 : vector<16xi32>
        %parallel_loop3A_253 = arith.constant 2 : i32
        %parallel_loop3A_254 = vector.broadcast %parallel_loop3A_253 : i32 to vector<16xi32>
        %parallel_loop3A_255 = arith.cmpi eq, %gather3A_96, %parallel_loop3A_254 : vector<16xi32>
        %parallel_loop3A_256 = arith.select %parallel_loop3A_255, %broadcast_in_dim3A_37, %broadcast_in_dim3A_39 : vector<16xi1>, vector<16xf32>
        tpu.vector_store_idx %arg7[%parallel_loop3A_252], %parallel_loop3A_256 : memref<24832xf32, #tpu.memory_space<vmem>>[vector<16xi32>], vector<16xf32>,
        %parallel_loop3A_257 = arith.constant 6 : i32
        %parallel_loop3A_258 = vector.broadcast %parallel_loop3A_257 : i32 to vector<16xi32>
        %parallel_loop3A_259 = arith.addi %parallel_loop3A_209, %parallel_loop3A_258 : vector<16xi32>
        %parallel_loop3A_260 = arith.constant 2 : i32
        %parallel_loop3A_261 = vector.broadcast %parallel_loop3A_260 : i32 to vector<16xi32>
        %parallel_loop3A_262 = arith.cmpi eq, %parallel_loop3A_221, %parallel_loop3A_261 : vector<16xi32>
        %parallel_loop3A_263 = arith.select %parallel_loop3A_262, %broadcast_in_dim3A_37, %broadcast_in_dim3A_39 : vector<16xi1>, vector<16xf32>
        tpu.vector_store_idx %arg7[%parallel_loop3A_259], %parallel_loop3A_263 : memref<24832xf32, #tpu.memory_space<vmem>>[vector<16xi32>], vector<16xf32>,
        %parallel_loop3A_264 = arith.constant 3 : i32
        %parallel_loop3A_265 = vector.broadcast %parallel_loop3A_264 : i32 to vector<16xi32>
        %parallel_loop3A_266 = arith.addi %parallel_loop3A_209, %parallel_loop3A_265 : vector<16xi32>
        %parallel_loop3A_267 = arith.constant 3 : i32
        %parallel_loop3A_268 = vector.broadcast %parallel_loop3A_267 : i32 to vector<16xi32>
        %parallel_loop3A_269 = arith.cmpi eq, %gather3A_96, %parallel_loop3A_268 : vector<16xi32>
        %parallel_loop3A_270 = arith.select %parallel_loop3A_269, %broadcast_in_dim3A_37, %broadcast_in_dim3A_39 : vector<16xi1>, vector<16xf32>
        tpu.vector_store_idx %arg7[%parallel_loop3A_266], %parallel_loop3A_270 : memref<24832xf32, #tpu.memory_space<vmem>>[vector<16xi32>], vector<16xf32>,
        %parallel_loop3A_271 = arith.constant 7 : i32
        %parallel_loop3A_272 = vector.broadcast %parallel_loop3A_271 : i32 to vector<16xi32>
        %parallel_loop3A_273 = arith.addi %parallel_loop3A_209, %parallel_loop3A_272 : vector<16xi32>
        %parallel_loop3A_274 = arith.constant 3 : i32
        %parallel_loop3A_275 = vector.broadcast %parallel_loop3A_274 : i32 to vector<16xi32>
        %parallel_loop3A_276 = arith.cmpi eq, %parallel_loop3A_221, %parallel_loop3A_275 : vector<16xi32>
        %parallel_loop3A_277 = arith.select %parallel_loop3A_276, %broadcast_in_dim3A_37, %broadcast_in_dim3A_39 : vector<16xi1>, vector<16xf32>
        tpu.vector_store_idx %arg7[%parallel_loop3A_273], %parallel_loop3A_277 : memref<24832xf32, #tpu.memory_space<vmem>>[vector<16xi32>], vector<16xf32>,
        %parallel_loop3A_278 = arith.constant 272 : i32
        %parallel_loop3A_279 = arith.muli %select_n3A, %parallel_loop3A_278 : i32
        %parallel_loop3A_280 = arith.addi %parallel_loop3A_279, %parallel_loop3A_204 : i32
        %parallel_loop3A_281 = arith.constant 10 : i32
        %parallel_loop3A_282 = arith.addi %parallel_loop3A_280, %parallel_loop3A_281 : i32
        %parallel_loop3A_283 = arith.constant 0 : i32
        %parallel_loop3A_284 = arith.subi %parallel_loop3A_282, %parallel_loop3A_283 : i32
        %parallel_loop3A_285 = arith.index_cast %parallel_loop3A_284 : i32 to index
        %parallel_loop3A_286 = tpu.vector_load %arg5[%parallel_loop3A_285] {strides = array<i32>} : memref<1088xi32, #tpu.memory_space<vmem>>, vector<16xi32>,
        %parallel_loop3A_287 = arith.addi %gather3A, %parallel_loop3A_286 : vector<16xi32>
        %parallel_loop3A_288 = arith.constant 3 : i32
        %parallel_loop3A_289 = vector.broadcast %parallel_loop3A_288 : i32 to vector<16xi32>
        %parallel_loop3A_290 = arith.cmpi eq, %parallel_loop3A_287, %parallel_loop3A_289 : vector<16xi32>
        %parallel_loop3A_291 = arith.muli %gather3A, %parallel_loop3A_286 : vector<16xi32>
        %parallel_loop3A_292 = arith.constant 6 : i32
        %parallel_loop3A_293 = vector.broadcast %parallel_loop3A_292 : i32 to vector<16xi32>
        %parallel_loop3A_294 = arith.cmpi eq, %parallel_loop3A_291, %parallel_loop3A_293 : vector<16xi32>
        %parallel_loop3A_295 = arith.ori %parallel_loop3A_290, %parallel_loop3A_294 : vector<16xi1>
        %parallel_loop3A_296 = arith.constant 0 : i32
        %parallel_loop3A_297 = arith.addi %add3A_70, %parallel_loop3A_296 : i32
        %parallel_loop3A_298 = arith.constant 7 : i32
        %parallel_loop3A_299 = arith.subi %parallel_loop3A_297, %parallel_loop3A_298 : i32
        %parallel_loop3A_300 = vector.broadcast %parallel_loop3A_299 : i32 to vector<16xi32>
        %parallel_loop3A_301 = arith.cmpi sgt, %parallel_loop3A_206, %parallel_loop3A_300 : vector<16xi32>
        %parallel_loop3A_302 = arith.andi %parallel_loop3A_295, %parallel_loop3A_301 : vector<16xi1>
        %parallel_loop3A_303 = arith.select %parallel_loop3A_302, %parallel_loop3A_214, %broadcast_in_dim3A_39 : vector<16xi1>, vector<16xf32>
        %parallel_loop3A_304 = arith.constant 8 : i32
        %parallel_loop3A_305 = vector.broadcast %parallel_loop3A_304 : i32 to vector<16xi32>
        %parallel_loop3A_306 = arith.addi %parallel_loop3A_209, %parallel_loop3A_305 : vector<16xi32>
        %parallel_loop3A_307 = arith.constant 0 : i32
        %parallel_loop3A_308 = vector.broadcast %parallel_loop3A_307 : i32 to vector<16xi32>
        %parallel_loop3A_309 = arith.cmpi eq, %gather3A, %parallel_loop3A_308 : vector<16xi32>
        %parallel_loop3A_310 = arith.select %parallel_loop3A_309, %parallel_loop3A_303, %broadcast_in_dim3A_39 : vector<16xi1>, vector<16xf32>
        tpu.vector_store_idx %arg7[%parallel_loop3A_306], %parallel_loop3A_310 : memref<24832xf32, #tpu.memory_space<vmem>>[vector<16xi32>], vector<16xf32>,
        %parallel_loop3A_311 = arith.constant 12 : i32
        %parallel_loop3A_312 = vector.broadcast %parallel_loop3A_311 : i32 to vector<16xi32>
        %parallel_loop3A_313 = arith.addi %parallel_loop3A_209, %parallel_loop3A_312 : vector<16xi32>
        %parallel_loop3A_314 = arith.constant 0 : i32
        %parallel_loop3A_315 = vector.broadcast %parallel_loop3A_314 : i32 to vector<16xi32>
        %parallel_loop3A_316 = arith.cmpi eq, %parallel_loop3A_286, %parallel_loop3A_315 : vector<16xi32>
        %parallel_loop3A_317 = arith.select %parallel_loop3A_316, %parallel_loop3A_303, %broadcast_in_dim3A_39 : vector<16xi1>, vector<16xf32>
        tpu.vector_store_idx %arg7[%parallel_loop3A_313], %parallel_loop3A_317 : memref<24832xf32, #tpu.memory_space<vmem>>[vector<16xi32>], vector<16xf32>,
        %parallel_loop3A_318 = arith.constant 9 : i32
        %parallel_loop3A_319 = vector.broadcast %parallel_loop3A_318 : i32 to vector<16xi32>
        %parallel_loop3A_320 = arith.addi %parallel_loop3A_209, %parallel_loop3A_319 : vector<16xi32>
        %parallel_loop3A_321 = arith.constant 1 : i32
        %parallel_loop3A_322 = vector.broadcast %parallel_loop3A_321 : i32 to vector<16xi32>
        %parallel_loop3A_323 = arith.cmpi eq, %gather3A, %parallel_loop3A_322 : vector<16xi32>
        %parallel_loop3A_324 = arith.select %parallel_loop3A_323, %parallel_loop3A_303, %broadcast_in_dim3A_39 : vector<16xi1>, vector<16xf32>
        tpu.vector_store_idx %arg7[%parallel_loop3A_320], %parallel_loop3A_324 : memref<24832xf32, #tpu.memory_space<vmem>>[vector<16xi32>], vector<16xf32>,
        %parallel_loop3A_325 = arith.constant 13 : i32
        %parallel_loop3A_326 = vector.broadcast %parallel_loop3A_325 : i32 to vector<16xi32>
        %parallel_loop3A_327 = arith.addi %parallel_loop3A_209, %parallel_loop3A_326 : vector<16xi32>
        %parallel_loop3A_328 = arith.constant 1 : i32
        %parallel_loop3A_329 = vector.broadcast %parallel_loop3A_328 : i32 to vector<16xi32>
        %parallel_loop3A_330 = arith.cmpi eq, %parallel_loop3A_286, %parallel_loop3A_329 : vector<16xi32>
        %parallel_loop3A_331 = arith.select %parallel_loop3A_330, %parallel_loop3A_303, %broadcast_in_dim3A_39 : vector<16xi1>, vector<16xf32>
        tpu.vector_store_idx %arg7[%parallel_loop3A_327], %parallel_loop3A_331 : memref<24832xf32, #tpu.memory_space<vmem>>[vector<16xi32>], vector<16xf32>,
        %parallel_loop3A_332 = arith.constant 10 : i32
        %parallel_loop3A_333 = vector.broadcast %parallel_loop3A_332 : i32 to vector<16xi32>
        %parallel_loop3A_334 = arith.addi %parallel_loop3A_209, %parallel_loop3A_333 : vector<16xi32>
        %parallel_loop3A_335 = arith.constant 2 : i32
        %parallel_loop3A_336 = vector.broadcast %parallel_loop3A_335 : i32 to vector<16xi32>
        %parallel_loop3A_337 = arith.cmpi eq, %gather3A, %parallel_loop3A_336 : vector<16xi32>
        %parallel_loop3A_338 = arith.select %parallel_loop3A_337, %parallel_loop3A_303, %broadcast_in_dim3A_39 : vector<16xi1>, vector<16xf32>
        tpu.vector_store_idx %arg7[%parallel_loop3A_334], %parallel_loop3A_338 : memref<24832xf32, #tpu.memory_space<vmem>>[vector<16xi32>], vector<16xf32>,
        %parallel_loop3A_339 = arith.constant 14 : i32
        %parallel_loop3A_340 = vector.broadcast %parallel_loop3A_339 : i32 to vector<16xi32>
        %parallel_loop3A_341 = arith.addi %parallel_loop3A_209, %parallel_loop3A_340 : vector<16xi32>
        %parallel_loop3A_342 = arith.constant 2 : i32
        %parallel_loop3A_343 = vector.broadcast %parallel_loop3A_342 : i32 to vector<16xi32>
        %parallel_loop3A_344 = arith.cmpi eq, %parallel_loop3A_286, %parallel_loop3A_343 : vector<16xi32>
        %parallel_loop3A_345 = arith.select %parallel_loop3A_344, %parallel_loop3A_303, %broadcast_in_dim3A_39 : vector<16xi1>, vector<16xf32>
        tpu.vector_store_idx %arg7[%parallel_loop3A_341], %parallel_loop3A_345 : memref<24832xf32, #tpu.memory_space<vmem>>[vector<16xi32>], vector<16xf32>,
        %parallel_loop3A_346 = arith.constant 11 : i32
        %parallel_loop3A_347 = vector.broadcast %parallel_loop3A_346 : i32 to vector<16xi32>
        %parallel_loop3A_348 = arith.addi %parallel_loop3A_209, %parallel_loop3A_347 : vector<16xi32>
        %parallel_loop3A_349 = arith.constant 3 : i32
        %parallel_loop3A_350 = vector.broadcast %parallel_loop3A_349 : i32 to vector<16xi32>
        %parallel_loop3A_351 = arith.cmpi eq, %gather3A, %parallel_loop3A_350 : vector<16xi32>
        %parallel_loop3A_352 = arith.select %parallel_loop3A_351, %parallel_loop3A_303, %broadcast_in_dim3A_39 : vector<16xi1>, vector<16xf32>
        tpu.vector_store_idx %arg7[%parallel_loop3A_348], %parallel_loop3A_352 : memref<24832xf32, #tpu.memory_space<vmem>>[vector<16xi32>], vector<16xf32>,
        %parallel_loop3A_353 = arith.constant 15 : i32
        %parallel_loop3A_354 = vector.broadcast %parallel_loop3A_353 : i32 to vector<16xi32>
        %parallel_loop3A_355 = arith.addi %parallel_loop3A_209, %parallel_loop3A_354 : vector<16xi32>
        %parallel_loop3A_356 = arith.constant 3 : i32
        %parallel_loop3A_357 = vector.broadcast %parallel_loop3A_356 : i32 to vector<16xi32>
        %parallel_loop3A_358 = arith.cmpi eq, %parallel_loop3A_286, %parallel_loop3A_357 : vector<16xi32>
        %parallel_loop3A_359 = arith.select %parallel_loop3A_358, %parallel_loop3A_303, %broadcast_in_dim3A_39 : vector<16xi1>, vector<16xf32>
        tpu.vector_store_idx %arg7[%parallel_loop3A_355], %parallel_loop3A_359 : memref<24832xf32, #tpu.memory_space<vmem>>[vector<16xi32>], vector<16xf32>,
        %parallel_loop3A_360 = arith.constant 272 : i32
        %parallel_loop3A_361 = arith.muli %select_n3A, %parallel_loop3A_360 : i32
        %parallel_loop3A_362 = arith.addi %parallel_loop3A_361, %parallel_loop3A_204 : i32
        %parallel_loop3A_363 = arith.constant 10 : i32
        %parallel_loop3A_364 = arith.addi %parallel_loop3A_362, %parallel_loop3A_363 : i32
        %parallel_loop3A_365 = arith.constant 1 : i32
        %parallel_loop3A_366 = arith.subi %parallel_loop3A_364, %parallel_loop3A_365 : i32
        %parallel_loop3A_367 = arith.index_cast %parallel_loop3A_366 : i32 to index
        %parallel_loop3A_368 = tpu.vector_load %arg5[%parallel_loop3A_367] {strides = array<i32>} : memref<1088xi32, #tpu.memory_space<vmem>>, vector<16xi32>,
        %parallel_loop3A_369 = arith.addi %gather3A_80, %parallel_loop3A_368 : vector<16xi32>
        %parallel_loop3A_370 = arith.constant 3 : i32
        %parallel_loop3A_371 = vector.broadcast %parallel_loop3A_370 : i32 to vector<16xi32>
        %parallel_loop3A_372 = arith.cmpi eq, %parallel_loop3A_369, %parallel_loop3A_371 : vector<16xi32>
        %parallel_loop3A_373 = arith.muli %gather3A_80, %parallel_loop3A_368 : vector<16xi32>
        %parallel_loop3A_374 = arith.constant 6 : i32
        %parallel_loop3A_375 = vector.broadcast %parallel_loop3A_374 : i32 to vector<16xi32>
        %parallel_loop3A_376 = arith.cmpi eq, %parallel_loop3A_373, %parallel_loop3A_375 : vector<16xi32>
        %parallel_loop3A_377 = arith.ori %parallel_loop3A_372, %parallel_loop3A_376 : vector<16xi1>
        %parallel_loop3A_378 = arith.constant 2 : i32
        %parallel_loop3A_379 = arith.addi %add3A_70, %parallel_loop3A_378 : i32
        %parallel_loop3A_380 = arith.constant 7 : i32
        %parallel_loop3A_381 = arith.subi %parallel_loop3A_379, %parallel_loop3A_380 : i32
        %parallel_loop3A_382 = vector.broadcast %parallel_loop3A_381 : i32 to vector<16xi32>
        %parallel_loop3A_383 = arith.cmpi sgt, %parallel_loop3A_206, %parallel_loop3A_382 : vector<16xi32>
        %parallel_loop3A_384 = arith.andi %parallel_loop3A_377, %parallel_loop3A_383 : vector<16xi1>
        %parallel_loop3A_385 = arith.select %parallel_loop3A_384, %parallel_loop3A_214, %broadcast_in_dim3A_39 : vector<16xi1>, vector<16xf32>
        %parallel_loop3A_386 = arith.constant 16 : i32
        %parallel_loop3A_387 = vector.broadcast %parallel_loop3A_386 : i32 to vector<16xi32>
        %parallel_loop3A_388 = arith.addi %parallel_loop3A_209, %parallel_loop3A_387 : vector<16xi32>
        %parallel_loop3A_389 = arith.constant 0 : i32
        %parallel_loop3A_390 = vector.broadcast %parallel_loop3A_389 : i32 to vector<16xi32>
        %parallel_loop3A_391 = arith.cmpi eq, %gather3A_80, %parallel_loop3A_390 : vector<16xi32>
        %parallel_loop3A_392 = arith.select %parallel_loop3A_391, %parallel_loop3A_385, %broadcast_in_dim3A_39 : vector<16xi1>, vector<16xf32>
        tpu.vector_store_idx %arg7[%parallel_loop3A_388], %parallel_loop3A_392 : memref<24832xf32, #tpu.memory_space<vmem>>[vector<16xi32>], vector<16xf32>,
        %parallel_loop3A_393 = arith.constant 20 : i32
        %parallel_loop3A_394 = vector.broadcast %parallel_loop3A_393 : i32 to vector<16xi32>
        %parallel_loop3A_395 = arith.addi %parallel_loop3A_209, %parallel_loop3A_394 : vector<16xi32>
        %parallel_loop3A_396 = arith.constant 0 : i32
        %parallel_loop3A_397 = vector.broadcast %parallel_loop3A_396 : i32 to vector<16xi32>
        %parallel_loop3A_398 = arith.cmpi eq, %parallel_loop3A_368, %parallel_loop3A_397 : vector<16xi32>
        %parallel_loop3A_399 = arith.select %parallel_loop3A_398, %parallel_loop3A_385, %broadcast_in_dim3A_39 : vector<16xi1>, vector<16xf32>
        tpu.vector_store_idx %arg7[%parallel_loop3A_395], %parallel_loop3A_399 : memref<24832xf32, #tpu.memory_space<vmem>>[vector<16xi32>], vector<16xf32>,
        %parallel_loop3A_400 = arith.constant 17 : i32
        %parallel_loop3A_401 = vector.broadcast %parallel_loop3A_400 : i32 to vector<16xi32>
        %parallel_loop3A_402 = arith.addi %parallel_loop3A_209, %parallel_loop3A_401 : vector<16xi32>
        %parallel_loop3A_403 = arith.constant 1 : i32
        %parallel_loop3A_404 = vector.broadcast %parallel_loop3A_403 : i32 to vector<16xi32>
        %parallel_loop3A_405 = arith.cmpi eq, %gather3A_80, %parallel_loop3A_404 : vector<16xi32>
        %parallel_loop3A_406 = arith.select %parallel_loop3A_405, %parallel_loop3A_385, %broadcast_in_dim3A_39 : vector<16xi1>, vector<16xf32>
        tpu.vector_store_idx %arg7[%parallel_loop3A_402], %parallel_loop3A_406 : memref<24832xf32, #tpu.memory_space<vmem>>[vector<16xi32>], vector<16xf32>,
        %parallel_loop3A_407 = arith.constant 21 : i32
        %parallel_loop3A_408 = vector.broadcast %parallel_loop3A_407 : i32 to vector<16xi32>
        %parallel_loop3A_409 = arith.addi %parallel_loop3A_209, %parallel_loop3A_408 : vector<16xi32>
        %parallel_loop3A_410 = arith.constant 1 : i32
        %parallel_loop3A_411 = vector.broadcast %parallel_loop3A_410 : i32 to vector<16xi32>
        %parallel_loop3A_412 = arith.cmpi eq, %parallel_loop3A_368, %parallel_loop3A_411 : vector<16xi32>
        %parallel_loop3A_413 = arith.select %parallel_loop3A_412, %parallel_loop3A_385, %broadcast_in_dim3A_39 : vector<16xi1>, vector<16xf32>
        tpu.vector_store_idx %arg7[%parallel_loop3A_409], %parallel_loop3A_413 : memref<24832xf32, #tpu.memory_space<vmem>>[vector<16xi32>], vector<16xf32>,
        %parallel_loop3A_414 = arith.constant 18 : i32
        %parallel_loop3A_415 = vector.broadcast %parallel_loop3A_414 : i32 to vector<16xi32>
        %parallel_loop3A_416 = arith.addi %parallel_loop3A_209, %parallel_loop3A_415 : vector<16xi32>
        %parallel_loop3A_417 = arith.constant 2 : i32
        %parallel_loop3A_418 = vector.broadcast %parallel_loop3A_417 : i32 to vector<16xi32>
        %parallel_loop3A_419 = arith.cmpi eq, %gather3A_80, %parallel_loop3A_418 : vector<16xi32>
        %parallel_loop3A_420 = arith.select %parallel_loop3A_419, %parallel_loop3A_385, %broadcast_in_dim3A_39 : vector<16xi1>, vector<16xf32>
        tpu.vector_store_idx %arg7[%parallel_loop3A_416], %parallel_loop3A_420 : memref<24832xf32, #tpu.memory_space<vmem>>[vector<16xi32>], vector<16xf32>,
        %parallel_loop3A_421 = arith.constant 22 : i32
        %parallel_loop3A_422 = vector.broadcast %parallel_loop3A_421 : i32 to vector<16xi32>
        %parallel_loop3A_423 = arith.addi %parallel_loop3A_209, %parallel_loop3A_422 : vector<16xi32>
        %parallel_loop3A_424 = arith.constant 2 : i32
        %parallel_loop3A_425 = vector.broadcast %parallel_loop3A_424 : i32 to vector<16xi32>
        %parallel_loop3A_426 = arith.cmpi eq, %parallel_loop3A_368, %parallel_loop3A_425 : vector<16xi32>
        %parallel_loop3A_427 = arith.select %parallel_loop3A_426, %parallel_loop3A_385, %broadcast_in_dim3A_39 : vector<16xi1>, vector<16xf32>
        tpu.vector_store_idx %arg7[%parallel_loop3A_423], %parallel_loop3A_427 : memref<24832xf32, #tpu.memory_space<vmem>>[vector<16xi32>], vector<16xf32>,
        %parallel_loop3A_428 = arith.constant 19 : i32
        %parallel_loop3A_429 = vector.broadcast %parallel_loop3A_428 : i32 to vector<16xi32>
        %parallel_loop3A_430 = arith.addi %parallel_loop3A_209, %parallel_loop3A_429 : vector<16xi32>
        %parallel_loop3A_431 = arith.constant 3 : i32
        %parallel_loop3A_432 = vector.broadcast %parallel_loop3A_431 : i32 to vector<16xi32>
        %parallel_loop3A_433 = arith.cmpi eq, %gather3A_80, %parallel_loop3A_432 : vector<16xi32>
        %parallel_loop3A_434 = arith.select %parallel_loop3A_433, %parallel_loop3A_385, %broadcast_in_dim3A_39 : vector<16xi1>, vector<16xf32>
        tpu.vector_store_idx %arg7[%parallel_loop3A_430], %parallel_loop3A_434 : memref<24832xf32, #tpu.memory_space<vmem>>[vector<16xi32>], vector<16xf32>,
        %parallel_loop3A_435 = arith.constant 23 : i32
        %parallel_loop3A_436 = vector.broadcast %parallel_loop3A_435 : i32 to vector<16xi32>
        %parallel_loop3A_437 = arith.addi %parallel_loop3A_209, %parallel_loop3A_436 : vector<16xi32>
        %parallel_loop3A_438 = arith.constant 3 : i32
        %parallel_loop3A_439 = vector.broadcast %parallel_loop3A_438 : i32 to vector<16xi32>
        %parallel_loop3A_440 = arith.cmpi eq, %parallel_loop3A_368, %parallel_loop3A_439 : vector<16xi32>
        %parallel_loop3A_441 = arith.select %parallel_loop3A_440, %parallel_loop3A_385, %broadcast_in_dim3A_39 : vector<16xi1>, vector<16xf32>
        tpu.vector_store_idx %arg7[%parallel_loop3A_437], %parallel_loop3A_441 : memref<24832xf32, #tpu.memory_space<vmem>>[vector<16xi32>], vector<16xf32>,
        %parallel_loop3A_442 = arith.constant 272 : i32
        %parallel_loop3A_443 = arith.muli %select_n3A, %parallel_loop3A_442 : i32
        %parallel_loop3A_444 = arith.addi %parallel_loop3A_443, %parallel_loop3A_204 : i32
        %parallel_loop3A_445 = arith.constant 10 : i32
        %parallel_loop3A_446 = arith.addi %parallel_loop3A_444, %parallel_loop3A_445 : i32
        %parallel_loop3A_447 = arith.constant 2 : i32
        %parallel_loop3A_448 = arith.subi %parallel_loop3A_446, %parallel_loop3A_447 : i32
        %parallel_loop3A_449 = arith.index_cast %parallel_loop3A_448 : i32 to index
        %parallel_loop3A_450 = tpu.vector_load %arg5[%parallel_loop3A_449] {strides = array<i32>} : memref<1088xi32, #tpu.memory_space<vmem>>, vector<16xi32>,
        %parallel_loop3A_451 = arith.addi %gather3A_84, %parallel_loop3A_450 : vector<16xi32>
        %parallel_loop3A_452 = arith.constant 3 : i32
        %parallel_loop3A_453 = vector.broadcast %parallel_loop3A_452 : i32 to vector<16xi32>
        %parallel_loop3A_454 = arith.cmpi eq, %parallel_loop3A_451, %parallel_loop3A_453 : vector<16xi32>
        %parallel_loop3A_455 = arith.muli %gather3A_84, %parallel_loop3A_450 : vector<16xi32>
        %parallel_loop3A_456 = arith.constant 6 : i32
        %parallel_loop3A_457 = vector.broadcast %parallel_loop3A_456 : i32 to vector<16xi32>
        %parallel_loop3A_458 = arith.cmpi eq, %parallel_loop3A_455, %parallel_loop3A_457 : vector<16xi32>
        %parallel_loop3A_459 = arith.ori %parallel_loop3A_454, %parallel_loop3A_458 : vector<16xi1>
        %parallel_loop3A_460 = arith.constant 4 : i32
        %parallel_loop3A_461 = arith.addi %add3A_70, %parallel_loop3A_460 : i32
        %parallel_loop3A_462 = arith.constant 7 : i32
        %parallel_loop3A_463 = arith.subi %parallel_loop3A_461, %parallel_loop3A_462 : i32
        %parallel_loop3A_464 = vector.broadcast %parallel_loop3A_463 : i32 to vector<16xi32>
        %parallel_loop3A_465 = arith.cmpi sgt, %parallel_loop3A_206, %parallel_loop3A_464 : vector<16xi32>
        %parallel_loop3A_466 = arith.andi %parallel_loop3A_459, %parallel_loop3A_465 : vector<16xi1>
        %parallel_loop3A_467 = arith.select %parallel_loop3A_466, %parallel_loop3A_214, %broadcast_in_dim3A_39 : vector<16xi1>, vector<16xf32>
        %parallel_loop3A_468 = arith.constant 24 : i32
        %parallel_loop3A_469 = vector.broadcast %parallel_loop3A_468 : i32 to vector<16xi32>
        %parallel_loop3A_470 = arith.addi %parallel_loop3A_209, %parallel_loop3A_469 : vector<16xi32>
        %parallel_loop3A_471 = arith.constant 0 : i32
        %parallel_loop3A_472 = vector.broadcast %parallel_loop3A_471 : i32 to vector<16xi32>
        %parallel_loop3A_473 = arith.cmpi eq, %gather3A_84, %parallel_loop3A_472 : vector<16xi32>
        %parallel_loop3A_474 = arith.select %parallel_loop3A_473, %parallel_loop3A_467, %broadcast_in_dim3A_39 : vector<16xi1>, vector<16xf32>
        tpu.vector_store_idx %arg7[%parallel_loop3A_470], %parallel_loop3A_474 : memref<24832xf32, #tpu.memory_space<vmem>>[vector<16xi32>], vector<16xf32>,
        %parallel_loop3A_475 = arith.constant 28 : i32
        %parallel_loop3A_476 = vector.broadcast %parallel_loop3A_475 : i32 to vector<16xi32>
        %parallel_loop3A_477 = arith.addi %parallel_loop3A_209, %parallel_loop3A_476 : vector<16xi32>
        %parallel_loop3A_478 = arith.constant 0 : i32
        %parallel_loop3A_479 = vector.broadcast %parallel_loop3A_478 : i32 to vector<16xi32>
        %parallel_loop3A_480 = arith.cmpi eq, %parallel_loop3A_450, %parallel_loop3A_479 : vector<16xi32>
        %parallel_loop3A_481 = arith.select %parallel_loop3A_480, %parallel_loop3A_467, %broadcast_in_dim3A_39 : vector<16xi1>, vector<16xf32>
        tpu.vector_store_idx %arg7[%parallel_loop3A_477], %parallel_loop3A_481 : memref<24832xf32, #tpu.memory_space<vmem>>[vector<16xi32>], vector<16xf32>,
        %parallel_loop3A_482 = arith.constant 25 : i32
        %parallel_loop3A_483 = vector.broadcast %parallel_loop3A_482 : i32 to vector<16xi32>
        %parallel_loop3A_484 = arith.addi %parallel_loop3A_209, %parallel_loop3A_483 : vector<16xi32>
        %parallel_loop3A_485 = arith.constant 1 : i32
        %parallel_loop3A_486 = vector.broadcast %parallel_loop3A_485 : i32 to vector<16xi32>
        %parallel_loop3A_487 = arith.cmpi eq, %gather3A_84, %parallel_loop3A_486 : vector<16xi32>
        %parallel_loop3A_488 = arith.select %parallel_loop3A_487, %parallel_loop3A_467, %broadcast_in_dim3A_39 : vector<16xi1>, vector<16xf32>
        tpu.vector_store_idx %arg7[%parallel_loop3A_484], %parallel_loop3A_488 : memref<24832xf32, #tpu.memory_space<vmem>>[vector<16xi32>], vector<16xf32>,
        %parallel_loop3A_489 = arith.constant 29 : i32
        %parallel_loop3A_490 = vector.broadcast %parallel_loop3A_489 : i32 to vector<16xi32>
        %parallel_loop3A_491 = arith.addi %parallel_loop3A_209, %parallel_loop3A_490 : vector<16xi32>
        %parallel_loop3A_492 = arith.constant 1 : i32
        %parallel_loop3A_493 = vector.broadcast %parallel_loop3A_492 : i32 to vector<16xi32>
        %parallel_loop3A_494 = arith.cmpi eq, %parallel_loop3A_450, %parallel_loop3A_493 : vector<16xi32>
        %parallel_loop3A_495 = arith.select %parallel_loop3A_494, %parallel_loop3A_467, %broadcast_in_dim3A_39 : vector<16xi1>, vector<16xf32>
        tpu.vector_store_idx %arg7[%parallel_loop3A_491], %parallel_loop3A_495 : memref<24832xf32, #tpu.memory_space<vmem>>[vector<16xi32>], vector<16xf32>,
        %parallel_loop3A_496 = arith.constant 26 : i32
        %parallel_loop3A_497 = vector.broadcast %parallel_loop3A_496 : i32 to vector<16xi32>
        %parallel_loop3A_498 = arith.addi %parallel_loop3A_209, %parallel_loop3A_497 : vector<16xi32>
        %parallel_loop3A_499 = arith.constant 2 : i32
        %parallel_loop3A_500 = vector.broadcast %parallel_loop3A_499 : i32 to vector<16xi32>
        %parallel_loop3A_501 = arith.cmpi eq, %gather3A_84, %parallel_loop3A_500 : vector<16xi32>
        %parallel_loop3A_502 = arith.select %parallel_loop3A_501, %parallel_loop3A_467, %broadcast_in_dim3A_39 : vector<16xi1>, vector<16xf32>
        tpu.vector_store_idx %arg7[%parallel_loop3A_498], %parallel_loop3A_502 : memref<24832xf32, #tpu.memory_space<vmem>>[vector<16xi32>], vector<16xf32>,
        %parallel_loop3A_503 = arith.constant 30 : i32
        %parallel_loop3A_504 = vector.broadcast %parallel_loop3A_503 : i32 to vector<16xi32>
        %parallel_loop3A_505 = arith.addi %parallel_loop3A_209, %parallel_loop3A_504 : vector<16xi32>
        %parallel_loop3A_506 = arith.constant 2 : i32
        %parallel_loop3A_507 = vector.broadcast %parallel_loop3A_506 : i32 to vector<16xi32>
        %parallel_loop3A_508 = arith.cmpi eq, %parallel_loop3A_450, %parallel_loop3A_507 : vector<16xi32>
        %parallel_loop3A_509 = arith.select %parallel_loop3A_508, %parallel_loop3A_467, %broadcast_in_dim3A_39 : vector<16xi1>, vector<16xf32>
        tpu.vector_store_idx %arg7[%parallel_loop3A_505], %parallel_loop3A_509 : memref<24832xf32, #tpu.memory_space<vmem>>[vector<16xi32>], vector<16xf32>,
        %parallel_loop3A_510 = arith.constant 27 : i32
        %parallel_loop3A_511 = vector.broadcast %parallel_loop3A_510 : i32 to vector<16xi32>
        %parallel_loop3A_512 = arith.addi %parallel_loop3A_209, %parallel_loop3A_511 : vector<16xi32>
        %parallel_loop3A_513 = arith.constant 3 : i32
        %parallel_loop3A_514 = vector.broadcast %parallel_loop3A_513 : i32 to vector<16xi32>
        %parallel_loop3A_515 = arith.cmpi eq, %gather3A_84, %parallel_loop3A_514 : vector<16xi32>
        %parallel_loop3A_516 = arith.select %parallel_loop3A_515, %parallel_loop3A_467, %broadcast_in_dim3A_39 : vector<16xi1>, vector<16xf32>
        tpu.vector_store_idx %arg7[%parallel_loop3A_512], %parallel_loop3A_516 : memref<24832xf32, #tpu.memory_space<vmem>>[vector<16xi32>], vector<16xf32>,
        %parallel_loop3A_517 = arith.constant 31 : i32
        %parallel_loop3A_518 = vector.broadcast %parallel_loop3A_517 : i32 to vector<16xi32>
        %parallel_loop3A_519 = arith.addi %parallel_loop3A_209, %parallel_loop3A_518 : vector<16xi32>
        %parallel_loop3A_520 = arith.constant 3 : i32
        %parallel_loop3A_521 = vector.broadcast %parallel_loop3A_520 : i32 to vector<16xi32>
        %parallel_loop3A_522 = arith.cmpi eq, %parallel_loop3A_450, %parallel_loop3A_521 : vector<16xi32>
        %parallel_loop3A_523 = arith.select %parallel_loop3A_522, %parallel_loop3A_467, %broadcast_in_dim3A_39 : vector<16xi1>, vector<16xf32>
        tpu.vector_store_idx %arg7[%parallel_loop3A_519], %parallel_loop3A_523 : memref<24832xf32, #tpu.memory_space<vmem>>[vector<16xi32>], vector<16xf32>,
        %parallel_loop3A_524 = arith.constant 272 : i32
        %parallel_loop3A_525 = arith.muli %select_n3A, %parallel_loop3A_524 : i32
        %parallel_loop3A_526 = arith.addi %parallel_loop3A_525, %parallel_loop3A_204 : i32
        %parallel_loop3A_527 = arith.constant 10 : i32
        %parallel_loop3A_528 = arith.addi %parallel_loop3A_526, %parallel_loop3A_527 : i32
        %parallel_loop3A_529 = arith.constant 3 : i32
        %parallel_loop3A_530 = arith.subi %parallel_loop3A_528, %parallel_loop3A_529 : i32
        %parallel_loop3A_531 = arith.index_cast %parallel_loop3A_530 : i32 to index
        %parallel_loop3A_532 = tpu.vector_load %arg5[%parallel_loop3A_531] {strides = array<i32>} : memref<1088xi32, #tpu.memory_space<vmem>>, vector<16xi32>,
        %parallel_loop3A_533 = arith.addi %gather3A_88, %parallel_loop3A_532 : vector<16xi32>
        %parallel_loop3A_534 = arith.constant 3 : i32
        %parallel_loop3A_535 = vector.broadcast %parallel_loop3A_534 : i32 to vector<16xi32>
        %parallel_loop3A_536 = arith.cmpi eq, %parallel_loop3A_533, %parallel_loop3A_535 : vector<16xi32>
        %parallel_loop3A_537 = arith.muli %gather3A_88, %parallel_loop3A_532 : vector<16xi32>
        %parallel_loop3A_538 = arith.constant 6 : i32
        %parallel_loop3A_539 = vector.broadcast %parallel_loop3A_538 : i32 to vector<16xi32>
        %parallel_loop3A_540 = arith.cmpi eq, %parallel_loop3A_537, %parallel_loop3A_539 : vector<16xi32>
        %parallel_loop3A_541 = arith.ori %parallel_loop3A_536, %parallel_loop3A_540 : vector<16xi1>
        %parallel_loop3A_542 = arith.constant 6 : i32
        %parallel_loop3A_543 = arith.addi %add3A_70, %parallel_loop3A_542 : i32
        %parallel_loop3A_544 = arith.constant 7 : i32
        %parallel_loop3A_545 = arith.subi %parallel_loop3A_543, %parallel_loop3A_544 : i32
        %parallel_loop3A_546 = vector.broadcast %parallel_loop3A_545 : i32 to vector<16xi32>
        %parallel_loop3A_547 = arith.cmpi sgt, %parallel_loop3A_206, %parallel_loop3A_546 : vector<16xi32>
        %parallel_loop3A_548 = arith.andi %parallel_loop3A_541, %parallel_loop3A_547 : vector<16xi1>
        %parallel_loop3A_549 = arith.select %parallel_loop3A_548, %parallel_loop3A_214, %broadcast_in_dim3A_39 : vector<16xi1>, vector<16xf32>
        %parallel_loop3A_550 = arith.constant 32 : i32
        %parallel_loop3A_551 = vector.broadcast %parallel_loop3A_550 : i32 to vector<16xi32>
        %parallel_loop3A_552 = arith.addi %parallel_loop3A_209, %parallel_loop3A_551 : vector<16xi32>
        %parallel_loop3A_553 = arith.constant 0 : i32
        %parallel_loop3A_554 = vector.broadcast %parallel_loop3A_553 : i32 to vector<16xi32>
        %parallel_loop3A_555 = arith.cmpi eq, %gather3A_88, %parallel_loop3A_554 : vector<16xi32>
        %parallel_loop3A_556 = arith.select %parallel_loop3A_555, %parallel_loop3A_549, %broadcast_in_dim3A_39 : vector<16xi1>, vector<16xf32>
        tpu.vector_store_idx %arg7[%parallel_loop3A_552], %parallel_loop3A_556 : memref<24832xf32, #tpu.memory_space<vmem>>[vector<16xi32>], vector<16xf32>,
        %parallel_loop3A_557 = arith.constant 36 : i32
        %parallel_loop3A_558 = vector.broadcast %parallel_loop3A_557 : i32 to vector<16xi32>
        %parallel_loop3A_559 = arith.addi %parallel_loop3A_209, %parallel_loop3A_558 : vector<16xi32>
        %parallel_loop3A_560 = arith.constant 0 : i32
        %parallel_loop3A_561 = vector.broadcast %parallel_loop3A_560 : i32 to vector<16xi32>
        %parallel_loop3A_562 = arith.cmpi eq, %parallel_loop3A_532, %parallel_loop3A_561 : vector<16xi32>
        %parallel_loop3A_563 = arith.select %parallel_loop3A_562, %parallel_loop3A_549, %broadcast_in_dim3A_39 : vector<16xi1>, vector<16xf32>
        tpu.vector_store_idx %arg7[%parallel_loop3A_559], %parallel_loop3A_563 : memref<24832xf32, #tpu.memory_space<vmem>>[vector<16xi32>], vector<16xf32>,
        %parallel_loop3A_564 = arith.constant 33 : i32
        %parallel_loop3A_565 = vector.broadcast %parallel_loop3A_564 : i32 to vector<16xi32>
        %parallel_loop3A_566 = arith.addi %parallel_loop3A_209, %parallel_loop3A_565 : vector<16xi32>
        %parallel_loop3A_567 = arith.constant 1 : i32
        %parallel_loop3A_568 = vector.broadcast %parallel_loop3A_567 : i32 to vector<16xi32>
        %parallel_loop3A_569 = arith.cmpi eq, %gather3A_88, %parallel_loop3A_568 : vector<16xi32>
        %parallel_loop3A_570 = arith.select %parallel_loop3A_569, %parallel_loop3A_549, %broadcast_in_dim3A_39 : vector<16xi1>, vector<16xf32>
        tpu.vector_store_idx %arg7[%parallel_loop3A_566], %parallel_loop3A_570 : memref<24832xf32, #tpu.memory_space<vmem>>[vector<16xi32>], vector<16xf32>,
        %parallel_loop3A_571 = arith.constant 37 : i32
        %parallel_loop3A_572 = vector.broadcast %parallel_loop3A_571 : i32 to vector<16xi32>
        %parallel_loop3A_573 = arith.addi %parallel_loop3A_209, %parallel_loop3A_572 : vector<16xi32>
        %parallel_loop3A_574 = arith.constant 1 : i32
        %parallel_loop3A_575 = vector.broadcast %parallel_loop3A_574 : i32 to vector<16xi32>
        %parallel_loop3A_576 = arith.cmpi eq, %parallel_loop3A_532, %parallel_loop3A_575 : vector<16xi32>
        %parallel_loop3A_577 = arith.select %parallel_loop3A_576, %parallel_loop3A_549, %broadcast_in_dim3A_39 : vector<16xi1>, vector<16xf32>
        tpu.vector_store_idx %arg7[%parallel_loop3A_573], %parallel_loop3A_577 : memref<24832xf32, #tpu.memory_space<vmem>>[vector<16xi32>], vector<16xf32>,
        %parallel_loop3A_578 = arith.constant 34 : i32
        %parallel_loop3A_579 = vector.broadcast %parallel_loop3A_578 : i32 to vector<16xi32>
        %parallel_loop3A_580 = arith.addi %parallel_loop3A_209, %parallel_loop3A_579 : vector<16xi32>
        %parallel_loop3A_581 = arith.constant 2 : i32
        %parallel_loop3A_582 = vector.broadcast %parallel_loop3A_581 : i32 to vector<16xi32>
        %parallel_loop3A_583 = arith.cmpi eq, %gather3A_88, %parallel_loop3A_582 : vector<16xi32>
        %parallel_loop3A_584 = arith.select %parallel_loop3A_583, %parallel_loop3A_549, %broadcast_in_dim3A_39 : vector<16xi1>, vector<16xf32>
        tpu.vector_store_idx %arg7[%parallel_loop3A_580], %parallel_loop3A_584 : memref<24832xf32, #tpu.memory_space<vmem>>[vector<16xi32>], vector<16xf32>,
        %parallel_loop3A_585 = arith.constant 38 : i32
        %parallel_loop3A_586 = vector.broadcast %parallel_loop3A_585 : i32 to vector<16xi32>
        %parallel_loop3A_587 = arith.addi %parallel_loop3A_209, %parallel_loop3A_586 : vector<16xi32>
        %parallel_loop3A_588 = arith.constant 2 : i32
        %parallel_loop3A_589 = vector.broadcast %parallel_loop3A_588 : i32 to vector<16xi32>
        %parallel_loop3A_590 = arith.cmpi eq, %parallel_loop3A_532, %parallel_loop3A_589 : vector<16xi32>
        %parallel_loop3A_591 = arith.select %parallel_loop3A_590, %parallel_loop3A_549, %broadcast_in_dim3A_39 : vector<16xi1>, vector<16xf32>
        tpu.vector_store_idx %arg7[%parallel_loop3A_587], %parallel_loop3A_591 : memref<24832xf32, #tpu.memory_space<vmem>>[vector<16xi32>], vector<16xf32>,
        %parallel_loop3A_592 = arith.constant 35 : i32
        %parallel_loop3A_593 = vector.broadcast %parallel_loop3A_592 : i32 to vector<16xi32>
        %parallel_loop3A_594 = arith.addi %parallel_loop3A_209, %parallel_loop3A_593 : vector<16xi32>
        %parallel_loop3A_595 = arith.constant 3 : i32
        %parallel_loop3A_596 = vector.broadcast %parallel_loop3A_595 : i32 to vector<16xi32>
        %parallel_loop3A_597 = arith.cmpi eq, %gather3A_88, %parallel_loop3A_596 : vector<16xi32>
        %parallel_loop3A_598 = arith.select %parallel_loop3A_597, %parallel_loop3A_549, %broadcast_in_dim3A_39 : vector<16xi1>, vector<16xf32>
        tpu.vector_store_idx %arg7[%parallel_loop3A_594], %parallel_loop3A_598 : memref<24832xf32, #tpu.memory_space<vmem>>[vector<16xi32>], vector<16xf32>,
        %parallel_loop3A_599 = arith.constant 39 : i32
        %parallel_loop3A_600 = vector.broadcast %parallel_loop3A_599 : i32 to vector<16xi32>
        %parallel_loop3A_601 = arith.addi %parallel_loop3A_209, %parallel_loop3A_600 : vector<16xi32>
        %parallel_loop3A_602 = arith.constant 3 : i32
        %parallel_loop3A_603 = vector.broadcast %parallel_loop3A_602 : i32 to vector<16xi32>
        %parallel_loop3A_604 = arith.cmpi eq, %parallel_loop3A_532, %parallel_loop3A_603 : vector<16xi32>
        %parallel_loop3A_605 = arith.select %parallel_loop3A_604, %parallel_loop3A_549, %broadcast_in_dim3A_39 : vector<16xi1>, vector<16xf32>
        tpu.vector_store_idx %arg7[%parallel_loop3A_601], %parallel_loop3A_605 : memref<24832xf32, #tpu.memory_space<vmem>>[vector<16xi32>], vector<16xf32>,
        %parallel_loop3A_606 = arith.constant 272 : i32
        %parallel_loop3A_607 = arith.muli %select_n3A, %parallel_loop3A_606 : i32
        %parallel_loop3A_608 = arith.addi %parallel_loop3A_607, %parallel_loop3A_204 : i32
        %parallel_loop3A_609 = arith.constant 10 : i32
        %parallel_loop3A_610 = arith.addi %parallel_loop3A_608, %parallel_loop3A_609 : i32
        %parallel_loop3A_611 = arith.constant 4 : i32
        %parallel_loop3A_612 = arith.subi %parallel_loop3A_610, %parallel_loop3A_611 : i32
        %parallel_loop3A_613 = arith.index_cast %parallel_loop3A_612 : i32 to index
        %parallel_loop3A_614 = tpu.vector_load %arg5[%parallel_loop3A_613] {strides = array<i32>} : memref<1088xi32, #tpu.memory_space<vmem>>, vector<16xi32>,
        %parallel_loop3A_615 = arith.addi %gather3A_92, %parallel_loop3A_614 : vector<16xi32>
        %parallel_loop3A_616 = arith.constant 3 : i32
        %parallel_loop3A_617 = vector.broadcast %parallel_loop3A_616 : i32 to vector<16xi32>
        %parallel_loop3A_618 = arith.cmpi eq, %parallel_loop3A_615, %parallel_loop3A_617 : vector<16xi32>
        %parallel_loop3A_619 = arith.muli %gather3A_92, %parallel_loop3A_614 : vector<16xi32>
        %parallel_loop3A_620 = arith.constant 6 : i32
        %parallel_loop3A_621 = vector.broadcast %parallel_loop3A_620 : i32 to vector<16xi32>
        %parallel_loop3A_622 = arith.cmpi eq, %parallel_loop3A_619, %parallel_loop3A_621 : vector<16xi32>
        %parallel_loop3A_623 = arith.ori %parallel_loop3A_618, %parallel_loop3A_622 : vector<16xi1>
        %parallel_loop3A_624 = arith.constant 8 : i32
        %parallel_loop3A_625 = arith.addi %add3A_70, %parallel_loop3A_624 : i32
        %parallel_loop3A_626 = arith.constant 7 : i32
        %parallel_loop3A_627 = arith.subi %parallel_loop3A_625, %parallel_loop3A_626 : i32
        %parallel_loop3A_628 = vector.broadcast %parallel_loop3A_627 : i32 to vector<16xi32>
        %parallel_loop3A_629 = arith.cmpi sgt, %parallel_loop3A_206, %parallel_loop3A_628 : vector<16xi32>
        %parallel_loop3A_630 = arith.andi %parallel_loop3A_623, %parallel_loop3A_629 : vector<16xi1>
        %parallel_loop3A_631 = arith.select %parallel_loop3A_630, %parallel_loop3A_214, %broadcast_in_dim3A_39 : vector<16xi1>, vector<16xf32>
        %parallel_loop3A_632 = arith.constant 40 : i32
        %parallel_loop3A_633 = vector.broadcast %parallel_loop3A_632 : i32 to vector<16xi32>
        %parallel_loop3A_634 = arith.addi %parallel_loop3A_209, %parallel_loop3A_633 : vector<16xi32>
        %parallel_loop3A_635 = arith.constant 0 : i32
        %parallel_loop3A_636 = vector.broadcast %parallel_loop3A_635 : i32 to vector<16xi32>
        %parallel_loop3A_637 = arith.cmpi eq, %gather3A_92, %parallel_loop3A_636 : vector<16xi32>
        %parallel_loop3A_638 = arith.select %parallel_loop3A_637, %parallel_loop3A_631, %broadcast_in_dim3A_39 : vector<16xi1>, vector<16xf32>
        tpu.vector_store_idx %arg7[%parallel_loop3A_634], %parallel_loop3A_638 : memref<24832xf32, #tpu.memory_space<vmem>>[vector<16xi32>], vector<16xf32>,
        %parallel_loop3A_639 = arith.constant 44 : i32
        %parallel_loop3A_640 = vector.broadcast %parallel_loop3A_639 : i32 to vector<16xi32>
        %parallel_loop3A_641 = arith.addi %parallel_loop3A_209, %parallel_loop3A_640 : vector<16xi32>
        %parallel_loop3A_642 = arith.constant 0 : i32
        %parallel_loop3A_643 = vector.broadcast %parallel_loop3A_642 : i32 to vector<16xi32>
        %parallel_loop3A_644 = arith.cmpi eq, %parallel_loop3A_614, %parallel_loop3A_643 : vector<16xi32>
        %parallel_loop3A_645 = arith.select %parallel_loop3A_644, %parallel_loop3A_631, %broadcast_in_dim3A_39 : vector<16xi1>, vector<16xf32>
        tpu.vector_store_idx %arg7[%parallel_loop3A_641], %parallel_loop3A_645 : memref<24832xf32, #tpu.memory_space<vmem>>[vector<16xi32>], vector<16xf32>,
        %parallel_loop3A_646 = arith.constant 41 : i32
        %parallel_loop3A_647 = vector.broadcast %parallel_loop3A_646 : i32 to vector<16xi32>
        %parallel_loop3A_648 = arith.addi %parallel_loop3A_209, %parallel_loop3A_647 : vector<16xi32>
        %parallel_loop3A_649 = arith.constant 1 : i32
        %parallel_loop3A_650 = vector.broadcast %parallel_loop3A_649 : i32 to vector<16xi32>
        %parallel_loop3A_651 = arith.cmpi eq, %gather3A_92, %parallel_loop3A_650 : vector<16xi32>
        %parallel_loop3A_652 = arith.select %parallel_loop3A_651, %parallel_loop3A_631, %broadcast_in_dim3A_39 : vector<16xi1>, vector<16xf32>
        tpu.vector_store_idx %arg7[%parallel_loop3A_648], %parallel_loop3A_652 : memref<24832xf32, #tpu.memory_space<vmem>>[vector<16xi32>], vector<16xf32>,
        %parallel_loop3A_653 = arith.constant 45 : i32
        %parallel_loop3A_654 = vector.broadcast %parallel_loop3A_653 : i32 to vector<16xi32>
        %parallel_loop3A_655 = arith.addi %parallel_loop3A_209, %parallel_loop3A_654 : vector<16xi32>
        %parallel_loop3A_656 = arith.constant 1 : i32
        %parallel_loop3A_657 = vector.broadcast %parallel_loop3A_656 : i32 to vector<16xi32>
        %parallel_loop3A_658 = arith.cmpi eq, %parallel_loop3A_614, %parallel_loop3A_657 : vector<16xi32>
        %parallel_loop3A_659 = arith.select %parallel_loop3A_658, %parallel_loop3A_631, %broadcast_in_dim3A_39 : vector<16xi1>, vector<16xf32>
        tpu.vector_store_idx %arg7[%parallel_loop3A_655], %parallel_loop3A_659 : memref<24832xf32, #tpu.memory_space<vmem>>[vector<16xi32>], vector<16xf32>,
        %parallel_loop3A_660 = arith.constant 42 : i32
        %parallel_loop3A_661 = vector.broadcast %parallel_loop3A_660 : i32 to vector<16xi32>
        %parallel_loop3A_662 = arith.addi %parallel_loop3A_209, %parallel_loop3A_661 : vector<16xi32>
        %parallel_loop3A_663 = arith.constant 2 : i32
        %parallel_loop3A_664 = vector.broadcast %parallel_loop3A_663 : i32 to vector<16xi32>
        %parallel_loop3A_665 = arith.cmpi eq, %gather3A_92, %parallel_loop3A_664 : vector<16xi32>
        %parallel_loop3A_666 = arith.select %parallel_loop3A_665, %parallel_loop3A_631, %broadcast_in_dim3A_39 : vector<16xi1>, vector<16xf32>
        tpu.vector_store_idx %arg7[%parallel_loop3A_662], %parallel_loop3A_666 : memref<24832xf32, #tpu.memory_space<vmem>>[vector<16xi32>], vector<16xf32>,
        %parallel_loop3A_667 = arith.constant 46 : i32
        %parallel_loop3A_668 = vector.broadcast %parallel_loop3A_667 : i32 to vector<16xi32>
        %parallel_loop3A_669 = arith.addi %parallel_loop3A_209, %parallel_loop3A_668 : vector<16xi32>
        %parallel_loop3A_670 = arith.constant 2 : i32
        %parallel_loop3A_671 = vector.broadcast %parallel_loop3A_670 : i32 to vector<16xi32>
        %parallel_loop3A_672 = arith.cmpi eq, %parallel_loop3A_614, %parallel_loop3A_671 : vector<16xi32>
        %parallel_loop3A_673 = arith.select %parallel_loop3A_672, %parallel_loop3A_631, %broadcast_in_dim3A_39 : vector<16xi1>, vector<16xf32>
        tpu.vector_store_idx %arg7[%parallel_loop3A_669], %parallel_loop3A_673 : memref<24832xf32, #tpu.memory_space<vmem>>[vector<16xi32>], vector<16xf32>,
        %parallel_loop3A_674 = arith.constant 43 : i32
        %parallel_loop3A_675 = vector.broadcast %parallel_loop3A_674 : i32 to vector<16xi32>
        %parallel_loop3A_676 = arith.addi %parallel_loop3A_209, %parallel_loop3A_675 : vector<16xi32>
        %parallel_loop3A_677 = arith.constant 3 : i32
        %parallel_loop3A_678 = vector.broadcast %parallel_loop3A_677 : i32 to vector<16xi32>
        %parallel_loop3A_679 = arith.cmpi eq, %gather3A_92, %parallel_loop3A_678 : vector<16xi32>
        %parallel_loop3A_680 = arith.select %parallel_loop3A_679, %parallel_loop3A_631, %broadcast_in_dim3A_39 : vector<16xi1>, vector<16xf32>
        tpu.vector_store_idx %arg7[%parallel_loop3A_676], %parallel_loop3A_680 : memref<24832xf32, #tpu.memory_space<vmem>>[vector<16xi32>], vector<16xf32>,
        %parallel_loop3A_681 = arith.constant 47 : i32
        %parallel_loop3A_682 = vector.broadcast %parallel_loop3A_681 : i32 to vector<16xi32>
        %parallel_loop3A_683 = arith.addi %parallel_loop3A_209, %parallel_loop3A_682 : vector<16xi32>
        %parallel_loop3A_684 = arith.constant 3 : i32
        %parallel_loop3A_685 = vector.broadcast %parallel_loop3A_684 : i32 to vector<16xi32>
        %parallel_loop3A_686 = arith.cmpi eq, %parallel_loop3A_614, %parallel_loop3A_685 : vector<16xi32>
        %parallel_loop3A_687 = arith.select %parallel_loop3A_686, %parallel_loop3A_631, %broadcast_in_dim3A_39 : vector<16xi1>, vector<16xf32>
        tpu.vector_store_idx %arg7[%parallel_loop3A_683], %parallel_loop3A_687 : memref<24832xf32, #tpu.memory_space<vmem>>[vector<16xi32>], vector<16xf32>,
        %parallel_loop3A_688 = arith.addi %gather3A_96, %parallel_loop3A_221 : vector<16xi32>
        %parallel_loop3A_689 = arith.constant 3 : i32
        %parallel_loop3A_690 = vector.broadcast %parallel_loop3A_689 : i32 to vector<16xi32>
        %parallel_loop3A_691 = arith.cmpi eq, %parallel_loop3A_688, %parallel_loop3A_690 : vector<16xi32>
        %parallel_loop3A_692 = arith.muli %gather3A_96, %parallel_loop3A_221 : vector<16xi32>
        %parallel_loop3A_693 = arith.constant 6 : i32
        %parallel_loop3A_694 = vector.broadcast %parallel_loop3A_693 : i32 to vector<16xi32>
        %parallel_loop3A_695 = arith.cmpi eq, %parallel_loop3A_692, %parallel_loop3A_694 : vector<16xi32>
        %parallel_loop3A_696 = arith.ori %parallel_loop3A_691, %parallel_loop3A_695 : vector<16xi1>
        %parallel_loop3A_697 = arith.constant 10 : i32
        %parallel_loop3A_698 = arith.addi %add3A_70, %parallel_loop3A_697 : i32
        %parallel_loop3A_699 = arith.constant 7 : i32
        %parallel_loop3A_700 = arith.subi %parallel_loop3A_698, %parallel_loop3A_699 : i32
        %parallel_loop3A_701 = vector.broadcast %parallel_loop3A_700 : i32 to vector<16xi32>
        %parallel_loop3A_702 = arith.cmpi sgt, %parallel_loop3A_206, %parallel_loop3A_701 : vector<16xi32>
        %parallel_loop3A_703 = arith.andi %parallel_loop3A_696, %parallel_loop3A_702 : vector<16xi1>
        %parallel_loop3A_704 = arith.select %parallel_loop3A_703, %parallel_loop3A_214, %broadcast_in_dim3A_39 : vector<16xi1>, vector<16xf32>
        %parallel_loop3A_705 = arith.constant 48 : i32
        %parallel_loop3A_706 = vector.broadcast %parallel_loop3A_705 : i32 to vector<16xi32>
        %parallel_loop3A_707 = arith.addi %parallel_loop3A_209, %parallel_loop3A_706 : vector<16xi32>
        %parallel_loop3A_708 = arith.constant 0 : i32
        %parallel_loop3A_709 = vector.broadcast %parallel_loop3A_708 : i32 to vector<16xi32>
        %parallel_loop3A_710 = arith.cmpi eq, %gather3A_96, %parallel_loop3A_709 : vector<16xi32>
        %parallel_loop3A_711 = arith.select %parallel_loop3A_710, %parallel_loop3A_704, %broadcast_in_dim3A_39 : vector<16xi1>, vector<16xf32>
        tpu.vector_store_idx %arg7[%parallel_loop3A_707], %parallel_loop3A_711 : memref<24832xf32, #tpu.memory_space<vmem>>[vector<16xi32>], vector<16xf32>,
        %parallel_loop3A_712 = arith.constant 52 : i32
        %parallel_loop3A_713 = vector.broadcast %parallel_loop3A_712 : i32 to vector<16xi32>
        %parallel_loop3A_714 = arith.addi %parallel_loop3A_209, %parallel_loop3A_713 : vector<16xi32>
        %parallel_loop3A_715 = arith.constant 0 : i32
        %parallel_loop3A_716 = vector.broadcast %parallel_loop3A_715 : i32 to vector<16xi32>
        %parallel_loop3A_717 = arith.cmpi eq, %parallel_loop3A_221, %parallel_loop3A_716 : vector<16xi32>
        %parallel_loop3A_718 = arith.select %parallel_loop3A_717, %parallel_loop3A_704, %broadcast_in_dim3A_39 : vector<16xi1>, vector<16xf32>
        tpu.vector_store_idx %arg7[%parallel_loop3A_714], %parallel_loop3A_718 : memref<24832xf32, #tpu.memory_space<vmem>>[vector<16xi32>], vector<16xf32>,
        %parallel_loop3A_719 = arith.constant 49 : i32
        %parallel_loop3A_720 = vector.broadcast %parallel_loop3A_719 : i32 to vector<16xi32>
        %parallel_loop3A_721 = arith.addi %parallel_loop3A_209, %parallel_loop3A_720 : vector<16xi32>
        %parallel_loop3A_722 = arith.constant 1 : i32
        %parallel_loop3A_723 = vector.broadcast %parallel_loop3A_722 : i32 to vector<16xi32>
        %parallel_loop3A_724 = arith.cmpi eq, %gather3A_96, %parallel_loop3A_723 : vector<16xi32>
        %parallel_loop3A_725 = arith.select %parallel_loop3A_724, %parallel_loop3A_704, %broadcast_in_dim3A_39 : vector<16xi1>, vector<16xf32>
        tpu.vector_store_idx %arg7[%parallel_loop3A_721], %parallel_loop3A_725 : memref<24832xf32, #tpu.memory_space<vmem>>[vector<16xi32>], vector<16xf32>,
        %parallel_loop3A_726 = arith.constant 53 : i32
        %parallel_loop3A_727 = vector.broadcast %parallel_loop3A_726 : i32 to vector<16xi32>
        %parallel_loop3A_728 = arith.addi %parallel_loop3A_209, %parallel_loop3A_727 : vector<16xi32>
        %parallel_loop3A_729 = arith.constant 1 : i32
        %parallel_loop3A_730 = vector.broadcast %parallel_loop3A_729 : i32 to vector<16xi32>
        %parallel_loop3A_731 = arith.cmpi eq, %parallel_loop3A_221, %parallel_loop3A_730 : vector<16xi32>
        %parallel_loop3A_732 = arith.select %parallel_loop3A_731, %parallel_loop3A_704, %broadcast_in_dim3A_39 : vector<16xi1>, vector<16xf32>
        tpu.vector_store_idx %arg7[%parallel_loop3A_728], %parallel_loop3A_732 : memref<24832xf32, #tpu.memory_space<vmem>>[vector<16xi32>], vector<16xf32>,
        %parallel_loop3A_733 = arith.constant 50 : i32
        %parallel_loop3A_734 = vector.broadcast %parallel_loop3A_733 : i32 to vector<16xi32>
        %parallel_loop3A_735 = arith.addi %parallel_loop3A_209, %parallel_loop3A_734 : vector<16xi32>
        %parallel_loop3A_736 = arith.constant 2 : i32
        %parallel_loop3A_737 = vector.broadcast %parallel_loop3A_736 : i32 to vector<16xi32>
        %parallel_loop3A_738 = arith.cmpi eq, %gather3A_96, %parallel_loop3A_737 : vector<16xi32>
        %parallel_loop3A_739 = arith.select %parallel_loop3A_738, %parallel_loop3A_704, %broadcast_in_dim3A_39 : vector<16xi1>, vector<16xf32>
        tpu.vector_store_idx %arg7[%parallel_loop3A_735], %parallel_loop3A_739 : memref<24832xf32, #tpu.memory_space<vmem>>[vector<16xi32>], vector<16xf32>,
        %parallel_loop3A_740 = arith.constant 54 : i32
        %parallel_loop3A_741 = vector.broadcast %parallel_loop3A_740 : i32 to vector<16xi32>
        %parallel_loop3A_742 = arith.addi %parallel_loop3A_209, %parallel_loop3A_741 : vector<16xi32>
        %parallel_loop3A_743 = arith.constant 2 : i32
        %parallel_loop3A_744 = vector.broadcast %parallel_loop3A_743 : i32 to vector<16xi32>
        %parallel_loop3A_745 = arith.cmpi eq, %parallel_loop3A_221, %parallel_loop3A_744 : vector<16xi32>
        %parallel_loop3A_746 = arith.select %parallel_loop3A_745, %parallel_loop3A_704, %broadcast_in_dim3A_39 : vector<16xi1>, vector<16xf32>
        tpu.vector_store_idx %arg7[%parallel_loop3A_742], %parallel_loop3A_746 : memref<24832xf32, #tpu.memory_space<vmem>>[vector<16xi32>], vector<16xf32>,
        %parallel_loop3A_747 = arith.constant 51 : i32
        %parallel_loop3A_748 = vector.broadcast %parallel_loop3A_747 : i32 to vector<16xi32>
        %parallel_loop3A_749 = arith.addi %parallel_loop3A_209, %parallel_loop3A_748 : vector<16xi32>
        %parallel_loop3A_750 = arith.constant 3 : i32
        %parallel_loop3A_751 = vector.broadcast %parallel_loop3A_750 : i32 to vector<16xi32>
        %parallel_loop3A_752 = arith.cmpi eq, %gather3A_96, %parallel_loop3A_751 : vector<16xi32>
        %parallel_loop3A_753 = arith.select %parallel_loop3A_752, %parallel_loop3A_704, %broadcast_in_dim3A_39 : vector<16xi1>, vector<16xf32>
        tpu.vector_store_idx %arg7[%parallel_loop3A_749], %parallel_loop3A_753 : memref<24832xf32, #tpu.memory_space<vmem>>[vector<16xi32>], vector<16xf32>,
        %parallel_loop3A_754 = arith.constant 55 : i32
        %parallel_loop3A_755 = vector.broadcast %parallel_loop3A_754 : i32 to vector<16xi32>
        %parallel_loop3A_756 = arith.addi %parallel_loop3A_209, %parallel_loop3A_755 : vector<16xi32>
        %parallel_loop3A_757 = arith.constant 3 : i32
        %parallel_loop3A_758 = vector.broadcast %parallel_loop3A_757 : i32 to vector<16xi32>
        %parallel_loop3A_759 = arith.cmpi eq, %parallel_loop3A_221, %parallel_loop3A_758 : vector<16xi32>
        %parallel_loop3A_760 = arith.select %parallel_loop3A_759, %parallel_loop3A_704, %broadcast_in_dim3A_39 : vector<16xi1>, vector<16xf32>
        tpu.vector_store_idx %arg7[%parallel_loop3A_756], %parallel_loop3A_760 : memref<24832xf32, #tpu.memory_space<vmem>>[vector<16xi32>], vector<16xf32>,
        %parallel_loop3A_761 = arith.constant 272 : i32
        %parallel_loop3A_762 = arith.muli %select_n3A, %parallel_loop3A_761 : i32
        %parallel_loop3A_763 = arith.addi %parallel_loop3A_762, %parallel_loop3A_204 : i32
        %parallel_loop3A_764 = arith.constant 10 : i32
        %parallel_loop3A_765 = arith.addi %parallel_loop3A_763, %parallel_loop3A_764 : i32
        %parallel_loop3A_766 = arith.constant 6 : i32
        %parallel_loop3A_767 = arith.subi %parallel_loop3A_765, %parallel_loop3A_766 : i32
        %parallel_loop3A_768 = arith.index_cast %parallel_loop3A_767 : i32 to index
        %parallel_loop3A_769 = tpu.vector_load %arg5[%parallel_loop3A_768] {strides = array<i32>} : memref<1088xi32, #tpu.memory_space<vmem>>, vector<16xi32>,
        %parallel_loop3A_770 = arith.addi %gather3A_100, %parallel_loop3A_769 : vector<16xi32>
        %parallel_loop3A_771 = arith.constant 3 : i32
        %parallel_loop3A_772 = vector.broadcast %parallel_loop3A_771 : i32 to vector<16xi32>
        %parallel_loop3A_773 = arith.cmpi eq, %parallel_loop3A_770, %parallel_loop3A_772 : vector<16xi32>
        %parallel_loop3A_774 = arith.muli %gather3A_100, %parallel_loop3A_769 : vector<16xi32>
        %parallel_loop3A_775 = arith.constant 6 : i32
        %parallel_loop3A_776 = vector.broadcast %parallel_loop3A_775 : i32 to vector<16xi32>
        %parallel_loop3A_777 = arith.cmpi eq, %parallel_loop3A_774, %parallel_loop3A_776 : vector<16xi32>
        %parallel_loop3A_778 = arith.ori %parallel_loop3A_773, %parallel_loop3A_777 : vector<16xi1>
        %parallel_loop3A_779 = arith.constant 12 : i32
        %parallel_loop3A_780 = arith.addi %add3A_70, %parallel_loop3A_779 : i32
        %parallel_loop3A_781 = arith.constant 7 : i32
        %parallel_loop3A_782 = arith.subi %parallel_loop3A_780, %parallel_loop3A_781 : i32
        %parallel_loop3A_783 = vector.broadcast %parallel_loop3A_782 : i32 to vector<16xi32>
        %parallel_loop3A_784 = arith.cmpi sgt, %parallel_loop3A_206, %parallel_loop3A_783 : vector<16xi32>
        %parallel_loop3A_785 = arith.andi %parallel_loop3A_778, %parallel_loop3A_784 : vector<16xi1>
        %parallel_loop3A_786 = arith.select %parallel_loop3A_785, %parallel_loop3A_214, %broadcast_in_dim3A_39 : vector<16xi1>, vector<16xf32>
        %parallel_loop3A_787 = arith.constant 56 : i32
        %parallel_loop3A_788 = vector.broadcast %parallel_loop3A_787 : i32 to vector<16xi32>
        %parallel_loop3A_789 = arith.addi %parallel_loop3A_209, %parallel_loop3A_788 : vector<16xi32>
        %parallel_loop3A_790 = arith.constant 0 : i32
        %parallel_loop3A_791 = vector.broadcast %parallel_loop3A_790 : i32 to vector<16xi32>
        %parallel_loop3A_792 = arith.cmpi eq, %gather3A_100, %parallel_loop3A_791 : vector<16xi32>
        %parallel_loop3A_793 = arith.select %parallel_loop3A_792, %parallel_loop3A_786, %broadcast_in_dim3A_39 : vector<16xi1>, vector<16xf32>
        tpu.vector_store_idx %arg7[%parallel_loop3A_789], %parallel_loop3A_793 : memref<24832xf32, #tpu.memory_space<vmem>>[vector<16xi32>], vector<16xf32>,
        %parallel_loop3A_794 = arith.constant 60 : i32
        %parallel_loop3A_795 = vector.broadcast %parallel_loop3A_794 : i32 to vector<16xi32>
        %parallel_loop3A_796 = arith.addi %parallel_loop3A_209, %parallel_loop3A_795 : vector<16xi32>
        %parallel_loop3A_797 = arith.constant 0 : i32
        %parallel_loop3A_798 = vector.broadcast %parallel_loop3A_797 : i32 to vector<16xi32>
        %parallel_loop3A_799 = arith.cmpi eq, %parallel_loop3A_769, %parallel_loop3A_798 : vector<16xi32>
        %parallel_loop3A_800 = arith.select %parallel_loop3A_799, %parallel_loop3A_786, %broadcast_in_dim3A_39 : vector<16xi1>, vector<16xf32>
        tpu.vector_store_idx %arg7[%parallel_loop3A_796], %parallel_loop3A_800 : memref<24832xf32, #tpu.memory_space<vmem>>[vector<16xi32>], vector<16xf32>,
        %parallel_loop3A_801 = arith.constant 57 : i32
        %parallel_loop3A_802 = vector.broadcast %parallel_loop3A_801 : i32 to vector<16xi32>
        %parallel_loop3A_803 = arith.addi %parallel_loop3A_209, %parallel_loop3A_802 : vector<16xi32>
        %parallel_loop3A_804 = arith.constant 1 : i32
        %parallel_loop3A_805 = vector.broadcast %parallel_loop3A_804 : i32 to vector<16xi32>
        %parallel_loop3A_806 = arith.cmpi eq, %gather3A_100, %parallel_loop3A_805 : vector<16xi32>
        %parallel_loop3A_807 = arith.select %parallel_loop3A_806, %parallel_loop3A_786, %broadcast_in_dim3A_39 : vector<16xi1>, vector<16xf32>
        tpu.vector_store_idx %arg7[%parallel_loop3A_803], %parallel_loop3A_807 : memref<24832xf32, #tpu.memory_space<vmem>>[vector<16xi32>], vector<16xf32>,
        %parallel_loop3A_808 = arith.constant 61 : i32
        %parallel_loop3A_809 = vector.broadcast %parallel_loop3A_808 : i32 to vector<16xi32>
        %parallel_loop3A_810 = arith.addi %parallel_loop3A_209, %parallel_loop3A_809 : vector<16xi32>
        %parallel_loop3A_811 = arith.constant 1 : i32
        %parallel_loop3A_812 = vector.broadcast %parallel_loop3A_811 : i32 to vector<16xi32>
        %parallel_loop3A_813 = arith.cmpi eq, %parallel_loop3A_769, %parallel_loop3A_812 : vector<16xi32>
        %parallel_loop3A_814 = arith.select %parallel_loop3A_813, %parallel_loop3A_786, %broadcast_in_dim3A_39 : vector<16xi1>, vector<16xf32>
        tpu.vector_store_idx %arg7[%parallel_loop3A_810], %parallel_loop3A_814 : memref<24832xf32, #tpu.memory_space<vmem>>[vector<16xi32>], vector<16xf32>,
        %parallel_loop3A_815 = arith.constant 58 : i32
        %parallel_loop3A_816 = vector.broadcast %parallel_loop3A_815 : i32 to vector<16xi32>
        %parallel_loop3A_817 = arith.addi %parallel_loop3A_209, %parallel_loop3A_816 : vector<16xi32>
        %parallel_loop3A_818 = arith.constant 2 : i32
        %parallel_loop3A_819 = vector.broadcast %parallel_loop3A_818 : i32 to vector<16xi32>
        %parallel_loop3A_820 = arith.cmpi eq, %gather3A_100, %parallel_loop3A_819 : vector<16xi32>
        %parallel_loop3A_821 = arith.select %parallel_loop3A_820, %parallel_loop3A_786, %broadcast_in_dim3A_39 : vector<16xi1>, vector<16xf32>
        tpu.vector_store_idx %arg7[%parallel_loop3A_817], %parallel_loop3A_821 : memref<24832xf32, #tpu.memory_space<vmem>>[vector<16xi32>], vector<16xf32>,
        %parallel_loop3A_822 = arith.constant 62 : i32
        %parallel_loop3A_823 = vector.broadcast %parallel_loop3A_822 : i32 to vector<16xi32>
        %parallel_loop3A_824 = arith.addi %parallel_loop3A_209, %parallel_loop3A_823 : vector<16xi32>
        %parallel_loop3A_825 = arith.constant 2 : i32
        %parallel_loop3A_826 = vector.broadcast %parallel_loop3A_825 : i32 to vector<16xi32>
        %parallel_loop3A_827 = arith.cmpi eq, %parallel_loop3A_769, %parallel_loop3A_826 : vector<16xi32>
        %parallel_loop3A_828 = arith.select %parallel_loop3A_827, %parallel_loop3A_786, %broadcast_in_dim3A_39 : vector<16xi1>, vector<16xf32>
        tpu.vector_store_idx %arg7[%parallel_loop3A_824], %parallel_loop3A_828 : memref<24832xf32, #tpu.memory_space<vmem>>[vector<16xi32>], vector<16xf32>,
        %parallel_loop3A_829 = arith.constant 59 : i32
        %parallel_loop3A_830 = vector.broadcast %parallel_loop3A_829 : i32 to vector<16xi32>
        %parallel_loop3A_831 = arith.addi %parallel_loop3A_209, %parallel_loop3A_830 : vector<16xi32>
        %parallel_loop3A_832 = arith.constant 3 : i32
        %parallel_loop3A_833 = vector.broadcast %parallel_loop3A_832 : i32 to vector<16xi32>
        %parallel_loop3A_834 = arith.cmpi eq, %gather3A_100, %parallel_loop3A_833 : vector<16xi32>
        %parallel_loop3A_835 = arith.select %parallel_loop3A_834, %parallel_loop3A_786, %broadcast_in_dim3A_39 : vector<16xi1>, vector<16xf32>
        tpu.vector_store_idx %arg7[%parallel_loop3A_831], %parallel_loop3A_835 : memref<24832xf32, #tpu.memory_space<vmem>>[vector<16xi32>], vector<16xf32>,
        %parallel_loop3A_836 = arith.constant 63 : i32
        %parallel_loop3A_837 = vector.broadcast %parallel_loop3A_836 : i32 to vector<16xi32>
        %parallel_loop3A_838 = arith.addi %parallel_loop3A_209, %parallel_loop3A_837 : vector<16xi32>
        %parallel_loop3A_839 = arith.constant 3 : i32
        %parallel_loop3A_840 = vector.broadcast %parallel_loop3A_839 : i32 to vector<16xi32>
        %parallel_loop3A_841 = arith.cmpi eq, %parallel_loop3A_769, %parallel_loop3A_840 : vector<16xi32>
        %parallel_loop3A_842 = arith.select %parallel_loop3A_841, %parallel_loop3A_786, %broadcast_in_dim3A_39 : vector<16xi1>, vector<16xf32>
        tpu.vector_store_idx %arg7[%parallel_loop3A_838], %parallel_loop3A_842 : memref<24832xf32, #tpu.memory_space<vmem>>[vector<16xi32>], vector<16xf32>,
        %parallel_loop3A_843 = arith.constant 272 : i32
        %parallel_loop3A_844 = arith.muli %select_n3A, %parallel_loop3A_843 : i32
        %parallel_loop3A_845 = arith.addi %parallel_loop3A_844, %parallel_loop3A_204 : i32
        %parallel_loop3A_846 = arith.constant 10 : i32
        %parallel_loop3A_847 = arith.addi %parallel_loop3A_845, %parallel_loop3A_846 : i32
        %parallel_loop3A_848 = arith.constant 7 : i32
        %parallel_loop3A_849 = arith.subi %parallel_loop3A_847, %parallel_loop3A_848 : i32
        %parallel_loop3A_850 = arith.index_cast %parallel_loop3A_849 : i32 to index
        %parallel_loop3A_851 = tpu.vector_load %arg5[%parallel_loop3A_850] {strides = array<i32>} : memref<1088xi32, #tpu.memory_space<vmem>>, vector<16xi32>,
        %parallel_loop3A_852 = arith.addi %gather3A_104, %parallel_loop3A_851 : vector<16xi32>
        %parallel_loop3A_853 = arith.constant 3 : i32
        %parallel_loop3A_854 = vector.broadcast %parallel_loop3A_853 : i32 to vector<16xi32>
        %parallel_loop3A_855 = arith.cmpi eq, %parallel_loop3A_852, %parallel_loop3A_854 : vector<16xi32>
        %parallel_loop3A_856 = arith.muli %gather3A_104, %parallel_loop3A_851 : vector<16xi32>
        %parallel_loop3A_857 = arith.constant 6 : i32
        %parallel_loop3A_858 = vector.broadcast %parallel_loop3A_857 : i32 to vector<16xi32>
        %parallel_loop3A_859 = arith.cmpi eq, %parallel_loop3A_856, %parallel_loop3A_858 : vector<16xi32>
        %parallel_loop3A_860 = arith.ori %parallel_loop3A_855, %parallel_loop3A_859 : vector<16xi1>
        %parallel_loop3A_861 = arith.constant 14 : i32
        %parallel_loop3A_862 = arith.addi %add3A_70, %parallel_loop3A_861 : i32
        %parallel_loop3A_863 = arith.constant 7 : i32
        %parallel_loop3A_864 = arith.subi %parallel_loop3A_862, %parallel_loop3A_863 : i32
        %parallel_loop3A_865 = vector.broadcast %parallel_loop3A_864 : i32 to vector<16xi32>
        %parallel_loop3A_866 = arith.cmpi sgt, %parallel_loop3A_206, %parallel_loop3A_865 : vector<16xi32>
        %parallel_loop3A_867 = arith.andi %parallel_loop3A_860, %parallel_loop3A_866 : vector<16xi1>
        %parallel_loop3A_868 = arith.select %parallel_loop3A_867, %parallel_loop3A_214, %broadcast_in_dim3A_39 : vector<16xi1>, vector<16xf32>
        %parallel_loop3A_869 = arith.constant 64 : i32
        %parallel_loop3A_870 = vector.broadcast %parallel_loop3A_869 : i32 to vector<16xi32>
        %parallel_loop3A_871 = arith.addi %parallel_loop3A_209, %parallel_loop3A_870 : vector<16xi32>
        %parallel_loop3A_872 = arith.constant 0 : i32
        %parallel_loop3A_873 = vector.broadcast %parallel_loop3A_872 : i32 to vector<16xi32>
        %parallel_loop3A_874 = arith.cmpi eq, %gather3A_104, %parallel_loop3A_873 : vector<16xi32>
        %parallel_loop3A_875 = arith.select %parallel_loop3A_874, %parallel_loop3A_868, %broadcast_in_dim3A_39 : vector<16xi1>, vector<16xf32>
        tpu.vector_store_idx %arg7[%parallel_loop3A_871], %parallel_loop3A_875 : memref<24832xf32, #tpu.memory_space<vmem>>[vector<16xi32>], vector<16xf32>,
        %parallel_loop3A_876 = arith.constant 68 : i32
        %parallel_loop3A_877 = vector.broadcast %parallel_loop3A_876 : i32 to vector<16xi32>
        %parallel_loop3A_878 = arith.addi %parallel_loop3A_209, %parallel_loop3A_877 : vector<16xi32>
        %parallel_loop3A_879 = arith.constant 0 : i32
        %parallel_loop3A_880 = vector.broadcast %parallel_loop3A_879 : i32 to vector<16xi32>
        %parallel_loop3A_881 = arith.cmpi eq, %parallel_loop3A_851, %parallel_loop3A_880 : vector<16xi32>
        %parallel_loop3A_882 = arith.select %parallel_loop3A_881, %parallel_loop3A_868, %broadcast_in_dim3A_39 : vector<16xi1>, vector<16xf32>
        tpu.vector_store_idx %arg7[%parallel_loop3A_878], %parallel_loop3A_882 : memref<24832xf32, #tpu.memory_space<vmem>>[vector<16xi32>], vector<16xf32>,
        %parallel_loop3A_883 = arith.constant 65 : i32
        %parallel_loop3A_884 = vector.broadcast %parallel_loop3A_883 : i32 to vector<16xi32>
        %parallel_loop3A_885 = arith.addi %parallel_loop3A_209, %parallel_loop3A_884 : vector<16xi32>
        %parallel_loop3A_886 = arith.constant 1 : i32
        %parallel_loop3A_887 = vector.broadcast %parallel_loop3A_886 : i32 to vector<16xi32>
        %parallel_loop3A_888 = arith.cmpi eq, %gather3A_104, %parallel_loop3A_887 : vector<16xi32>
        %parallel_loop3A_889 = arith.select %parallel_loop3A_888, %parallel_loop3A_868, %broadcast_in_dim3A_39 : vector<16xi1>, vector<16xf32>
        tpu.vector_store_idx %arg7[%parallel_loop3A_885], %parallel_loop3A_889 : memref<24832xf32, #tpu.memory_space<vmem>>[vector<16xi32>], vector<16xf32>,
        %parallel_loop3A_890 = arith.constant 69 : i32
        %parallel_loop3A_891 = vector.broadcast %parallel_loop3A_890 : i32 to vector<16xi32>
        %parallel_loop3A_892 = arith.addi %parallel_loop3A_209, %parallel_loop3A_891 : vector<16xi32>
        %parallel_loop3A_893 = arith.constant 1 : i32
        %parallel_loop3A_894 = vector.broadcast %parallel_loop3A_893 : i32 to vector<16xi32>
        %parallel_loop3A_895 = arith.cmpi eq, %parallel_loop3A_851, %parallel_loop3A_894 : vector<16xi32>
        %parallel_loop3A_896 = arith.select %parallel_loop3A_895, %parallel_loop3A_868, %broadcast_in_dim3A_39 : vector<16xi1>, vector<16xf32>
        tpu.vector_store_idx %arg7[%parallel_loop3A_892], %parallel_loop3A_896 : memref<24832xf32, #tpu.memory_space<vmem>>[vector<16xi32>], vector<16xf32>,
        %parallel_loop3A_897 = arith.constant 66 : i32
        %parallel_loop3A_898 = vector.broadcast %parallel_loop3A_897 : i32 to vector<16xi32>
        %parallel_loop3A_899 = arith.addi %parallel_loop3A_209, %parallel_loop3A_898 : vector<16xi32>
        %parallel_loop3A_900 = arith.constant 2 : i32
        %parallel_loop3A_901 = vector.broadcast %parallel_loop3A_900 : i32 to vector<16xi32>
        %parallel_loop3A_902 = arith.cmpi eq, %gather3A_104, %parallel_loop3A_901 : vector<16xi32>
        %parallel_loop3A_903 = arith.select %parallel_loop3A_902, %parallel_loop3A_868, %broadcast_in_dim3A_39 : vector<16xi1>, vector<16xf32>
        tpu.vector_store_idx %arg7[%parallel_loop3A_899], %parallel_loop3A_903 : memref<24832xf32, #tpu.memory_space<vmem>>[vector<16xi32>], vector<16xf32>,
        %parallel_loop3A_904 = arith.constant 70 : i32
        %parallel_loop3A_905 = vector.broadcast %parallel_loop3A_904 : i32 to vector<16xi32>
        %parallel_loop3A_906 = arith.addi %parallel_loop3A_209, %parallel_loop3A_905 : vector<16xi32>
        %parallel_loop3A_907 = arith.constant 2 : i32
        %parallel_loop3A_908 = vector.broadcast %parallel_loop3A_907 : i32 to vector<16xi32>
        %parallel_loop3A_909 = arith.cmpi eq, %parallel_loop3A_851, %parallel_loop3A_908 : vector<16xi32>
        %parallel_loop3A_910 = arith.select %parallel_loop3A_909, %parallel_loop3A_868, %broadcast_in_dim3A_39 : vector<16xi1>, vector<16xf32>
        tpu.vector_store_idx %arg7[%parallel_loop3A_906], %parallel_loop3A_910 : memref<24832xf32, #tpu.memory_space<vmem>>[vector<16xi32>], vector<16xf32>,
        %parallel_loop3A_911 = arith.constant 67 : i32
        %parallel_loop3A_912 = vector.broadcast %parallel_loop3A_911 : i32 to vector<16xi32>
        %parallel_loop3A_913 = arith.addi %parallel_loop3A_209, %parallel_loop3A_912 : vector<16xi32>
        %parallel_loop3A_914 = arith.constant 3 : i32
        %parallel_loop3A_915 = vector.broadcast %parallel_loop3A_914 : i32 to vector<16xi32>
        %parallel_loop3A_916 = arith.cmpi eq, %gather3A_104, %parallel_loop3A_915 : vector<16xi32>
        %parallel_loop3A_917 = arith.select %parallel_loop3A_916, %parallel_loop3A_868, %broadcast_in_dim3A_39 : vector<16xi1>, vector<16xf32>
        tpu.vector_store_idx %arg7[%parallel_loop3A_913], %parallel_loop3A_917 : memref<24832xf32, #tpu.memory_space<vmem>>[vector<16xi32>], vector<16xf32>,
        %parallel_loop3A_918 = arith.constant 71 : i32
        %parallel_loop3A_919 = vector.broadcast %parallel_loop3A_918 : i32 to vector<16xi32>
        %parallel_loop3A_920 = arith.addi %parallel_loop3A_209, %parallel_loop3A_919 : vector<16xi32>
        %parallel_loop3A_921 = arith.constant 3 : i32
        %parallel_loop3A_922 = vector.broadcast %parallel_loop3A_921 : i32 to vector<16xi32>
        %parallel_loop3A_923 = arith.cmpi eq, %parallel_loop3A_851, %parallel_loop3A_922 : vector<16xi32>
        %parallel_loop3A_924 = arith.select %parallel_loop3A_923, %parallel_loop3A_868, %broadcast_in_dim3A_39 : vector<16xi1>, vector<16xf32>
        tpu.vector_store_idx %arg7[%parallel_loop3A_920], %parallel_loop3A_924 : memref<24832xf32, #tpu.memory_space<vmem>>[vector<16xi32>], vector<16xf32>,
        %parallel_loop3A_925 = arith.constant 272 : i32
        %parallel_loop3A_926 = arith.muli %select_n3A, %parallel_loop3A_925 : i32
        %parallel_loop3A_927 = arith.addi %parallel_loop3A_926, %parallel_loop3A_204 : i32
        %parallel_loop3A_928 = arith.constant 10 : i32
        %parallel_loop3A_929 = arith.addi %parallel_loop3A_927, %parallel_loop3A_928 : i32
        %parallel_loop3A_930 = arith.constant 8 : i32
        %parallel_loop3A_931 = arith.subi %parallel_loop3A_929, %parallel_loop3A_930 : i32
        %parallel_loop3A_932 = arith.index_cast %parallel_loop3A_931 : i32 to index
        %parallel_loop3A_933 = tpu.vector_load %arg5[%parallel_loop3A_932] {strides = array<i32>} : memref<1088xi32, #tpu.memory_space<vmem>>, vector<16xi32>,
        %parallel_loop3A_934 = arith.addi %gather3A_108, %parallel_loop3A_933 : vector<16xi32>
        %parallel_loop3A_935 = arith.constant 3 : i32
        %parallel_loop3A_936 = vector.broadcast %parallel_loop3A_935 : i32 to vector<16xi32>
        %parallel_loop3A_937 = arith.cmpi eq, %parallel_loop3A_934, %parallel_loop3A_936 : vector<16xi32>
        %parallel_loop3A_938 = arith.muli %gather3A_108, %parallel_loop3A_933 : vector<16xi32>
        %parallel_loop3A_939 = arith.constant 6 : i32
        %parallel_loop3A_940 = vector.broadcast %parallel_loop3A_939 : i32 to vector<16xi32>
        %parallel_loop3A_941 = arith.cmpi eq, %parallel_loop3A_938, %parallel_loop3A_940 : vector<16xi32>
        %parallel_loop3A_942 = arith.ori %parallel_loop3A_937, %parallel_loop3A_941 : vector<16xi1>
        %parallel_loop3A_943 = arith.constant 16 : i32
        %parallel_loop3A_944 = arith.addi %add3A_70, %parallel_loop3A_943 : i32
        %parallel_loop3A_945 = arith.constant 7 : i32
        %parallel_loop3A_946 = arith.subi %parallel_loop3A_944, %parallel_loop3A_945 : i32
        %parallel_loop3A_947 = vector.broadcast %parallel_loop3A_946 : i32 to vector<16xi32>
        %parallel_loop3A_948 = arith.cmpi sgt, %parallel_loop3A_206, %parallel_loop3A_947 : vector<16xi32>
        %parallel_loop3A_949 = arith.andi %parallel_loop3A_942, %parallel_loop3A_948 : vector<16xi1>
        %parallel_loop3A_950 = arith.select %parallel_loop3A_949, %parallel_loop3A_214, %broadcast_in_dim3A_39 : vector<16xi1>, vector<16xf32>
        %parallel_loop3A_951 = arith.constant 72 : i32
        %parallel_loop3A_952 = vector.broadcast %parallel_loop3A_951 : i32 to vector<16xi32>
        %parallel_loop3A_953 = arith.addi %parallel_loop3A_209, %parallel_loop3A_952 : vector<16xi32>
        %parallel_loop3A_954 = arith.constant 0 : i32
        %parallel_loop3A_955 = vector.broadcast %parallel_loop3A_954 : i32 to vector<16xi32>
        %parallel_loop3A_956 = arith.cmpi eq, %gather3A_108, %parallel_loop3A_955 : vector<16xi32>
        %parallel_loop3A_957 = arith.select %parallel_loop3A_956, %parallel_loop3A_950, %broadcast_in_dim3A_39 : vector<16xi1>, vector<16xf32>
        tpu.vector_store_idx %arg7[%parallel_loop3A_953], %parallel_loop3A_957 : memref<24832xf32, #tpu.memory_space<vmem>>[vector<16xi32>], vector<16xf32>,
        %parallel_loop3A_958 = arith.constant 76 : i32
        %parallel_loop3A_959 = vector.broadcast %parallel_loop3A_958 : i32 to vector<16xi32>
        %parallel_loop3A_960 = arith.addi %parallel_loop3A_209, %parallel_loop3A_959 : vector<16xi32>
        %parallel_loop3A_961 = arith.constant 0 : i32
        %parallel_loop3A_962 = vector.broadcast %parallel_loop3A_961 : i32 to vector<16xi32>
        %parallel_loop3A_963 = arith.cmpi eq, %parallel_loop3A_933, %parallel_loop3A_962 : vector<16xi32>
        %parallel_loop3A_964 = arith.select %parallel_loop3A_963, %parallel_loop3A_950, %broadcast_in_dim3A_39 : vector<16xi1>, vector<16xf32>
        tpu.vector_store_idx %arg7[%parallel_loop3A_960], %parallel_loop3A_964 : memref<24832xf32, #tpu.memory_space<vmem>>[vector<16xi32>], vector<16xf32>,
        %parallel_loop3A_965 = arith.constant 73 : i32
        %parallel_loop3A_966 = vector.broadcast %parallel_loop3A_965 : i32 to vector<16xi32>
        %parallel_loop3A_967 = arith.addi %parallel_loop3A_209, %parallel_loop3A_966 : vector<16xi32>
        %parallel_loop3A_968 = arith.constant 1 : i32
        %parallel_loop3A_969 = vector.broadcast %parallel_loop3A_968 : i32 to vector<16xi32>
        %parallel_loop3A_970 = arith.cmpi eq, %gather3A_108, %parallel_loop3A_969 : vector<16xi32>
        %parallel_loop3A_971 = arith.select %parallel_loop3A_970, %parallel_loop3A_950, %broadcast_in_dim3A_39 : vector<16xi1>, vector<16xf32>
        tpu.vector_store_idx %arg7[%parallel_loop3A_967], %parallel_loop3A_971 : memref<24832xf32, #tpu.memory_space<vmem>>[vector<16xi32>], vector<16xf32>,
        %parallel_loop3A_972 = arith.constant 77 : i32
        %parallel_loop3A_973 = vector.broadcast %parallel_loop3A_972 : i32 to vector<16xi32>
        %parallel_loop3A_974 = arith.addi %parallel_loop3A_209, %parallel_loop3A_973 : vector<16xi32>
        %parallel_loop3A_975 = arith.constant 1 : i32
        %parallel_loop3A_976 = vector.broadcast %parallel_loop3A_975 : i32 to vector<16xi32>
        %parallel_loop3A_977 = arith.cmpi eq, %parallel_loop3A_933, %parallel_loop3A_976 : vector<16xi32>
        %parallel_loop3A_978 = arith.select %parallel_loop3A_977, %parallel_loop3A_950, %broadcast_in_dim3A_39 : vector<16xi1>, vector<16xf32>
        tpu.vector_store_idx %arg7[%parallel_loop3A_974], %parallel_loop3A_978 : memref<24832xf32, #tpu.memory_space<vmem>>[vector<16xi32>], vector<16xf32>,
        %parallel_loop3A_979 = arith.constant 74 : i32
        %parallel_loop3A_980 = vector.broadcast %parallel_loop3A_979 : i32 to vector<16xi32>
        %parallel_loop3A_981 = arith.addi %parallel_loop3A_209, %parallel_loop3A_980 : vector<16xi32>
        %parallel_loop3A_982 = arith.constant 2 : i32
        %parallel_loop3A_983 = vector.broadcast %parallel_loop3A_982 : i32 to vector<16xi32>
        %parallel_loop3A_984 = arith.cmpi eq, %gather3A_108, %parallel_loop3A_983 : vector<16xi32>
        %parallel_loop3A_985 = arith.select %parallel_loop3A_984, %parallel_loop3A_950, %broadcast_in_dim3A_39 : vector<16xi1>, vector<16xf32>
        tpu.vector_store_idx %arg7[%parallel_loop3A_981], %parallel_loop3A_985 : memref<24832xf32, #tpu.memory_space<vmem>>[vector<16xi32>], vector<16xf32>,
        %parallel_loop3A_986 = arith.constant 78 : i32
        %parallel_loop3A_987 = vector.broadcast %parallel_loop3A_986 : i32 to vector<16xi32>
        %parallel_loop3A_988 = arith.addi %parallel_loop3A_209, %parallel_loop3A_987 : vector<16xi32>
        %parallel_loop3A_989 = arith.constant 2 : i32
        %parallel_loop3A_990 = vector.broadcast %parallel_loop3A_989 : i32 to vector<16xi32>
        %parallel_loop3A_991 = arith.cmpi eq, %parallel_loop3A_933, %parallel_loop3A_990 : vector<16xi32>
        %parallel_loop3A_992 = arith.select %parallel_loop3A_991, %parallel_loop3A_950, %broadcast_in_dim3A_39 : vector<16xi1>, vector<16xf32>
        tpu.vector_store_idx %arg7[%parallel_loop3A_988], %parallel_loop3A_992 : memref<24832xf32, #tpu.memory_space<vmem>>[vector<16xi32>], vector<16xf32>,
        %parallel_loop3A_993 = arith.constant 75 : i32
        %parallel_loop3A_994 = vector.broadcast %parallel_loop3A_993 : i32 to vector<16xi32>
        %parallel_loop3A_995 = arith.addi %parallel_loop3A_209, %parallel_loop3A_994 : vector<16xi32>
        %parallel_loop3A_996 = arith.constant 3 : i32
        %parallel_loop3A_997 = vector.broadcast %parallel_loop3A_996 : i32 to vector<16xi32>
        %parallel_loop3A_998 = arith.cmpi eq, %gather3A_108, %parallel_loop3A_997 : vector<16xi32>
        %parallel_loop3A_999 = arith.select %parallel_loop3A_998, %parallel_loop3A_950, %broadcast_in_dim3A_39 : vector<16xi1>, vector<16xf32>
        tpu.vector_store_idx %arg7[%parallel_loop3A_995], %parallel_loop3A_999 : memref<24832xf32, #tpu.memory_space<vmem>>[vector<16xi32>], vector<16xf32>,
        %parallel_loop3A_1000 = arith.constant 79 : i32
        %parallel_loop3A_1001 = vector.broadcast %parallel_loop3A_1000 : i32 to vector<16xi32>
        %parallel_loop3A_1002 = arith.addi %parallel_loop3A_209, %parallel_loop3A_1001 : vector<16xi32>
        %parallel_loop3A_1003 = arith.constant 3 : i32
        %parallel_loop3A_1004 = vector.broadcast %parallel_loop3A_1003 : i32 to vector<16xi32>
        %parallel_loop3A_1005 = arith.cmpi eq, %parallel_loop3A_933, %parallel_loop3A_1004 : vector<16xi32>
        %parallel_loop3A_1006 = arith.select %parallel_loop3A_1005, %parallel_loop3A_950, %broadcast_in_dim3A_39 : vector<16xi1>, vector<16xf32>
        tpu.vector_store_idx %arg7[%parallel_loop3A_1002], %parallel_loop3A_1006 : memref<24832xf32, #tpu.memory_space<vmem>>[vector<16xi32>], vector<16xf32>,
        %parallel_loop3A_1007 = arith.constant 272 : i32
        %parallel_loop3A_1008 = arith.muli %select_n3A, %parallel_loop3A_1007 : i32
        %parallel_loop3A_1009 = arith.addi %parallel_loop3A_1008, %parallel_loop3A_204 : i32
        %parallel_loop3A_1010 = arith.constant 10 : i32
        %parallel_loop3A_1011 = arith.addi %parallel_loop3A_1009, %parallel_loop3A_1010 : i32
        %parallel_loop3A_1012 = arith.constant 9 : i32
        %parallel_loop3A_1013 = arith.subi %parallel_loop3A_1011, %parallel_loop3A_1012 : i32
        %parallel_loop3A_1014 = arith.index_cast %parallel_loop3A_1013 : i32 to index
        %parallel_loop3A_1015 = tpu.vector_load %arg5[%parallel_loop3A_1014] {strides = array<i32>} : memref<1088xi32, #tpu.memory_space<vmem>>, vector<16xi32>,
        %parallel_loop3A_1016 = arith.addi %gather3A_112, %parallel_loop3A_1015 : vector<16xi32>
        %parallel_loop3A_1017 = arith.constant 3 : i32
        %parallel_loop3A_1018 = vector.broadcast %parallel_loop3A_1017 : i32 to vector<16xi32>
        %parallel_loop3A_1019 = arith.cmpi eq, %parallel_loop3A_1016, %parallel_loop3A_1018 : vector<16xi32>
        %parallel_loop3A_1020 = arith.muli %gather3A_112, %parallel_loop3A_1015 : vector<16xi32>
        %parallel_loop3A_1021 = arith.constant 6 : i32
        %parallel_loop3A_1022 = vector.broadcast %parallel_loop3A_1021 : i32 to vector<16xi32>
        %parallel_loop3A_1023 = arith.cmpi eq, %parallel_loop3A_1020, %parallel_loop3A_1022 : vector<16xi32>
        %parallel_loop3A_1024 = arith.ori %parallel_loop3A_1019, %parallel_loop3A_1023 : vector<16xi1>
        %parallel_loop3A_1025 = arith.constant 18 : i32
        %parallel_loop3A_1026 = arith.addi %add3A_70, %parallel_loop3A_1025 : i32
        %parallel_loop3A_1027 = arith.constant 7 : i32
        %parallel_loop3A_1028 = arith.subi %parallel_loop3A_1026, %parallel_loop3A_1027 : i32
        %parallel_loop3A_1029 = vector.broadcast %parallel_loop3A_1028 : i32 to vector<16xi32>
        %parallel_loop3A_1030 = arith.cmpi sgt, %parallel_loop3A_206, %parallel_loop3A_1029 : vector<16xi32>
        %parallel_loop3A_1031 = arith.andi %parallel_loop3A_1024, %parallel_loop3A_1030 : vector<16xi1>
        %parallel_loop3A_1032 = arith.select %parallel_loop3A_1031, %parallel_loop3A_214, %broadcast_in_dim3A_39 : vector<16xi1>, vector<16xf32>
        %parallel_loop3A_1033 = arith.constant 80 : i32
        %parallel_loop3A_1034 = vector.broadcast %parallel_loop3A_1033 : i32 to vector<16xi32>
        %parallel_loop3A_1035 = arith.addi %parallel_loop3A_209, %parallel_loop3A_1034 : vector<16xi32>
        %parallel_loop3A_1036 = arith.constant 0 : i32
        %parallel_loop3A_1037 = vector.broadcast %parallel_loop3A_1036 : i32 to vector<16xi32>
        %parallel_loop3A_1038 = arith.cmpi eq, %gather3A_112, %parallel_loop3A_1037 : vector<16xi32>
        %parallel_loop3A_1039 = arith.select %parallel_loop3A_1038, %parallel_loop3A_1032, %broadcast_in_dim3A_39 : vector<16xi1>, vector<16xf32>
        tpu.vector_store_idx %arg7[%parallel_loop3A_1035], %parallel_loop3A_1039 : memref<24832xf32, #tpu.memory_space<vmem>>[vector<16xi32>], vector<16xf32>,
        %parallel_loop3A_1040 = arith.constant 84 : i32
        %parallel_loop3A_1041 = vector.broadcast %parallel_loop3A_1040 : i32 to vector<16xi32>
        %parallel_loop3A_1042 = arith.addi %parallel_loop3A_209, %parallel_loop3A_1041 : vector<16xi32>
        %parallel_loop3A_1043 = arith.constant 0 : i32
        %parallel_loop3A_1044 = vector.broadcast %parallel_loop3A_1043 : i32 to vector<16xi32>
        %parallel_loop3A_1045 = arith.cmpi eq, %parallel_loop3A_1015, %parallel_loop3A_1044 : vector<16xi32>
        %parallel_loop3A_1046 = arith.select %parallel_loop3A_1045, %parallel_loop3A_1032, %broadcast_in_dim3A_39 : vector<16xi1>, vector<16xf32>
        tpu.vector_store_idx %arg7[%parallel_loop3A_1042], %parallel_loop3A_1046 : memref<24832xf32, #tpu.memory_space<vmem>>[vector<16xi32>], vector<16xf32>,
        %parallel_loop3A_1047 = arith.constant 81 : i32
        %parallel_loop3A_1048 = vector.broadcast %parallel_loop3A_1047 : i32 to vector<16xi32>
        %parallel_loop3A_1049 = arith.addi %parallel_loop3A_209, %parallel_loop3A_1048 : vector<16xi32>
        %parallel_loop3A_1050 = arith.constant 1 : i32
        %parallel_loop3A_1051 = vector.broadcast %parallel_loop3A_1050 : i32 to vector<16xi32>
        %parallel_loop3A_1052 = arith.cmpi eq, %gather3A_112, %parallel_loop3A_1051 : vector<16xi32>
        %parallel_loop3A_1053 = arith.select %parallel_loop3A_1052, %parallel_loop3A_1032, %broadcast_in_dim3A_39 : vector<16xi1>, vector<16xf32>
        tpu.vector_store_idx %arg7[%parallel_loop3A_1049], %parallel_loop3A_1053 : memref<24832xf32, #tpu.memory_space<vmem>>[vector<16xi32>], vector<16xf32>,
        %parallel_loop3A_1054 = arith.constant 85 : i32
        %parallel_loop3A_1055 = vector.broadcast %parallel_loop3A_1054 : i32 to vector<16xi32>
        %parallel_loop3A_1056 = arith.addi %parallel_loop3A_209, %parallel_loop3A_1055 : vector<16xi32>
        %parallel_loop3A_1057 = arith.constant 1 : i32
        %parallel_loop3A_1058 = vector.broadcast %parallel_loop3A_1057 : i32 to vector<16xi32>
        %parallel_loop3A_1059 = arith.cmpi eq, %parallel_loop3A_1015, %parallel_loop3A_1058 : vector<16xi32>
        %parallel_loop3A_1060 = arith.select %parallel_loop3A_1059, %parallel_loop3A_1032, %broadcast_in_dim3A_39 : vector<16xi1>, vector<16xf32>
        tpu.vector_store_idx %arg7[%parallel_loop3A_1056], %parallel_loop3A_1060 : memref<24832xf32, #tpu.memory_space<vmem>>[vector<16xi32>], vector<16xf32>,
        %parallel_loop3A_1061 = arith.constant 82 : i32
        %parallel_loop3A_1062 = vector.broadcast %parallel_loop3A_1061 : i32 to vector<16xi32>
        %parallel_loop3A_1063 = arith.addi %parallel_loop3A_209, %parallel_loop3A_1062 : vector<16xi32>
        %parallel_loop3A_1064 = arith.constant 2 : i32
        %parallel_loop3A_1065 = vector.broadcast %parallel_loop3A_1064 : i32 to vector<16xi32>
        %parallel_loop3A_1066 = arith.cmpi eq, %gather3A_112, %parallel_loop3A_1065 : vector<16xi32>
        %parallel_loop3A_1067 = arith.select %parallel_loop3A_1066, %parallel_loop3A_1032, %broadcast_in_dim3A_39 : vector<16xi1>, vector<16xf32>
        tpu.vector_store_idx %arg7[%parallel_loop3A_1063], %parallel_loop3A_1067 : memref<24832xf32, #tpu.memory_space<vmem>>[vector<16xi32>], vector<16xf32>,
        %parallel_loop3A_1068 = arith.constant 86 : i32
        %parallel_loop3A_1069 = vector.broadcast %parallel_loop3A_1068 : i32 to vector<16xi32>
        %parallel_loop3A_1070 = arith.addi %parallel_loop3A_209, %parallel_loop3A_1069 : vector<16xi32>
        %parallel_loop3A_1071 = arith.constant 2 : i32
        %parallel_loop3A_1072 = vector.broadcast %parallel_loop3A_1071 : i32 to vector<16xi32>
        %parallel_loop3A_1073 = arith.cmpi eq, %parallel_loop3A_1015, %parallel_loop3A_1072 : vector<16xi32>
        %parallel_loop3A_1074 = arith.select %parallel_loop3A_1073, %parallel_loop3A_1032, %broadcast_in_dim3A_39 : vector<16xi1>, vector<16xf32>
        tpu.vector_store_idx %arg7[%parallel_loop3A_1070], %parallel_loop3A_1074 : memref<24832xf32, #tpu.memory_space<vmem>>[vector<16xi32>], vector<16xf32>,
        %parallel_loop3A_1075 = arith.constant 83 : i32
        %parallel_loop3A_1076 = vector.broadcast %parallel_loop3A_1075 : i32 to vector<16xi32>
        %parallel_loop3A_1077 = arith.addi %parallel_loop3A_209, %parallel_loop3A_1076 : vector<16xi32>
        %parallel_loop3A_1078 = arith.constant 3 : i32
        %parallel_loop3A_1079 = vector.broadcast %parallel_loop3A_1078 : i32 to vector<16xi32>
        %parallel_loop3A_1080 = arith.cmpi eq, %gather3A_112, %parallel_loop3A_1079 : vector<16xi32>
        %parallel_loop3A_1081 = arith.select %parallel_loop3A_1080, %parallel_loop3A_1032, %broadcast_in_dim3A_39 : vector<16xi1>, vector<16xf32>
        tpu.vector_store_idx %arg7[%parallel_loop3A_1077], %parallel_loop3A_1081 : memref<24832xf32, #tpu.memory_space<vmem>>[vector<16xi32>], vector<16xf32>,
        %parallel_loop3A_1082 = arith.constant 87 : i32
        %parallel_loop3A_1083 = vector.broadcast %parallel_loop3A_1082 : i32 to vector<16xi32>
        %parallel_loop3A_1084 = arith.addi %parallel_loop3A_209, %parallel_loop3A_1083 : vector<16xi32>
        %parallel_loop3A_1085 = arith.constant 3 : i32
        %parallel_loop3A_1086 = vector.broadcast %parallel_loop3A_1085 : i32 to vector<16xi32>
        %parallel_loop3A_1087 = arith.cmpi eq, %parallel_loop3A_1015, %parallel_loop3A_1086 : vector<16xi32>
        %parallel_loop3A_1088 = arith.select %parallel_loop3A_1087, %parallel_loop3A_1032, %broadcast_in_dim3A_39 : vector<16xi1>, vector<16xf32>
        tpu.vector_store_idx %arg7[%parallel_loop3A_1084], %parallel_loop3A_1088 : memref<24832xf32, #tpu.memory_space<vmem>>[vector<16xi32>], vector<16xf32>,
        %parallel_loop3A_1089 = arith.constant 272 : i32
        %parallel_loop3A_1090 = arith.muli %select_n3A, %parallel_loop3A_1089 : i32
        %parallel_loop3A_1091 = arith.addi %parallel_loop3A_1090, %parallel_loop3A_204 : i32
        %parallel_loop3A_1092 = arith.constant 10 : i32
        %parallel_loop3A_1093 = arith.addi %parallel_loop3A_1091, %parallel_loop3A_1092 : i32
        %parallel_loop3A_1094 = arith.constant 10 : i32
        %parallel_loop3A_1095 = arith.subi %parallel_loop3A_1093, %parallel_loop3A_1094 : i32
        %parallel_loop3A_1096 = arith.index_cast %parallel_loop3A_1095 : i32 to index
        %parallel_loop3A_1097 = tpu.vector_load %arg5[%parallel_loop3A_1096] {strides = array<i32>} : memref<1088xi32, #tpu.memory_space<vmem>>, vector<16xi32>,
        %parallel_loop3A_1098 = arith.addi %gather3A_116, %parallel_loop3A_1097 : vector<16xi32>
        %parallel_loop3A_1099 = arith.constant 3 : i32
        %parallel_loop3A_1100 = vector.broadcast %parallel_loop3A_1099 : i32 to vector<16xi32>
        %parallel_loop3A_1101 = arith.cmpi eq, %parallel_loop3A_1098, %parallel_loop3A_1100 : vector<16xi32>
        %parallel_loop3A_1102 = arith.muli %gather3A_116, %parallel_loop3A_1097 : vector<16xi32>
        %parallel_loop3A_1103 = arith.constant 6 : i32
        %parallel_loop3A_1104 = vector.broadcast %parallel_loop3A_1103 : i32 to vector<16xi32>
        %parallel_loop3A_1105 = arith.cmpi eq, %parallel_loop3A_1102, %parallel_loop3A_1104 : vector<16xi32>
        %parallel_loop3A_1106 = arith.ori %parallel_loop3A_1101, %parallel_loop3A_1105 : vector<16xi1>
        %parallel_loop3A_1107 = arith.constant 20 : i32
        %parallel_loop3A_1108 = arith.addi %add3A_70, %parallel_loop3A_1107 : i32
        %parallel_loop3A_1109 = arith.constant 7 : i32
        %parallel_loop3A_1110 = arith.subi %parallel_loop3A_1108, %parallel_loop3A_1109 : i32
        %parallel_loop3A_1111 = vector.broadcast %parallel_loop3A_1110 : i32 to vector<16xi32>
        %parallel_loop3A_1112 = arith.cmpi sgt, %parallel_loop3A_206, %parallel_loop3A_1111 : vector<16xi32>
        %parallel_loop3A_1113 = arith.andi %parallel_loop3A_1106, %parallel_loop3A_1112 : vector<16xi1>
        %parallel_loop3A_1114 = arith.select %parallel_loop3A_1113, %parallel_loop3A_214, %broadcast_in_dim3A_39 : vector<16xi1>, vector<16xf32>
        %parallel_loop3A_1115 = arith.constant 88 : i32
        %parallel_loop3A_1116 = vector.broadcast %parallel_loop3A_1115 : i32 to vector<16xi32>
        %parallel_loop3A_1117 = arith.addi %parallel_loop3A_209, %parallel_loop3A_1116 : vector<16xi32>
        %parallel_loop3A_1118 = arith.constant 0 : i32
        %parallel_loop3A_1119 = vector.broadcast %parallel_loop3A_1118 : i32 to vector<16xi32>
        %parallel_loop3A_1120 = arith.cmpi eq, %gather3A_116, %parallel_loop3A_1119 : vector<16xi32>
        %parallel_loop3A_1121 = arith.select %parallel_loop3A_1120, %parallel_loop3A_1114, %broadcast_in_dim3A_39 : vector<16xi1>, vector<16xf32>
        tpu.vector_store_idx %arg7[%parallel_loop3A_1117], %parallel_loop3A_1121 : memref<24832xf32, #tpu.memory_space<vmem>>[vector<16xi32>], vector<16xf32>,
        %parallel_loop3A_1122 = arith.constant 92 : i32
        %parallel_loop3A_1123 = vector.broadcast %parallel_loop3A_1122 : i32 to vector<16xi32>
        %parallel_loop3A_1124 = arith.addi %parallel_loop3A_209, %parallel_loop3A_1123 : vector<16xi32>
        %parallel_loop3A_1125 = arith.constant 0 : i32
        %parallel_loop3A_1126 = vector.broadcast %parallel_loop3A_1125 : i32 to vector<16xi32>
        %parallel_loop3A_1127 = arith.cmpi eq, %parallel_loop3A_1097, %parallel_loop3A_1126 : vector<16xi32>
        %parallel_loop3A_1128 = arith.select %parallel_loop3A_1127, %parallel_loop3A_1114, %broadcast_in_dim3A_39 : vector<16xi1>, vector<16xf32>
        tpu.vector_store_idx %arg7[%parallel_loop3A_1124], %parallel_loop3A_1128 : memref<24832xf32, #tpu.memory_space<vmem>>[vector<16xi32>], vector<16xf32>,
        %parallel_loop3A_1129 = arith.constant 89 : i32
        %parallel_loop3A_1130 = vector.broadcast %parallel_loop3A_1129 : i32 to vector<16xi32>
        %parallel_loop3A_1131 = arith.addi %parallel_loop3A_209, %parallel_loop3A_1130 : vector<16xi32>
        %parallel_loop3A_1132 = arith.constant 1 : i32
        %parallel_loop3A_1133 = vector.broadcast %parallel_loop3A_1132 : i32 to vector<16xi32>
        %parallel_loop3A_1134 = arith.cmpi eq, %gather3A_116, %parallel_loop3A_1133 : vector<16xi32>
        %parallel_loop3A_1135 = arith.select %parallel_loop3A_1134, %parallel_loop3A_1114, %broadcast_in_dim3A_39 : vector<16xi1>, vector<16xf32>
        tpu.vector_store_idx %arg7[%parallel_loop3A_1131], %parallel_loop3A_1135 : memref<24832xf32, #tpu.memory_space<vmem>>[vector<16xi32>], vector<16xf32>,
        %parallel_loop3A_1136 = arith.constant 93 : i32
        %parallel_loop3A_1137 = vector.broadcast %parallel_loop3A_1136 : i32 to vector<16xi32>
        %parallel_loop3A_1138 = arith.addi %parallel_loop3A_209, %parallel_loop3A_1137 : vector<16xi32>
        %parallel_loop3A_1139 = arith.constant 1 : i32
        %parallel_loop3A_1140 = vector.broadcast %parallel_loop3A_1139 : i32 to vector<16xi32>
        %parallel_loop3A_1141 = arith.cmpi eq, %parallel_loop3A_1097, %parallel_loop3A_1140 : vector<16xi32>
        %parallel_loop3A_1142 = arith.select %parallel_loop3A_1141, %parallel_loop3A_1114, %broadcast_in_dim3A_39 : vector<16xi1>, vector<16xf32>
        tpu.vector_store_idx %arg7[%parallel_loop3A_1138], %parallel_loop3A_1142 : memref<24832xf32, #tpu.memory_space<vmem>>[vector<16xi32>], vector<16xf32>,
        %parallel_loop3A_1143 = arith.constant 90 : i32
        %parallel_loop3A_1144 = vector.broadcast %parallel_loop3A_1143 : i32 to vector<16xi32>
        %parallel_loop3A_1145 = arith.addi %parallel_loop3A_209, %parallel_loop3A_1144 : vector<16xi32>
        %parallel_loop3A_1146 = arith.constant 2 : i32
        %parallel_loop3A_1147 = vector.broadcast %parallel_loop3A_1146 : i32 to vector<16xi32>
        %parallel_loop3A_1148 = arith.cmpi eq, %gather3A_116, %parallel_loop3A_1147 : vector<16xi32>
        %parallel_loop3A_1149 = arith.select %parallel_loop3A_1148, %parallel_loop3A_1114, %broadcast_in_dim3A_39 : vector<16xi1>, vector<16xf32>
        tpu.vector_store_idx %arg7[%parallel_loop3A_1145], %parallel_loop3A_1149 : memref<24832xf32, #tpu.memory_space<vmem>>[vector<16xi32>], vector<16xf32>,
        %parallel_loop3A_1150 = arith.constant 94 : i32
        %parallel_loop3A_1151 = vector.broadcast %parallel_loop3A_1150 : i32 to vector<16xi32>
        %parallel_loop3A_1152 = arith.addi %parallel_loop3A_209, %parallel_loop3A_1151 : vector<16xi32>
        %parallel_loop3A_1153 = arith.constant 2 : i32
        %parallel_loop3A_1154 = vector.broadcast %parallel_loop3A_1153 : i32 to vector<16xi32>
        %parallel_loop3A_1155 = arith.cmpi eq, %parallel_loop3A_1097, %parallel_loop3A_1154 : vector<16xi32>
        %parallel_loop3A_1156 = arith.select %parallel_loop3A_1155, %parallel_loop3A_1114, %broadcast_in_dim3A_39 : vector<16xi1>, vector<16xf32>
        tpu.vector_store_idx %arg7[%parallel_loop3A_1152], %parallel_loop3A_1156 : memref<24832xf32, #tpu.memory_space<vmem>>[vector<16xi32>], vector<16xf32>,
        %parallel_loop3A_1157 = arith.constant 91 : i32
        %parallel_loop3A_1158 = vector.broadcast %parallel_loop3A_1157 : i32 to vector<16xi32>
        %parallel_loop3A_1159 = arith.addi %parallel_loop3A_209, %parallel_loop3A_1158 : vector<16xi32>
        %parallel_loop3A_1160 = arith.constant 3 : i32
        %parallel_loop3A_1161 = vector.broadcast %parallel_loop3A_1160 : i32 to vector<16xi32>
        %parallel_loop3A_1162 = arith.cmpi eq, %gather3A_116, %parallel_loop3A_1161 : vector<16xi32>
        %parallel_loop3A_1163 = arith.select %parallel_loop3A_1162, %parallel_loop3A_1114, %broadcast_in_dim3A_39 : vector<16xi1>, vector<16xf32>
        tpu.vector_store_idx %arg7[%parallel_loop3A_1159], %parallel_loop3A_1163 : memref<24832xf32, #tpu.memory_space<vmem>>[vector<16xi32>], vector<16xf32>,
        %parallel_loop3A_1164 = arith.constant 95 : i32
        %parallel_loop3A_1165 = vector.broadcast %parallel_loop3A_1164 : i32 to vector<16xi32>
        %parallel_loop3A_1166 = arith.addi %parallel_loop3A_209, %parallel_loop3A_1165 : vector<16xi32>
        %parallel_loop3A_1167 = arith.constant 3 : i32
        %parallel_loop3A_1168 = vector.broadcast %parallel_loop3A_1167 : i32 to vector<16xi32>
        %parallel_loop3A_1169 = arith.cmpi eq, %parallel_loop3A_1097, %parallel_loop3A_1168 : vector<16xi32>
        %parallel_loop3A_1170 = arith.select %parallel_loop3A_1169, %parallel_loop3A_1114, %broadcast_in_dim3A_39 : vector<16xi1>, vector<16xf32>
        tpu.vector_store_idx %arg7[%parallel_loop3A_1166], %parallel_loop3A_1170 : memref<24832xf32, #tpu.memory_space<vmem>>[vector<16xi32>], vector<16xf32>,
      } {sc.loop_unroll_factor = 4 : i64, sc.parallel_access}
      %gt3A = arith.constant 0 : i32
      %gt3A_119 = arith.cmpi sgt, %add3A_67, %gt3A : i32
      %convert_element_type3A = arith.extui %gt3A_119 : i1 to i32
      %cond3A = arith.constant 0 : i32
      %cond3A_120 = arith.cmpi ne, %convert_element_type3A, %cond3A : i32
      scf.if %cond3A_120 {
        %dma_wait3A_202 = arith.constant 0 : i32
        %dma_wait3A_203 = arith.constant 0 : i32
        %dma_wait3A_204 = arith.constant 0 : i32
        %dma_wait3A_205 = arith.constant 0 : i32
        %dma_wait3A_206 = tpu.memref_slice %arg4[%dma_wait3A_202, %dma_wait3A_203, %dma_wait3A_204, %dma_wait3A_205] : memref<4x256x256x96xf32, #tpu.memory_space<hbm>> -> memref<1x1x256x96xf32, #tpu.memory_space<hbm>>
        %dma_wait3A_207 = tpu.memref_squeeze %dma_wait3A_206 : memref<1x1x256x96xf32, #tpu.memory_space<hbm>> -> memref<256x96xf32, #tpu.memory_space<hbm>>
        %dma_wait3A_208 = arith.constant 0 : i32
        %dma_wait3A_209 = arith.constant 0 : i32
        %dma_wait3A_210 = tpu.memref_slice %arg4[%dma_wait3A_202, %dma_wait3A_203, %dma_wait3A_208, %dma_wait3A_209] : memref<4x256x256x96xf32, #tpu.memory_space<hbm>> -> memref<1x1x256x96xf32, #tpu.memory_space<hbm>>
        %dma_wait3A_211 = tpu.memref_squeeze %dma_wait3A_210 : memref<1x1x256x96xf32, #tpu.memory_space<hbm>> -> memref<256x96xf32, #tpu.memory_space<hbm>>
        tpu.wait_dma2 semaphore(%arg10 : memref<!tpu.dma_semaphore, #tpu.memory_space<semaphore_mem>>) src(%arg8 : memref<256x96xf32, #tpu.memory_space<vmem>>) dst(%dma_wait3A_211 : memref<256x96xf32, #tpu.memory_space<hbm>>)
      } else {
      }
      %parallel_loop3A_121 = arith.constant 0 : i32
      %parallel_loop3A_122 = arith.constant 256 : i32
      %parallel_loop3A_123 = arith.constant 1 : i32
      scf.for %parallel_loop3A_202 = %parallel_loop3A_121 to %parallel_loop3A_122 step %parallel_loop3A_123  : i32 {
        %parallel_loop3A_203 = arith.constant 97 : i32
        %parallel_loop3A_204 = arith.muli %parallel_loop3A_202, %parallel_loop3A_203 : i32
        %parallel_loop3A_205 = arith.constant 0 : i32
        %parallel_loop3A_206 = arith.addi %parallel_loop3A_204, %parallel_loop3A_205 : i32
        %parallel_loop3A_207 = vector.broadcast %parallel_loop3A_206 : i32 to vector<16xi32>
        %parallel_loop3A_208 = arith.addi %iota3A, %parallel_loop3A_207 : vector<16xi32>
        %parallel_loop3A_209 = tpu.vector_load_idx %arg7[%parallel_loop3A_208] : memref<24832xf32, #tpu.memory_space<vmem>>[vector<16xi32>], vector<16xf32>,
        %parallel_loop3A_210 = arith.index_cast %parallel_loop3A_202 : i32 to index
        %parallel_loop3A_211 = arith.constant 0 : index
        %parallel_loop3A_212 = tpu.vector_load %arg8[%parallel_loop3A_210, %parallel_loop3A_211] {strides = array<i32>} : memref<256x96xf32, #tpu.memory_space<vmem>>, vector<16xf32>,
        tpu.vector_store %arg8[%parallel_loop3A_210, %parallel_loop3A_211], %parallel_loop3A_209 {strides = array<i32>} : memref<256x96xf32, #tpu.memory_space<vmem>>, vector<16xf32>,
        %parallel_loop3A_213 = arith.constant 16 : i32
        %parallel_loop3A_214 = arith.addi %parallel_loop3A_204, %parallel_loop3A_213 : i32
        %parallel_loop3A_215 = vector.broadcast %parallel_loop3A_214 : i32 to vector<16xi32>
        %parallel_loop3A_216 = arith.addi %iota3A, %parallel_loop3A_215 : vector<16xi32>
        %parallel_loop3A_217 = tpu.vector_load_idx %arg7[%parallel_loop3A_216] : memref<24832xf32, #tpu.memory_space<vmem>>[vector<16xi32>], vector<16xf32>,
        %parallel_loop3A_218 = arith.index_cast %parallel_loop3A_202 : i32 to index
        %parallel_loop3A_219 = arith.constant 16 : index
        %parallel_loop3A_220 = tpu.vector_load %arg8[%parallel_loop3A_218, %parallel_loop3A_219] {strides = array<i32>} : memref<256x96xf32, #tpu.memory_space<vmem>>, vector<16xf32>,
        tpu.vector_store %arg8[%parallel_loop3A_218, %parallel_loop3A_219], %parallel_loop3A_217 {strides = array<i32>} : memref<256x96xf32, #tpu.memory_space<vmem>>, vector<16xf32>,
        %parallel_loop3A_221 = arith.constant 32 : i32
        %parallel_loop3A_222 = arith.addi %parallel_loop3A_204, %parallel_loop3A_221 : i32
        %parallel_loop3A_223 = vector.broadcast %parallel_loop3A_222 : i32 to vector<16xi32>
        %parallel_loop3A_224 = arith.addi %iota3A, %parallel_loop3A_223 : vector<16xi32>
        %parallel_loop3A_225 = tpu.vector_load_idx %arg7[%parallel_loop3A_224] : memref<24832xf32, #tpu.memory_space<vmem>>[vector<16xi32>], vector<16xf32>,
        %parallel_loop3A_226 = arith.index_cast %parallel_loop3A_202 : i32 to index
        %parallel_loop3A_227 = arith.constant 32 : index
        %parallel_loop3A_228 = tpu.vector_load %arg8[%parallel_loop3A_226, %parallel_loop3A_227] {strides = array<i32>} : memref<256x96xf32, #tpu.memory_space<vmem>>, vector<16xf32>,
        tpu.vector_store %arg8[%parallel_loop3A_226, %parallel_loop3A_227], %parallel_loop3A_225 {strides = array<i32>} : memref<256x96xf32, #tpu.memory_space<vmem>>, vector<16xf32>,
        %parallel_loop3A_229 = arith.constant 48 : i32
        %parallel_loop3A_230 = arith.addi %parallel_loop3A_204, %parallel_loop3A_229 : i32
        %parallel_loop3A_231 = vector.broadcast %parallel_loop3A_230 : i32 to vector<16xi32>
        %parallel_loop3A_232 = arith.addi %iota3A, %parallel_loop3A_231 : vector<16xi32>
        %parallel_loop3A_233 = tpu.vector_load_idx %arg7[%parallel_loop3A_232] : memref<24832xf32, #tpu.memory_space<vmem>>[vector<16xi32>], vector<16xf32>,
        %parallel_loop3A_234 = arith.index_cast %parallel_loop3A_202 : i32 to index
        %parallel_loop3A_235 = arith.constant 48 : index
        %parallel_loop3A_236 = tpu.vector_load %arg8[%parallel_loop3A_234, %parallel_loop3A_235] {strides = array<i32>} : memref<256x96xf32, #tpu.memory_space<vmem>>, vector<16xf32>,
        tpu.vector_store %arg8[%parallel_loop3A_234, %parallel_loop3A_235], %parallel_loop3A_233 {strides = array<i32>} : memref<256x96xf32, #tpu.memory_space<vmem>>, vector<16xf32>,
        %parallel_loop3A_237 = arith.constant 64 : i32
        %parallel_loop3A_238 = arith.addi %parallel_loop3A_204, %parallel_loop3A_237 : i32
        %parallel_loop3A_239 = vector.broadcast %parallel_loop3A_238 : i32 to vector<16xi32>
        %parallel_loop3A_240 = arith.addi %iota3A, %parallel_loop3A_239 : vector<16xi32>
        %parallel_loop3A_241 = tpu.vector_load_idx %arg7[%parallel_loop3A_240] : memref<24832xf32, #tpu.memory_space<vmem>>[vector<16xi32>], vector<16xf32>,
        %parallel_loop3A_242 = arith.index_cast %parallel_loop3A_202 : i32 to index
        %parallel_loop3A_243 = arith.constant 64 : index
        %parallel_loop3A_244 = tpu.vector_load %arg8[%parallel_loop3A_242, %parallel_loop3A_243] {strides = array<i32>} : memref<256x96xf32, #tpu.memory_space<vmem>>, vector<16xf32>,
        tpu.vector_store %arg8[%parallel_loop3A_242, %parallel_loop3A_243], %parallel_loop3A_241 {strides = array<i32>} : memref<256x96xf32, #tpu.memory_space<vmem>>, vector<16xf32>,
        %parallel_loop3A_245 = arith.constant 80 : i32
        %parallel_loop3A_246 = arith.addi %parallel_loop3A_204, %parallel_loop3A_245 : i32
        %parallel_loop3A_247 = vector.broadcast %parallel_loop3A_246 : i32 to vector<16xi32>
        %parallel_loop3A_248 = arith.addi %iota3A, %parallel_loop3A_247 : vector<16xi32>
        %parallel_loop3A_249 = tpu.vector_load_idx %arg7[%parallel_loop3A_248] : memref<24832xf32, #tpu.memory_space<vmem>>[vector<16xi32>], vector<16xf32>,
        %parallel_loop3A_250 = arith.index_cast %parallel_loop3A_202 : i32 to index
        %parallel_loop3A_251 = arith.constant 80 : index
        %parallel_loop3A_252 = tpu.vector_load %arg8[%parallel_loop3A_250, %parallel_loop3A_251] {strides = array<i32>} : memref<256x96xf32, #tpu.memory_space<vmem>>, vector<16xf32>,
        tpu.vector_store %arg8[%parallel_loop3A_250, %parallel_loop3A_251], %parallel_loop3A_249 {strides = array<i32>} : memref<256x96xf32, #tpu.memory_space<vmem>>, vector<16xf32>,
      } {sc.loop_unroll_factor = 4 : i64, sc.parallel_access}
      %add3A_124 = arith.addi %mul3A_32, %add3A_69 : i32
      %dma_start3A = arith.constant 0 : i32
      %dma_start3A_125 = arith.constant 0 : i32
      %dma_start3A_126 = tpu.memref_slice %arg4[%select_n3A, %add3A_124, %dma_start3A, %dma_start3A_125] : memref<4x256x256x96xf32, #tpu.memory_space<hbm>> -> memref<1x1x256x96xf32, #tpu.memory_space<hbm>>
      %dma_start3A_127 = tpu.memref_squeeze %dma_start3A_126 : memref<1x1x256x96xf32, #tpu.memory_space<hbm>> -> memref<256x96xf32, #tpu.memory_space<hbm>>
      %dma_start3A_128 = arith.constant 0 : i32
      %dma_start3A_129 = arith.constant 0 : i32
      %dma_start3A_130 = tpu.memref_slice %arg4[%select_n3A, %add3A_124, %dma_start3A_128, %dma_start3A_129] : memref<4x256x256x96xf32, #tpu.memory_space<hbm>> -> memref<1x1x256x96xf32, #tpu.memory_space<hbm>>
      %dma_start3A_131 = tpu.memref_squeeze %dma_start3A_130 : memref<1x1x256x96xf32, #tpu.memory_space<hbm>> -> memref<256x96xf32, #tpu.memory_space<hbm>>
      tpu.enqueue_dma source(%arg8 : memref<256x96xf32, #tpu.memory_space<vmem>>) target(%dma_start3A_131 : memref<256x96xf32, #tpu.memory_space<hbm>>) target_semaphore(%arg10 : memref<!tpu.dma_semaphore, #tpu.memory_space<semaphore_mem>>)
      %add3A_132 = arith.constant 1 : i32
      %add3A_133 = arith.addi %add3A_67, %add3A_132 : i32
      %add3A_134 = arith.addi %mul3A_32, %add3A_133 : i32
      %mul3A_135 = arith.constant 272 : i32
      %mul3A_136 = arith.muli %select_n3A, %mul3A_135 : i32
      %add3A_137 = arith.addi %mul3A_136, %add3A_134 : i32
      %add3A_138 = arith.constant 0 : i32
      %add3A_139 = arith.addi %add3A_137, %add3A_138 : i32
      %broadcast_in_dim3A_140 = vector.broadcast %add3A_139 : i32 to vector<16xi32>
      %gather3A_141 = tpu.vector_load_idx %arg5[%broadcast_in_dim3A_140] : memref<1088xi32, #tpu.memory_space<vmem>>[vector<16xi32>], vector<16xi32>,
      %add3A_142 = arith.constant 1 : i32
      %add3A_143 = arith.addi %add3A_137, %add3A_142 : i32
      %broadcast_in_dim3A_144 = vector.broadcast %add3A_143 : i32 to vector<16xi32>
      %gather3A_145 = tpu.vector_load_idx %arg5[%broadcast_in_dim3A_144] : memref<1088xi32, #tpu.memory_space<vmem>>[vector<16xi32>], vector<16xi32>,
      %add3A_146 = arith.constant 2 : i32
      %add3A_147 = arith.addi %add3A_137, %add3A_146 : i32
      %broadcast_in_dim3A_148 = vector.broadcast %add3A_147 : i32 to vector<16xi32>
      %gather3A_149 = tpu.vector_load_idx %arg5[%broadcast_in_dim3A_148] : memref<1088xi32, #tpu.memory_space<vmem>>[vector<16xi32>], vector<16xi32>,
      %add3A_150 = arith.constant 3 : i32
      %add3A_151 = arith.addi %add3A_137, %add3A_150 : i32
      %broadcast_in_dim3A_152 = vector.broadcast %add3A_151 : i32 to vector<16xi32>
      %gather3A_153 = tpu.vector_load_idx %arg5[%broadcast_in_dim3A_152] : memref<1088xi32, #tpu.memory_space<vmem>>[vector<16xi32>], vector<16xi32>,
      %add3A_154 = arith.constant 4 : i32
      %add3A_155 = arith.addi %add3A_137, %add3A_154 : i32
      %broadcast_in_dim3A_156 = vector.broadcast %add3A_155 : i32 to vector<16xi32>
      %gather3A_157 = tpu.vector_load_idx %arg5[%broadcast_in_dim3A_156] : memref<1088xi32, #tpu.memory_space<vmem>>[vector<16xi32>], vector<16xi32>,
      %add3A_158 = arith.constant 5 : i32
      %add3A_159 = arith.addi %add3A_137, %add3A_158 : i32
      %broadcast_in_dim3A_160 = vector.broadcast %add3A_159 : i32 to vector<16xi32>
      %gather3A_161 = tpu.vector_load_idx %arg5[%broadcast_in_dim3A_160] : memref<1088xi32, #tpu.memory_space<vmem>>[vector<16xi32>], vector<16xi32>,
      %add3A_162 = arith.constant 6 : i32
      %add3A_163 = arith.addi %add3A_137, %add3A_162 : i32
      %broadcast_in_dim3A_164 = vector.broadcast %add3A_163 : i32 to vector<16xi32>
      %gather3A_165 = tpu.vector_load_idx %arg5[%broadcast_in_dim3A_164] : memref<1088xi32, #tpu.memory_space<vmem>>[vector<16xi32>], vector<16xi32>,
      %add3A_166 = arith.constant 7 : i32
      %add3A_167 = arith.addi %add3A_137, %add3A_166 : i32
      %broadcast_in_dim3A_168 = vector.broadcast %add3A_167 : i32 to vector<16xi32>
      %gather3A_169 = tpu.vector_load_idx %arg5[%broadcast_in_dim3A_168] : memref<1088xi32, #tpu.memory_space<vmem>>[vector<16xi32>], vector<16xi32>,
      %add3A_170 = arith.constant 8 : i32
      %add3A_171 = arith.addi %add3A_137, %add3A_170 : i32
      %broadcast_in_dim3A_172 = vector.broadcast %add3A_171 : i32 to vector<16xi32>
      %gather3A_173 = tpu.vector_load_idx %arg5[%broadcast_in_dim3A_172] : memref<1088xi32, #tpu.memory_space<vmem>>[vector<16xi32>], vector<16xi32>,
      %add3A_174 = arith.constant 9 : i32
      %add3A_175 = arith.addi %add3A_137, %add3A_174 : i32
      %broadcast_in_dim3A_176 = vector.broadcast %add3A_175 : i32 to vector<16xi32>
      %gather3A_177 = tpu.vector_load_idx %arg5[%broadcast_in_dim3A_176] : memref<1088xi32, #tpu.memory_space<vmem>>[vector<16xi32>], vector<16xi32>,
      %add3A_178 = arith.constant 10 : i32
      %add3A_179 = arith.addi %add3A_137, %add3A_178 : i32
      %broadcast_in_dim3A_180 = vector.broadcast %add3A_179 : i32 to vector<16xi32>
      %gather3A_181 = tpu.vector_load_idx %arg5[%broadcast_in_dim3A_180] : memref<1088xi32, #tpu.memory_space<vmem>>[vector<16xi32>], vector<16xi32>,
      %parallel_loop3A_182 = arith.constant 0 : i32
      %parallel_loop3A_183 = arith.constant 16 : i32
      %parallel_loop3A_184 = arith.constant 1 : i32
      scf.for %parallel_loop3A_202 = %parallel_loop3A_182 to %parallel_loop3A_183 step %parallel_loop3A_184  : i32 {
        %parallel_loop3A_203 = arith.constant 16 : i32
        %parallel_loop3A_204 = arith.muli %parallel_loop3A_202, %parallel_loop3A_203 : i32
        %parallel_loop3A_205 = vector.broadcast %parallel_loop3A_204 : i32 to vector<16xi32>
        %parallel_loop3A_206 = arith.addi %iota3A, %parallel_loop3A_205 : vector<16xi32>
        %parallel_loop3A_207 = arith.constant 97 : i32
        %parallel_loop3A_208 = vector.broadcast %parallel_loop3A_207 : i32 to vector<16xi32>
        %parallel_loop3A_209 = arith.muli %parallel_loop3A_206, %parallel_loop3A_208 : vector<16xi32>
        %parallel_loop3A_210 = arith.constant 256 : i32
        %parallel_loop3A_211 = arith.muli %add3A_133, %parallel_loop3A_210 : i32
        %parallel_loop3A_212 = arith.addi %parallel_loop3A_211, %parallel_loop3A_204 : i32
        %parallel_loop3A_213 = arith.index_cast %parallel_loop3A_212 : i32 to index
        %parallel_loop3A_214 = tpu.vector_load %arg6[%parallel_loop3A_213] {strides = array<i32>} : memref<8192xf32, #tpu.memory_space<vmem>>, vector<16xf32>,
        %parallel_loop3A_215 = arith.constant 272 : i32
        %parallel_loop3A_216 = arith.muli %select_n3A, %parallel_loop3A_215 : i32
        %parallel_loop3A_217 = arith.addi %parallel_loop3A_216, %parallel_loop3A_204 : i32
        %parallel_loop3A_218 = arith.constant 5 : i32
        %parallel_loop3A_219 = arith.addi %parallel_loop3A_217, %parallel_loop3A_218 : i32
        %parallel_loop3A_220 = arith.index_cast %parallel_loop3A_219 : i32 to index
        %parallel_loop3A_221 = tpu.vector_load %arg5[%parallel_loop3A_220] {strides = array<i32>} : memref<1088xi32, #tpu.memory_space<vmem>>, vector<16xi32>,
        %parallel_loop3A_222 = arith.constant 0 : i32
        %parallel_loop3A_223 = vector.broadcast %parallel_loop3A_222 : i32 to vector<16xi32>
        %parallel_loop3A_224 = arith.addi %parallel_loop3A_209, %parallel_loop3A_223 : vector<16xi32>
        %parallel_loop3A_225 = arith.constant 0 : i32
        %parallel_loop3A_226 = vector.broadcast %parallel_loop3A_225 : i32 to vector<16xi32>
        %parallel_loop3A_227 = arith.cmpi eq, %gather3A_161, %parallel_loop3A_226 : vector<16xi32>
        %parallel_loop3A_228 = arith.select %parallel_loop3A_227, %broadcast_in_dim3A_37, %broadcast_in_dim3A_39 : vector<16xi1>, vector<16xf32>
        tpu.vector_store_idx %arg7[%parallel_loop3A_224], %parallel_loop3A_228 : memref<24832xf32, #tpu.memory_space<vmem>>[vector<16xi32>], vector<16xf32>,
        %parallel_loop3A_229 = arith.constant 4 : i32
        %parallel_loop3A_230 = vector.broadcast %parallel_loop3A_229 : i32 to vector<16xi32>
        %parallel_loop3A_231 = arith.addi %parallel_loop3A_209, %parallel_loop3A_230 : vector<16xi32>
        %parallel_loop3A_232 = arith.constant 0 : i32
        %parallel_loop3A_233 = vector.broadcast %parallel_loop3A_232 : i32 to vector<16xi32>
        %parallel_loop3A_234 = arith.cmpi eq, %parallel_loop3A_221, %parallel_loop3A_233 : vector<16xi32>
        %parallel_loop3A_235 = arith.select %parallel_loop3A_234, %broadcast_in_dim3A_37, %broadcast_in_dim3A_39 : vector<16xi1>, vector<16xf32>
        tpu.vector_store_idx %arg7[%parallel_loop3A_231], %parallel_loop3A_235 : memref<24832xf32, #tpu.memory_space<vmem>>[vector<16xi32>], vector<16xf32>,
        %parallel_loop3A_236 = arith.constant 1 : i32
        %parallel_loop3A_237 = vector.broadcast %parallel_loop3A_236 : i32 to vector<16xi32>
        %parallel_loop3A_238 = arith.addi %parallel_loop3A_209, %parallel_loop3A_237 : vector<16xi32>
        %parallel_loop3A_239 = arith.constant 1 : i32
        %parallel_loop3A_240 = vector.broadcast %parallel_loop3A_239 : i32 to vector<16xi32>
        %parallel_loop3A_241 = arith.cmpi eq, %gather3A_161, %parallel_loop3A_240 : vector<16xi32>
        %parallel_loop3A_242 = arith.select %parallel_loop3A_241, %broadcast_in_dim3A_37, %broadcast_in_dim3A_39 : vector<16xi1>, vector<16xf32>
        tpu.vector_store_idx %arg7[%parallel_loop3A_238], %parallel_loop3A_242 : memref<24832xf32, #tpu.memory_space<vmem>>[vector<16xi32>], vector<16xf32>,
        %parallel_loop3A_243 = arith.constant 5 : i32
        %parallel_loop3A_244 = vector.broadcast %parallel_loop3A_243 : i32 to vector<16xi32>
        %parallel_loop3A_245 = arith.addi %parallel_loop3A_209, %parallel_loop3A_244 : vector<16xi32>
        %parallel_loop3A_246 = arith.constant 1 : i32
        %parallel_loop3A_247 = vector.broadcast %parallel_loop3A_246 : i32 to vector<16xi32>
        %parallel_loop3A_248 = arith.cmpi eq, %parallel_loop3A_221, %parallel_loop3A_247 : vector<16xi32>
        %parallel_loop3A_249 = arith.select %parallel_loop3A_248, %broadcast_in_dim3A_37, %broadcast_in_dim3A_39 : vector<16xi1>, vector<16xf32>
        tpu.vector_store_idx %arg7[%parallel_loop3A_245], %parallel_loop3A_249 : memref<24832xf32, #tpu.memory_space<vmem>>[vector<16xi32>], vector<16xf32>,
        %parallel_loop3A_250 = arith.constant 2 : i32
        %parallel_loop3A_251 = vector.broadcast %parallel_loop3A_250 : i32 to vector<16xi32>
        %parallel_loop3A_252 = arith.addi %parallel_loop3A_209, %parallel_loop3A_251 : vector<16xi32>
        %parallel_loop3A_253 = arith.constant 2 : i32
        %parallel_loop3A_254 = vector.broadcast %parallel_loop3A_253 : i32 to vector<16xi32>
        %parallel_loop3A_255 = arith.cmpi eq, %gather3A_161, %parallel_loop3A_254 : vector<16xi32>
        %parallel_loop3A_256 = arith.select %parallel_loop3A_255, %broadcast_in_dim3A_37, %broadcast_in_dim3A_39 : vector<16xi1>, vector<16xf32>
        tpu.vector_store_idx %arg7[%parallel_loop3A_252], %parallel_loop3A_256 : memref<24832xf32, #tpu.memory_space<vmem>>[vector<16xi32>], vector<16xf32>,
        %parallel_loop3A_257 = arith.constant 6 : i32
        %parallel_loop3A_258 = vector.broadcast %parallel_loop3A_257 : i32 to vector<16xi32>
        %parallel_loop3A_259 = arith.addi %parallel_loop3A_209, %parallel_loop3A_258 : vector<16xi32>
        %parallel_loop3A_260 = arith.constant 2 : i32
        %parallel_loop3A_261 = vector.broadcast %parallel_loop3A_260 : i32 to vector<16xi32>
        %parallel_loop3A_262 = arith.cmpi eq, %parallel_loop3A_221, %parallel_loop3A_261 : vector<16xi32>
        %parallel_loop3A_263 = arith.select %parallel_loop3A_262, %broadcast_in_dim3A_37, %broadcast_in_dim3A_39 : vector<16xi1>, vector<16xf32>
        tpu.vector_store_idx %arg7[%parallel_loop3A_259], %parallel_loop3A_263 : memref<24832xf32, #tpu.memory_space<vmem>>[vector<16xi32>], vector<16xf32>,
        %parallel_loop3A_264 = arith.constant 3 : i32
        %parallel_loop3A_265 = vector.broadcast %parallel_loop3A_264 : i32 to vector<16xi32>
        %parallel_loop3A_266 = arith.addi %parallel_loop3A_209, %parallel_loop3A_265 : vector<16xi32>
        %parallel_loop3A_267 = arith.constant 3 : i32
        %parallel_loop3A_268 = vector.broadcast %parallel_loop3A_267 : i32 to vector<16xi32>
        %parallel_loop3A_269 = arith.cmpi eq, %gather3A_161, %parallel_loop3A_268 : vector<16xi32>
        %parallel_loop3A_270 = arith.select %parallel_loop3A_269, %broadcast_in_dim3A_37, %broadcast_in_dim3A_39 : vector<16xi1>, vector<16xf32>
        tpu.vector_store_idx %arg7[%parallel_loop3A_266], %parallel_loop3A_270 : memref<24832xf32, #tpu.memory_space<vmem>>[vector<16xi32>], vector<16xf32>,
        %parallel_loop3A_271 = arith.constant 7 : i32
        %parallel_loop3A_272 = vector.broadcast %parallel_loop3A_271 : i32 to vector<16xi32>
        %parallel_loop3A_273 = arith.addi %parallel_loop3A_209, %parallel_loop3A_272 : vector<16xi32>
        %parallel_loop3A_274 = arith.constant 3 : i32
        %parallel_loop3A_275 = vector.broadcast %parallel_loop3A_274 : i32 to vector<16xi32>
        %parallel_loop3A_276 = arith.cmpi eq, %parallel_loop3A_221, %parallel_loop3A_275 : vector<16xi32>
        %parallel_loop3A_277 = arith.select %parallel_loop3A_276, %broadcast_in_dim3A_37, %broadcast_in_dim3A_39 : vector<16xi1>, vector<16xf32>
        tpu.vector_store_idx %arg7[%parallel_loop3A_273], %parallel_loop3A_277 : memref<24832xf32, #tpu.memory_space<vmem>>[vector<16xi32>], vector<16xf32>,
        %parallel_loop3A_278 = arith.constant 272 : i32
        %parallel_loop3A_279 = arith.muli %select_n3A, %parallel_loop3A_278 : i32
        %parallel_loop3A_280 = arith.addi %parallel_loop3A_279, %parallel_loop3A_204 : i32
        %parallel_loop3A_281 = arith.constant 10 : i32
        %parallel_loop3A_282 = arith.addi %parallel_loop3A_280, %parallel_loop3A_281 : i32
        %parallel_loop3A_283 = arith.constant 0 : i32
        %parallel_loop3A_284 = arith.subi %parallel_loop3A_282, %parallel_loop3A_283 : i32
        %parallel_loop3A_285 = arith.index_cast %parallel_loop3A_284 : i32 to index
        %parallel_loop3A_286 = tpu.vector_load %arg5[%parallel_loop3A_285] {strides = array<i32>} : memref<1088xi32, #tpu.memory_space<vmem>>, vector<16xi32>,
        %parallel_loop3A_287 = arith.addi %gather3A_141, %parallel_loop3A_286 : vector<16xi32>
        %parallel_loop3A_288 = arith.constant 3 : i32
        %parallel_loop3A_289 = vector.broadcast %parallel_loop3A_288 : i32 to vector<16xi32>
        %parallel_loop3A_290 = arith.cmpi eq, %parallel_loop3A_287, %parallel_loop3A_289 : vector<16xi32>
        %parallel_loop3A_291 = arith.muli %gather3A_141, %parallel_loop3A_286 : vector<16xi32>
        %parallel_loop3A_292 = arith.constant 6 : i32
        %parallel_loop3A_293 = vector.broadcast %parallel_loop3A_292 : i32 to vector<16xi32>
        %parallel_loop3A_294 = arith.cmpi eq, %parallel_loop3A_291, %parallel_loop3A_293 : vector<16xi32>
        %parallel_loop3A_295 = arith.ori %parallel_loop3A_290, %parallel_loop3A_294 : vector<16xi1>
        %parallel_loop3A_296 = arith.constant 0 : i32
        %parallel_loop3A_297 = arith.addi %add3A_134, %parallel_loop3A_296 : i32
        %parallel_loop3A_298 = arith.constant 7 : i32
        %parallel_loop3A_299 = arith.subi %parallel_loop3A_297, %parallel_loop3A_298 : i32
        %parallel_loop3A_300 = vector.broadcast %parallel_loop3A_299 : i32 to vector<16xi32>
        %parallel_loop3A_301 = arith.cmpi sgt, %parallel_loop3A_206, %parallel_loop3A_300 : vector<16xi32>
        %parallel_loop3A_302 = arith.andi %parallel_loop3A_295, %parallel_loop3A_301 : vector<16xi1>
        %parallel_loop3A_303 = arith.select %parallel_loop3A_302, %parallel_loop3A_214, %broadcast_in_dim3A_39 : vector<16xi1>, vector<16xf32>
        %parallel_loop3A_304 = arith.constant 8 : i32
        %parallel_loop3A_305 = vector.broadcast %parallel_loop3A_304 : i32 to vector<16xi32>
        %parallel_loop3A_306 = arith.addi %parallel_loop3A_209, %parallel_loop3A_305 : vector<16xi32>
        %parallel_loop3A_307 = arith.constant 0 : i32
        %parallel_loop3A_308 = vector.broadcast %parallel_loop3A_307 : i32 to vector<16xi32>
        %parallel_loop3A_309 = arith.cmpi eq, %gather3A_141, %parallel_loop3A_308 : vector<16xi32>
        %parallel_loop3A_310 = arith.select %parallel_loop3A_309, %parallel_loop3A_303, %broadcast_in_dim3A_39 : vector<16xi1>, vector<16xf32>
        tpu.vector_store_idx %arg7[%parallel_loop3A_306], %parallel_loop3A_310 : memref<24832xf32, #tpu.memory_space<vmem>>[vector<16xi32>], vector<16xf32>,
        %parallel_loop3A_311 = arith.constant 12 : i32
        %parallel_loop3A_312 = vector.broadcast %parallel_loop3A_311 : i32 to vector<16xi32>
        %parallel_loop3A_313 = arith.addi %parallel_loop3A_209, %parallel_loop3A_312 : vector<16xi32>
        %parallel_loop3A_314 = arith.constant 0 : i32
        %parallel_loop3A_315 = vector.broadcast %parallel_loop3A_314 : i32 to vector<16xi32>
        %parallel_loop3A_316 = arith.cmpi eq, %parallel_loop3A_286, %parallel_loop3A_315 : vector<16xi32>
        %parallel_loop3A_317 = arith.select %parallel_loop3A_316, %parallel_loop3A_303, %broadcast_in_dim3A_39 : vector<16xi1>, vector<16xf32>
        tpu.vector_store_idx %arg7[%parallel_loop3A_313], %parallel_loop3A_317 : memref<24832xf32, #tpu.memory_space<vmem>>[vector<16xi32>], vector<16xf32>,
        %parallel_loop3A_318 = arith.constant 9 : i32
        %parallel_loop3A_319 = vector.broadcast %parallel_loop3A_318 : i32 to vector<16xi32>
        %parallel_loop3A_320 = arith.addi %parallel_loop3A_209, %parallel_loop3A_319 : vector<16xi32>
        %parallel_loop3A_321 = arith.constant 1 : i32
        %parallel_loop3A_322 = vector.broadcast %parallel_loop3A_321 : i32 to vector<16xi32>
        %parallel_loop3A_323 = arith.cmpi eq, %gather3A_141, %parallel_loop3A_322 : vector<16xi32>
        %parallel_loop3A_324 = arith.select %parallel_loop3A_323, %parallel_loop3A_303, %broadcast_in_dim3A_39 : vector<16xi1>, vector<16xf32>
        tpu.vector_store_idx %arg7[%parallel_loop3A_320], %parallel_loop3A_324 : memref<24832xf32, #tpu.memory_space<vmem>>[vector<16xi32>], vector<16xf32>,
        %parallel_loop3A_325 = arith.constant 13 : i32
        %parallel_loop3A_326 = vector.broadcast %parallel_loop3A_325 : i32 to vector<16xi32>
        %parallel_loop3A_327 = arith.addi %parallel_loop3A_209, %parallel_loop3A_326 : vector<16xi32>
        %parallel_loop3A_328 = arith.constant 1 : i32
        %parallel_loop3A_329 = vector.broadcast %parallel_loop3A_328 : i32 to vector<16xi32>
        %parallel_loop3A_330 = arith.cmpi eq, %parallel_loop3A_286, %parallel_loop3A_329 : vector<16xi32>
        %parallel_loop3A_331 = arith.select %parallel_loop3A_330, %parallel_loop3A_303, %broadcast_in_dim3A_39 : vector<16xi1>, vector<16xf32>
        tpu.vector_store_idx %arg7[%parallel_loop3A_327], %parallel_loop3A_331 : memref<24832xf32, #tpu.memory_space<vmem>>[vector<16xi32>], vector<16xf32>,
        %parallel_loop3A_332 = arith.constant 10 : i32
        %parallel_loop3A_333 = vector.broadcast %parallel_loop3A_332 : i32 to vector<16xi32>
        %parallel_loop3A_334 = arith.addi %parallel_loop3A_209, %parallel_loop3A_333 : vector<16xi32>
        %parallel_loop3A_335 = arith.constant 2 : i32
        %parallel_loop3A_336 = vector.broadcast %parallel_loop3A_335 : i32 to vector<16xi32>
        %parallel_loop3A_337 = arith.cmpi eq, %gather3A_141, %parallel_loop3A_336 : vector<16xi32>
        %parallel_loop3A_338 = arith.select %parallel_loop3A_337, %parallel_loop3A_303, %broadcast_in_dim3A_39 : vector<16xi1>, vector<16xf32>
        tpu.vector_store_idx %arg7[%parallel_loop3A_334], %parallel_loop3A_338 : memref<24832xf32, #tpu.memory_space<vmem>>[vector<16xi32>], vector<16xf32>,
        %parallel_loop3A_339 = arith.constant 14 : i32
        %parallel_loop3A_340 = vector.broadcast %parallel_loop3A_339 : i32 to vector<16xi32>
        %parallel_loop3A_341 = arith.addi %parallel_loop3A_209, %parallel_loop3A_340 : vector<16xi32>
        %parallel_loop3A_342 = arith.constant 2 : i32
        %parallel_loop3A_343 = vector.broadcast %parallel_loop3A_342 : i32 to vector<16xi32>
        %parallel_loop3A_344 = arith.cmpi eq, %parallel_loop3A_286, %parallel_loop3A_343 : vector<16xi32>
        %parallel_loop3A_345 = arith.select %parallel_loop3A_344, %parallel_loop3A_303, %broadcast_in_dim3A_39 : vector<16xi1>, vector<16xf32>
        tpu.vector_store_idx %arg7[%parallel_loop3A_341], %parallel_loop3A_345 : memref<24832xf32, #tpu.memory_space<vmem>>[vector<16xi32>], vector<16xf32>,
        %parallel_loop3A_346 = arith.constant 11 : i32
        %parallel_loop3A_347 = vector.broadcast %parallel_loop3A_346 : i32 to vector<16xi32>
        %parallel_loop3A_348 = arith.addi %parallel_loop3A_209, %parallel_loop3A_347 : vector<16xi32>
        %parallel_loop3A_349 = arith.constant 3 : i32
        %parallel_loop3A_350 = vector.broadcast %parallel_loop3A_349 : i32 to vector<16xi32>
        %parallel_loop3A_351 = arith.cmpi eq, %gather3A_141, %parallel_loop3A_350 : vector<16xi32>
        %parallel_loop3A_352 = arith.select %parallel_loop3A_351, %parallel_loop3A_303, %broadcast_in_dim3A_39 : vector<16xi1>, vector<16xf32>
        tpu.vector_store_idx %arg7[%parallel_loop3A_348], %parallel_loop3A_352 : memref<24832xf32, #tpu.memory_space<vmem>>[vector<16xi32>], vector<16xf32>,
        %parallel_loop3A_353 = arith.constant 15 : i32
        %parallel_loop3A_354 = vector.broadcast %parallel_loop3A_353 : i32 to vector<16xi32>
        %parallel_loop3A_355 = arith.addi %parallel_loop3A_209, %parallel_loop3A_354 : vector<16xi32>
        %parallel_loop3A_356 = arith.constant 3 : i32
        %parallel_loop3A_357 = vector.broadcast %parallel_loop3A_356 : i32 to vector<16xi32>
        %parallel_loop3A_358 = arith.cmpi eq, %parallel_loop3A_286, %parallel_loop3A_357 : vector<16xi32>
        %parallel_loop3A_359 = arith.select %parallel_loop3A_358, %parallel_loop3A_303, %broadcast_in_dim3A_39 : vector<16xi1>, vector<16xf32>
        tpu.vector_store_idx %arg7[%parallel_loop3A_355], %parallel_loop3A_359 : memref<24832xf32, #tpu.memory_space<vmem>>[vector<16xi32>], vector<16xf32>,
        %parallel_loop3A_360 = arith.constant 272 : i32
        %parallel_loop3A_361 = arith.muli %select_n3A, %parallel_loop3A_360 : i32
        %parallel_loop3A_362 = arith.addi %parallel_loop3A_361, %parallel_loop3A_204 : i32
        %parallel_loop3A_363 = arith.constant 10 : i32
        %parallel_loop3A_364 = arith.addi %parallel_loop3A_362, %parallel_loop3A_363 : i32
        %parallel_loop3A_365 = arith.constant 1 : i32
        %parallel_loop3A_366 = arith.subi %parallel_loop3A_364, %parallel_loop3A_365 : i32
        %parallel_loop3A_367 = arith.index_cast %parallel_loop3A_366 : i32 to index
        %parallel_loop3A_368 = tpu.vector_load %arg5[%parallel_loop3A_367] {strides = array<i32>} : memref<1088xi32, #tpu.memory_space<vmem>>, vector<16xi32>,
        %parallel_loop3A_369 = arith.addi %gather3A_145, %parallel_loop3A_368 : vector<16xi32>
        %parallel_loop3A_370 = arith.constant 3 : i32
        %parallel_loop3A_371 = vector.broadcast %parallel_loop3A_370 : i32 to vector<16xi32>
        %parallel_loop3A_372 = arith.cmpi eq, %parallel_loop3A_369, %parallel_loop3A_371 : vector<16xi32>
        %parallel_loop3A_373 = arith.muli %gather3A_145, %parallel_loop3A_368 : vector<16xi32>
        %parallel_loop3A_374 = arith.constant 6 : i32
        %parallel_loop3A_375 = vector.broadcast %parallel_loop3A_374 : i32 to vector<16xi32>
        %parallel_loop3A_376 = arith.cmpi eq, %parallel_loop3A_373, %parallel_loop3A_375 : vector<16xi32>
        %parallel_loop3A_377 = arith.ori %parallel_loop3A_372, %parallel_loop3A_376 : vector<16xi1>
        %parallel_loop3A_378 = arith.constant 2 : i32
        %parallel_loop3A_379 = arith.addi %add3A_134, %parallel_loop3A_378 : i32
        %parallel_loop3A_380 = arith.constant 7 : i32
        %parallel_loop3A_381 = arith.subi %parallel_loop3A_379, %parallel_loop3A_380 : i32
        %parallel_loop3A_382 = vector.broadcast %parallel_loop3A_381 : i32 to vector<16xi32>
        %parallel_loop3A_383 = arith.cmpi sgt, %parallel_loop3A_206, %parallel_loop3A_382 : vector<16xi32>
        %parallel_loop3A_384 = arith.andi %parallel_loop3A_377, %parallel_loop3A_383 : vector<16xi1>
        %parallel_loop3A_385 = arith.select %parallel_loop3A_384, %parallel_loop3A_214, %broadcast_in_dim3A_39 : vector<16xi1>, vector<16xf32>
        %parallel_loop3A_386 = arith.constant 16 : i32
        %parallel_loop3A_387 = vector.broadcast %parallel_loop3A_386 : i32 to vector<16xi32>
        %parallel_loop3A_388 = arith.addi %parallel_loop3A_209, %parallel_loop3A_387 : vector<16xi32>
        %parallel_loop3A_389 = arith.constant 0 : i32
        %parallel_loop3A_390 = vector.broadcast %parallel_loop3A_389 : i32 to vector<16xi32>
        %parallel_loop3A_391 = arith.cmpi eq, %gather3A_145, %parallel_loop3A_390 : vector<16xi32>
        %parallel_loop3A_392 = arith.select %parallel_loop3A_391, %parallel_loop3A_385, %broadcast_in_dim3A_39 : vector<16xi1>, vector<16xf32>
        tpu.vector_store_idx %arg7[%parallel_loop3A_388], %parallel_loop3A_392 : memref<24832xf32, #tpu.memory_space<vmem>>[vector<16xi32>], vector<16xf32>,
        %parallel_loop3A_393 = arith.constant 20 : i32
        %parallel_loop3A_394 = vector.broadcast %parallel_loop3A_393 : i32 to vector<16xi32>
        %parallel_loop3A_395 = arith.addi %parallel_loop3A_209, %parallel_loop3A_394 : vector<16xi32>
        %parallel_loop3A_396 = arith.constant 0 : i32
        %parallel_loop3A_397 = vector.broadcast %parallel_loop3A_396 : i32 to vector<16xi32>
        %parallel_loop3A_398 = arith.cmpi eq, %parallel_loop3A_368, %parallel_loop3A_397 : vector<16xi32>
        %parallel_loop3A_399 = arith.select %parallel_loop3A_398, %parallel_loop3A_385, %broadcast_in_dim3A_39 : vector<16xi1>, vector<16xf32>
        tpu.vector_store_idx %arg7[%parallel_loop3A_395], %parallel_loop3A_399 : memref<24832xf32, #tpu.memory_space<vmem>>[vector<16xi32>], vector<16xf32>,
        %parallel_loop3A_400 = arith.constant 17 : i32
        %parallel_loop3A_401 = vector.broadcast %parallel_loop3A_400 : i32 to vector<16xi32>
        %parallel_loop3A_402 = arith.addi %parallel_loop3A_209, %parallel_loop3A_401 : vector<16xi32>
        %parallel_loop3A_403 = arith.constant 1 : i32
        %parallel_loop3A_404 = vector.broadcast %parallel_loop3A_403 : i32 to vector<16xi32>
        %parallel_loop3A_405 = arith.cmpi eq, %gather3A_145, %parallel_loop3A_404 : vector<16xi32>
        %parallel_loop3A_406 = arith.select %parallel_loop3A_405, %parallel_loop3A_385, %broadcast_in_dim3A_39 : vector<16xi1>, vector<16xf32>
        tpu.vector_store_idx %arg7[%parallel_loop3A_402], %parallel_loop3A_406 : memref<24832xf32, #tpu.memory_space<vmem>>[vector<16xi32>], vector<16xf32>,
        %parallel_loop3A_407 = arith.constant 21 : i32
        %parallel_loop3A_408 = vector.broadcast %parallel_loop3A_407 : i32 to vector<16xi32>
        %parallel_loop3A_409 = arith.addi %parallel_loop3A_209, %parallel_loop3A_408 : vector<16xi32>
        %parallel_loop3A_410 = arith.constant 1 : i32
        %parallel_loop3A_411 = vector.broadcast %parallel_loop3A_410 : i32 to vector<16xi32>
        %parallel_loop3A_412 = arith.cmpi eq, %parallel_loop3A_368, %parallel_loop3A_411 : vector<16xi32>
        %parallel_loop3A_413 = arith.select %parallel_loop3A_412, %parallel_loop3A_385, %broadcast_in_dim3A_39 : vector<16xi1>, vector<16xf32>
        tpu.vector_store_idx %arg7[%parallel_loop3A_409], %parallel_loop3A_413 : memref<24832xf32, #tpu.memory_space<vmem>>[vector<16xi32>], vector<16xf32>,
        %parallel_loop3A_414 = arith.constant 18 : i32
        %parallel_loop3A_415 = vector.broadcast %parallel_loop3A_414 : i32 to vector<16xi32>
        %parallel_loop3A_416 = arith.addi %parallel_loop3A_209, %parallel_loop3A_415 : vector<16xi32>
        %parallel_loop3A_417 = arith.constant 2 : i32
        %parallel_loop3A_418 = vector.broadcast %parallel_loop3A_417 : i32 to vector<16xi32>
        %parallel_loop3A_419 = arith.cmpi eq, %gather3A_145, %parallel_loop3A_418 : vector<16xi32>
        %parallel_loop3A_420 = arith.select %parallel_loop3A_419, %parallel_loop3A_385, %broadcast_in_dim3A_39 : vector<16xi1>, vector<16xf32>
        tpu.vector_store_idx %arg7[%parallel_loop3A_416], %parallel_loop3A_420 : memref<24832xf32, #tpu.memory_space<vmem>>[vector<16xi32>], vector<16xf32>,
        %parallel_loop3A_421 = arith.constant 22 : i32
        %parallel_loop3A_422 = vector.broadcast %parallel_loop3A_421 : i32 to vector<16xi32>
        %parallel_loop3A_423 = arith.addi %parallel_loop3A_209, %parallel_loop3A_422 : vector<16xi32>
        %parallel_loop3A_424 = arith.constant 2 : i32
        %parallel_loop3A_425 = vector.broadcast %parallel_loop3A_424 : i32 to vector<16xi32>
        %parallel_loop3A_426 = arith.cmpi eq, %parallel_loop3A_368, %parallel_loop3A_425 : vector<16xi32>
        %parallel_loop3A_427 = arith.select %parallel_loop3A_426, %parallel_loop3A_385, %broadcast_in_dim3A_39 : vector<16xi1>, vector<16xf32>
        tpu.vector_store_idx %arg7[%parallel_loop3A_423], %parallel_loop3A_427 : memref<24832xf32, #tpu.memory_space<vmem>>[vector<16xi32>], vector<16xf32>,
        %parallel_loop3A_428 = arith.constant 19 : i32
        %parallel_loop3A_429 = vector.broadcast %parallel_loop3A_428 : i32 to vector<16xi32>
        %parallel_loop3A_430 = arith.addi %parallel_loop3A_209, %parallel_loop3A_429 : vector<16xi32>
        %parallel_loop3A_431 = arith.constant 3 : i32
        %parallel_loop3A_432 = vector.broadcast %parallel_loop3A_431 : i32 to vector<16xi32>
        %parallel_loop3A_433 = arith.cmpi eq, %gather3A_145, %parallel_loop3A_432 : vector<16xi32>
        %parallel_loop3A_434 = arith.select %parallel_loop3A_433, %parallel_loop3A_385, %broadcast_in_dim3A_39 : vector<16xi1>, vector<16xf32>
        tpu.vector_store_idx %arg7[%parallel_loop3A_430], %parallel_loop3A_434 : memref<24832xf32, #tpu.memory_space<vmem>>[vector<16xi32>], vector<16xf32>,
        %parallel_loop3A_435 = arith.constant 23 : i32
        %parallel_loop3A_436 = vector.broadcast %parallel_loop3A_435 : i32 to vector<16xi32>
        %parallel_loop3A_437 = arith.addi %parallel_loop3A_209, %parallel_loop3A_436 : vector<16xi32>
        %parallel_loop3A_438 = arith.constant 3 : i32
        %parallel_loop3A_439 = vector.broadcast %parallel_loop3A_438 : i32 to vector<16xi32>
        %parallel_loop3A_440 = arith.cmpi eq, %parallel_loop3A_368, %parallel_loop3A_439 : vector<16xi32>
        %parallel_loop3A_441 = arith.select %parallel_loop3A_440, %parallel_loop3A_385, %broadcast_in_dim3A_39 : vector<16xi1>, vector<16xf32>
        tpu.vector_store_idx %arg7[%parallel_loop3A_437], %parallel_loop3A_441 : memref<24832xf32, #tpu.memory_space<vmem>>[vector<16xi32>], vector<16xf32>,
        %parallel_loop3A_442 = arith.constant 272 : i32
        %parallel_loop3A_443 = arith.muli %select_n3A, %parallel_loop3A_442 : i32
        %parallel_loop3A_444 = arith.addi %parallel_loop3A_443, %parallel_loop3A_204 : i32
        %parallel_loop3A_445 = arith.constant 10 : i32
        %parallel_loop3A_446 = arith.addi %parallel_loop3A_444, %parallel_loop3A_445 : i32
        %parallel_loop3A_447 = arith.constant 2 : i32
        %parallel_loop3A_448 = arith.subi %parallel_loop3A_446, %parallel_loop3A_447 : i32
        %parallel_loop3A_449 = arith.index_cast %parallel_loop3A_448 : i32 to index
        %parallel_loop3A_450 = tpu.vector_load %arg5[%parallel_loop3A_449] {strides = array<i32>} : memref<1088xi32, #tpu.memory_space<vmem>>, vector<16xi32>,
        %parallel_loop3A_451 = arith.addi %gather3A_149, %parallel_loop3A_450 : vector<16xi32>
        %parallel_loop3A_452 = arith.constant 3 : i32
        %parallel_loop3A_453 = vector.broadcast %parallel_loop3A_452 : i32 to vector<16xi32>
        %parallel_loop3A_454 = arith.cmpi eq, %parallel_loop3A_451, %parallel_loop3A_453 : vector<16xi32>
        %parallel_loop3A_455 = arith.muli %gather3A_149, %parallel_loop3A_450 : vector<16xi32>
        %parallel_loop3A_456 = arith.constant 6 : i32
        %parallel_loop3A_457 = vector.broadcast %parallel_loop3A_456 : i32 to vector<16xi32>
        %parallel_loop3A_458 = arith.cmpi eq, %parallel_loop3A_455, %parallel_loop3A_457 : vector<16xi32>
        %parallel_loop3A_459 = arith.ori %parallel_loop3A_454, %parallel_loop3A_458 : vector<16xi1>
        %parallel_loop3A_460 = arith.constant 4 : i32
        %parallel_loop3A_461 = arith.addi %add3A_134, %parallel_loop3A_460 : i32
        %parallel_loop3A_462 = arith.constant 7 : i32
        %parallel_loop3A_463 = arith.subi %parallel_loop3A_461, %parallel_loop3A_462 : i32
        %parallel_loop3A_464 = vector.broadcast %parallel_loop3A_463 : i32 to vector<16xi32>
        %parallel_loop3A_465 = arith.cmpi sgt, %parallel_loop3A_206, %parallel_loop3A_464 : vector<16xi32>
        %parallel_loop3A_466 = arith.andi %parallel_loop3A_459, %parallel_loop3A_465 : vector<16xi1>
        %parallel_loop3A_467 = arith.select %parallel_loop3A_466, %parallel_loop3A_214, %broadcast_in_dim3A_39 : vector<16xi1>, vector<16xf32>
        %parallel_loop3A_468 = arith.constant 24 : i32
        %parallel_loop3A_469 = vector.broadcast %parallel_loop3A_468 : i32 to vector<16xi32>
        %parallel_loop3A_470 = arith.addi %parallel_loop3A_209, %parallel_loop3A_469 : vector<16xi32>
        %parallel_loop3A_471 = arith.constant 0 : i32
        %parallel_loop3A_472 = vector.broadcast %parallel_loop3A_471 : i32 to vector<16xi32>
        %parallel_loop3A_473 = arith.cmpi eq, %gather3A_149, %parallel_loop3A_472 : vector<16xi32>
        %parallel_loop3A_474 = arith.select %parallel_loop3A_473, %parallel_loop3A_467, %broadcast_in_dim3A_39 : vector<16xi1>, vector<16xf32>
        tpu.vector_store_idx %arg7[%parallel_loop3A_470], %parallel_loop3A_474 : memref<24832xf32, #tpu.memory_space<vmem>>[vector<16xi32>], vector<16xf32>,
        %parallel_loop3A_475 = arith.constant 28 : i32
        %parallel_loop3A_476 = vector.broadcast %parallel_loop3A_475 : i32 to vector<16xi32>
        %parallel_loop3A_477 = arith.addi %parallel_loop3A_209, %parallel_loop3A_476 : vector<16xi32>
        %parallel_loop3A_478 = arith.constant 0 : i32
        %parallel_loop3A_479 = vector.broadcast %parallel_loop3A_478 : i32 to vector<16xi32>
        %parallel_loop3A_480 = arith.cmpi eq, %parallel_loop3A_450, %parallel_loop3A_479 : vector<16xi32>
        %parallel_loop3A_481 = arith.select %parallel_loop3A_480, %parallel_loop3A_467, %broadcast_in_dim3A_39 : vector<16xi1>, vector<16xf32>
        tpu.vector_store_idx %arg7[%parallel_loop3A_477], %parallel_loop3A_481 : memref<24832xf32, #tpu.memory_space<vmem>>[vector<16xi32>], vector<16xf32>,
        %parallel_loop3A_482 = arith.constant 25 : i32
        %parallel_loop3A_483 = vector.broadcast %parallel_loop3A_482 : i32 to vector<16xi32>
        %parallel_loop3A_484 = arith.addi %parallel_loop3A_209, %parallel_loop3A_483 : vector<16xi32>
        %parallel_loop3A_485 = arith.constant 1 : i32
        %parallel_loop3A_486 = vector.broadcast %parallel_loop3A_485 : i32 to vector<16xi32>
        %parallel_loop3A_487 = arith.cmpi eq, %gather3A_149, %parallel_loop3A_486 : vector<16xi32>
        %parallel_loop3A_488 = arith.select %parallel_loop3A_487, %parallel_loop3A_467, %broadcast_in_dim3A_39 : vector<16xi1>, vector<16xf32>
        tpu.vector_store_idx %arg7[%parallel_loop3A_484], %parallel_loop3A_488 : memref<24832xf32, #tpu.memory_space<vmem>>[vector<16xi32>], vector<16xf32>,
        %parallel_loop3A_489 = arith.constant 29 : i32
        %parallel_loop3A_490 = vector.broadcast %parallel_loop3A_489 : i32 to vector<16xi32>
        %parallel_loop3A_491 = arith.addi %parallel_loop3A_209, %parallel_loop3A_490 : vector<16xi32>
        %parallel_loop3A_492 = arith.constant 1 : i32
        %parallel_loop3A_493 = vector.broadcast %parallel_loop3A_492 : i32 to vector<16xi32>
        %parallel_loop3A_494 = arith.cmpi eq, %parallel_loop3A_450, %parallel_loop3A_493 : vector<16xi32>
        %parallel_loop3A_495 = arith.select %parallel_loop3A_494, %parallel_loop3A_467, %broadcast_in_dim3A_39 : vector<16xi1>, vector<16xf32>
        tpu.vector_store_idx %arg7[%parallel_loop3A_491], %parallel_loop3A_495 : memref<24832xf32, #tpu.memory_space<vmem>>[vector<16xi32>], vector<16xf32>,
        %parallel_loop3A_496 = arith.constant 26 : i32
        %parallel_loop3A_497 = vector.broadcast %parallel_loop3A_496 : i32 to vector<16xi32>
        %parallel_loop3A_498 = arith.addi %parallel_loop3A_209, %parallel_loop3A_497 : vector<16xi32>
        %parallel_loop3A_499 = arith.constant 2 : i32
        %parallel_loop3A_500 = vector.broadcast %parallel_loop3A_499 : i32 to vector<16xi32>
        %parallel_loop3A_501 = arith.cmpi eq, %gather3A_149, %parallel_loop3A_500 : vector<16xi32>
        %parallel_loop3A_502 = arith.select %parallel_loop3A_501, %parallel_loop3A_467, %broadcast_in_dim3A_39 : vector<16xi1>, vector<16xf32>
        tpu.vector_store_idx %arg7[%parallel_loop3A_498], %parallel_loop3A_502 : memref<24832xf32, #tpu.memory_space<vmem>>[vector<16xi32>], vector<16xf32>,
        %parallel_loop3A_503 = arith.constant 30 : i32
        %parallel_loop3A_504 = vector.broadcast %parallel_loop3A_503 : i32 to vector<16xi32>
        %parallel_loop3A_505 = arith.addi %parallel_loop3A_209, %parallel_loop3A_504 : vector<16xi32>
        %parallel_loop3A_506 = arith.constant 2 : i32
        %parallel_loop3A_507 = vector.broadcast %parallel_loop3A_506 : i32 to vector<16xi32>
        %parallel_loop3A_508 = arith.cmpi eq, %parallel_loop3A_450, %parallel_loop3A_507 : vector<16xi32>
        %parallel_loop3A_509 = arith.select %parallel_loop3A_508, %parallel_loop3A_467, %broadcast_in_dim3A_39 : vector<16xi1>, vector<16xf32>
        tpu.vector_store_idx %arg7[%parallel_loop3A_505], %parallel_loop3A_509 : memref<24832xf32, #tpu.memory_space<vmem>>[vector<16xi32>], vector<16xf32>,
        %parallel_loop3A_510 = arith.constant 27 : i32
        %parallel_loop3A_511 = vector.broadcast %parallel_loop3A_510 : i32 to vector<16xi32>
        %parallel_loop3A_512 = arith.addi %parallel_loop3A_209, %parallel_loop3A_511 : vector<16xi32>
        %parallel_loop3A_513 = arith.constant 3 : i32
        %parallel_loop3A_514 = vector.broadcast %parallel_loop3A_513 : i32 to vector<16xi32>
        %parallel_loop3A_515 = arith.cmpi eq, %gather3A_149, %parallel_loop3A_514 : vector<16xi32>
        %parallel_loop3A_516 = arith.select %parallel_loop3A_515, %parallel_loop3A_467, %broadcast_in_dim3A_39 : vector<16xi1>, vector<16xf32>
        tpu.vector_store_idx %arg7[%parallel_loop3A_512], %parallel_loop3A_516 : memref<24832xf32, #tpu.memory_space<vmem>>[vector<16xi32>], vector<16xf32>,
        %parallel_loop3A_517 = arith.constant 31 : i32
        %parallel_loop3A_518 = vector.broadcast %parallel_loop3A_517 : i32 to vector<16xi32>
        %parallel_loop3A_519 = arith.addi %parallel_loop3A_209, %parallel_loop3A_518 : vector<16xi32>
        %parallel_loop3A_520 = arith.constant 3 : i32
        %parallel_loop3A_521 = vector.broadcast %parallel_loop3A_520 : i32 to vector<16xi32>
        %parallel_loop3A_522 = arith.cmpi eq, %parallel_loop3A_450, %parallel_loop3A_521 : vector<16xi32>
        %parallel_loop3A_523 = arith.select %parallel_loop3A_522, %parallel_loop3A_467, %broadcast_in_dim3A_39 : vector<16xi1>, vector<16xf32>
        tpu.vector_store_idx %arg7[%parallel_loop3A_519], %parallel_loop3A_523 : memref<24832xf32, #tpu.memory_space<vmem>>[vector<16xi32>], vector<16xf32>,
        %parallel_loop3A_524 = arith.constant 272 : i32
        %parallel_loop3A_525 = arith.muli %select_n3A, %parallel_loop3A_524 : i32
        %parallel_loop3A_526 = arith.addi %parallel_loop3A_525, %parallel_loop3A_204 : i32
        %parallel_loop3A_527 = arith.constant 10 : i32
        %parallel_loop3A_528 = arith.addi %parallel_loop3A_526, %parallel_loop3A_527 : i32
        %parallel_loop3A_529 = arith.constant 3 : i32
        %parallel_loop3A_530 = arith.subi %parallel_loop3A_528, %parallel_loop3A_529 : i32
        %parallel_loop3A_531 = arith.index_cast %parallel_loop3A_530 : i32 to index
        %parallel_loop3A_532 = tpu.vector_load %arg5[%parallel_loop3A_531] {strides = array<i32>} : memref<1088xi32, #tpu.memory_space<vmem>>, vector<16xi32>,
        %parallel_loop3A_533 = arith.addi %gather3A_153, %parallel_loop3A_532 : vector<16xi32>
        %parallel_loop3A_534 = arith.constant 3 : i32
        %parallel_loop3A_535 = vector.broadcast %parallel_loop3A_534 : i32 to vector<16xi32>
        %parallel_loop3A_536 = arith.cmpi eq, %parallel_loop3A_533, %parallel_loop3A_535 : vector<16xi32>
        %parallel_loop3A_537 = arith.muli %gather3A_153, %parallel_loop3A_532 : vector<16xi32>
        %parallel_loop3A_538 = arith.constant 6 : i32
        %parallel_loop3A_539 = vector.broadcast %parallel_loop3A_538 : i32 to vector<16xi32>
        %parallel_loop3A_540 = arith.cmpi eq, %parallel_loop3A_537, %parallel_loop3A_539 : vector<16xi32>
        %parallel_loop3A_541 = arith.ori %parallel_loop3A_536, %parallel_loop3A_540 : vector<16xi1>
        %parallel_loop3A_542 = arith.constant 6 : i32
        %parallel_loop3A_543 = arith.addi %add3A_134, %parallel_loop3A_542 : i32
        %parallel_loop3A_544 = arith.constant 7 : i32
        %parallel_loop3A_545 = arith.subi %parallel_loop3A_543, %parallel_loop3A_544 : i32
        %parallel_loop3A_546 = vector.broadcast %parallel_loop3A_545 : i32 to vector<16xi32>
        %parallel_loop3A_547 = arith.cmpi sgt, %parallel_loop3A_206, %parallel_loop3A_546 : vector<16xi32>
        %parallel_loop3A_548 = arith.andi %parallel_loop3A_541, %parallel_loop3A_547 : vector<16xi1>
        %parallel_loop3A_549 = arith.select %parallel_loop3A_548, %parallel_loop3A_214, %broadcast_in_dim3A_39 : vector<16xi1>, vector<16xf32>
        %parallel_loop3A_550 = arith.constant 32 : i32
        %parallel_loop3A_551 = vector.broadcast %parallel_loop3A_550 : i32 to vector<16xi32>
        %parallel_loop3A_552 = arith.addi %parallel_loop3A_209, %parallel_loop3A_551 : vector<16xi32>
        %parallel_loop3A_553 = arith.constant 0 : i32
        %parallel_loop3A_554 = vector.broadcast %parallel_loop3A_553 : i32 to vector<16xi32>
        %parallel_loop3A_555 = arith.cmpi eq, %gather3A_153, %parallel_loop3A_554 : vector<16xi32>
        %parallel_loop3A_556 = arith.select %parallel_loop3A_555, %parallel_loop3A_549, %broadcast_in_dim3A_39 : vector<16xi1>, vector<16xf32>
        tpu.vector_store_idx %arg7[%parallel_loop3A_552], %parallel_loop3A_556 : memref<24832xf32, #tpu.memory_space<vmem>>[vector<16xi32>], vector<16xf32>,
        %parallel_loop3A_557 = arith.constant 36 : i32
        %parallel_loop3A_558 = vector.broadcast %parallel_loop3A_557 : i32 to vector<16xi32>
        %parallel_loop3A_559 = arith.addi %parallel_loop3A_209, %parallel_loop3A_558 : vector<16xi32>
        %parallel_loop3A_560 = arith.constant 0 : i32
        %parallel_loop3A_561 = vector.broadcast %parallel_loop3A_560 : i32 to vector<16xi32>
        %parallel_loop3A_562 = arith.cmpi eq, %parallel_loop3A_532, %parallel_loop3A_561 : vector<16xi32>
        %parallel_loop3A_563 = arith.select %parallel_loop3A_562, %parallel_loop3A_549, %broadcast_in_dim3A_39 : vector<16xi1>, vector<16xf32>
        tpu.vector_store_idx %arg7[%parallel_loop3A_559], %parallel_loop3A_563 : memref<24832xf32, #tpu.memory_space<vmem>>[vector<16xi32>], vector<16xf32>,
        %parallel_loop3A_564 = arith.constant 33 : i32
        %parallel_loop3A_565 = vector.broadcast %parallel_loop3A_564 : i32 to vector<16xi32>
        %parallel_loop3A_566 = arith.addi %parallel_loop3A_209, %parallel_loop3A_565 : vector<16xi32>
        %parallel_loop3A_567 = arith.constant 1 : i32
        %parallel_loop3A_568 = vector.broadcast %parallel_loop3A_567 : i32 to vector<16xi32>
        %parallel_loop3A_569 = arith.cmpi eq, %gather3A_153, %parallel_loop3A_568 : vector<16xi32>
        %parallel_loop3A_570 = arith.select %parallel_loop3A_569, %parallel_loop3A_549, %broadcast_in_dim3A_39 : vector<16xi1>, vector<16xf32>
        tpu.vector_store_idx %arg7[%parallel_loop3A_566], %parallel_loop3A_570 : memref<24832xf32, #tpu.memory_space<vmem>>[vector<16xi32>], vector<16xf32>,
        %parallel_loop3A_571 = arith.constant 37 : i32
        %parallel_loop3A_572 = vector.broadcast %parallel_loop3A_571 : i32 to vector<16xi32>
        %parallel_loop3A_573 = arith.addi %parallel_loop3A_209, %parallel_loop3A_572 : vector<16xi32>
        %parallel_loop3A_574 = arith.constant 1 : i32
        %parallel_loop3A_575 = vector.broadcast %parallel_loop3A_574 : i32 to vector<16xi32>
        %parallel_loop3A_576 = arith.cmpi eq, %parallel_loop3A_532, %parallel_loop3A_575 : vector<16xi32>
        %parallel_loop3A_577 = arith.select %parallel_loop3A_576, %parallel_loop3A_549, %broadcast_in_dim3A_39 : vector<16xi1>, vector<16xf32>
        tpu.vector_store_idx %arg7[%parallel_loop3A_573], %parallel_loop3A_577 : memref<24832xf32, #tpu.memory_space<vmem>>[vector<16xi32>], vector<16xf32>,
        %parallel_loop3A_578 = arith.constant 34 : i32
        %parallel_loop3A_579 = vector.broadcast %parallel_loop3A_578 : i32 to vector<16xi32>
        %parallel_loop3A_580 = arith.addi %parallel_loop3A_209, %parallel_loop3A_579 : vector<16xi32>
        %parallel_loop3A_581 = arith.constant 2 : i32
        %parallel_loop3A_582 = vector.broadcast %parallel_loop3A_581 : i32 to vector<16xi32>
        %parallel_loop3A_583 = arith.cmpi eq, %gather3A_153, %parallel_loop3A_582 : vector<16xi32>
        %parallel_loop3A_584 = arith.select %parallel_loop3A_583, %parallel_loop3A_549, %broadcast_in_dim3A_39 : vector<16xi1>, vector<16xf32>
        tpu.vector_store_idx %arg7[%parallel_loop3A_580], %parallel_loop3A_584 : memref<24832xf32, #tpu.memory_space<vmem>>[vector<16xi32>], vector<16xf32>,
        %parallel_loop3A_585 = arith.constant 38 : i32
        %parallel_loop3A_586 = vector.broadcast %parallel_loop3A_585 : i32 to vector<16xi32>
        %parallel_loop3A_587 = arith.addi %parallel_loop3A_209, %parallel_loop3A_586 : vector<16xi32>
        %parallel_loop3A_588 = arith.constant 2 : i32
        %parallel_loop3A_589 = vector.broadcast %parallel_loop3A_588 : i32 to vector<16xi32>
        %parallel_loop3A_590 = arith.cmpi eq, %parallel_loop3A_532, %parallel_loop3A_589 : vector<16xi32>
        %parallel_loop3A_591 = arith.select %parallel_loop3A_590, %parallel_loop3A_549, %broadcast_in_dim3A_39 : vector<16xi1>, vector<16xf32>
        tpu.vector_store_idx %arg7[%parallel_loop3A_587], %parallel_loop3A_591 : memref<24832xf32, #tpu.memory_space<vmem>>[vector<16xi32>], vector<16xf32>,
        %parallel_loop3A_592 = arith.constant 35 : i32
        %parallel_loop3A_593 = vector.broadcast %parallel_loop3A_592 : i32 to vector<16xi32>
        %parallel_loop3A_594 = arith.addi %parallel_loop3A_209, %parallel_loop3A_593 : vector<16xi32>
        %parallel_loop3A_595 = arith.constant 3 : i32
        %parallel_loop3A_596 = vector.broadcast %parallel_loop3A_595 : i32 to vector<16xi32>
        %parallel_loop3A_597 = arith.cmpi eq, %gather3A_153, %parallel_loop3A_596 : vector<16xi32>
        %parallel_loop3A_598 = arith.select %parallel_loop3A_597, %parallel_loop3A_549, %broadcast_in_dim3A_39 : vector<16xi1>, vector<16xf32>
        tpu.vector_store_idx %arg7[%parallel_loop3A_594], %parallel_loop3A_598 : memref<24832xf32, #tpu.memory_space<vmem>>[vector<16xi32>], vector<16xf32>,
        %parallel_loop3A_599 = arith.constant 39 : i32
        %parallel_loop3A_600 = vector.broadcast %parallel_loop3A_599 : i32 to vector<16xi32>
        %parallel_loop3A_601 = arith.addi %parallel_loop3A_209, %parallel_loop3A_600 : vector<16xi32>
        %parallel_loop3A_602 = arith.constant 3 : i32
        %parallel_loop3A_603 = vector.broadcast %parallel_loop3A_602 : i32 to vector<16xi32>
        %parallel_loop3A_604 = arith.cmpi eq, %parallel_loop3A_532, %parallel_loop3A_603 : vector<16xi32>
        %parallel_loop3A_605 = arith.select %parallel_loop3A_604, %parallel_loop3A_549, %broadcast_in_dim3A_39 : vector<16xi1>, vector<16xf32>
        tpu.vector_store_idx %arg7[%parallel_loop3A_601], %parallel_loop3A_605 : memref<24832xf32, #tpu.memory_space<vmem>>[vector<16xi32>], vector<16xf32>,
        %parallel_loop3A_606 = arith.constant 272 : i32
        %parallel_loop3A_607 = arith.muli %select_n3A, %parallel_loop3A_606 : i32
        %parallel_loop3A_608 = arith.addi %parallel_loop3A_607, %parallel_loop3A_204 : i32
        %parallel_loop3A_609 = arith.constant 10 : i32
        %parallel_loop3A_610 = arith.addi %parallel_loop3A_608, %parallel_loop3A_609 : i32
        %parallel_loop3A_611 = arith.constant 4 : i32
        %parallel_loop3A_612 = arith.subi %parallel_loop3A_610, %parallel_loop3A_611 : i32
        %parallel_loop3A_613 = arith.index_cast %parallel_loop3A_612 : i32 to index
        %parallel_loop3A_614 = tpu.vector_load %arg5[%parallel_loop3A_613] {strides = array<i32>} : memref<1088xi32, #tpu.memory_space<vmem>>, vector<16xi32>,
        %parallel_loop3A_615 = arith.addi %gather3A_157, %parallel_loop3A_614 : vector<16xi32>
        %parallel_loop3A_616 = arith.constant 3 : i32
        %parallel_loop3A_617 = vector.broadcast %parallel_loop3A_616 : i32 to vector<16xi32>
        %parallel_loop3A_618 = arith.cmpi eq, %parallel_loop3A_615, %parallel_loop3A_617 : vector<16xi32>
        %parallel_loop3A_619 = arith.muli %gather3A_157, %parallel_loop3A_614 : vector<16xi32>
        %parallel_loop3A_620 = arith.constant 6 : i32
        %parallel_loop3A_621 = vector.broadcast %parallel_loop3A_620 : i32 to vector<16xi32>
        %parallel_loop3A_622 = arith.cmpi eq, %parallel_loop3A_619, %parallel_loop3A_621 : vector<16xi32>
        %parallel_loop3A_623 = arith.ori %parallel_loop3A_618, %parallel_loop3A_622 : vector<16xi1>
        %parallel_loop3A_624 = arith.constant 8 : i32
        %parallel_loop3A_625 = arith.addi %add3A_134, %parallel_loop3A_624 : i32
        %parallel_loop3A_626 = arith.constant 7 : i32
        %parallel_loop3A_627 = arith.subi %parallel_loop3A_625, %parallel_loop3A_626 : i32
        %parallel_loop3A_628 = vector.broadcast %parallel_loop3A_627 : i32 to vector<16xi32>
        %parallel_loop3A_629 = arith.cmpi sgt, %parallel_loop3A_206, %parallel_loop3A_628 : vector<16xi32>
        %parallel_loop3A_630 = arith.andi %parallel_loop3A_623, %parallel_loop3A_629 : vector<16xi1>
        %parallel_loop3A_631 = arith.select %parallel_loop3A_630, %parallel_loop3A_214, %broadcast_in_dim3A_39 : vector<16xi1>, vector<16xf32>
        %parallel_loop3A_632 = arith.constant 40 : i32
        %parallel_loop3A_633 = vector.broadcast %parallel_loop3A_632 : i32 to vector<16xi32>
        %parallel_loop3A_634 = arith.addi %parallel_loop3A_209, %parallel_loop3A_633 : vector<16xi32>
        %parallel_loop3A_635 = arith.constant 0 : i32
        %parallel_loop3A_636 = vector.broadcast %parallel_loop3A_635 : i32 to vector<16xi32>
        %parallel_loop3A_637 = arith.cmpi eq, %gather3A_157, %parallel_loop3A_636 : vector<16xi32>
        %parallel_loop3A_638 = arith.select %parallel_loop3A_637, %parallel_loop3A_631, %broadcast_in_dim3A_39 : vector<16xi1>, vector<16xf32>
        tpu.vector_store_idx %arg7[%parallel_loop3A_634], %parallel_loop3A_638 : memref<24832xf32, #tpu.memory_space<vmem>>[vector<16xi32>], vector<16xf32>,
        %parallel_loop3A_639 = arith.constant 44 : i32
        %parallel_loop3A_640 = vector.broadcast %parallel_loop3A_639 : i32 to vector<16xi32>
        %parallel_loop3A_641 = arith.addi %parallel_loop3A_209, %parallel_loop3A_640 : vector<16xi32>
        %parallel_loop3A_642 = arith.constant 0 : i32
        %parallel_loop3A_643 = vector.broadcast %parallel_loop3A_642 : i32 to vector<16xi32>
        %parallel_loop3A_644 = arith.cmpi eq, %parallel_loop3A_614, %parallel_loop3A_643 : vector<16xi32>
        %parallel_loop3A_645 = arith.select %parallel_loop3A_644, %parallel_loop3A_631, %broadcast_in_dim3A_39 : vector<16xi1>, vector<16xf32>
        tpu.vector_store_idx %arg7[%parallel_loop3A_641], %parallel_loop3A_645 : memref<24832xf32, #tpu.memory_space<vmem>>[vector<16xi32>], vector<16xf32>,
        %parallel_loop3A_646 = arith.constant 41 : i32
        %parallel_loop3A_647 = vector.broadcast %parallel_loop3A_646 : i32 to vector<16xi32>
        %parallel_loop3A_648 = arith.addi %parallel_loop3A_209, %parallel_loop3A_647 : vector<16xi32>
        %parallel_loop3A_649 = arith.constant 1 : i32
        %parallel_loop3A_650 = vector.broadcast %parallel_loop3A_649 : i32 to vector<16xi32>
        %parallel_loop3A_651 = arith.cmpi eq, %gather3A_157, %parallel_loop3A_650 : vector<16xi32>
        %parallel_loop3A_652 = arith.select %parallel_loop3A_651, %parallel_loop3A_631, %broadcast_in_dim3A_39 : vector<16xi1>, vector<16xf32>
        tpu.vector_store_idx %arg7[%parallel_loop3A_648], %parallel_loop3A_652 : memref<24832xf32, #tpu.memory_space<vmem>>[vector<16xi32>], vector<16xf32>,
        %parallel_loop3A_653 = arith.constant 45 : i32
        %parallel_loop3A_654 = vector.broadcast %parallel_loop3A_653 : i32 to vector<16xi32>
        %parallel_loop3A_655 = arith.addi %parallel_loop3A_209, %parallel_loop3A_654 : vector<16xi32>
        %parallel_loop3A_656 = arith.constant 1 : i32
        %parallel_loop3A_657 = vector.broadcast %parallel_loop3A_656 : i32 to vector<16xi32>
        %parallel_loop3A_658 = arith.cmpi eq, %parallel_loop3A_614, %parallel_loop3A_657 : vector<16xi32>
        %parallel_loop3A_659 = arith.select %parallel_loop3A_658, %parallel_loop3A_631, %broadcast_in_dim3A_39 : vector<16xi1>, vector<16xf32>
        tpu.vector_store_idx %arg7[%parallel_loop3A_655], %parallel_loop3A_659 : memref<24832xf32, #tpu.memory_space<vmem>>[vector<16xi32>], vector<16xf32>,
        %parallel_loop3A_660 = arith.constant 42 : i32
        %parallel_loop3A_661 = vector.broadcast %parallel_loop3A_660 : i32 to vector<16xi32>
        %parallel_loop3A_662 = arith.addi %parallel_loop3A_209, %parallel_loop3A_661 : vector<16xi32>
        %parallel_loop3A_663 = arith.constant 2 : i32
        %parallel_loop3A_664 = vector.broadcast %parallel_loop3A_663 : i32 to vector<16xi32>
        %parallel_loop3A_665 = arith.cmpi eq, %gather3A_157, %parallel_loop3A_664 : vector<16xi32>
        %parallel_loop3A_666 = arith.select %parallel_loop3A_665, %parallel_loop3A_631, %broadcast_in_dim3A_39 : vector<16xi1>, vector<16xf32>
        tpu.vector_store_idx %arg7[%parallel_loop3A_662], %parallel_loop3A_666 : memref<24832xf32, #tpu.memory_space<vmem>>[vector<16xi32>], vector<16xf32>,
        %parallel_loop3A_667 = arith.constant 46 : i32
        %parallel_loop3A_668 = vector.broadcast %parallel_loop3A_667 : i32 to vector<16xi32>
        %parallel_loop3A_669 = arith.addi %parallel_loop3A_209, %parallel_loop3A_668 : vector<16xi32>
        %parallel_loop3A_670 = arith.constant 2 : i32
        %parallel_loop3A_671 = vector.broadcast %parallel_loop3A_670 : i32 to vector<16xi32>
        %parallel_loop3A_672 = arith.cmpi eq, %parallel_loop3A_614, %parallel_loop3A_671 : vector<16xi32>
        %parallel_loop3A_673 = arith.select %parallel_loop3A_672, %parallel_loop3A_631, %broadcast_in_dim3A_39 : vector<16xi1>, vector<16xf32>
        tpu.vector_store_idx %arg7[%parallel_loop3A_669], %parallel_loop3A_673 : memref<24832xf32, #tpu.memory_space<vmem>>[vector<16xi32>], vector<16xf32>,
        %parallel_loop3A_674 = arith.constant 43 : i32
        %parallel_loop3A_675 = vector.broadcast %parallel_loop3A_674 : i32 to vector<16xi32>
        %parallel_loop3A_676 = arith.addi %parallel_loop3A_209, %parallel_loop3A_675 : vector<16xi32>
        %parallel_loop3A_677 = arith.constant 3 : i32
        %parallel_loop3A_678 = vector.broadcast %parallel_loop3A_677 : i32 to vector<16xi32>
        %parallel_loop3A_679 = arith.cmpi eq, %gather3A_157, %parallel_loop3A_678 : vector<16xi32>
        %parallel_loop3A_680 = arith.select %parallel_loop3A_679, %parallel_loop3A_631, %broadcast_in_dim3A_39 : vector<16xi1>, vector<16xf32>
        tpu.vector_store_idx %arg7[%parallel_loop3A_676], %parallel_loop3A_680 : memref<24832xf32, #tpu.memory_space<vmem>>[vector<16xi32>], vector<16xf32>,
        %parallel_loop3A_681 = arith.constant 47 : i32
        %parallel_loop3A_682 = vector.broadcast %parallel_loop3A_681 : i32 to vector<16xi32>
        %parallel_loop3A_683 = arith.addi %parallel_loop3A_209, %parallel_loop3A_682 : vector<16xi32>
        %parallel_loop3A_684 = arith.constant 3 : i32
        %parallel_loop3A_685 = vector.broadcast %parallel_loop3A_684 : i32 to vector<16xi32>
        %parallel_loop3A_686 = arith.cmpi eq, %parallel_loop3A_614, %parallel_loop3A_685 : vector<16xi32>
        %parallel_loop3A_687 = arith.select %parallel_loop3A_686, %parallel_loop3A_631, %broadcast_in_dim3A_39 : vector<16xi1>, vector<16xf32>
        tpu.vector_store_idx %arg7[%parallel_loop3A_683], %parallel_loop3A_687 : memref<24832xf32, #tpu.memory_space<vmem>>[vector<16xi32>], vector<16xf32>,
        %parallel_loop3A_688 = arith.addi %gather3A_161, %parallel_loop3A_221 : vector<16xi32>
        %parallel_loop3A_689 = arith.constant 3 : i32
        %parallel_loop3A_690 = vector.broadcast %parallel_loop3A_689 : i32 to vector<16xi32>
        %parallel_loop3A_691 = arith.cmpi eq, %parallel_loop3A_688, %parallel_loop3A_690 : vector<16xi32>
        %parallel_loop3A_692 = arith.muli %gather3A_161, %parallel_loop3A_221 : vector<16xi32>
        %parallel_loop3A_693 = arith.constant 6 : i32
        %parallel_loop3A_694 = vector.broadcast %parallel_loop3A_693 : i32 to vector<16xi32>
        %parallel_loop3A_695 = arith.cmpi eq, %parallel_loop3A_692, %parallel_loop3A_694 : vector<16xi32>
        %parallel_loop3A_696 = arith.ori %parallel_loop3A_691, %parallel_loop3A_695 : vector<16xi1>
        %parallel_loop3A_697 = arith.constant 10 : i32
        %parallel_loop3A_698 = arith.addi %add3A_134, %parallel_loop3A_697 : i32
        %parallel_loop3A_699 = arith.constant 7 : i32
        %parallel_loop3A_700 = arith.subi %parallel_loop3A_698, %parallel_loop3A_699 : i32
        %parallel_loop3A_701 = vector.broadcast %parallel_loop3A_700 : i32 to vector<16xi32>
        %parallel_loop3A_702 = arith.cmpi sgt, %parallel_loop3A_206, %parallel_loop3A_701 : vector<16xi32>
        %parallel_loop3A_703 = arith.andi %parallel_loop3A_696, %parallel_loop3A_702 : vector<16xi1>
        %parallel_loop3A_704 = arith.select %parallel_loop3A_703, %parallel_loop3A_214, %broadcast_in_dim3A_39 : vector<16xi1>, vector<16xf32>
        %parallel_loop3A_705 = arith.constant 48 : i32
        %parallel_loop3A_706 = vector.broadcast %parallel_loop3A_705 : i32 to vector<16xi32>
        %parallel_loop3A_707 = arith.addi %parallel_loop3A_209, %parallel_loop3A_706 : vector<16xi32>
        %parallel_loop3A_708 = arith.constant 0 : i32
        %parallel_loop3A_709 = vector.broadcast %parallel_loop3A_708 : i32 to vector<16xi32>
        %parallel_loop3A_710 = arith.cmpi eq, %gather3A_161, %parallel_loop3A_709 : vector<16xi32>
        %parallel_loop3A_711 = arith.select %parallel_loop3A_710, %parallel_loop3A_704, %broadcast_in_dim3A_39 : vector<16xi1>, vector<16xf32>
        tpu.vector_store_idx %arg7[%parallel_loop3A_707], %parallel_loop3A_711 : memref<24832xf32, #tpu.memory_space<vmem>>[vector<16xi32>], vector<16xf32>,
        %parallel_loop3A_712 = arith.constant 52 : i32
        %parallel_loop3A_713 = vector.broadcast %parallel_loop3A_712 : i32 to vector<16xi32>
        %parallel_loop3A_714 = arith.addi %parallel_loop3A_209, %parallel_loop3A_713 : vector<16xi32>
        %parallel_loop3A_715 = arith.constant 0 : i32
        %parallel_loop3A_716 = vector.broadcast %parallel_loop3A_715 : i32 to vector<16xi32>
        %parallel_loop3A_717 = arith.cmpi eq, %parallel_loop3A_221, %parallel_loop3A_716 : vector<16xi32>
        %parallel_loop3A_718 = arith.select %parallel_loop3A_717, %parallel_loop3A_704, %broadcast_in_dim3A_39 : vector<16xi1>, vector<16xf32>
        tpu.vector_store_idx %arg7[%parallel_loop3A_714], %parallel_loop3A_718 : memref<24832xf32, #tpu.memory_space<vmem>>[vector<16xi32>], vector<16xf32>,
        %parallel_loop3A_719 = arith.constant 49 : i32
        %parallel_loop3A_720 = vector.broadcast %parallel_loop3A_719 : i32 to vector<16xi32>
        %parallel_loop3A_721 = arith.addi %parallel_loop3A_209, %parallel_loop3A_720 : vector<16xi32>
        %parallel_loop3A_722 = arith.constant 1 : i32
        %parallel_loop3A_723 = vector.broadcast %parallel_loop3A_722 : i32 to vector<16xi32>
        %parallel_loop3A_724 = arith.cmpi eq, %gather3A_161, %parallel_loop3A_723 : vector<16xi32>
        %parallel_loop3A_725 = arith.select %parallel_loop3A_724, %parallel_loop3A_704, %broadcast_in_dim3A_39 : vector<16xi1>, vector<16xf32>
        tpu.vector_store_idx %arg7[%parallel_loop3A_721], %parallel_loop3A_725 : memref<24832xf32, #tpu.memory_space<vmem>>[vector<16xi32>], vector<16xf32>,
        %parallel_loop3A_726 = arith.constant 53 : i32
        %parallel_loop3A_727 = vector.broadcast %parallel_loop3A_726 : i32 to vector<16xi32>
        %parallel_loop3A_728 = arith.addi %parallel_loop3A_209, %parallel_loop3A_727 : vector<16xi32>
        %parallel_loop3A_729 = arith.constant 1 : i32
        %parallel_loop3A_730 = vector.broadcast %parallel_loop3A_729 : i32 to vector<16xi32>
        %parallel_loop3A_731 = arith.cmpi eq, %parallel_loop3A_221, %parallel_loop3A_730 : vector<16xi32>
        %parallel_loop3A_732 = arith.select %parallel_loop3A_731, %parallel_loop3A_704, %broadcast_in_dim3A_39 : vector<16xi1>, vector<16xf32>
        tpu.vector_store_idx %arg7[%parallel_loop3A_728], %parallel_loop3A_732 : memref<24832xf32, #tpu.memory_space<vmem>>[vector<16xi32>], vector<16xf32>,
        %parallel_loop3A_733 = arith.constant 50 : i32
        %parallel_loop3A_734 = vector.broadcast %parallel_loop3A_733 : i32 to vector<16xi32>
        %parallel_loop3A_735 = arith.addi %parallel_loop3A_209, %parallel_loop3A_734 : vector<16xi32>
        %parallel_loop3A_736 = arith.constant 2 : i32
        %parallel_loop3A_737 = vector.broadcast %parallel_loop3A_736 : i32 to vector<16xi32>
        %parallel_loop3A_738 = arith.cmpi eq, %gather3A_161, %parallel_loop3A_737 : vector<16xi32>
        %parallel_loop3A_739 = arith.select %parallel_loop3A_738, %parallel_loop3A_704, %broadcast_in_dim3A_39 : vector<16xi1>, vector<16xf32>
        tpu.vector_store_idx %arg7[%parallel_loop3A_735], %parallel_loop3A_739 : memref<24832xf32, #tpu.memory_space<vmem>>[vector<16xi32>], vector<16xf32>,
        %parallel_loop3A_740 = arith.constant 54 : i32
        %parallel_loop3A_741 = vector.broadcast %parallel_loop3A_740 : i32 to vector<16xi32>
        %parallel_loop3A_742 = arith.addi %parallel_loop3A_209, %parallel_loop3A_741 : vector<16xi32>
        %parallel_loop3A_743 = arith.constant 2 : i32
        %parallel_loop3A_744 = vector.broadcast %parallel_loop3A_743 : i32 to vector<16xi32>
        %parallel_loop3A_745 = arith.cmpi eq, %parallel_loop3A_221, %parallel_loop3A_744 : vector<16xi32>
        %parallel_loop3A_746 = arith.select %parallel_loop3A_745, %parallel_loop3A_704, %broadcast_in_dim3A_39 : vector<16xi1>, vector<16xf32>
        tpu.vector_store_idx %arg7[%parallel_loop3A_742], %parallel_loop3A_746 : memref<24832xf32, #tpu.memory_space<vmem>>[vector<16xi32>], vector<16xf32>,
        %parallel_loop3A_747 = arith.constant 51 : i32
        %parallel_loop3A_748 = vector.broadcast %parallel_loop3A_747 : i32 to vector<16xi32>
        %parallel_loop3A_749 = arith.addi %parallel_loop3A_209, %parallel_loop3A_748 : vector<16xi32>
        %parallel_loop3A_750 = arith.constant 3 : i32
        %parallel_loop3A_751 = vector.broadcast %parallel_loop3A_750 : i32 to vector<16xi32>
        %parallel_loop3A_752 = arith.cmpi eq, %gather3A_161, %parallel_loop3A_751 : vector<16xi32>
        %parallel_loop3A_753 = arith.select %parallel_loop3A_752, %parallel_loop3A_704, %broadcast_in_dim3A_39 : vector<16xi1>, vector<16xf32>
        tpu.vector_store_idx %arg7[%parallel_loop3A_749], %parallel_loop3A_753 : memref<24832xf32, #tpu.memory_space<vmem>>[vector<16xi32>], vector<16xf32>,
        %parallel_loop3A_754 = arith.constant 55 : i32
        %parallel_loop3A_755 = vector.broadcast %parallel_loop3A_754 : i32 to vector<16xi32>
        %parallel_loop3A_756 = arith.addi %parallel_loop3A_209, %parallel_loop3A_755 : vector<16xi32>
        %parallel_loop3A_757 = arith.constant 3 : i32
        %parallel_loop3A_758 = vector.broadcast %parallel_loop3A_757 : i32 to vector<16xi32>
        %parallel_loop3A_759 = arith.cmpi eq, %parallel_loop3A_221, %parallel_loop3A_758 : vector<16xi32>
        %parallel_loop3A_760 = arith.select %parallel_loop3A_759, %parallel_loop3A_704, %broadcast_in_dim3A_39 : vector<16xi1>, vector<16xf32>
        tpu.vector_store_idx %arg7[%parallel_loop3A_756], %parallel_loop3A_760 : memref<24832xf32, #tpu.memory_space<vmem>>[vector<16xi32>], vector<16xf32>,
        %parallel_loop3A_761 = arith.constant 272 : i32
        %parallel_loop3A_762 = arith.muli %select_n3A, %parallel_loop3A_761 : i32
        %parallel_loop3A_763 = arith.addi %parallel_loop3A_762, %parallel_loop3A_204 : i32
        %parallel_loop3A_764 = arith.constant 10 : i32
        %parallel_loop3A_765 = arith.addi %parallel_loop3A_763, %parallel_loop3A_764 : i32
        %parallel_loop3A_766 = arith.constant 6 : i32
        %parallel_loop3A_767 = arith.subi %parallel_loop3A_765, %parallel_loop3A_766 : i32
        %parallel_loop3A_768 = arith.index_cast %parallel_loop3A_767 : i32 to index
        %parallel_loop3A_769 = tpu.vector_load %arg5[%parallel_loop3A_768] {strides = array<i32>} : memref<1088xi32, #tpu.memory_space<vmem>>, vector<16xi32>,
        %parallel_loop3A_770 = arith.addi %gather3A_165, %parallel_loop3A_769 : vector<16xi32>
        %parallel_loop3A_771 = arith.constant 3 : i32
        %parallel_loop3A_772 = vector.broadcast %parallel_loop3A_771 : i32 to vector<16xi32>
        %parallel_loop3A_773 = arith.cmpi eq, %parallel_loop3A_770, %parallel_loop3A_772 : vector<16xi32>
        %parallel_loop3A_774 = arith.muli %gather3A_165, %parallel_loop3A_769 : vector<16xi32>
        %parallel_loop3A_775 = arith.constant 6 : i32
        %parallel_loop3A_776 = vector.broadcast %parallel_loop3A_775 : i32 to vector<16xi32>
        %parallel_loop3A_777 = arith.cmpi eq, %parallel_loop3A_774, %parallel_loop3A_776 : vector<16xi32>
        %parallel_loop3A_778 = arith.ori %parallel_loop3A_773, %parallel_loop3A_777 : vector<16xi1>
        %parallel_loop3A_779 = arith.constant 12 : i32
        %parallel_loop3A_780 = arith.addi %add3A_134, %parallel_loop3A_779 : i32
        %parallel_loop3A_781 = arith.constant 7 : i32
        %parallel_loop3A_782 = arith.subi %parallel_loop3A_780, %parallel_loop3A_781 : i32
        %parallel_loop3A_783 = vector.broadcast %parallel_loop3A_782 : i32 to vector<16xi32>
        %parallel_loop3A_784 = arith.cmpi sgt, %parallel_loop3A_206, %parallel_loop3A_783 : vector<16xi32>
        %parallel_loop3A_785 = arith.andi %parallel_loop3A_778, %parallel_loop3A_784 : vector<16xi1>
        %parallel_loop3A_786 = arith.select %parallel_loop3A_785, %parallel_loop3A_214, %broadcast_in_dim3A_39 : vector<16xi1>, vector<16xf32>
        %parallel_loop3A_787 = arith.constant 56 : i32
        %parallel_loop3A_788 = vector.broadcast %parallel_loop3A_787 : i32 to vector<16xi32>
        %parallel_loop3A_789 = arith.addi %parallel_loop3A_209, %parallel_loop3A_788 : vector<16xi32>
        %parallel_loop3A_790 = arith.constant 0 : i32
        %parallel_loop3A_791 = vector.broadcast %parallel_loop3A_790 : i32 to vector<16xi32>
        %parallel_loop3A_792 = arith.cmpi eq, %gather3A_165, %parallel_loop3A_791 : vector<16xi32>
        %parallel_loop3A_793 = arith.select %parallel_loop3A_792, %parallel_loop3A_786, %broadcast_in_dim3A_39 : vector<16xi1>, vector<16xf32>
        tpu.vector_store_idx %arg7[%parallel_loop3A_789], %parallel_loop3A_793 : memref<24832xf32, #tpu.memory_space<vmem>>[vector<16xi32>], vector<16xf32>,
        %parallel_loop3A_794 = arith.constant 60 : i32
        %parallel_loop3A_795 = vector.broadcast %parallel_loop3A_794 : i32 to vector<16xi32>
        %parallel_loop3A_796 = arith.addi %parallel_loop3A_209, %parallel_loop3A_795 : vector<16xi32>
        %parallel_loop3A_797 = arith.constant 0 : i32
        %parallel_loop3A_798 = vector.broadcast %parallel_loop3A_797 : i32 to vector<16xi32>
        %parallel_loop3A_799 = arith.cmpi eq, %parallel_loop3A_769, %parallel_loop3A_798 : vector<16xi32>
        %parallel_loop3A_800 = arith.select %parallel_loop3A_799, %parallel_loop3A_786, %broadcast_in_dim3A_39 : vector<16xi1>, vector<16xf32>
        tpu.vector_store_idx %arg7[%parallel_loop3A_796], %parallel_loop3A_800 : memref<24832xf32, #tpu.memory_space<vmem>>[vector<16xi32>], vector<16xf32>,
        %parallel_loop3A_801 = arith.constant 57 : i32
        %parallel_loop3A_802 = vector.broadcast %parallel_loop3A_801 : i32 to vector<16xi32>
        %parallel_loop3A_803 = arith.addi %parallel_loop3A_209, %parallel_loop3A_802 : vector<16xi32>
        %parallel_loop3A_804 = arith.constant 1 : i32
        %parallel_loop3A_805 = vector.broadcast %parallel_loop3A_804 : i32 to vector<16xi32>
        %parallel_loop3A_806 = arith.cmpi eq, %gather3A_165, %parallel_loop3A_805 : vector<16xi32>
        %parallel_loop3A_807 = arith.select %parallel_loop3A_806, %parallel_loop3A_786, %broadcast_in_dim3A_39 : vector<16xi1>, vector<16xf32>
        tpu.vector_store_idx %arg7[%parallel_loop3A_803], %parallel_loop3A_807 : memref<24832xf32, #tpu.memory_space<vmem>>[vector<16xi32>], vector<16xf32>,
        %parallel_loop3A_808 = arith.constant 61 : i32
        %parallel_loop3A_809 = vector.broadcast %parallel_loop3A_808 : i32 to vector<16xi32>
        %parallel_loop3A_810 = arith.addi %parallel_loop3A_209, %parallel_loop3A_809 : vector<16xi32>
        %parallel_loop3A_811 = arith.constant 1 : i32
        %parallel_loop3A_812 = vector.broadcast %parallel_loop3A_811 : i32 to vector<16xi32>
        %parallel_loop3A_813 = arith.cmpi eq, %parallel_loop3A_769, %parallel_loop3A_812 : vector<16xi32>
        %parallel_loop3A_814 = arith.select %parallel_loop3A_813, %parallel_loop3A_786, %broadcast_in_dim3A_39 : vector<16xi1>, vector<16xf32>
        tpu.vector_store_idx %arg7[%parallel_loop3A_810], %parallel_loop3A_814 : memref<24832xf32, #tpu.memory_space<vmem>>[vector<16xi32>], vector<16xf32>,
        %parallel_loop3A_815 = arith.constant 58 : i32
        %parallel_loop3A_816 = vector.broadcast %parallel_loop3A_815 : i32 to vector<16xi32>
        %parallel_loop3A_817 = arith.addi %parallel_loop3A_209, %parallel_loop3A_816 : vector<16xi32>
        %parallel_loop3A_818 = arith.constant 2 : i32
        %parallel_loop3A_819 = vector.broadcast %parallel_loop3A_818 : i32 to vector<16xi32>
        %parallel_loop3A_820 = arith.cmpi eq, %gather3A_165, %parallel_loop3A_819 : vector<16xi32>
        %parallel_loop3A_821 = arith.select %parallel_loop3A_820, %parallel_loop3A_786, %broadcast_in_dim3A_39 : vector<16xi1>, vector<16xf32>
        tpu.vector_store_idx %arg7[%parallel_loop3A_817], %parallel_loop3A_821 : memref<24832xf32, #tpu.memory_space<vmem>>[vector<16xi32>], vector<16xf32>,
        %parallel_loop3A_822 = arith.constant 62 : i32
        %parallel_loop3A_823 = vector.broadcast %parallel_loop3A_822 : i32 to vector<16xi32>
        %parallel_loop3A_824 = arith.addi %parallel_loop3A_209, %parallel_loop3A_823 : vector<16xi32>
        %parallel_loop3A_825 = arith.constant 2 : i32
        %parallel_loop3A_826 = vector.broadcast %parallel_loop3A_825 : i32 to vector<16xi32>
        %parallel_loop3A_827 = arith.cmpi eq, %parallel_loop3A_769, %parallel_loop3A_826 : vector<16xi32>
        %parallel_loop3A_828 = arith.select %parallel_loop3A_827, %parallel_loop3A_786, %broadcast_in_dim3A_39 : vector<16xi1>, vector<16xf32>
        tpu.vector_store_idx %arg7[%parallel_loop3A_824], %parallel_loop3A_828 : memref<24832xf32, #tpu.memory_space<vmem>>[vector<16xi32>], vector<16xf32>,
        %parallel_loop3A_829 = arith.constant 59 : i32
        %parallel_loop3A_830 = vector.broadcast %parallel_loop3A_829 : i32 to vector<16xi32>
        %parallel_loop3A_831 = arith.addi %parallel_loop3A_209, %parallel_loop3A_830 : vector<16xi32>
        %parallel_loop3A_832 = arith.constant 3 : i32
        %parallel_loop3A_833 = vector.broadcast %parallel_loop3A_832 : i32 to vector<16xi32>
        %parallel_loop3A_834 = arith.cmpi eq, %gather3A_165, %parallel_loop3A_833 : vector<16xi32>
        %parallel_loop3A_835 = arith.select %parallel_loop3A_834, %parallel_loop3A_786, %broadcast_in_dim3A_39 : vector<16xi1>, vector<16xf32>
        tpu.vector_store_idx %arg7[%parallel_loop3A_831], %parallel_loop3A_835 : memref<24832xf32, #tpu.memory_space<vmem>>[vector<16xi32>], vector<16xf32>,
        %parallel_loop3A_836 = arith.constant 63 : i32
        %parallel_loop3A_837 = vector.broadcast %parallel_loop3A_836 : i32 to vector<16xi32>
        %parallel_loop3A_838 = arith.addi %parallel_loop3A_209, %parallel_loop3A_837 : vector<16xi32>
        %parallel_loop3A_839 = arith.constant 3 : i32
        %parallel_loop3A_840 = vector.broadcast %parallel_loop3A_839 : i32 to vector<16xi32>
        %parallel_loop3A_841 = arith.cmpi eq, %parallel_loop3A_769, %parallel_loop3A_840 : vector<16xi32>
        %parallel_loop3A_842 = arith.select %parallel_loop3A_841, %parallel_loop3A_786, %broadcast_in_dim3A_39 : vector<16xi1>, vector<16xf32>
        tpu.vector_store_idx %arg7[%parallel_loop3A_838], %parallel_loop3A_842 : memref<24832xf32, #tpu.memory_space<vmem>>[vector<16xi32>], vector<16xf32>,
        %parallel_loop3A_843 = arith.constant 272 : i32
        %parallel_loop3A_844 = arith.muli %select_n3A, %parallel_loop3A_843 : i32
        %parallel_loop3A_845 = arith.addi %parallel_loop3A_844, %parallel_loop3A_204 : i32
        %parallel_loop3A_846 = arith.constant 10 : i32
        %parallel_loop3A_847 = arith.addi %parallel_loop3A_845, %parallel_loop3A_846 : i32
        %parallel_loop3A_848 = arith.constant 7 : i32
        %parallel_loop3A_849 = arith.subi %parallel_loop3A_847, %parallel_loop3A_848 : i32
        %parallel_loop3A_850 = arith.index_cast %parallel_loop3A_849 : i32 to index
        %parallel_loop3A_851 = tpu.vector_load %arg5[%parallel_loop3A_850] {strides = array<i32>} : memref<1088xi32, #tpu.memory_space<vmem>>, vector<16xi32>,
        %parallel_loop3A_852 = arith.addi %gather3A_169, %parallel_loop3A_851 : vector<16xi32>
        %parallel_loop3A_853 = arith.constant 3 : i32
        %parallel_loop3A_854 = vector.broadcast %parallel_loop3A_853 : i32 to vector<16xi32>
        %parallel_loop3A_855 = arith.cmpi eq, %parallel_loop3A_852, %parallel_loop3A_854 : vector<16xi32>
        %parallel_loop3A_856 = arith.muli %gather3A_169, %parallel_loop3A_851 : vector<16xi32>
        %parallel_loop3A_857 = arith.constant 6 : i32
        %parallel_loop3A_858 = vector.broadcast %parallel_loop3A_857 : i32 to vector<16xi32>
        %parallel_loop3A_859 = arith.cmpi eq, %parallel_loop3A_856, %parallel_loop3A_858 : vector<16xi32>
        %parallel_loop3A_860 = arith.ori %parallel_loop3A_855, %parallel_loop3A_859 : vector<16xi1>
        %parallel_loop3A_861 = arith.constant 14 : i32
        %parallel_loop3A_862 = arith.addi %add3A_134, %parallel_loop3A_861 : i32
        %parallel_loop3A_863 = arith.constant 7 : i32
        %parallel_loop3A_864 = arith.subi %parallel_loop3A_862, %parallel_loop3A_863 : i32
        %parallel_loop3A_865 = vector.broadcast %parallel_loop3A_864 : i32 to vector<16xi32>
        %parallel_loop3A_866 = arith.cmpi sgt, %parallel_loop3A_206, %parallel_loop3A_865 : vector<16xi32>
        %parallel_loop3A_867 = arith.andi %parallel_loop3A_860, %parallel_loop3A_866 : vector<16xi1>
        %parallel_loop3A_868 = arith.select %parallel_loop3A_867, %parallel_loop3A_214, %broadcast_in_dim3A_39 : vector<16xi1>, vector<16xf32>
        %parallel_loop3A_869 = arith.constant 64 : i32
        %parallel_loop3A_870 = vector.broadcast %parallel_loop3A_869 : i32 to vector<16xi32>
        %parallel_loop3A_871 = arith.addi %parallel_loop3A_209, %parallel_loop3A_870 : vector<16xi32>
        %parallel_loop3A_872 = arith.constant 0 : i32
        %parallel_loop3A_873 = vector.broadcast %parallel_loop3A_872 : i32 to vector<16xi32>
        %parallel_loop3A_874 = arith.cmpi eq, %gather3A_169, %parallel_loop3A_873 : vector<16xi32>
        %parallel_loop3A_875 = arith.select %parallel_loop3A_874, %parallel_loop3A_868, %broadcast_in_dim3A_39 : vector<16xi1>, vector<16xf32>
        tpu.vector_store_idx %arg7[%parallel_loop3A_871], %parallel_loop3A_875 : memref<24832xf32, #tpu.memory_space<vmem>>[vector<16xi32>], vector<16xf32>,
        %parallel_loop3A_876 = arith.constant 68 : i32
        %parallel_loop3A_877 = vector.broadcast %parallel_loop3A_876 : i32 to vector<16xi32>
        %parallel_loop3A_878 = arith.addi %parallel_loop3A_209, %parallel_loop3A_877 : vector<16xi32>
        %parallel_loop3A_879 = arith.constant 0 : i32
        %parallel_loop3A_880 = vector.broadcast %parallel_loop3A_879 : i32 to vector<16xi32>
        %parallel_loop3A_881 = arith.cmpi eq, %parallel_loop3A_851, %parallel_loop3A_880 : vector<16xi32>
        %parallel_loop3A_882 = arith.select %parallel_loop3A_881, %parallel_loop3A_868, %broadcast_in_dim3A_39 : vector<16xi1>, vector<16xf32>
        tpu.vector_store_idx %arg7[%parallel_loop3A_878], %parallel_loop3A_882 : memref<24832xf32, #tpu.memory_space<vmem>>[vector<16xi32>], vector<16xf32>,
        %parallel_loop3A_883 = arith.constant 65 : i32
        %parallel_loop3A_884 = vector.broadcast %parallel_loop3A_883 : i32 to vector<16xi32>
        %parallel_loop3A_885 = arith.addi %parallel_loop3A_209, %parallel_loop3A_884 : vector<16xi32>
        %parallel_loop3A_886 = arith.constant 1 : i32
        %parallel_loop3A_887 = vector.broadcast %parallel_loop3A_886 : i32 to vector<16xi32>
        %parallel_loop3A_888 = arith.cmpi eq, %gather3A_169, %parallel_loop3A_887 : vector<16xi32>
        %parallel_loop3A_889 = arith.select %parallel_loop3A_888, %parallel_loop3A_868, %broadcast_in_dim3A_39 : vector<16xi1>, vector<16xf32>
        tpu.vector_store_idx %arg7[%parallel_loop3A_885], %parallel_loop3A_889 : memref<24832xf32, #tpu.memory_space<vmem>>[vector<16xi32>], vector<16xf32>,
        %parallel_loop3A_890 = arith.constant 69 : i32
        %parallel_loop3A_891 = vector.broadcast %parallel_loop3A_890 : i32 to vector<16xi32>
        %parallel_loop3A_892 = arith.addi %parallel_loop3A_209, %parallel_loop3A_891 : vector<16xi32>
        %parallel_loop3A_893 = arith.constant 1 : i32
        %parallel_loop3A_894 = vector.broadcast %parallel_loop3A_893 : i32 to vector<16xi32>
        %parallel_loop3A_895 = arith.cmpi eq, %parallel_loop3A_851, %parallel_loop3A_894 : vector<16xi32>
        %parallel_loop3A_896 = arith.select %parallel_loop3A_895, %parallel_loop3A_868, %broadcast_in_dim3A_39 : vector<16xi1>, vector<16xf32>
        tpu.vector_store_idx %arg7[%parallel_loop3A_892], %parallel_loop3A_896 : memref<24832xf32, #tpu.memory_space<vmem>>[vector<16xi32>], vector<16xf32>,
        %parallel_loop3A_897 = arith.constant 66 : i32
        %parallel_loop3A_898 = vector.broadcast %parallel_loop3A_897 : i32 to vector<16xi32>
        %parallel_loop3A_899 = arith.addi %parallel_loop3A_209, %parallel_loop3A_898 : vector<16xi32>
        %parallel_loop3A_900 = arith.constant 2 : i32
        %parallel_loop3A_901 = vector.broadcast %parallel_loop3A_900 : i32 to vector<16xi32>
        %parallel_loop3A_902 = arith.cmpi eq, %gather3A_169, %parallel_loop3A_901 : vector<16xi32>
        %parallel_loop3A_903 = arith.select %parallel_loop3A_902, %parallel_loop3A_868, %broadcast_in_dim3A_39 : vector<16xi1>, vector<16xf32>
        tpu.vector_store_idx %arg7[%parallel_loop3A_899], %parallel_loop3A_903 : memref<24832xf32, #tpu.memory_space<vmem>>[vector<16xi32>], vector<16xf32>,
        %parallel_loop3A_904 = arith.constant 70 : i32
        %parallel_loop3A_905 = vector.broadcast %parallel_loop3A_904 : i32 to vector<16xi32>
        %parallel_loop3A_906 = arith.addi %parallel_loop3A_209, %parallel_loop3A_905 : vector<16xi32>
        %parallel_loop3A_907 = arith.constant 2 : i32
        %parallel_loop3A_908 = vector.broadcast %parallel_loop3A_907 : i32 to vector<16xi32>
        %parallel_loop3A_909 = arith.cmpi eq, %parallel_loop3A_851, %parallel_loop3A_908 : vector<16xi32>
        %parallel_loop3A_910 = arith.select %parallel_loop3A_909, %parallel_loop3A_868, %broadcast_in_dim3A_39 : vector<16xi1>, vector<16xf32>
        tpu.vector_store_idx %arg7[%parallel_loop3A_906], %parallel_loop3A_910 : memref<24832xf32, #tpu.memory_space<vmem>>[vector<16xi32>], vector<16xf32>,
        %parallel_loop3A_911 = arith.constant 67 : i32
        %parallel_loop3A_912 = vector.broadcast %parallel_loop3A_911 : i32 to vector<16xi32>
        %parallel_loop3A_913 = arith.addi %parallel_loop3A_209, %parallel_loop3A_912 : vector<16xi32>
        %parallel_loop3A_914 = arith.constant 3 : i32
        %parallel_loop3A_915 = vector.broadcast %parallel_loop3A_914 : i32 to vector<16xi32>
        %parallel_loop3A_916 = arith.cmpi eq, %gather3A_169, %parallel_loop3A_915 : vector<16xi32>
        %parallel_loop3A_917 = arith.select %parallel_loop3A_916, %parallel_loop3A_868, %broadcast_in_dim3A_39 : vector<16xi1>, vector<16xf32>
        tpu.vector_store_idx %arg7[%parallel_loop3A_913], %parallel_loop3A_917 : memref<24832xf32, #tpu.memory_space<vmem>>[vector<16xi32>], vector<16xf32>,
        %parallel_loop3A_918 = arith.constant 71 : i32
        %parallel_loop3A_919 = vector.broadcast %parallel_loop3A_918 : i32 to vector<16xi32>
        %parallel_loop3A_920 = arith.addi %parallel_loop3A_209, %parallel_loop3A_919 : vector<16xi32>
        %parallel_loop3A_921 = arith.constant 3 : i32
        %parallel_loop3A_922 = vector.broadcast %parallel_loop3A_921 : i32 to vector<16xi32>
        %parallel_loop3A_923 = arith.cmpi eq, %parallel_loop3A_851, %parallel_loop3A_922 : vector<16xi32>
        %parallel_loop3A_924 = arith.select %parallel_loop3A_923, %parallel_loop3A_868, %broadcast_in_dim3A_39 : vector<16xi1>, vector<16xf32>
        tpu.vector_store_idx %arg7[%parallel_loop3A_920], %parallel_loop3A_924 : memref<24832xf32, #tpu.memory_space<vmem>>[vector<16xi32>], vector<16xf32>,
        %parallel_loop3A_925 = arith.constant 272 : i32
        %parallel_loop3A_926 = arith.muli %select_n3A, %parallel_loop3A_925 : i32
        %parallel_loop3A_927 = arith.addi %parallel_loop3A_926, %parallel_loop3A_204 : i32
        %parallel_loop3A_928 = arith.constant 10 : i32
        %parallel_loop3A_929 = arith.addi %parallel_loop3A_927, %parallel_loop3A_928 : i32
        %parallel_loop3A_930 = arith.constant 8 : i32
        %parallel_loop3A_931 = arith.subi %parallel_loop3A_929, %parallel_loop3A_930 : i32
        %parallel_loop3A_932 = arith.index_cast %parallel_loop3A_931 : i32 to index
        %parallel_loop3A_933 = tpu.vector_load %arg5[%parallel_loop3A_932] {strides = array<i32>} : memref<1088xi32, #tpu.memory_space<vmem>>, vector<16xi32>,
        %parallel_loop3A_934 = arith.addi %gather3A_173, %parallel_loop3A_933 : vector<16xi32>
        %parallel_loop3A_935 = arith.constant 3 : i32
        %parallel_loop3A_936 = vector.broadcast %parallel_loop3A_935 : i32 to vector<16xi32>
        %parallel_loop3A_937 = arith.cmpi eq, %parallel_loop3A_934, %parallel_loop3A_936 : vector<16xi32>
        %parallel_loop3A_938 = arith.muli %gather3A_173, %parallel_loop3A_933 : vector<16xi32>
        %parallel_loop3A_939 = arith.constant 6 : i32
        %parallel_loop3A_940 = vector.broadcast %parallel_loop3A_939 : i32 to vector<16xi32>
        %parallel_loop3A_941 = arith.cmpi eq, %parallel_loop3A_938, %parallel_loop3A_940 : vector<16xi32>
        %parallel_loop3A_942 = arith.ori %parallel_loop3A_937, %parallel_loop3A_941 : vector<16xi1>
        %parallel_loop3A_943 = arith.constant 16 : i32
        %parallel_loop3A_944 = arith.addi %add3A_134, %parallel_loop3A_943 : i32
        %parallel_loop3A_945 = arith.constant 7 : i32
        %parallel_loop3A_946 = arith.subi %parallel_loop3A_944, %parallel_loop3A_945 : i32
        %parallel_loop3A_947 = vector.broadcast %parallel_loop3A_946 : i32 to vector<16xi32>
        %parallel_loop3A_948 = arith.cmpi sgt, %parallel_loop3A_206, %parallel_loop3A_947 : vector<16xi32>
        %parallel_loop3A_949 = arith.andi %parallel_loop3A_942, %parallel_loop3A_948 : vector<16xi1>
        %parallel_loop3A_950 = arith.select %parallel_loop3A_949, %parallel_loop3A_214, %broadcast_in_dim3A_39 : vector<16xi1>, vector<16xf32>
        %parallel_loop3A_951 = arith.constant 72 : i32
        %parallel_loop3A_952 = vector.broadcast %parallel_loop3A_951 : i32 to vector<16xi32>
        %parallel_loop3A_953 = arith.addi %parallel_loop3A_209, %parallel_loop3A_952 : vector<16xi32>
        %parallel_loop3A_954 = arith.constant 0 : i32
        %parallel_loop3A_955 = vector.broadcast %parallel_loop3A_954 : i32 to vector<16xi32>
        %parallel_loop3A_956 = arith.cmpi eq, %gather3A_173, %parallel_loop3A_955 : vector<16xi32>
        %parallel_loop3A_957 = arith.select %parallel_loop3A_956, %parallel_loop3A_950, %broadcast_in_dim3A_39 : vector<16xi1>, vector<16xf32>
        tpu.vector_store_idx %arg7[%parallel_loop3A_953], %parallel_loop3A_957 : memref<24832xf32, #tpu.memory_space<vmem>>[vector<16xi32>], vector<16xf32>,
        %parallel_loop3A_958 = arith.constant 76 : i32
        %parallel_loop3A_959 = vector.broadcast %parallel_loop3A_958 : i32 to vector<16xi32>
        %parallel_loop3A_960 = arith.addi %parallel_loop3A_209, %parallel_loop3A_959 : vector<16xi32>
        %parallel_loop3A_961 = arith.constant 0 : i32
        %parallel_loop3A_962 = vector.broadcast %parallel_loop3A_961 : i32 to vector<16xi32>
        %parallel_loop3A_963 = arith.cmpi eq, %parallel_loop3A_933, %parallel_loop3A_962 : vector<16xi32>
        %parallel_loop3A_964 = arith.select %parallel_loop3A_963, %parallel_loop3A_950, %broadcast_in_dim3A_39 : vector<16xi1>, vector<16xf32>
        tpu.vector_store_idx %arg7[%parallel_loop3A_960], %parallel_loop3A_964 : memref<24832xf32, #tpu.memory_space<vmem>>[vector<16xi32>], vector<16xf32>,
        %parallel_loop3A_965 = arith.constant 73 : i32
        %parallel_loop3A_966 = vector.broadcast %parallel_loop3A_965 : i32 to vector<16xi32>
        %parallel_loop3A_967 = arith.addi %parallel_loop3A_209, %parallel_loop3A_966 : vector<16xi32>
        %parallel_loop3A_968 = arith.constant 1 : i32
        %parallel_loop3A_969 = vector.broadcast %parallel_loop3A_968 : i32 to vector<16xi32>
        %parallel_loop3A_970 = arith.cmpi eq, %gather3A_173, %parallel_loop3A_969 : vector<16xi32>
        %parallel_loop3A_971 = arith.select %parallel_loop3A_970, %parallel_loop3A_950, %broadcast_in_dim3A_39 : vector<16xi1>, vector<16xf32>
        tpu.vector_store_idx %arg7[%parallel_loop3A_967], %parallel_loop3A_971 : memref<24832xf32, #tpu.memory_space<vmem>>[vector<16xi32>], vector<16xf32>,
        %parallel_loop3A_972 = arith.constant 77 : i32
        %parallel_loop3A_973 = vector.broadcast %parallel_loop3A_972 : i32 to vector<16xi32>
        %parallel_loop3A_974 = arith.addi %parallel_loop3A_209, %parallel_loop3A_973 : vector<16xi32>
        %parallel_loop3A_975 = arith.constant 1 : i32
        %parallel_loop3A_976 = vector.broadcast %parallel_loop3A_975 : i32 to vector<16xi32>
        %parallel_loop3A_977 = arith.cmpi eq, %parallel_loop3A_933, %parallel_loop3A_976 : vector<16xi32>
        %parallel_loop3A_978 = arith.select %parallel_loop3A_977, %parallel_loop3A_950, %broadcast_in_dim3A_39 : vector<16xi1>, vector<16xf32>
        tpu.vector_store_idx %arg7[%parallel_loop3A_974], %parallel_loop3A_978 : memref<24832xf32, #tpu.memory_space<vmem>>[vector<16xi32>], vector<16xf32>,
        %parallel_loop3A_979 = arith.constant 74 : i32
        %parallel_loop3A_980 = vector.broadcast %parallel_loop3A_979 : i32 to vector<16xi32>
        %parallel_loop3A_981 = arith.addi %parallel_loop3A_209, %parallel_loop3A_980 : vector<16xi32>
        %parallel_loop3A_982 = arith.constant 2 : i32
        %parallel_loop3A_983 = vector.broadcast %parallel_loop3A_982 : i32 to vector<16xi32>
        %parallel_loop3A_984 = arith.cmpi eq, %gather3A_173, %parallel_loop3A_983 : vector<16xi32>
        %parallel_loop3A_985 = arith.select %parallel_loop3A_984, %parallel_loop3A_950, %broadcast_in_dim3A_39 : vector<16xi1>, vector<16xf32>
        tpu.vector_store_idx %arg7[%parallel_loop3A_981], %parallel_loop3A_985 : memref<24832xf32, #tpu.memory_space<vmem>>[vector<16xi32>], vector<16xf32>,
        %parallel_loop3A_986 = arith.constant 78 : i32
        %parallel_loop3A_987 = vector.broadcast %parallel_loop3A_986 : i32 to vector<16xi32>
        %parallel_loop3A_988 = arith.addi %parallel_loop3A_209, %parallel_loop3A_987 : vector<16xi32>
        %parallel_loop3A_989 = arith.constant 2 : i32
        %parallel_loop3A_990 = vector.broadcast %parallel_loop3A_989 : i32 to vector<16xi32>
        %parallel_loop3A_991 = arith.cmpi eq, %parallel_loop3A_933, %parallel_loop3A_990 : vector<16xi32>
        %parallel_loop3A_992 = arith.select %parallel_loop3A_991, %parallel_loop3A_950, %broadcast_in_dim3A_39 : vector<16xi1>, vector<16xf32>
        tpu.vector_store_idx %arg7[%parallel_loop3A_988], %parallel_loop3A_992 : memref<24832xf32, #tpu.memory_space<vmem>>[vector<16xi32>], vector<16xf32>,
        %parallel_loop3A_993 = arith.constant 75 : i32
        %parallel_loop3A_994 = vector.broadcast %parallel_loop3A_993 : i32 to vector<16xi32>
        %parallel_loop3A_995 = arith.addi %parallel_loop3A_209, %parallel_loop3A_994 : vector<16xi32>
        %parallel_loop3A_996 = arith.constant 3 : i32
        %parallel_loop3A_997 = vector.broadcast %parallel_loop3A_996 : i32 to vector<16xi32>
        %parallel_loop3A_998 = arith.cmpi eq, %gather3A_173, %parallel_loop3A_997 : vector<16xi32>
        %parallel_loop3A_999 = arith.select %parallel_loop3A_998, %parallel_loop3A_950, %broadcast_in_dim3A_39 : vector<16xi1>, vector<16xf32>
        tpu.vector_store_idx %arg7[%parallel_loop3A_995], %parallel_loop3A_999 : memref<24832xf32, #tpu.memory_space<vmem>>[vector<16xi32>], vector<16xf32>,
        %parallel_loop3A_1000 = arith.constant 79 : i32
        %parallel_loop3A_1001 = vector.broadcast %parallel_loop3A_1000 : i32 to vector<16xi32>
        %parallel_loop3A_1002 = arith.addi %parallel_loop3A_209, %parallel_loop3A_1001 : vector<16xi32>
        %parallel_loop3A_1003 = arith.constant 3 : i32
        %parallel_loop3A_1004 = vector.broadcast %parallel_loop3A_1003 : i32 to vector<16xi32>
        %parallel_loop3A_1005 = arith.cmpi eq, %parallel_loop3A_933, %parallel_loop3A_1004 : vector<16xi32>
        %parallel_loop3A_1006 = arith.select %parallel_loop3A_1005, %parallel_loop3A_950, %broadcast_in_dim3A_39 : vector<16xi1>, vector<16xf32>
        tpu.vector_store_idx %arg7[%parallel_loop3A_1002], %parallel_loop3A_1006 : memref<24832xf32, #tpu.memory_space<vmem>>[vector<16xi32>], vector<16xf32>,
        %parallel_loop3A_1007 = arith.constant 272 : i32
        %parallel_loop3A_1008 = arith.muli %select_n3A, %parallel_loop3A_1007 : i32
        %parallel_loop3A_1009 = arith.addi %parallel_loop3A_1008, %parallel_loop3A_204 : i32
        %parallel_loop3A_1010 = arith.constant 10 : i32
        %parallel_loop3A_1011 = arith.addi %parallel_loop3A_1009, %parallel_loop3A_1010 : i32
        %parallel_loop3A_1012 = arith.constant 9 : i32
        %parallel_loop3A_1013 = arith.subi %parallel_loop3A_1011, %parallel_loop3A_1012 : i32
        %parallel_loop3A_1014 = arith.index_cast %parallel_loop3A_1013 : i32 to index
        %parallel_loop3A_1015 = tpu.vector_load %arg5[%parallel_loop3A_1014] {strides = array<i32>} : memref<1088xi32, #tpu.memory_space<vmem>>, vector<16xi32>,
        %parallel_loop3A_1016 = arith.addi %gather3A_177, %parallel_loop3A_1015 : vector<16xi32>
        %parallel_loop3A_1017 = arith.constant 3 : i32
        %parallel_loop3A_1018 = vector.broadcast %parallel_loop3A_1017 : i32 to vector<16xi32>
        %parallel_loop3A_1019 = arith.cmpi eq, %parallel_loop3A_1016, %parallel_loop3A_1018 : vector<16xi32>
        %parallel_loop3A_1020 = arith.muli %gather3A_177, %parallel_loop3A_1015 : vector<16xi32>
        %parallel_loop3A_1021 = arith.constant 6 : i32
        %parallel_loop3A_1022 = vector.broadcast %parallel_loop3A_1021 : i32 to vector<16xi32>
        %parallel_loop3A_1023 = arith.cmpi eq, %parallel_loop3A_1020, %parallel_loop3A_1022 : vector<16xi32>
        %parallel_loop3A_1024 = arith.ori %parallel_loop3A_1019, %parallel_loop3A_1023 : vector<16xi1>
        %parallel_loop3A_1025 = arith.constant 18 : i32
        %parallel_loop3A_1026 = arith.addi %add3A_134, %parallel_loop3A_1025 : i32
        %parallel_loop3A_1027 = arith.constant 7 : i32
        %parallel_loop3A_1028 = arith.subi %parallel_loop3A_1026, %parallel_loop3A_1027 : i32
        %parallel_loop3A_1029 = vector.broadcast %parallel_loop3A_1028 : i32 to vector<16xi32>
        %parallel_loop3A_1030 = arith.cmpi sgt, %parallel_loop3A_206, %parallel_loop3A_1029 : vector<16xi32>
        %parallel_loop3A_1031 = arith.andi %parallel_loop3A_1024, %parallel_loop3A_1030 : vector<16xi1>
        %parallel_loop3A_1032 = arith.select %parallel_loop3A_1031, %parallel_loop3A_214, %broadcast_in_dim3A_39 : vector<16xi1>, vector<16xf32>
        %parallel_loop3A_1033 = arith.constant 80 : i32
        %parallel_loop3A_1034 = vector.broadcast %parallel_loop3A_1033 : i32 to vector<16xi32>
        %parallel_loop3A_1035 = arith.addi %parallel_loop3A_209, %parallel_loop3A_1034 : vector<16xi32>
        %parallel_loop3A_1036 = arith.constant 0 : i32
        %parallel_loop3A_1037 = vector.broadcast %parallel_loop3A_1036 : i32 to vector<16xi32>
        %parallel_loop3A_1038 = arith.cmpi eq, %gather3A_177, %parallel_loop3A_1037 : vector<16xi32>
        %parallel_loop3A_1039 = arith.select %parallel_loop3A_1038, %parallel_loop3A_1032, %broadcast_in_dim3A_39 : vector<16xi1>, vector<16xf32>
        tpu.vector_store_idx %arg7[%parallel_loop3A_1035], %parallel_loop3A_1039 : memref<24832xf32, #tpu.memory_space<vmem>>[vector<16xi32>], vector<16xf32>,
        %parallel_loop3A_1040 = arith.constant 84 : i32
        %parallel_loop3A_1041 = vector.broadcast %parallel_loop3A_1040 : i32 to vector<16xi32>
        %parallel_loop3A_1042 = arith.addi %parallel_loop3A_209, %parallel_loop3A_1041 : vector<16xi32>
        %parallel_loop3A_1043 = arith.constant 0 : i32
        %parallel_loop3A_1044 = vector.broadcast %parallel_loop3A_1043 : i32 to vector<16xi32>
        %parallel_loop3A_1045 = arith.cmpi eq, %parallel_loop3A_1015, %parallel_loop3A_1044 : vector<16xi32>
        %parallel_loop3A_1046 = arith.select %parallel_loop3A_1045, %parallel_loop3A_1032, %broadcast_in_dim3A_39 : vector<16xi1>, vector<16xf32>
        tpu.vector_store_idx %arg7[%parallel_loop3A_1042], %parallel_loop3A_1046 : memref<24832xf32, #tpu.memory_space<vmem>>[vector<16xi32>], vector<16xf32>,
        %parallel_loop3A_1047 = arith.constant 81 : i32
        %parallel_loop3A_1048 = vector.broadcast %parallel_loop3A_1047 : i32 to vector<16xi32>
        %parallel_loop3A_1049 = arith.addi %parallel_loop3A_209, %parallel_loop3A_1048 : vector<16xi32>
        %parallel_loop3A_1050 = arith.constant 1 : i32
        %parallel_loop3A_1051 = vector.broadcast %parallel_loop3A_1050 : i32 to vector<16xi32>
        %parallel_loop3A_1052 = arith.cmpi eq, %gather3A_177, %parallel_loop3A_1051 : vector<16xi32>
        %parallel_loop3A_1053 = arith.select %parallel_loop3A_1052, %parallel_loop3A_1032, %broadcast_in_dim3A_39 : vector<16xi1>, vector<16xf32>
        tpu.vector_store_idx %arg7[%parallel_loop3A_1049], %parallel_loop3A_1053 : memref<24832xf32, #tpu.memory_space<vmem>>[vector<16xi32>], vector<16xf32>,
        %parallel_loop3A_1054 = arith.constant 85 : i32
        %parallel_loop3A_1055 = vector.broadcast %parallel_loop3A_1054 : i32 to vector<16xi32>
        %parallel_loop3A_1056 = arith.addi %parallel_loop3A_209, %parallel_loop3A_1055 : vector<16xi32>
        %parallel_loop3A_1057 = arith.constant 1 : i32
        %parallel_loop3A_1058 = vector.broadcast %parallel_loop3A_1057 : i32 to vector<16xi32>
        %parallel_loop3A_1059 = arith.cmpi eq, %parallel_loop3A_1015, %parallel_loop3A_1058 : vector<16xi32>
        %parallel_loop3A_1060 = arith.select %parallel_loop3A_1059, %parallel_loop3A_1032, %broadcast_in_dim3A_39 : vector<16xi1>, vector<16xf32>
        tpu.vector_store_idx %arg7[%parallel_loop3A_1056], %parallel_loop3A_1060 : memref<24832xf32, #tpu.memory_space<vmem>>[vector<16xi32>], vector<16xf32>,
        %parallel_loop3A_1061 = arith.constant 82 : i32
        %parallel_loop3A_1062 = vector.broadcast %parallel_loop3A_1061 : i32 to vector<16xi32>
        %parallel_loop3A_1063 = arith.addi %parallel_loop3A_209, %parallel_loop3A_1062 : vector<16xi32>
        %parallel_loop3A_1064 = arith.constant 2 : i32
        %parallel_loop3A_1065 = vector.broadcast %parallel_loop3A_1064 : i32 to vector<16xi32>
        %parallel_loop3A_1066 = arith.cmpi eq, %gather3A_177, %parallel_loop3A_1065 : vector<16xi32>
        %parallel_loop3A_1067 = arith.select %parallel_loop3A_1066, %parallel_loop3A_1032, %broadcast_in_dim3A_39 : vector<16xi1>, vector<16xf32>
        tpu.vector_store_idx %arg7[%parallel_loop3A_1063], %parallel_loop3A_1067 : memref<24832xf32, #tpu.memory_space<vmem>>[vector<16xi32>], vector<16xf32>,
        %parallel_loop3A_1068 = arith.constant 86 : i32
        %parallel_loop3A_1069 = vector.broadcast %parallel_loop3A_1068 : i32 to vector<16xi32>
        %parallel_loop3A_1070 = arith.addi %parallel_loop3A_209, %parallel_loop3A_1069 : vector<16xi32>
        %parallel_loop3A_1071 = arith.constant 2 : i32
        %parallel_loop3A_1072 = vector.broadcast %parallel_loop3A_1071 : i32 to vector<16xi32>
        %parallel_loop3A_1073 = arith.cmpi eq, %parallel_loop3A_1015, %parallel_loop3A_1072 : vector<16xi32>
        %parallel_loop3A_1074 = arith.select %parallel_loop3A_1073, %parallel_loop3A_1032, %broadcast_in_dim3A_39 : vector<16xi1>, vector<16xf32>
        tpu.vector_store_idx %arg7[%parallel_loop3A_1070], %parallel_loop3A_1074 : memref<24832xf32, #tpu.memory_space<vmem>>[vector<16xi32>], vector<16xf32>,
        %parallel_loop3A_1075 = arith.constant 83 : i32
        %parallel_loop3A_1076 = vector.broadcast %parallel_loop3A_1075 : i32 to vector<16xi32>
        %parallel_loop3A_1077 = arith.addi %parallel_loop3A_209, %parallel_loop3A_1076 : vector<16xi32>
        %parallel_loop3A_1078 = arith.constant 3 : i32
        %parallel_loop3A_1079 = vector.broadcast %parallel_loop3A_1078 : i32 to vector<16xi32>
        %parallel_loop3A_1080 = arith.cmpi eq, %gather3A_177, %parallel_loop3A_1079 : vector<16xi32>
        %parallel_loop3A_1081 = arith.select %parallel_loop3A_1080, %parallel_loop3A_1032, %broadcast_in_dim3A_39 : vector<16xi1>, vector<16xf32>
        tpu.vector_store_idx %arg7[%parallel_loop3A_1077], %parallel_loop3A_1081 : memref<24832xf32, #tpu.memory_space<vmem>>[vector<16xi32>], vector<16xf32>,
        %parallel_loop3A_1082 = arith.constant 87 : i32
        %parallel_loop3A_1083 = vector.broadcast %parallel_loop3A_1082 : i32 to vector<16xi32>
        %parallel_loop3A_1084 = arith.addi %parallel_loop3A_209, %parallel_loop3A_1083 : vector<16xi32>
        %parallel_loop3A_1085 = arith.constant 3 : i32
        %parallel_loop3A_1086 = vector.broadcast %parallel_loop3A_1085 : i32 to vector<16xi32>
        %parallel_loop3A_1087 = arith.cmpi eq, %parallel_loop3A_1015, %parallel_loop3A_1086 : vector<16xi32>
        %parallel_loop3A_1088 = arith.select %parallel_loop3A_1087, %parallel_loop3A_1032, %broadcast_in_dim3A_39 : vector<16xi1>, vector<16xf32>
        tpu.vector_store_idx %arg7[%parallel_loop3A_1084], %parallel_loop3A_1088 : memref<24832xf32, #tpu.memory_space<vmem>>[vector<16xi32>], vector<16xf32>,
        %parallel_loop3A_1089 = arith.constant 272 : i32
        %parallel_loop3A_1090 = arith.muli %select_n3A, %parallel_loop3A_1089 : i32
        %parallel_loop3A_1091 = arith.addi %parallel_loop3A_1090, %parallel_loop3A_204 : i32
        %parallel_loop3A_1092 = arith.constant 10 : i32
        %parallel_loop3A_1093 = arith.addi %parallel_loop3A_1091, %parallel_loop3A_1092 : i32
        %parallel_loop3A_1094 = arith.constant 10 : i32
        %parallel_loop3A_1095 = arith.subi %parallel_loop3A_1093, %parallel_loop3A_1094 : i32
        %parallel_loop3A_1096 = arith.index_cast %parallel_loop3A_1095 : i32 to index
        %parallel_loop3A_1097 = tpu.vector_load %arg5[%parallel_loop3A_1096] {strides = array<i32>} : memref<1088xi32, #tpu.memory_space<vmem>>, vector<16xi32>,
        %parallel_loop3A_1098 = arith.addi %gather3A_181, %parallel_loop3A_1097 : vector<16xi32>
        %parallel_loop3A_1099 = arith.constant 3 : i32
        %parallel_loop3A_1100 = vector.broadcast %parallel_loop3A_1099 : i32 to vector<16xi32>
        %parallel_loop3A_1101 = arith.cmpi eq, %parallel_loop3A_1098, %parallel_loop3A_1100 : vector<16xi32>
        %parallel_loop3A_1102 = arith.muli %gather3A_181, %parallel_loop3A_1097 : vector<16xi32>
        %parallel_loop3A_1103 = arith.constant 6 : i32
        %parallel_loop3A_1104 = vector.broadcast %parallel_loop3A_1103 : i32 to vector<16xi32>
        %parallel_loop3A_1105 = arith.cmpi eq, %parallel_loop3A_1102, %parallel_loop3A_1104 : vector<16xi32>
        %parallel_loop3A_1106 = arith.ori %parallel_loop3A_1101, %parallel_loop3A_1105 : vector<16xi1>
        %parallel_loop3A_1107 = arith.constant 20 : i32
        %parallel_loop3A_1108 = arith.addi %add3A_134, %parallel_loop3A_1107 : i32
        %parallel_loop3A_1109 = arith.constant 7 : i32
        %parallel_loop3A_1110 = arith.subi %parallel_loop3A_1108, %parallel_loop3A_1109 : i32
        %parallel_loop3A_1111 = vector.broadcast %parallel_loop3A_1110 : i32 to vector<16xi32>
        %parallel_loop3A_1112 = arith.cmpi sgt, %parallel_loop3A_206, %parallel_loop3A_1111 : vector<16xi32>
        %parallel_loop3A_1113 = arith.andi %parallel_loop3A_1106, %parallel_loop3A_1112 : vector<16xi1>
        %parallel_loop3A_1114 = arith.select %parallel_loop3A_1113, %parallel_loop3A_214, %broadcast_in_dim3A_39 : vector<16xi1>, vector<16xf32>
        %parallel_loop3A_1115 = arith.constant 88 : i32
        %parallel_loop3A_1116 = vector.broadcast %parallel_loop3A_1115 : i32 to vector<16xi32>
        %parallel_loop3A_1117 = arith.addi %parallel_loop3A_209, %parallel_loop3A_1116 : vector<16xi32>
        %parallel_loop3A_1118 = arith.constant 0 : i32
        %parallel_loop3A_1119 = vector.broadcast %parallel_loop3A_1118 : i32 to vector<16xi32>
        %parallel_loop3A_1120 = arith.cmpi eq, %gather3A_181, %parallel_loop3A_1119 : vector<16xi32>
        %parallel_loop3A_1121 = arith.select %parallel_loop3A_1120, %parallel_loop3A_1114, %broadcast_in_dim3A_39 : vector<16xi1>, vector<16xf32>
        tpu.vector_store_idx %arg7[%parallel_loop3A_1117], %parallel_loop3A_1121 : memref<24832xf32, #tpu.memory_space<vmem>>[vector<16xi32>], vector<16xf32>,
        %parallel_loop3A_1122 = arith.constant 92 : i32
        %parallel_loop3A_1123 = vector.broadcast %parallel_loop3A_1122 : i32 to vector<16xi32>
        %parallel_loop3A_1124 = arith.addi %parallel_loop3A_209, %parallel_loop3A_1123 : vector<16xi32>
        %parallel_loop3A_1125 = arith.constant 0 : i32
        %parallel_loop3A_1126 = vector.broadcast %parallel_loop3A_1125 : i32 to vector<16xi32>
        %parallel_loop3A_1127 = arith.cmpi eq, %parallel_loop3A_1097, %parallel_loop3A_1126 : vector<16xi32>
        %parallel_loop3A_1128 = arith.select %parallel_loop3A_1127, %parallel_loop3A_1114, %broadcast_in_dim3A_39 : vector<16xi1>, vector<16xf32>
        tpu.vector_store_idx %arg7[%parallel_loop3A_1124], %parallel_loop3A_1128 : memref<24832xf32, #tpu.memory_space<vmem>>[vector<16xi32>], vector<16xf32>,
        %parallel_loop3A_1129 = arith.constant 89 : i32
        %parallel_loop3A_1130 = vector.broadcast %parallel_loop3A_1129 : i32 to vector<16xi32>
        %parallel_loop3A_1131 = arith.addi %parallel_loop3A_209, %parallel_loop3A_1130 : vector<16xi32>
        %parallel_loop3A_1132 = arith.constant 1 : i32
        %parallel_loop3A_1133 = vector.broadcast %parallel_loop3A_1132 : i32 to vector<16xi32>
        %parallel_loop3A_1134 = arith.cmpi eq, %gather3A_181, %parallel_loop3A_1133 : vector<16xi32>
        %parallel_loop3A_1135 = arith.select %parallel_loop3A_1134, %parallel_loop3A_1114, %broadcast_in_dim3A_39 : vector<16xi1>, vector<16xf32>
        tpu.vector_store_idx %arg7[%parallel_loop3A_1131], %parallel_loop3A_1135 : memref<24832xf32, #tpu.memory_space<vmem>>[vector<16xi32>], vector<16xf32>,
        %parallel_loop3A_1136 = arith.constant 93 : i32
        %parallel_loop3A_1137 = vector.broadcast %parallel_loop3A_1136 : i32 to vector<16xi32>
        %parallel_loop3A_1138 = arith.addi %parallel_loop3A_209, %parallel_loop3A_1137 : vector<16xi32>
        %parallel_loop3A_1139 = arith.constant 1 : i32
        %parallel_loop3A_1140 = vector.broadcast %parallel_loop3A_1139 : i32 to vector<16xi32>
        %parallel_loop3A_1141 = arith.cmpi eq, %parallel_loop3A_1097, %parallel_loop3A_1140 : vector<16xi32>
        %parallel_loop3A_1142 = arith.select %parallel_loop3A_1141, %parallel_loop3A_1114, %broadcast_in_dim3A_39 : vector<16xi1>, vector<16xf32>
        tpu.vector_store_idx %arg7[%parallel_loop3A_1138], %parallel_loop3A_1142 : memref<24832xf32, #tpu.memory_space<vmem>>[vector<16xi32>], vector<16xf32>,
        %parallel_loop3A_1143 = arith.constant 90 : i32
        %parallel_loop3A_1144 = vector.broadcast %parallel_loop3A_1143 : i32 to vector<16xi32>
        %parallel_loop3A_1145 = arith.addi %parallel_loop3A_209, %parallel_loop3A_1144 : vector<16xi32>
        %parallel_loop3A_1146 = arith.constant 2 : i32
        %parallel_loop3A_1147 = vector.broadcast %parallel_loop3A_1146 : i32 to vector<16xi32>
        %parallel_loop3A_1148 = arith.cmpi eq, %gather3A_181, %parallel_loop3A_1147 : vector<16xi32>
        %parallel_loop3A_1149 = arith.select %parallel_loop3A_1148, %parallel_loop3A_1114, %broadcast_in_dim3A_39 : vector<16xi1>, vector<16xf32>
        tpu.vector_store_idx %arg7[%parallel_loop3A_1145], %parallel_loop3A_1149 : memref<24832xf32, #tpu.memory_space<vmem>>[vector<16xi32>], vector<16xf32>,
        %parallel_loop3A_1150 = arith.constant 94 : i32
        %parallel_loop3A_1151 = vector.broadcast %parallel_loop3A_1150 : i32 to vector<16xi32>
        %parallel_loop3A_1152 = arith.addi %parallel_loop3A_209, %parallel_loop3A_1151 : vector<16xi32>
        %parallel_loop3A_1153 = arith.constant 2 : i32
        %parallel_loop3A_1154 = vector.broadcast %parallel_loop3A_1153 : i32 to vector<16xi32>
        %parallel_loop3A_1155 = arith.cmpi eq, %parallel_loop3A_1097, %parallel_loop3A_1154 : vector<16xi32>
        %parallel_loop3A_1156 = arith.select %parallel_loop3A_1155, %parallel_loop3A_1114, %broadcast_in_dim3A_39 : vector<16xi1>, vector<16xf32>
        tpu.vector_store_idx %arg7[%parallel_loop3A_1152], %parallel_loop3A_1156 : memref<24832xf32, #tpu.memory_space<vmem>>[vector<16xi32>], vector<16xf32>,
        %parallel_loop3A_1157 = arith.constant 91 : i32
        %parallel_loop3A_1158 = vector.broadcast %parallel_loop3A_1157 : i32 to vector<16xi32>
        %parallel_loop3A_1159 = arith.addi %parallel_loop3A_209, %parallel_loop3A_1158 : vector<16xi32>
        %parallel_loop3A_1160 = arith.constant 3 : i32
        %parallel_loop3A_1161 = vector.broadcast %parallel_loop3A_1160 : i32 to vector<16xi32>
        %parallel_loop3A_1162 = arith.cmpi eq, %gather3A_181, %parallel_loop3A_1161 : vector<16xi32>
        %parallel_loop3A_1163 = arith.select %parallel_loop3A_1162, %parallel_loop3A_1114, %broadcast_in_dim3A_39 : vector<16xi1>, vector<16xf32>
        tpu.vector_store_idx %arg7[%parallel_loop3A_1159], %parallel_loop3A_1163 : memref<24832xf32, #tpu.memory_space<vmem>>[vector<16xi32>], vector<16xf32>,
        %parallel_loop3A_1164 = arith.constant 95 : i32
        %parallel_loop3A_1165 = vector.broadcast %parallel_loop3A_1164 : i32 to vector<16xi32>
        %parallel_loop3A_1166 = arith.addi %parallel_loop3A_209, %parallel_loop3A_1165 : vector<16xi32>
        %parallel_loop3A_1167 = arith.constant 3 : i32
        %parallel_loop3A_1168 = vector.broadcast %parallel_loop3A_1167 : i32 to vector<16xi32>
        %parallel_loop3A_1169 = arith.cmpi eq, %parallel_loop3A_1097, %parallel_loop3A_1168 : vector<16xi32>
        %parallel_loop3A_1170 = arith.select %parallel_loop3A_1169, %parallel_loop3A_1114, %broadcast_in_dim3A_39 : vector<16xi1>, vector<16xf32>
        tpu.vector_store_idx %arg7[%parallel_loop3A_1166], %parallel_loop3A_1170 : memref<24832xf32, #tpu.memory_space<vmem>>[vector<16xi32>], vector<16xf32>,
      } {sc.loop_unroll_factor = 4 : i64, sc.parallel_access}
      %gt3A_185 = arith.constant 0 : i32
      %gt3A_186 = arith.cmpi sgt, %add3A_67, %gt3A_185 : i32
      %convert_element_type3A_187 = arith.extui %gt3A_186 : i1 to i32
      %cond3A_188 = arith.constant 0 : i32
      %cond3A_189 = arith.cmpi ne, %convert_element_type3A_187, %cond3A_188 : i32
      scf.if %cond3A_189 {
        %dma_wait3A_202 = arith.constant 0 : i32
        %dma_wait3A_203 = arith.constant 0 : i32
        %dma_wait3A_204 = arith.constant 0 : i32
        %dma_wait3A_205 = arith.constant 0 : i32
        %dma_wait3A_206 = tpu.memref_slice %arg4[%dma_wait3A_202, %dma_wait3A_203, %dma_wait3A_204, %dma_wait3A_205] : memref<4x256x256x96xf32, #tpu.memory_space<hbm>> -> memref<1x1x256x96xf32, #tpu.memory_space<hbm>>
        %dma_wait3A_207 = tpu.memref_squeeze %dma_wait3A_206 : memref<1x1x256x96xf32, #tpu.memory_space<hbm>> -> memref<256x96xf32, #tpu.memory_space<hbm>>
        %dma_wait3A_208 = arith.constant 0 : i32
        %dma_wait3A_209 = arith.constant 0 : i32
        %dma_wait3A_210 = tpu.memref_slice %arg4[%dma_wait3A_202, %dma_wait3A_203, %dma_wait3A_208, %dma_wait3A_209] : memref<4x256x256x96xf32, #tpu.memory_space<hbm>> -> memref<1x1x256x96xf32, #tpu.memory_space<hbm>>
        %dma_wait3A_211 = tpu.memref_squeeze %dma_wait3A_210 : memref<1x1x256x96xf32, #tpu.memory_space<hbm>> -> memref<256x96xf32, #tpu.memory_space<hbm>>
        tpu.wait_dma2 semaphore(%arg11 : memref<!tpu.dma_semaphore, #tpu.memory_space<semaphore_mem>>) src(%arg9 : memref<256x96xf32, #tpu.memory_space<vmem>>) dst(%dma_wait3A_211 : memref<256x96xf32, #tpu.memory_space<hbm>>)
      } else {
      }
      %parallel_loop3A_190 = arith.constant 0 : i32
      %parallel_loop3A_191 = arith.constant 256 : i32
      %parallel_loop3A_192 = arith.constant 1 : i32
      scf.for %parallel_loop3A_202 = %parallel_loop3A_190 to %parallel_loop3A_191 step %parallel_loop3A_192  : i32 {
        %parallel_loop3A_203 = arith.constant 97 : i32
        %parallel_loop3A_204 = arith.muli %parallel_loop3A_202, %parallel_loop3A_203 : i32
        %parallel_loop3A_205 = arith.constant 0 : i32
        %parallel_loop3A_206 = arith.addi %parallel_loop3A_204, %parallel_loop3A_205 : i32
        %parallel_loop3A_207 = vector.broadcast %parallel_loop3A_206 : i32 to vector<16xi32>
        %parallel_loop3A_208 = arith.addi %iota3A, %parallel_loop3A_207 : vector<16xi32>
        %parallel_loop3A_209 = tpu.vector_load_idx %arg7[%parallel_loop3A_208] : memref<24832xf32, #tpu.memory_space<vmem>>[vector<16xi32>], vector<16xf32>,
        %parallel_loop3A_210 = arith.index_cast %parallel_loop3A_202 : i32 to index
        %parallel_loop3A_211 = arith.constant 0 : index
        %parallel_loop3A_212 = tpu.vector_load %arg9[%parallel_loop3A_210, %parallel_loop3A_211] {strides = array<i32>} : memref<256x96xf32, #tpu.memory_space<vmem>>, vector<16xf32>,
        tpu.vector_store %arg9[%parallel_loop3A_210, %parallel_loop3A_211], %parallel_loop3A_209 {strides = array<i32>} : memref<256x96xf32, #tpu.memory_space<vmem>>, vector<16xf32>,
        %parallel_loop3A_213 = arith.constant 16 : i32
        %parallel_loop3A_214 = arith.addi %parallel_loop3A_204, %parallel_loop3A_213 : i32
        %parallel_loop3A_215 = vector.broadcast %parallel_loop3A_214 : i32 to vector<16xi32>
        %parallel_loop3A_216 = arith.addi %iota3A, %parallel_loop3A_215 : vector<16xi32>
        %parallel_loop3A_217 = tpu.vector_load_idx %arg7[%parallel_loop3A_216] : memref<24832xf32, #tpu.memory_space<vmem>>[vector<16xi32>], vector<16xf32>,
        %parallel_loop3A_218 = arith.index_cast %parallel_loop3A_202 : i32 to index
        %parallel_loop3A_219 = arith.constant 16 : index
        %parallel_loop3A_220 = tpu.vector_load %arg9[%parallel_loop3A_218, %parallel_loop3A_219] {strides = array<i32>} : memref<256x96xf32, #tpu.memory_space<vmem>>, vector<16xf32>,
        tpu.vector_store %arg9[%parallel_loop3A_218, %parallel_loop3A_219], %parallel_loop3A_217 {strides = array<i32>} : memref<256x96xf32, #tpu.memory_space<vmem>>, vector<16xf32>,
        %parallel_loop3A_221 = arith.constant 32 : i32
        %parallel_loop3A_222 = arith.addi %parallel_loop3A_204, %parallel_loop3A_221 : i32
        %parallel_loop3A_223 = vector.broadcast %parallel_loop3A_222 : i32 to vector<16xi32>
        %parallel_loop3A_224 = arith.addi %iota3A, %parallel_loop3A_223 : vector<16xi32>
        %parallel_loop3A_225 = tpu.vector_load_idx %arg7[%parallel_loop3A_224] : memref<24832xf32, #tpu.memory_space<vmem>>[vector<16xi32>], vector<16xf32>,
        %parallel_loop3A_226 = arith.index_cast %parallel_loop3A_202 : i32 to index
        %parallel_loop3A_227 = arith.constant 32 : index
        %parallel_loop3A_228 = tpu.vector_load %arg9[%parallel_loop3A_226, %parallel_loop3A_227] {strides = array<i32>} : memref<256x96xf32, #tpu.memory_space<vmem>>, vector<16xf32>,
        tpu.vector_store %arg9[%parallel_loop3A_226, %parallel_loop3A_227], %parallel_loop3A_225 {strides = array<i32>} : memref<256x96xf32, #tpu.memory_space<vmem>>, vector<16xf32>,
        %parallel_loop3A_229 = arith.constant 48 : i32
        %parallel_loop3A_230 = arith.addi %parallel_loop3A_204, %parallel_loop3A_229 : i32
        %parallel_loop3A_231 = vector.broadcast %parallel_loop3A_230 : i32 to vector<16xi32>
        %parallel_loop3A_232 = arith.addi %iota3A, %parallel_loop3A_231 : vector<16xi32>
        %parallel_loop3A_233 = tpu.vector_load_idx %arg7[%parallel_loop3A_232] : memref<24832xf32, #tpu.memory_space<vmem>>[vector<16xi32>], vector<16xf32>,
        %parallel_loop3A_234 = arith.index_cast %parallel_loop3A_202 : i32 to index
        %parallel_loop3A_235 = arith.constant 48 : index
        %parallel_loop3A_236 = tpu.vector_load %arg9[%parallel_loop3A_234, %parallel_loop3A_235] {strides = array<i32>} : memref<256x96xf32, #tpu.memory_space<vmem>>, vector<16xf32>,
        tpu.vector_store %arg9[%parallel_loop3A_234, %parallel_loop3A_235], %parallel_loop3A_233 {strides = array<i32>} : memref<256x96xf32, #tpu.memory_space<vmem>>, vector<16xf32>,
        %parallel_loop3A_237 = arith.constant 64 : i32
        %parallel_loop3A_238 = arith.addi %parallel_loop3A_204, %parallel_loop3A_237 : i32
        %parallel_loop3A_239 = vector.broadcast %parallel_loop3A_238 : i32 to vector<16xi32>
        %parallel_loop3A_240 = arith.addi %iota3A, %parallel_loop3A_239 : vector<16xi32>
        %parallel_loop3A_241 = tpu.vector_load_idx %arg7[%parallel_loop3A_240] : memref<24832xf32, #tpu.memory_space<vmem>>[vector<16xi32>], vector<16xf32>,
        %parallel_loop3A_242 = arith.index_cast %parallel_loop3A_202 : i32 to index
        %parallel_loop3A_243 = arith.constant 64 : index
        %parallel_loop3A_244 = tpu.vector_load %arg9[%parallel_loop3A_242, %parallel_loop3A_243] {strides = array<i32>} : memref<256x96xf32, #tpu.memory_space<vmem>>, vector<16xf32>,
        tpu.vector_store %arg9[%parallel_loop3A_242, %parallel_loop3A_243], %parallel_loop3A_241 {strides = array<i32>} : memref<256x96xf32, #tpu.memory_space<vmem>>, vector<16xf32>,
        %parallel_loop3A_245 = arith.constant 80 : i32
        %parallel_loop3A_246 = arith.addi %parallel_loop3A_204, %parallel_loop3A_245 : i32
        %parallel_loop3A_247 = vector.broadcast %parallel_loop3A_246 : i32 to vector<16xi32>
        %parallel_loop3A_248 = arith.addi %iota3A, %parallel_loop3A_247 : vector<16xi32>
        %parallel_loop3A_249 = tpu.vector_load_idx %arg7[%parallel_loop3A_248] : memref<24832xf32, #tpu.memory_space<vmem>>[vector<16xi32>], vector<16xf32>,
        %parallel_loop3A_250 = arith.index_cast %parallel_loop3A_202 : i32 to index
        %parallel_loop3A_251 = arith.constant 80 : index
        %parallel_loop3A_252 = tpu.vector_load %arg9[%parallel_loop3A_250, %parallel_loop3A_251] {strides = array<i32>} : memref<256x96xf32, #tpu.memory_space<vmem>>, vector<16xf32>,
        tpu.vector_store %arg9[%parallel_loop3A_250, %parallel_loop3A_251], %parallel_loop3A_249 {strides = array<i32>} : memref<256x96xf32, #tpu.memory_space<vmem>>, vector<16xf32>,
      } {sc.loop_unroll_factor = 4 : i64, sc.parallel_access}
      %add3A_193 = arith.addi %mul3A_32, %add3A_133 : i32
      %dma_start3A_194 = arith.constant 0 : i32
      %dma_start3A_195 = arith.constant 0 : i32
      %dma_start3A_196 = tpu.memref_slice %arg4[%select_n3A, %add3A_193, %dma_start3A_194, %dma_start3A_195] : memref<4x256x256x96xf32, #tpu.memory_space<hbm>> -> memref<1x1x256x96xf32, #tpu.memory_space<hbm>>
      %dma_start3A_197 = tpu.memref_squeeze %dma_start3A_196 : memref<1x1x256x96xf32, #tpu.memory_space<hbm>> -> memref<256x96xf32, #tpu.memory_space<hbm>>
      %dma_start3A_198 = arith.constant 0 : i32
      %dma_start3A_199 = arith.constant 0 : i32
      %dma_start3A_200 = tpu.memref_slice %arg4[%select_n3A, %add3A_193, %dma_start3A_198, %dma_start3A_199] : memref<4x256x256x96xf32, #tpu.memory_space<hbm>> -> memref<1x1x256x96xf32, #tpu.memory_space<hbm>>
      %dma_start3A_201 = tpu.memref_squeeze %dma_start3A_200 : memref<1x1x256x96xf32, #tpu.memory_space<hbm>> -> memref<256x96xf32, #tpu.memory_space<hbm>>
      tpu.enqueue_dma source(%arg9 : memref<256x96xf32, #tpu.memory_space<vmem>>) target(%dma_start3A_201 : memref<256x96xf32, #tpu.memory_space<hbm>>) target_semaphore(%arg11 : memref<!tpu.dma_semaphore, #tpu.memory_space<semaphore_mem>>)
    }
    %scan3A_43 = arith.constant 16 : i32
    %dma_wait3A = arith.constant 0 : i32
    %dma_wait3A_44 = arith.constant 0 : i32
    %dma_wait3A_45 = arith.constant 0 : i32
    %dma_wait3A_46 = arith.constant 0 : i32
    %dma_wait3A_47 = tpu.memref_slice %arg4[%dma_wait3A, %dma_wait3A_44, %dma_wait3A_45, %dma_wait3A_46] : memref<4x256x256x96xf32, #tpu.memory_space<hbm>> -> memref<1x1x256x96xf32, #tpu.memory_space<hbm>>
    %dma_wait3A_48 = tpu.memref_squeeze %dma_wait3A_47 : memref<1x1x256x96xf32, #tpu.memory_space<hbm>> -> memref<256x96xf32, #tpu.memory_space<hbm>>
    %dma_wait3A_49 = arith.constant 0 : i32
    %dma_wait3A_50 = arith.constant 0 : i32
    %dma_wait3A_51 = tpu.memref_slice %arg4[%dma_wait3A, %dma_wait3A_44, %dma_wait3A_49, %dma_wait3A_50] : memref<4x256x256x96xf32, #tpu.memory_space<hbm>> -> memref<1x1x256x96xf32, #tpu.memory_space<hbm>>
    %dma_wait3A_52 = tpu.memref_squeeze %dma_wait3A_51 : memref<1x1x256x96xf32, #tpu.memory_space<hbm>> -> memref<256x96xf32, #tpu.memory_space<hbm>>
    tpu.wait_dma2 semaphore(%arg10 : memref<!tpu.dma_semaphore, #tpu.memory_space<semaphore_mem>>) src(%arg8 : memref<256x96xf32, #tpu.memory_space<vmem>>) dst(%dma_wait3A_52 : memref<256x96xf32, #tpu.memory_space<hbm>>)
    %dma_wait3A_53 = arith.constant 0 : i32
    %dma_wait3A_54 = arith.constant 0 : i32
    %dma_wait3A_55 = arith.constant 0 : i32
    %dma_wait3A_56 = arith.constant 0 : i32
    %dma_wait3A_57 = tpu.memref_slice %arg4[%dma_wait3A_53, %dma_wait3A_54, %dma_wait3A_55, %dma_wait3A_56] : memref<4x256x256x96xf32, #tpu.memory_space<hbm>> -> memref<1x1x256x96xf32, #tpu.memory_space<hbm>>
    %dma_wait3A_58 = tpu.memref_squeeze %dma_wait3A_57 : memref<1x1x256x96xf32, #tpu.memory_space<hbm>> -> memref<256x96xf32, #tpu.memory_space<hbm>>
    %dma_wait3A_59 = arith.constant 0 : i32
    %dma_wait3A_60 = arith.constant 0 : i32
    %dma_wait3A_61 = tpu.memref_slice %arg4[%dma_wait3A_53, %dma_wait3A_54, %dma_wait3A_59, %dma_wait3A_60] : memref<4x256x256x96xf32, #tpu.memory_space<hbm>> -> memref<1x1x256x96xf32, #tpu.memory_space<hbm>>
    %dma_wait3A_62 = tpu.memref_squeeze %dma_wait3A_61 : memref<1x1x256x96xf32, #tpu.memory_space<hbm>> -> memref<256x96xf32, #tpu.memory_space<hbm>>
    tpu.wait_dma2 semaphore(%arg11 : memref<!tpu.dma_semaphore, #tpu.memory_space<semaphore_mem>>) src(%arg9 : memref<256x96xf32, #tpu.memory_space<vmem>>) dst(%dma_wait3A_62 : memref<256x96xf32, #tpu.memory_space<hbm>>)
    return
  }
}

</mosaic_0001>

<sc_bundles>
// kernel: kernel.3.cloned.1.call-start
scs
__scs_entry_jumppad:
0x0: {  	(pc) =	sbr.rel $0x88, $3  }
0x1: {  	(tag) =	ssettag $0x0;
	lr =	simm.s32 $0x1  }
0x2: {  	[smem:$0x3F9F] =	sst lr;
	_ =	strace $0xD0000000  }
0x3: {  	_ = 	snop  }
0x4: {  	_ = 	snop  }
0x5: {  	_ = 	snop  }
0x6: {  	_ = 	snop  }
0x7: {  	_ = 	snop  }
__scs_overlays_trampoline_lowered:
0x8: {  	[smem:$0x3FAE] =	sst s0  }
0x9: {  	[smem:$0x3FAF] =	sst s1  }
0xa: {  	[smem:$0x3FB0] =	sst s2  }
0xb: {  	[smem:$0x3FB1] =	sst s3  }
0xc: {  	[smem:$0x3FB2] =	sst s4  }
0xd: {  	[smem:$0x3FB3] =	sst s5  }
0xe: {  	[smem:$0x3FB4] =	sst s6  }
0xf: {  	[smem:$0x3FB5] =	sst s7  }
0x10: {  	[smem:$0x3FB6] =	sst s8  }
0x11: {  	[smem:$0x3FB7] =	sst s9;
	s0 =	simm.s32 @!p0 $0x0  }
0x12: {  	s1 =	sld [smem:$0x3F9D];
	s0 =	simm.s32 @p0 $0x1  }
0x13: {  	[smem:$0x3FB8] =	sst s0;
	s0 =	simm.s32 @!p1 $0x0  }
0x14: {  	s2 =	sld [smem:$0x3F9C];
	s0 =	simm.s32 @p1 $0x1  }
0x15: {  	[smem:$0x3FB9] =	sst s0;
	s0 =	simm.s32 @!p2 $0x0  }
0x16: {  	s3 =	sld [smem:$0x3FDB];
	s0 =	simm.s32 @p2 $0x1  }
0x17: {  	s4 =	simm.s32 $0x1BF5;
	[smem:$0x3FBB] =	sst s0  }
0x18: {  	s0 =	sld [smem:$0x3F9E];
	_ =	swait.ge [sflag:s4], $0x0  }
0x19: {  	s7 =	sld [smem:$0x3F9F]  }
0x1a: {  	s8 =	sadd.s32 $0xFFFFE003, lr  }
0x1b: {  	s9 =	sadd.s32 $0xFFFFFEF7, lr;
	s5 =	simm.s32 $0xFFFFFFFF;
	p2 =	slt.u32 s8, $0xFFFFF086  }
0x1c: {  	p1 =	slt.u32 s9, $0xF7A;
	s5 =	simm.s32 @!p2 $0x0  }
0x1d: {  	s5 =	simm.s32 @p1 $0x1;
	p0 =	seq.s32 s7, s2  }
0x1e: {  	s7 =	smul.u32 @!p0 $0xF7A, s2;
	p2 =	seq.s32 @!p0 s5, $0x0  }
0x1f: {  	s9 =	smul.u32 $0xF7A, s1;
	s8 =	simm.s32 @!p0 $0x1BF5;
	p2 =	por !p2, p0  }
0x20: {  	[sflag:s8] =	ssyncset.s32 @!p0 $0xFFFFF086;
	s6 =	sadd.s32 @!p0 s3, s7;
	s7 =	simm.s32 @!p0 $0x108  }
0x21: {  	s3 =	sadd.s32 s3, s9;
	s6 =	sadd.s32 @!p0 $0x88, s6;
	s7 =	simm.s32 @p2 $0x1082  }
0x22: {  	[simem:s7], [sflag:s8] =	dma.local @!p0 [hbm:s6], $0xF7A  }
0x23: {  	s9 =	sor.u32 $0xD0000000, s2;
	s6 =	simm.s32 $0x108;
	_ =	swait.ge @!p0 [sflag:s8], $0x0  }
0x24: {  	s3 =	sadd.s32 $0x88, s3;
	s6 =	simm.s32 @!p1 $0x1082;
	[sflag:s4] =	ssyncset.s32 $0xFFFFF086  }
0x25: {  	[simem:s6], [sflag:s4] =	dma.local [hbm:s3], $0xF7A  }
0x26: {  	[smem:$0x3F9F] =	sst s1;
	(tag) =	ssettag s2;
	_ =	strace s9  }
0x27: {  	s1 =	sld [smem:$0x3FAF]  }
0x28: {  	s2 =	sld [smem:$0x3FB0]  }
0x29: {  	s4 =	sld [smem:$0x3FB2]  }
0x2a: {  	p0 =	seq.s32 s5, $0x0;
	s5 =	sld [smem:$0x3FB3]  }
0x2b: {  	s6 =	sld [smem:$0x3FB4]  }
0x2c: {  	s7 =	sld [smem:$0x3FB5]  }
0x2d: {  	s3 =	simm.s32 $0x108;
	s8 =	sld [smem:$0x3FB6]  }
0x2e: {  	s3 =	simm.s32 @!p0 $0x1082;
	s9 =	sld [smem:$0x3FB7]  }
0x2f: {  	lr =	sadd.s32 s0, s3;
	s0 =	sld [smem:$0x3FAE]  }
0x30: {  	s3 =	sld [smem:$0x3FB1]  }
0x31: {  	[smem:$0x3FBA] =	sst s10  }
0x32: {  	s10 =	sld [smem:$0x3FB8];
	_ =	sdelay $0x3  }
0x33: {  	p0 =	seq.s32 s10, $0x1;
	s10 =	sld [smem:$0x3FBA];
	_ =	sdelay $0x3  }
0x34: {  	[smem:$0x3FBA] =	sst s10  }
0x35: {  	s10 =	sld [smem:$0x3FB9];
	_ =	sdelay $0x3  }
0x36: {  	p1 =	seq.s32 s10, $0x1;
	s10 =	sld [smem:$0x3FBA];
	_ =	sdelay $0x3  }
0x37: {  	[smem:$0x3FBA] =	sst s10  }
0x38: {  	s10 =	sld [smem:$0x3FBB]  }
0x39: {  	_ = 	snop;
	(pc) =	sbr.ind lr, $3  }
0x3a: {  	_ = 	snop  }
0x3b: {  	_ = 	snop  }
0x3c: {  	p2 =	seq.s32 s10, $0x1;
	s10 =	sld [smem:$0x3FBA]  }
0x3d: {  	_ =	shalt  }
0x3e: {  	_ =	shalt  }
0x3f: {  	_ =	shalt  }
0x40: {  	_ =	shalt  }
0x41: {  	_ =	shalt  }
0x42: {  	_ =	shalt  }
0x43: {  	_ =	shalt  }
0x44: {  	_ =	shalt  }
0x45: {  	_ =	shalt  }
0x46: {  	_ =	shalt  }
0x47: {  	_ =	shalt  }
0x48: {  	_ =	shalt  }
0x49: {  	_ =	shalt  }
0x4a: {  	_ =	shalt  }
0x4b: {  	_ =	shalt  }
0x4c: {  	_ =	shalt  }
0x4d: {  	_ =	shalt  }
0x4e: {  	_ =	shalt  }
0x4f: {  	_ =	shalt  }
0x50: {  	_ =	shalt  }
0x51: {  	_ =	shalt  }
0x52: {  	_ =	shalt  }
0x53: {  	_ =	shalt  }
0x54: {  	_ =	shalt  }
0x55: {  	_ =	shalt  }
0x56: {  	_ =	shalt  }
0x57: {  	_ =	shalt  }
0x58: {  	_ =	shalt  }
0x59: {  	_ =	shalt  }
0x5a: {  	_ =	shalt  }
0x5b: {  	_ =	shalt  }
0x5c: {  	_ =	shalt  }
0x5d: {  	_ =	shalt  }
0x5e: {  	_ =	shalt  }
0x5f: {  	_ =	shalt  }
0x60: {  	_ =	shalt  }
0x61: {  	_ =	shalt  }
0x62: {  	_ =	shalt  }
0x63: {  	_ =	shalt  }
0x64: {  	_ =	shalt  }
0x65: {  	_ =	shalt  }
0x66: {  	_ =	shalt  }
0x67: {  	_ =	shalt  }
0x68: {  	_ =	shalt  }
0x69: {  	_ =	shalt  }
0x6a: {  	_ =	shalt  }
0x6b: {  	_ =	shalt  }
0x6c: {  	_ =	shalt  }
0x6d: {  	_ =	shalt  }
0x6e: {  	_ =	shalt  }
0x6f: {  	_ =	shalt  }
0x70: {  	_ =	shalt  }
0x71: {  	_ =	shalt  }
0x72: {  	_ =	shalt  }
0x73: {  	_ =	shalt  }
0x74: {  	_ =	shalt  }
0x75: {  	_ =	shalt  }
0x76: {  	_ =	shalt  }
0x77: {  	_ =	shalt  }
0x78: {  	_ =	shalt  }
0x79: {  	_ =	shalt  }
0x7a: {  	_ =	shalt  }
0x7b: {  	_ =	shalt  }
0x7c: {  	_ =	shalt  }
0x7d: {  	_ =	shalt  }
0x7e: {  	_ =	shalt  }
0x7f: {  	_ =	shalt  }
0x80: {  	_ =	shalt  }
0x81: {  	_ =	shalt  }
0x82: {  	_ =	shalt  }
0x83: {  	_ =	shalt  }
0x84: {  	_ =	shalt  }
0x85: {  	_ =	shalt  }
0x86: {  	_ =	shalt  }
0x87: {  	_ =	shalt  }
.Lfunc_end0:
.L_simem_size_0:
called_computation_lowered:
.L_overlay_start_0:
0x88: {  	s2 =	sld [smem:$0x3FD9]  }
0x89: {  	s3 =	sld [smem:$0x3FFE];
	_ =	sdelay $0x1  }
0x8a: {  	s1 =	srdreg.scid  }
0x8b: {  	s0 =	sand.u32 $0x1, s1  }
0x8c: {  	s17 =	sshll.u32 s0, $0xA;
	s2 =	sadd.s32 s3, s2  }
0x8d: {  	s2 =	sadd.s32 s2, s17  }
0x8e: {  	[smem:$0x3FC6] =	sst s2  }
0x8f: {  	_ = 	snop  }
0x90: {  	s2 =	sld [smem:$0x3FD0];
	(tm) =	ssettm $0x1  }
0x91: {  	s18 =	sld [smem:$0x3FFB];
	_ =	sdelay $0x3  }
0x92: {  	_ =	strace s18  }
0x93: {  	s3 =	sld [smem:$0x3FFC];
	_ =	sdelay $0x3  }
0x94: {  	_ =	strace s3  }
0x95: {  	s3 =	sld [smem:$0x3FFD];
	_ =	sdelay $0x3  }
0x96: {  	_ =	strace s3  }
0x97: {  	_ =	strace $0x8FFFFFFF  }
0x98: {  	s19 =	sld [smem:$0x3FDB];
	_ =	sdelay $0x1  }
0x99: {  	s4 =	simm.s32 $_scs_section_size  }
0x9a: {  	s5 =	simm.s32 $_size__tile_overlayer_lowered;
	s6 =	simm.s32 $_tile_overlayer_lowered  }
0x9b: {  	s22 =	simm.s32 $0x1BFF;
	s21 =	sshll.u32 s6, $0x1;
	s3 =	sadd.s32 s4, s19  }
0x9c: {  	s7 =	simm.s32 $0x0;
	s20 =	sshll.u32 s5, $0x1;
	s5 =	sadd.s32 s21, s3  }
0x9d: {  	[timem:s7], [sflag:s22] =	dma.local [hbm:s5], s20  }
0x9e: {  	_ =	swait.ge [sflag:s22], s20  }
0x9f: {  	s4 =	ssub.s32 $0x0, s20;
	[sflag:s22] =	ssyncset.done $0x0  }
0xa0: {  	[sflag:s22] =	ssyncadd.s32 s4;
	_ =	sdelay $0x1  }
0xa1: {  	s23 =	simm.s32 $0x1B8B  }
0xa2: {  	_ =	swait.ge [sflag:s23], $0x1  }
0xa3: {  	[sflag:s23] =	ssyncset.done $0x0  }
0xa4: {  	s25 =	simm.s32 $0x1B8E;
	s24 =	sld [smem:$0x3FFE];
	[sflag:s23] =	ssyncadd.s32 $0xFFFFFFFF  }
0xa5: {  	s26 =	simm.s32 $execute0_lowered;
	[smem:$0x3FD2] =	sst s25  }
0xa6: {  	s5 =	sshll.u32 s26, $0x1;
	_ =	strace $0x80000046;
	[dreg:$0x1] =	wrdreg $0xFFFFFFFF  }
0xa7: {  	s28 =	simm.s32 $_size_execute0_lowered;
	s3 =	sadd.s32 s3, s5;
	[dreg:$0x0] =	wrdreg $0x0  }
0xa8: {  	s5 =	sshll.u32 s28, $0x1;
	[dreg:$0x2] =	wrdreg s3  }
0xa9: {  	[dreg:$0x3] =	wrdreg s5  }
0xaa: {  	[dreg:$0x4] =	wrdreg $0xC0  }
0xab: {  	_ =	task [dreg:s7], $0x5FFFF  }
0xac: {  	[dreg:$0x1] =	wrdreg $0xFFFFFFFF  }
0xad: {  	[dreg:$0x0] =	wrdreg $0x60  }
0xae: {  	[dreg:$0x2] =	wrdreg s24  }
0xaf: {  	[dreg:$0x3] =	wrdreg s2  }
0xb0: {  	[dreg:$0x4] =	wrdreg $0x9  }
0xb1: {  	_ =	task.clear_ibuf [dreg:s7], $0x5FFFF;
	_ =	strace $0x90000046  }
0xb2: {  	s29 =	simm.s32 $0x9;
	_ =	strace $0x80000048  }
0xb3: {  	_ =	swait.ge [sflag:s29], $0x1  }
0xb4: {  	[sflag:s29] =	ssyncadd.s32 $0xFFFFFFFF  }
0xb5: {  	_ =	strace $0x90000048  }
0xb6: {  	_ =	sfence  }
0xb7: {  	s30 =	sld [smem:$0x0];
	_ =	sdelay $0x2  }
0xb8: {  	s31 =	sshll.u32 s1, $0xD;
	s1 =	sshrl.u32 s1, $0x2  }
0xb9: {  	s3 =	sand.u32 $0x4000, s31;
	s1 =	sadd.s32 s1, s30  }
0xba: {  	s0 =	sor.u32 s3, s0;
	s1 =	sshll.u32 s1, $0x11  }
0xbb: {  	s0 =	sor.u32 s1, s0  }
0xbc: {  	s0 =	sadd.s32 $0x8F2B, s0  }
0xbd: {  	[sflag:s0] =	ssyncadd.remote.s32 $0x1  }
0xbe: {  	_ =	sfence.sel $0xFFFF  }
0xbf: {  	[dreg:$0x0] =	wrdreg $0xFFFFFFFF;
	(pc) =	sbr.abs _section_cstart, $3  }
0xc0: {  	[dreg:$0x1] =	wrdreg $0xFFFFFFFF  }
0xc1: {  	_ =	task.clear_ibuf [dreg:s7], $0x2FFFF;
	_ =	strace $0x9FFFFFFF  }
0xc2: {  	(tm) =	ssettm $0x7FFFFFFF  }
0xc3: {  	_ =	shalt  }
tec
execute0_lowered:
.L_overlay_start_1:
0x0: {  	(tag) =	ssettag $0x1  }
0x1: {  	s1 =	rddreg [dreg:$0x0]  }
0x2: {  	s6 =	rddreg [dreg:$0x1]  }
0x3: {  	s0 =	rddreg [dreg:$0x2];
	s2 =	simm.s32 $0x0  }
0x4: {  	s3 =	srdreg.scid;
	s12 =	simm.s32 $0x480;
	s13 =	simm.s32 $0x2480  }
0x5: {  	s14 =	simm.s32 $0x8580;
	s15 =	simm.s32 $0x10580;
	s16 =	simm.s32 $0x1  }
0x6: {  	s17 =	simm.s32 $0x2;
	s18 =	simm.s32 $0x0;
	[smem:$0x7FF] =	sst s2  }
0x7: {  	s5 =	sand.u32 $0x1, s3;
	s3 =	stileid.u32;
	s4 =	sadd.s32 $0x200, s1  }
0x8: {  	_ =	strace $0x80000047;
	s7 =	ssub.s32 $0x2, s5;
	s9 =	sshll.u32 s3, $0x1  }
0x9: {  	s29 =	sshrl.u32 s3, $0x2;
	s8 =	sshrl.u32 s7, $0x1;
	s5 =	sor.u32 s5, s9  }
0xa: {  	s11 =	smul.u32 $0x440, s29;
	s10 =	ssub.s32 s7, s8;
	s30 =	sshll.u32 s5, $0x5  }
0xb: {  	s9 =	sshll.u32 s5, $0xA;
	s7 =	smul.u32 $0x110, s29;
	s8 =	sshll.u32 s29, $0x17  }
0xc: {  	s5 =	sand.u32 $0xE0, s30;
	s6 =	sadd.s32 s6, s9;
	s31 =	sshrl.u32 s11, $0x2  }
0xd: {  	v0 =	vimm.f32 $0.0e+00;
	v1 =	vlaneseq.u32;
	s9 =	smax.u32 s10, $0x1;
	s11 =	simm.s32 $0x3;
	s10 =	sadd.s32 $0x20, s31  }
.LBB2_1:
0xe: {  	[tilespmem:s2], [sflag:$0x3] =	stream.linear.gather [hbm4b:s1+s2], $0x480, $0x38;
	[tilespmem:$0x18580] =	vst v63  }
0xf: {  	_ =	swait.ge [sflag:s11], $0x480  }
0x10: {  	[sflag:s11] =	ssyncset.done $0x0  }
0x11: {  	[sflag:s11] =	ssyncadd.s32 $0xFFFFFB80  }
0x12: {  	[tilespmem:s12], [sflag:$0x3] =	stream.linear.gather [hbm4b:s6+s2], $0x2000, $0x38;
	[tilespmem:$0x18580] =	vst v63  }
0x13: {  	_ =	swait.ge [sflag:s11], $0x2000  }
0x14: {  	[sflag:s11] =	ssyncset.done $0x0  }
0x15: {  	s19 =	simm.s32 $0x0;
	[sflag:s11] =	ssyncadd.s32 $0xFFFFE000  }
.LBB2_2:
0x16: {  	s20 =	sshll.u32 s19, $0x1  }
0x17: {  	s21 =	sor.u32 s5, s20  }
0x18: {  	s23 =	sadd.s32 s7, s21  }
0x19: {  	v3 =	vmov s23  }
0x1a: {  	s24 =	sadd.s32 $0xA, s23;
	v3 =	vand.u32 $0xFFFFFFFE, v3  }
0x1b: {  	v26 =	vbroadcast v3, $0x0;
	v3 =	vmov s24  }
0x1c: {  	v3 =	vand.u32 $0xFFFFFFFE, v3  }
0x1d: {  	v5 =	vbroadcast v3, $0x0  }
0x1e: {  	s31 =	sadd.s32 $0x2, s23  }
0x1f: {  	v4 =	vmov s31  }
0x20: {  	s29 =	sadd.s32 $0x8, s23;
	v4 =	vand.u32 $0xFFFFFFFE, v4  }
0x21: {  	s22 =	sadd.s32 $0x5, s23;
	v25 =	vbroadcast v4, $0x0;
	v4 =	vmov s29  }
0x22: {  	v2 =	vmov s22;
	s22 =	simm.s32 $0x0;
	v4 =	vand.u32 $0xFFFFFFFE, v4  }
0x23: {  	v13 =	vbroadcast v4, $0x0;
	v4 =	vld.idx.msk [tilespmem:v5+s22+$0x0], $0xffff;
	_ =	sdelay $0x1  }
0x24: {  	s31 =	sadd.s32 $0x9, s23  }
0x25: {  	v7 =	vmov s31;
	_ =	sdelay $0x1  }
0x26: {  	v28 =	vimm.s32 $0x0;
	s30 =	sadd.s32 $0x6, s23;
	vm8 =	veq.s32 v4, $0x3  }
0x27: {  	v6 =	vmov s30;
	v28 =	vsel vm8, $0xFFFFFFFF, v28  }
0x28: {  	v6 =	vand.u32 $0xFFFFFFFE, v6;
	vm9 =	veq.s32 v4, $0x2;
	[tilespmem:$0x1FE00] =	vst v28;
	v28 =	vimm.s32 $0x0  }
0x29: {  	v21 =	vbroadcast v6, $0x0;
	v6 =	vld.idx.msk [tilespmem:v7+s22+$0x0], $0xffff;
	v28 =	vsel vm9, $0xFFFFFFFF, v28  }
0x2a: {  	vm10 =	veq.s32 v4, $0x1;
	[tilespmem:$0x1FE10] =	vst v28;
	v28 =	vimm.s32 $0x0  }
0x2b: {  	v28 =	vsel vm10, $0xFFFFFFFF, v28  }
0x2c: {  	vm11 =	veq.s32 v4, $0x0;
	[tilespmem:$0x1FE20] =	vst v28;
	v28 =	vimm.s32 $0x0  }
0x2d: {  	v28 =	vsel vm11, $0xFFFFFFFF, v28  }
0x2e: {  	vm12 =	veq.s32 v6, $0x3;
	[tilespmem:$0x1FE30] =	vst v28;
	v28 =	vimm.s32 $0x0  }
0x2f: {  	v28 =	vsel vm12, $0xFFFFFFFF, v28  }
0x30: {  	vm13 =	veq.s32 v6, $0x2;
	[tilespmem:$0x1FE40] =	vst v28;
	v28 =	vimm.s32 $0x0  }
0x31: {  	v13 =	vld.idx.msk [tilespmem:v13+s22+$0x0], $0xffff;
	v28 =	vsel vm13, $0xFFFFFFFF, v28  }
0x32: {  	s25 =	sor.u32 $0x1, s23;
	v2 =	vld.idx.msk [tilespmem:v2+s22+$0x0], $0xffff;
	vm14 =	veq.s32 v6, $0x1;
	[tilespmem:$0x1FE50] =	vst v28;
	v28 =	vimm.s32 $0x0  }
0x33: {  	s26 =	sadd.s32 $0x3, s23;
	s28 =	sadd.s32 $0x4, s23;
	s23 =	sadd.s32 $0x7, s23;
	v28 =	vsel vm14, $0xFFFFFFFF, v28  }
0x34: {  	v17 =	vmov s23;
	vm15 =	veq.s32 v6, $0x0;
	[tilespmem:$0x1FE60] =	vst v28;
	v28 =	vimm.s32 $0x0  }
0x35: {  	v7 =	vimm.s32 $0x0;
	v28 =	vsel vm15, $0xFFFFFFFF, v28  }
0x36: {  	v5 =	vimm.s32 $0x0;
	vm4 =	veq.s32 v13, $0x3;
	[tilespmem:$0x1FE70] =	vst v28;
	v28 =	vimm.s32 $0x0  }
0x37: {  	vm6 =	veq.s32 v2, $0x1;
	vm7 =	veq.s32 v2, $0x2;
	v28 =	vsel vm4, $0xFFFFFFFF, v28  }
0x38: {  	v5 =	vsel vm6, $0xFFFFFFFF, v5;
	vm5 =	veq.s32 v13, $0x2;
	[tilespmem:$0x1FE80] =	vst v28;
	v28 =	vimm.s32 $0x0  }
0x39: {  	v17 =	vld.idx.msk [tilespmem:v17+s22+$0x0], $0xffff;
	v7 =	vsel vm7, $0xFFFFFFFF, v7;
	[tilespmem:$0x1FDD0] =	vst v5;
	v28 =	vsel vm5, $0xFFFFFFFF, v28  }
0x3a: {  	v5 =	vsel vm6, $0x3F800000, v0;
	vm6 =	veq.s32 v13, $0x1;
	[tilespmem:$0x1FE90] =	vst v28;
	v28 =	vimm.s32 $0x0  }
0x3b: {  	[tilespmem:$0x1FDE0] =	vst v7;
	v28 =	vsel vm6, $0xFFFFFFFF, v28  }
0x3c: {  	v7 =	vsel vm7, $0x3F800000, v0;
	vm7 =	veq.s32 v13, $0x0;
	[tilespmem:$0x1FEA0] =	vst v28;
	v28 =	vimm.s32 $0x0  }
0x3d: {  	v28 =	vsel vm7, $0xFFFFFFFF, v28  }
0x3e: {  	vm8 =	veq.s32 v17, $0x3;
	[tilespmem:$0x1FEB0] =	vst v28;
	v28 =	vimm.s32 $0x0  }
0x3f: {  	v28 =	vsel vm8, $0xFFFFFFFF, v28  }
0x40: {  	vm9 =	veq.s32 v17, $0x2;
	[tilespmem:$0x1FEC0] =	vst v28;
	v28 =	vimm.s32 $0x0  }
0x41: {  	v3 =	vmov s28;
	v21 =	vld.idx.msk [tilespmem:v21+s22+$0x0], $0xffff;
	v28 =	vsel vm9, $0xFFFFFFFF, v28  }
0x42: {  	v3 =	vand.u32 $0xFFFFFFFE, v3;
	vm10 =	veq.s32 v17, $0x1;
	[tilespmem:$0x1FED0] =	vst v28;
	v28 =	vimm.s32 $0x0  }
0x43: {  	v23 =	vbroadcast v3, $0x0;
	v28 =	vsel vm10, $0xFFFFFFFF, v28  }
0x44: {  	vm11 =	veq.s32 v17, $0x0;
	[tilespmem:$0x1FEE0] =	vst v28;
	v28 =	vimm.s32 $0x0  }
0x45: {  	v28 =	vsel vm11, $0xFFFFFFFF, v28  }
0x46: {  	vm12 =	veq.s32 v21, $0x3;
	[tilespmem:$0x1FEF0] =	vst v28;
	v28 =	vimm.s32 $0x0  }
0x47: {  	v28 =	vsel vm12, $0xFFFFFFFF, v28  }
0x48: {  	vm13 =	veq.s32 v21, $0x2;
	[tilespmem:$0x1FF00] =	vst v28;
	v28 =	vimm.s32 $0x0  }
0x49: {  	v23 =	vld.idx.msk [tilespmem:v23+s22+$0x0], $0xffff;
	v28 =	vsel vm13, $0xFFFFFFFF, v28  }
0x4a: {  	vm14 =	veq.s32 v21, $0x1;
	[tilespmem:$0x1FF10] =	vst v28;
	v28 =	vimm.s32 $0x0  }
0x4b: {  	v28 =	vsel vm14, $0xFFFFFFFF, v28  }
0x4c: {  	v24 =	vmov s26;
	vm15 =	veq.s32 v21, $0x0;
	[tilespmem:$0x1FF20] =	vst v28;
	v28 =	vimm.s32 $0x0  }
0x4d: {  	v28 =	vsel vm15, $0xFFFFFFFF, v28  }
0x4e: {  	vm4 =	veq.s32 v23, $0x3;
	[tilespmem:$0x1FF30] =	vst v28;
	v28 =	vimm.s32 $0x0  }
0x4f: {  	v28 =	vsel vm4, $0xFFFFFFFF, v28  }
0x50: {  	vm5 =	veq.s32 v23, $0x2;
	[tilespmem:$0x1FF40] =	vst v28;
	v28 =	vimm.s32 $0x0  }
0x51: {  	v24 =	vld.idx.msk [tilespmem:v24+s22+$0x0], $0xffff;
	v28 =	vsel vm5, $0xFFFFFFFF, v28  }
0x52: {  	vm6 =	veq.s32 v23, $0x1;
	[tilespmem:$0x1FF50] =	vst v28;
	v28 =	vimm.s32 $0x0  }
0x53: {  	v28 =	vsel vm6, $0xFFFFFFFF, v28  }
0x54: {  	vm7 =	veq.s32 v23, $0x0;
	[tilespmem:$0x1FF60] =	vst v28;
	v28 =	vimm.s32 $0x0  }
0x55: {  	v28 =	vsel vm7, $0xFFFFFFFF, v28  }
0x56: {  	vm8 =	veq.s32 v24, $0x3;
	[tilespmem:$0x1FF70] =	vst v28;
	v28 =	vimm.s32 $0x0  }
0x57: {  	v28 =	vsel vm8, $0xFFFFFFFF, v28  }
0x58: {  	vm9 =	veq.s32 v24, $0x2;
	[tilespmem:$0x1FF80] =	vst v28;
	v28 =	vimm.s32 $0x0  }
0x59: {  	v25 =	vld.idx.msk [tilespmem:v25+s22+$0x0], $0xffff;
	v28 =	vsel vm9, $0xFFFFFFFF, v28  }
0x5a: {  	vm10 =	veq.s32 v24, $0x1;
	[tilespmem:$0x1FF90] =	vst v28;
	v28 =	vimm.s32 $0x0  }
0x5b: {  	v8 =	vimm.s32 $0x0;
	v27 =	vmov s25;
	s25 =	sadd.s32 $0xFFFFFFFB, s21;
	v28 =	vsel vm10, $0xFFFFFFFF, v28  }
0x5c: {  	s26 =	sadd.s32 $0xFFFFFFFD, s21;
	s30 =	sadd.s32 $0x3, s21;
	v10 =	vmov s25;
	vm11 =	veq.s32 v24, $0x0;
	[tilespmem:$0x1FFA0] =	vst v28;
	v28 =	vimm.s32 $0x0  }
0x5d: {  	s24 =	sadd.s32 $0xFFFFFFF9, s21;
	v11 =	vmov s26;
	v15 =	vmov s30;
	v28 =	vsel vm11, $0xFFFFFFFF, v28  }
0x5e: {  	s31 =	sadd.s32 $0x5, s21;
	s26 =	sadd.s32 $0x7, s21;
	v9 =	vmov s24;
	vm12 =	veq.s32 v25, $0x3;
	[tilespmem:$0x1FFB0] =	vst v28;
	v28 =	vimm.s32 $0x0  }
0x5f: {  	s30 =	sadd.s32 $0xD, s21;
	v16 =	vmov s31;
	v18 =	vmov s26;
	v28 =	vsel vm12, $0xFFFFFFFF, v28  }
0x60: {  	v22 =	vmov s30;
	vm13 =	veq.s32 v25, $0x2;
	[tilespmem:$0x1FFC0] =	vst v28;
	v28 =	vimm.s32 $0x0  }
0x61: {  	v3 =	vimm.s32 $0x0;
	vm0 =	veq.s32 v2, $0x0;
	v28 =	vsel vm13, $0xFFFFFFFF, v28  }
0x62: {  	s29 =	sor.u32 $0x1, s21;
	v3 =	vsel vm0, $0xFFFFFFFF, v3;
	vm14 =	veq.s32 v25, $0x1;
	[tilespmem:$0x1FFD0] =	vst v28;
	v28 =	vimm.s32 $0x0  }
0x63: {  	v14 =	vmov s29;
	vm1 =	veq.s32 v2, $0x3;
	[tilespmem:$0x1FDC0] =	vst v3;
	v28 =	vsel vm14, $0xFFFFFFFF, v28  }
0x64: {  	s31 =	sshll.u32 s19, $0x9;
	s28 =	sadd.s32 $0xFFFFFFFF, s21;
	s29 =	sadd.s32 $0xB, s21;
	v8 =	vsel vm1, $0xFFFFFFFF, v8;
	vm15 =	veq.s32 v25, $0x0;
	[tilespmem:$0x1FFE0] =	vst v28;
	v28 =	vimm.s32 $0x0  }
0x65: {  	s23 =	sand.u32 $0x3FFFFE00, s31;
	v12 =	vmov s28;
	s28 =	sadd.s32 $0x9, s21;
	v20 =	vmov s29;
	v27 =	vld.idx.msk [tilespmem:v27+s22+$0x0], $0xffff;
	[tilespmem:$0x1FDF0] =	vst v8;
	v28 =	vsel vm15, $0xFFFFFFFF, v28  }
0x66: {  	s25 =	smov.u32 s10;
	s24 =	simm.s32 $0xFFFFFFFC;
	s23 =	sadd.s32 $0x480, s23;
	v19 =	vmov s28;
	v26 =	vld.idx.msk [tilespmem:v26+s22+$0x0], $0xffff;
	v3 =	vsel vm0, $0x3F800000, v0;
	v8 =	vsel vm1, $0x3F800000, v0;
	[tilespmem:$0x1FFF0] =	vst v28  }
.LBB2_3:
0x67: {  	v32 =	vor.u32 s22, v1  }
0x68: {  	v34 =	vld [tilespmem:s25+$0xFFFFFFE5];
	v28 =	vmul.u32 $0x61, v32;
	_ =	sdelay $0x1  }
0x69: {  	v29 =	vadd.s32 $0x4, v28  }
0x6a: {  	s26 =	sand.u32 $0x80, s22;
	v30 =	vadd.s32 $0x1, v28  }
0x6b: {  	s28 =	sand.u32 $0x40, s22;
	s26 =	sadd.s32 s26, s23;
	v31 =	vadd.s32 $0x5, v28  }
0x6c: {  	s28 =	sadd.s32 s28, s26;
	v35 =	vadd.s32 $0x2, v28;
	vm15 =	veq.s32 v34, $0x0  }
0x6d: {  	v33 =	vld [tilespmem:s28+$0x0];
	v37 =	vadd.s32 $0x6, v28;
	v36 =	vsel vm15, $0x3F800000, v0;
	[tilespmem:v28+s13+$0x0] =	vst.idx.msk $0xffff, v3  }
0x6e: {  	vm14 =	veq.s32 v34, $0x1;
	[tilespmem:v29+s13+$0x0] =	vst.idx.msk $0xffff, v36;
	v29 =	vadd.s32 $0x3, v28  }
0x6f: {  	v52 =	vadd.s32 $0x7, v28;
	v51 =	vsel vm14, $0x3F800000, v0;
	[tilespmem:v30+s13+$0x0] =	vst.idx.msk $0xffff, v5  }
0x70: {  	vm0 =	veq.s32 v34, $0x2;
	[tilespmem:v31+s13+$0x0] =	vst.idx.msk $0xffff, v51  }
0x71: {  	v54 =	vsel vm0, $0x3F800000, v0;
	[tilespmem:v35+s13+$0x0] =	vst.idx.msk $0xffff, v7  }
0x72: {  	vm9 =	veq.s32 v34, $0x3;
	[tilespmem:v37+s13+$0x0] =	vst.idx.msk $0xffff, v54  }
0x73: {  	[tilespmem:v29+s13+$0x0] =	vst.idx.msk $0xffff, v8;
	v29 =	vsel vm9, $0x3F800000, v0  }
0x74: {  	[tilespmem:v52+s13+$0x0] =	vst.idx.msk $0xffff, v29  }
0x75: {  	v29 =	vld [tilespmem:s25+$0xFFFFFFEA];
	_ =	sdelay $0x4  }
0x76: {  	v56 =	vmul.u32 v26, v29  }
0x77: {  	v53 =	vimm.s32 $0x0;
	vm11 =	vgt.s32 v32, v9;
	v57 =	vadd.s32 v26, v29  }
0x78: {  	v58 =	vadd.s32 $0x8, v28;
	vm10 =	veq.s32 v57, $0x3;
	vm1 =	veq.s32 v56, $0x6  }
0x79: {  	v59 =	vadd.s32 $0xC, v28;
	v30 =	vsel vm0, $0xFFFFFFFF, v53;
	vm0 =	vmor vm10, vm1  }
0x7a: {  	v60 =	vadd.s32 $0x9, v28;
	vm0 =	vmand vm11, vm0  }
0x7b: {  	vm3 =	veq.s32 v26, $0x0;
	v62 =	vadd.s32 $0xD, v28;
	v61 =	vnsel vm0, $0x0, v33  }
0x7c: {  	v63 =	vadd.s32 $0xA, v28;
	vm12 =	veq.s32 v29, $0x0;
	v38 =	vnsel vm3, $0x0, v61  }
0x7d: {  	vm2 =	veq.s32 v26, $0x1;
	v43 =	vadd.s32 $0xE, v28;
	v42 =	vnsel vm12, $0x0, v61;
	[tilespmem:v58+s13+$0x0] =	vst.idx.msk $0xffff, v38  }
0x7e: {  	v46 =	vadd.s32 $0xB, v28;
	vm13 =	veq.s32 v29, $0x1;
	v44 =	vnsel vm2, $0x0, v61;
	[tilespmem:v59+s13+$0x0] =	vst.idx.msk $0xffff, v42  }
0x7f: {  	vm6 =	veq.s32 v26, $0x2;
	v48 =	vadd.s32 $0xF, v28;
	v47 =	vnsel vm13, $0x0, v61;
	[tilespmem:v60+s13+$0x0] =	vst.idx.msk $0xffff, v44  }
0x80: {  	vm7 =	veq.s32 v29, $0x2;
	v49 =	vnsel vm6, $0x0, v61;
	[tilespmem:v62+s13+$0x0] =	vst.idx.msk $0xffff, v47  }
0x81: {  	vm10 =	veq.s32 v26, $0x3;
	v51 =	vnsel vm7, $0x0, v61;
	[tilespmem:v63+s13+$0x0] =	vst.idx.msk $0xffff, v49  }
0x82: {  	vm8 =	veq.s32 v29, $0x3;
	v52 =	vnsel vm10, $0x0, v61;
	[tilespmem:v43+s13+$0x0] =	vst.idx.msk $0xffff, v51  }
0x83: {  	v29 =	vnsel vm8, $0x0, v61;
	[tilespmem:v46+s13+$0x0] =	vst.idx.msk $0xffff, v52  }
0x84: {  	[tilespmem:v48+s13+$0x0] =	vst.idx.msk $0xffff, v29  }
0x85: {  	v29 =	vld [tilespmem:s25+$0xFFFFFFE9];
	_ =	sdelay $0x4  }
0x86: {  	v55 =	vimm.s32 $0x0;
	v54 =	vmul.u32 v27, v29  }
0x87: {  	v45 =	vimm.s32 $0x0;
	[tilespmem:$0x1FC70] =	vst v30;
	v30 =	vsel vm9, $0xFFFFFFFF, v55;
	v55 =	vadd.s32 v27, v29  }
0x88: {  	v56 =	vadd.s32 $0x10, v28;
	vm9 =	veq.s32 v55, $0x3;
	vm11 =	veq.s32 v54, $0x6  }
0x89: {  	v57 =	vadd.s32 $0x14, v28;
	vm12 =	vgt.s32 v32, v10;
	vm0 =	vmor vm9, vm11  }
0x8a: {  	v31 =	vsel vm2, $0xFFFFFFFF, v45;
	v58 =	vadd.s32 $0x11, v28;
	vm0 =	vmand vm12, vm0  }
0x8b: {  	v60 =	vadd.s32 $0x15, v28;
	vm9 =	veq.s32 v27, $0x0;
	v59 =	vnsel vm0, $0x0, v33  }
0x8c: {  	v63 =	vadd.s32 $0x12, v28;
	vm13 =	veq.s32 v29, $0x0;
	v61 =	vnsel vm9, $0x0, v59  }
0x8d: {  	vm7 =	veq.s32 v27, $0x1;
	v42 =	vadd.s32 $0x16, v28;
	v41 =	vnsel vm13, $0x0, v59;
	[tilespmem:v56+s13+$0x0] =	vst.idx.msk $0xffff, v61  }
0x8e: {  	v45 =	vadd.s32 $0x13, v28;
	vm5 =	veq.s32 v29, $0x1;
	v43 =	vnsel vm7, $0x0, v59;
	[tilespmem:v57+s13+$0x0] =	vst.idx.msk $0xffff, v41  }
0x8f: {  	vm8 =	veq.s32 v27, $0x2;
	v47 =	vadd.s32 $0x17, v28;
	v46 =	vnsel vm5, $0x0, v59;
	[tilespmem:v58+s13+$0x0] =	vst.idx.msk $0xffff, v43  }
0x90: {  	v50 =	vimm.s32 $0x0;
	vm12 =	veq.s32 v29, $0x2;
	v48 =	vnsel vm8, $0x0, v59;
	[tilespmem:v60+s13+$0x0] =	vst.idx.msk $0xffff, v46  }
0x91: {  	v37 =	vsel vm6, $0xFFFFFFFF, v50;
	vm11 =	veq.s32 v27, $0x3;
	v50 =	vnsel vm12, $0x0, v59;
	[tilespmem:v63+s13+$0x0] =	vst.idx.msk $0xffff, v48  }
0x92: {  	v51 =	vnsel vm11, $0x0, v59;
	vm13 =	veq.s32 v29, $0x3;
	[tilespmem:v42+s13+$0x0] =	vst.idx.msk $0xffff, v50  }
0x93: {  	v29 =	vnsel vm13, $0x0, v59;
	[tilespmem:v45+s13+$0x0] =	vst.idx.msk $0xffff, v51  }
0x94: {  	[tilespmem:v47+s13+$0x0] =	vst.idx.msk $0xffff, v29  }
0x95: {  	v29 =	vld [tilespmem:s25+$0xFFFFFFE8];
	_ =	sdelay $0x2  }
0x96: {  	v39 =	vimm.s32 $0x0  }
0x97: {  	v39 =	vsel vm3, $0xFFFFFFFF, v39;
	v53 =	vimm.s32 $0x0  }
0x98: {  	[tilespmem:$0x1FCB0] =	vst v37;
	v37 =	vsel vm10, $0xFFFFFFFF, v53;
	v44 =	vimm.s32 $0x0;
	v60 =	vld [tilespmem:$0x1FFF0];
	v53 =	vmul.u32 v25, v29  }
0x99: {  	[tilespmem:$0x1FD00] =	vst v31;
	v62 =	vimm.s32 $0x0;
	v31 =	vsel vm7, $0xFFFFFFFF, v44;
	v54 =	vadd.s32 v25, v29  }
0x9a: {  	v40 =	vld [tilespmem:$0x1FFE0];
	v55 =	vadd.s32 $0x18, v28;
	vm4 =	veq.s32 v54, $0x3;
	vm5 =	veq.s32 v53, $0x6  }
0x9b: {  	vm12 =	vgt.s32 v32, v11;
	v56 =	vadd.s32 $0x1C, v28;
	vm0 =	vmor vm4, vm5  }
0x9c: {  	[tilespmem:$0x1FCF0] =	vst v39;
	v44 =	vld [tilespmem:$0x1FFD0];
	v39 =	vsel vm9, $0xFFFFFFFF, v62;
	v57 =	vadd.s32 $0x19, v28;
	vm0 =	vmand vm12, vm0  }
0x9d: {  	v59 =	vadd.s32 $0x1D, v28;
	vm12 =	vnez.u8 v60;
	v58 =	vnsel vm0, $0x0, v33  }
0x9e: {  	[tilespmem:$0x1FC80] =	vst v30;
	v61 =	vadd.s32 $0x1A, v28;
	v46 =	vld [tilespmem:$0x1FFC0];
	vm13 =	veq.s32 v29, $0x0;
	v38 =	vnsel vm12, $0x0, v58  }
0x9f: {  	v63 =	vadd.s32 $0x1E, v28;
	vm4 =	vnez.u8 v40;
	v62 =	vnsel vm13, $0x0, v58;
	[tilespmem:v55+s13+$0x0] =	vst.idx.msk $0xffff, v38  }
0xa0: {  	v41 =	vadd.s32 $0x1B, v28;
	vm5 =	veq.s32 v29, $0x1;
	v30 =	vnsel vm4, $0x0, v58;
	[tilespmem:v56+s13+$0x0] =	vst.idx.msk $0xffff, v62  }
0xa1: {  	v43 =	vadd.s32 $0x1F, v28;
	v42 =	vnsel vm5, $0x0, v58;
	vm13 =	vnez.u8 v44;
	[tilespmem:v57+s13+$0x0] =	vst.idx.msk $0xffff, v30  }
0xa2: {  	vm4 =	veq.s32 v29, $0x2;
	v30 =	vnsel vm13, $0x0, v58;
	[tilespmem:v59+s13+$0x0] =	vst.idx.msk $0xffff, v42  }
0xa3: {  	v45 =	vnsel vm4, $0x0, v58;
	vm13 =	vnez.u8 v46;
	[tilespmem:v61+s13+$0x0] =	vst.idx.msk $0xffff, v30  }
0xa4: {  	vm5 =	veq.s32 v29, $0x3;
	v30 =	vnsel vm13, $0x0, v58;
	[tilespmem:v63+s13+$0x0] =	vst.idx.msk $0xffff, v45  }
0xa5: {  	v29 =	vnsel vm5, $0x0, v58;
	[tilespmem:v41+s13+$0x0] =	vst.idx.msk $0xffff, v30  }
0xa6: {  	[tilespmem:v43+s13+$0x0] =	vst.idx.msk $0xffff, v29  }
0xa7: {  	v30 =	vld [tilespmem:s25+$0xFFFFFFE7];
	_ =	sdelay $0x2  }
0xa8: {  	v49 =	vimm.s32 $0x0  }
0xa9: {  	[tilespmem:$0x1FCC0] =	vst v37;
	v37 =	vsel vm8, $0xFFFFFFFF, v49;
	v52 =	vimm.s32 $0x0  }
0xaa: {  	s29 =	sadd.s32 $0x10, s22;
	[tilespmem:$0x1FD30] =	vst v37;
	v37 =	vsel vm11, $0xFFFFFFFF, v52;
	v52 =	vld [tilespmem:$0x1FFB0];
	v29 =	vmul.u32 v24, v30  }
0xab: {  	[tilespmem:$0x1FD20] =	vst v31;
	v31 =	vor.u32 s29, v1;
	v47 =	vadd.s32 v24, v30  }
0xac: {  	v54 =	vld [tilespmem:$0x1FFA0];
	vm4 =	veq.s32 v47, $0x3;
	vm5 =	veq.s32 v29, $0x6;
	v29 =	vadd.s32 $0x20, v28  }
0xad: {  	v48 =	vadd.s32 $0x24, v28;
	vm0 =	vmor vm4, vm5;
	vm4 =	vgt.s32 v32, v12  }
0xae: {  	v49 =	vadd.s32 $0x21, v28;
	v51 =	vadd.s32 $0x25, v28;
	v56 =	vld [tilespmem:$0x1FF90];
	vm0 =	vmand vm4, vm0  }
0xaf: {  	[tilespmem:$0x1FD10] =	vst v39;
	v53 =	vadd.s32 $0x22, v28;
	vm5 =	vnez.u8 v52;
	v50 =	vnsel vm0, $0x0, v33  }
0xb0: {  	[tilespmem:$0x1FD40] =	vst v37;
	v40 =	vadd.s32 $0x26, v28;
	v59 =	vld [tilespmem:$0x1FF80];
	vm4 =	veq.s32 v30, $0x0;
	v37 =	vnsel vm5, $0x0, v50  }
0xb1: {  	v42 =	vadd.s32 $0x27, v28;
	vm5 =	vnez.u8 v54;
	[tilespmem:v29+s13+$0x0] =	vst.idx.msk $0xffff, v37;
	v29 =	vnsel vm4, $0x0, v50  }
0xb2: {  	v41 =	vadd.s32 $0x23, v28;
	v37 =	vnsel vm5, $0x0, v50;
	vm4 =	veq.s32 v30, $0x1;
	[tilespmem:v48+s13+$0x0] =	vst.idx.msk $0xffff, v29  }
0xb3: {  	vm1 =	vnez.u8 v56;
	v55 =	vnsel vm4, $0x0, v50;
	v29 =	vmul.u32 $0x61, v31;
	[tilespmem:v49+s13+$0x0] =	vst.idx.msk $0xffff, v37;
	v37 =	vld [tilespmem:s25+$0xFFFFFFF5]  }
0xb4: {  	v35 =	vnsel vm1, $0x0, v50;
	vm5 =	veq.s32 v30, $0x2;
	[tilespmem:v51+s13+$0x0] =	vst.idx.msk $0xffff, v55  }
0xb5: {  	v57 =	vnsel vm5, $0x0, v50;
	vm4 =	vnez.u8 v59;
	[tilespmem:v53+s13+$0x0] =	vst.idx.msk $0xffff, v35  }
0xb6: {  	vm5 =	veq.s32 v30, $0x3;
	v58 =	vadd.s32 $0x4, v29;
	v35 =	vnsel vm4, $0x0, v50;
	[tilespmem:v40+s13+$0x0] =	vst.idx.msk $0xffff, v57  }
0xb7: {  	s28 =	sand.u32 $0x50, s29;
	v30 =	vnsel vm5, $0x0, v50;
	v60 =	vadd.s32 $0x1, v29;
	[tilespmem:v41+s13+$0x0] =	vst.idx.msk $0xffff, v35  }
0xb8: {  	s28 =	sadd.s32 s28, s26;
	v62 =	vimm.s32 $0x0;
	v61 =	vadd.s32 $0x5, v29;
	[tilespmem:v42+s13+$0x0] =	vst.idx.msk $0xffff, v30;
	vm4 =	veq.s32 v37, $0x0  }
0xb9: {  	v63 =	vadd.s32 $0x2, v29;
	v30 =	vld [tilespmem:s28+$0x0];
	[tilespmem:v29+s13+$0x0] =	vst.idx.msk $0xffff, v3;
	v36 =	vsel vm4, $0xFFFFFFFF, v62  }
0xba: {  	v45 =	vadd.s32 $0x6, v29;
	v44 =	vsel vm4, $0x3F800000, v0;
	[tilespmem:$0x1FC90] =	vst v36  }
0xbb: {  	v47 =	vadd.s32 $0x3, v29;
	vm5 =	veq.s32 v37, $0x1;
	[tilespmem:v58+s13+$0x0] =	vst.idx.msk $0xffff, v44  }
0xbc: {  	v49 =	vadd.s32 $0x7, v29;
	v48 =	vsel vm5, $0x3F800000, v0;
	[tilespmem:v60+s13+$0x0] =	vst.idx.msk $0xffff, v5  }
0xbd: {  	vm4 =	veq.s32 v37, $0x2;
	[tilespmem:v61+s13+$0x0] =	vst.idx.msk $0xffff, v48  }
0xbe: {  	v46 =	vimm.s32 $0x0;
	v51 =	vsel vm4, $0x3F800000, v0;
	v42 =	vld [tilespmem:s25+$0xFFFFFFE6];
	[tilespmem:v63+s13+$0x0] =	vst.idx.msk $0xffff, v7  }
0xbf: {  	v38 =	vsel vm5, $0xFFFFFFFF, v46;
	vm5 =	veq.s32 v37, $0x3;
	[tilespmem:v45+s13+$0x0] =	vst.idx.msk $0xffff, v51  }
0xc0: {  	v53 =	vsel vm5, $0x3F800000, v0;
	[tilespmem:v47+s13+$0x0] =	vst.idx.msk $0xffff, v8  }
0xc1: {  	[tilespmem:v49+s13+$0x0] =	vst.idx.msk $0xffff, v53  }
0xc2: {  	v52 =	vimm.s32 $0x0;
	vm0 =	vgt.u32 v32, v14;
	v36 =	vld [tilespmem:s25+$0xFFFFFFFA]  }
0xc3: {  	v59 =	vadd.s32 $0xC, v29;
	v50 =	vimm.s32 $0x0;
	v54 =	vmul.u32 v23, v42  }
0xc4: {  	v62 =	vadd.s32 $0xE, v29;
	v35 =	vsel vm4, $0xFFFFFFFF, v50;
	v55 =	vadd.s32 v23, v42  }
0xc5: {  	[tilespmem:$0x1FCD0] =	vst v35;
	v35 =	vsel vm5, $0xFFFFFFFF, v52;
	vm4 =	veq.s32 v55, $0x3;
	vm5 =	veq.s32 v54, $0x6  }
0xc6: {  	v58 =	vadd.s32 $0x8, v29;
	v60 =	vadd.s32 $0x9, v29;
	vm4 =	vmor vm4, vm5  }
0xc7: {  	v50 =	vadd.s32 $0x2C, v28;
	vm4 =	vmand vm0, vm4;
	v56 =	vmul.u32 v26, v36  }
0xc8: {  	[tilespmem:$0x1FCE0] =	vst v35;
	vm0 =	veq.s32 v42, $0x0;
	v35 =	vnsel vm4, $0x0, v33;
	v57 =	vadd.s32 v26, v36  }
0xc9: {  	v39 =	vnsel vm0, $0x0, v35;
	vm4 =	veq.s32 v57, $0x3;
	vm0 =	veq.s32 v56, $0x6  }
0xca: {  	v63 =	vadd.s32 $0xB, v29;
	vm4 =	vmor vm4, vm0;
	vm0 =	vgt.s32 v31, v9  }
0xcb: {  	v45 =	vadd.s32 $0xD, v29;
	v51 =	vadd.s32 $0x29, v28;
	vm4 =	vmand vm0, vm4  }
0xcc: {  	v47 =	vadd.s32 $0xA, v29;
	vm0 =	veq.s32 v42, $0x1;
	v44 =	vnsel vm4, $0x0, v30  }
0xcd: {  	v43 =	vnsel vm0, $0x0, v35;
	vm0 =	veq.s32 v36, $0x0;
	v46 =	vnsel vm3, $0x0, v44  }
0xce: {  	v53 =	vadd.s32 $0x30, v28;
	v55 =	vadd.s32 $0x28, v28;
	v48 =	vnsel vm0, $0x0, v44;
	[tilespmem:v58+s13+$0x0] =	vst.idx.msk $0xffff, v46  }
0xcf: {  	v54 =	vadd.s32 $0xF, v29;
	v61 =	vnsel vm2, $0x0, v44;
	vm0 =	veq.s32 v36, $0x1;
	[tilespmem:v59+s13+$0x0] =	vst.idx.msk $0xffff, v48  }
0xd0: {  	vm2 =	veq.s32 v42, $0x2;
	v56 =	vnsel vm6, $0x0, v44;
	v49 =	vnsel vm0, $0x0, v44;
	[tilespmem:v60+s13+$0x0] =	vst.idx.msk $0xffff, v61;
	v61 =	vld [tilespmem:$0x1FF70]  }
0xd1: {  	v58 =	vnsel vm10, $0x0, v44;
	v48 =	vnsel vm2, $0x0, v35;
	vm2 =	veq.s32 v36, $0x2;
	[tilespmem:v45+s13+$0x0] =	vst.idx.msk $0xffff, v49  }
0xd2: {  	vm0 =	veq.s32 v42, $0x3;
	v57 =	vnsel vm2, $0x0, v44;
	vm2 =	veq.s32 v36, $0x3;
	[tilespmem:v47+s13+$0x0] =	vst.idx.msk $0xffff, v56;
	v47 =	vld [tilespmem:$0x1FF60]  }
0xd3: {  	v52 =	vld [tilespmem:$0x1FF50];
	v36 =	vnsel vm0, $0x0, v35;
	v60 =	vadd.s32 $0x2D, v28;
	v59 =	vnsel vm2, $0x0, v44;
	[tilespmem:v62+s13+$0x0] =	vst.idx.msk $0xffff, v57  }
0xd4: {  	v49 =	vadd.s32 $0x2E, v28;
	vm2 =	vgt.u32 v32, v15;
	v56 =	vld [tilespmem:$0x1FDC0];
	v62 =	vadd.s32 $0x2A, v28;
	[tilespmem:v63+s13+$0x0] =	vst.idx.msk $0xffff, v58  }
0xd5: {  	v63 =	vmul.u32 v2, v34;
	v34 =	vadd.s32 v2, v34;
	vm5 =	vnez.u8 v61;
	[tilespmem:v54+s13+$0x0] =	vst.idx.msk $0xffff, v59;
	v54 =	vld [tilespmem:$0x1FF40]  }
0xd6: {  	[tilespmem:$0x1FCA0] =	vst v38;
	v57 =	vadd.s32 $0x31, v28;
	vm10 =	veq.s32 v34, $0x3;
	v38 =	vnsel vm5, $0x0, v35;
	v41 =	vld [tilespmem:s25+$0xFFFFFFF9]  }
0xd7: {  	vm0 =	veq.s32 v63, $0x6;
	v63 =	vadd.s32 $0x14, v29;
	[tilespmem:v55+s13+$0x0] =	vst.idx.msk $0xffff, v38;
	vm6 =	vnez.u8 v47  }
0xd8: {  	vm4 =	vmor vm10, vm0;
	v38 =	vnsel vm6, $0x0, v35;
	[tilespmem:v50+s13+$0x0] =	vst.idx.msk $0xffff, v39;
	v50 =	vadd.s32 $0x2B, v28  }
0xd9: {  	v55 =	vadd.s32 $0x34, v28;
	vm6 =	vnez.u8 v52;
	[tilespmem:v51+s13+$0x0] =	vst.idx.msk $0xffff, v38;
	v51 =	vadd.s32 $0x2F, v28  }
0xda: {  	v45 =	vld [tilespmem:$0x1FDD0];
	vm3 =	vnez.u8 v56;
	vm4 =	vmand vm2, vm4;
	v38 =	vnsel vm6, $0x0, v35;
	[tilespmem:v60+s13+$0x0] =	vst.idx.msk $0xffff, v43  }
0xdb: {  	v43 =	vnsel vm4, $0x0, v33;
	vm10 =	vnez.u8 v54;
	[tilespmem:v62+s13+$0x0] =	vst.idx.msk $0xffff, v38;
	v58 =	vmul.u32 v27, v41  }
0xdc: {  	v60 =	vadd.s32 $0x35, v28;
	v35 =	vnsel vm10, $0x0, v35;
	v61 =	vadd.s32 v27, v41;
	[tilespmem:v49+s13+$0x0] =	vst.idx.msk $0xffff, v48  }
0xdd: {  	v40 =	vnsel vm3, $0x0, v43;
	vm0 =	veq.s32 v61, $0x3;
	[tilespmem:v50+s13+$0x0] =	vst.idx.msk $0xffff, v35;
	vm2 =	veq.s32 v58, $0x6  }
0xde: {  	v62 =	vadd.s32 $0x10, v29;
	vm10 =	vgt.s32 v31, v10;
	[tilespmem:v51+s13+$0x0] =	vst.idx.msk $0xffff, v36;
	vm4 =	vmor vm0, vm2  }
0xdf: {  	v59 =	vnsel vm15, $0x0, v43;
	[tilespmem:v53+s13+$0x0] =	vst.idx.msk $0xffff, v40;
	vm4 =	vmand vm10, vm4;
	vm10 =	vnez.u8 v45  }
0xe0: {  	v46 =	vadd.s32 $0x11, v29;
	[tilespmem:v55+s13+$0x0] =	vst.idx.msk $0xffff, v59;
	v35 =	vnsel vm10, $0x0, v43  }
0xe1: {  	v47 =	vnsel vm14, $0x0, v43;
	v48 =	vadd.s32 $0x15, v29;
	v40 =	vnsel vm4, $0x0, v30;
	[tilespmem:v57+s13+$0x0] =	vst.idx.msk $0xffff, v35  }
0xe2: {  	vm14 =	veq.s32 v41, $0x0;
	v50 =	vadd.s32 $0x12, v29;
	v49 =	vnsel vm9, $0x0, v40;
	[tilespmem:v60+s13+$0x0] =	vst.idx.msk $0xffff, v47  }
0xe3: {  	v52 =	vadd.s32 $0x16, v29;
	v51 =	vnsel vm14, $0x0, v40;
	[tilespmem:v62+s13+$0x0] =	vst.idx.msk $0xffff, v49  }
0xe4: {  	v54 =	vadd.s32 $0x13, v29;
	vm15 =	veq.s32 v41, $0x1;
	v45 =	vld [tilespmem:$0x1FDE0];
	v53 =	vnsel vm7, $0x0, v40;
	[tilespmem:v63+s13+$0x0] =	vst.idx.msk $0xffff, v51  }
0xe5: {  	v56 =	vadd.s32 $0x17, v29;
	v55 =	vnsel vm15, $0x0, v40;
	[tilespmem:v46+s13+$0x0] =	vst.idx.msk $0xffff, v53  }
0xe6: {  	vm0 =	veq.s32 v41, $0x2;
	v57 =	vadd.s32 $0x32, v28;
	v58 =	vnsel vm8, $0x0, v40;
	[tilespmem:v48+s13+$0x0] =	vst.idx.msk $0xffff, v55  }
0xe7: {  	v60 =	vnsel vm0, $0x0, v40;
	[tilespmem:v50+s13+$0x0] =	vst.idx.msk $0xffff, v58  }
0xe8: {  	vm2 =	veq.s32 v41, $0x3;
	v62 =	vnsel vm11, $0x0, v40;
	v46 =	vld [tilespmem:$0x1FC70];
	[tilespmem:v52+s13+$0x0] =	vst.idx.msk $0xffff, v60  }
0xe9: {  	v41 =	vnsel vm2, $0x0, v40;
	v47 =	vld [tilespmem:$0x1FDF0];
	vm0 =	vnez.u8 v45;
	[tilespmem:v54+s13+$0x0] =	vst.idx.msk $0xffff, v62  }
0xea: {  	v59 =	vadd.s32 $0x36, v28;
	v36 =	vnsel vm0, $0x0, v43;
	v48 =	vld [tilespmem:$0x1FC80];
	[tilespmem:v56+s13+$0x0] =	vst.idx.msk $0xffff, v41  }
0xeb: {  	v61 =	vadd.s32 $0x33, v28;
	[tilespmem:v57+s13+$0x0] =	vst.idx.msk $0xffff, v36;
	v36 =	vld [tilespmem:s25+$0xFFFFFFF8]  }
0xec: {  	v63 =	vadd.s32 $0x37, v28  }
0xed: {  	vm7 =	vnez.u8 v46  }
0xee: {  	vm8 =	vnez.u8 v47;
	v34 =	vnsel vm7, $0x0, v43  }
0xef: {  	vm9 =	vnez.u8 v48;
	[tilespmem:v59+s13+$0x0] =	vst.idx.msk $0xffff, v34;
	v34 =	vnsel vm8, $0x0, v43  }
0xf0: {  	[tilespmem:v61+s13+$0x0] =	vst.idx.msk $0xffff, v34;
	v34 =	vnsel vm9, $0x0, v43;
	v49 =	vmul.u32 v25, v36  }
0xf1: {  	v62 =	vld [tilespmem:$0x1FFE0];
	[tilespmem:v63+s13+$0x0] =	vst.idx.msk $0xffff, v34;
	v50 =	vadd.s32 v25, v36  }
0xf2: {  	v51 =	vadd.s32 $0x18, v29;
	v34 =	vld [tilespmem:s25+$0xFFFFFFE4];
	vm11 =	veq.s32 v50, $0x3;
	vm14 =	veq.s32 v49, $0x6  }
0xf3: {  	vm15 =	vgt.s32 v31, v11;
	v52 =	vadd.s32 $0x1C, v29;
	vm4 =	vmor vm11, vm14  }
0xf4: {  	v58 =	vadd.s32 $0x1A, v29;
	v54 =	vadd.s32 $0x19, v29;
	vm4 =	vmand vm15, vm4  }
0xf5: {  	v47 =	vld [tilespmem:$0x1FFD0];
	v56 =	vadd.s32 $0x1D, v29;
	v61 =	vadd.s32 $0x1E, v29;
	v55 =	vnsel vm4, $0x0, v30  }
0xf6: {  	v44 =	vld [tilespmem:$0x1FF10];
	v63 =	vadd.s32 $0x1B, v29;
	vm8 =	veq.s32 v36, $0x0;
	v57 =	vnsel vm12, $0x0, v55  }
0xf7: {  	vm14 =	vnez.u8 v62;
	v59 =	vmul.u32 v21, v34;
	v60 =	vnsel vm8, $0x0, v55;
	[tilespmem:v51+s13+$0x0] =	vst.idx.msk $0xffff, v57  }
0xf8: {  	vm9 =	veq.s32 v36, $0x1;
	v53 =	vadd.s32 v21, v34;
	v35 =	vnsel vm14, $0x0, v55;
	[tilespmem:v52+s13+$0x0] =	vst.idx.msk $0xffff, v60  }
0xf9: {  	vm2 =	veq.s32 v53, $0x3;
	vm11 =	veq.s32 v59, $0x6;
	v45 =	vnsel vm9, $0x0, v55;
	[tilespmem:v54+s13+$0x0] =	vst.idx.msk $0xffff, v35  }
0xfa: {  	v46 =	vadd.s32 $0x1F, v29;
	vm4 =	vmor vm2, vm11;
	vm11 =	vnez.u8 v47;
	[tilespmem:v56+s13+$0x0] =	vst.idx.msk $0xffff, v45;
	v56 =	vld [tilespmem:$0x1FF30]  }
0xfb: {  	vm6 =	vnez.u8 v44;
	vm2 =	veq.s32 v36, $0x2;
	v35 =	vnsel vm11, $0x0, v55  }
0xfc: {  	v48 =	vadd.s32 $0x38, v28;
	v50 =	vadd.s32 $0x3C, v28;
	v49 =	vnsel vm2, $0x0, v55;
	v60 =	vld [tilespmem:$0x1FF20];
	[tilespmem:v58+s13+$0x0] =	vst.idx.msk $0xffff, v35  }
0xfd: {  	vm8 =	vgt.u32 v32, v16;
	vm9 =	veq.s32 v36, $0x3;
	v51 =	vnsel vm13, $0x0, v55;
	[tilespmem:v61+s13+$0x0] =	vst.idx.msk $0xffff, v49  }
0xfe: {  	v53 =	vnsel vm9, $0x0, v55;
	vm4 =	vmand vm8, vm4;
	v52 =	vadd.s32 $0x39, v28;
	[tilespmem:v63+s13+$0x0] =	vst.idx.msk $0xffff, v51  }
0xff: {  	v47 =	vld [tilespmem:$0x1FF00];
	v54 =	vnsel vm4, $0x0, v33;
	v55 =	vadd.s32 $0x3D, v28;
	[tilespmem:v46+s13+$0x0] =	vst.idx.msk $0xffff, v53;
	vm13 =	vnez.u8 v56  }
0x100: {  	vm15 =	veq.s32 v34, $0x0;
	v57 =	vadd.s32 $0x3A, v28;
	v42 =	vld [tilespmem:s25+$0xFFFFFFF7];
	v35 =	vnsel vm13, $0x0, v54  }
0x101: {  	v59 =	vadd.s32 $0x3E, v28;
	v58 =	vnsel vm15, $0x0, v54;
	vm15 =	vnez.u8 v60;
	[tilespmem:v48+s13+$0x0] =	vst.idx.msk $0xffff, v35  }
0x102: {  	vm2 =	veq.s32 v34, $0x1;
	vm8 =	veq.s32 v34, $0x2;
	v35 =	vnsel vm15, $0x0, v54;
	[tilespmem:v50+s13+$0x0] =	vst.idx.msk $0xffff, v58  }
0x103: {  	vm9 =	veq.s32 v34, $0x3;
	v62 =	vnsel vm2, $0x0, v54;
	v45 =	vnsel vm8, $0x0, v54;
	[tilespmem:v52+s13+$0x0] =	vst.idx.msk $0xffff, v35  }
0x104: {  	v38 =	vnsel vm9, $0x0, v54;
	vm7 =	vnez.u8 v47;
	v35 =	vnsel vm6, $0x0, v54;
	[tilespmem:v55+s13+$0x0] =	vst.idx.msk $0xffff, v62  }
0x105: {  	v61 =	vadd.s32 $0x3B, v28;
	v46 =	vmul.u32 v24, v42;
	[tilespmem:v57+s13+$0x0] =	vst.idx.msk $0xffff, v35;
	v35 =	vnsel vm7, $0x0, v54;
	v54 =	vld [tilespmem:$0x1FFB0]  }
0x106: {  	v63 =	vadd.s32 $0x3F, v28;
	v48 =	vadd.s32 v24, v42  }
0x107: {  	v49 =	vadd.s32 $0x20, v29;
	vm12 =	veq.s32 v48, $0x3;
	vm13 =	veq.s32 v46, $0x6  }
0x108: {  	vm2 =	vgt.s32 v31, v12;
	v50 =	vadd.s32 $0x24, v29;
	v58 =	vld [tilespmem:$0x1FFA0];
	vm4 =	vmor vm12, vm13  }
0x109: {  	[tilespmem:v59+s13+$0x0] =	vst.idx.msk $0xffff, v45;
	vm4 =	vmand vm2, vm4  }
0x10a: {  	v51 =	vadd.s32 $0x21, v29;
	[tilespmem:v61+s13+$0x0] =	vst.idx.msk $0xffff, v35;
	v52 =	vnsel vm4, $0x0, v30;
	vm8 =	vnez.u8 v54  }
0x10b: {  	v53 =	vadd.s32 $0x25, v29;
	vm9 =	veq.s32 v42, $0x0;
	[tilespmem:v63+s13+$0x0] =	vst.idx.msk $0xffff, v38;
	v41 =	vnsel vm8, $0x0, v52  }
0x10c: {  	v55 =	vadd.s32 $0x22, v29;
	v62 =	vadd.s32 $0x27, v29;
	v36 =	vld [tilespmem:s25+$0xFFFFFFE3];
	v56 =	vnsel vm9, $0x0, v52;
	[tilespmem:v49+s13+$0x0] =	vst.idx.msk $0xffff, v41  }
0x10d: {  	v57 =	vadd.s32 $0x26, v29;
	v59 =	vadd.s32 $0x23, v29;
	vm12 =	vnez.u8 v58;
	[tilespmem:v50+s13+$0x0] =	vst.idx.msk $0xffff, v56;
	v50 =	vld [tilespmem:$0x1FF80]  }
0x10e: {  	s30 =	sadd.s32 $0x20, s22;
	vm13 =	veq.s32 v42, $0x1;
	v58 =	vadd.s32 $0x45, v28;
	v34 =	vnsel vm12, $0x0, v52  }
0x10f: {  	v35 =	vor.u32 s30, v1;
	vm2 =	veq.s32 v42, $0x2;
	v61 =	vnsel vm13, $0x0, v52;
	[tilespmem:v51+s13+$0x0] =	vst.idx.msk $0xffff, v34  }
0x110: {  	v48 =	vnsel vm1, $0x0, v52;
	vm9 =	veq.s32 v42, $0x3;
	vm1 =	vgt.u32 v32, v18;
	v54 =	vld [tilespmem:$0x1FEF0];
	[tilespmem:v53+s13+$0x0] =	vst.idx.msk $0xffff, v61  }
0x111: {  	v49 =	vnsel vm2, $0x0, v52;
	v56 =	vadd.s32 $0x41, v28;
	v60 =	vadd.s32 v17, v36;
	[tilespmem:v55+s13+$0x0] =	vst.idx.msk $0xffff, v48  }
0x112: {  	v63 =	vmul.u32 v17, v36;
	v51 =	vnsel vm9, $0x0, v52;
	[tilespmem:v57+s13+$0x0] =	vst.idx.msk $0xffff, v49;
	v57 =	vld [tilespmem:$0x1FEE0];
	vm8 =	vnez.u8 v50  }
0x113: {  	vm2 =	veq.s32 v36, $0x0;
	vm13 =	veq.s32 v36, $0x1;
	v34 =	vnsel vm8, $0x0, v52  }
0x114: {  	vm5 =	veq.s32 v60, $0x3;
	v61 =	vld [tilespmem:$0x1FED0];
	vm4 =	veq.s32 v63, $0x6;
	v52 =	vadd.s32 $0x40, v28;
	[tilespmem:v59+s13+$0x0] =	vst.idx.msk $0xffff, v34  }
0x115: {  	v53 =	vadd.s32 $0x44, v28;
	vm9 =	vnez.u8 v54;
	vm4 =	vmor vm5, vm4;
	[tilespmem:v62+s13+$0x0] =	vst.idx.msk $0xffff, v51  }
0x116: {  	v60 =	vadd.s32 $0x42, v28;
	v63 =	vadd.s32 $0x46, v28;
	vm4 =	vmand vm1, vm4;
	v39 =	vld [tilespmem:s25+$0xFFFFFFF6]  }
0x117: {  	vm1 =	veq.s32 v36, $0x2;
	v38 =	vnsel vm4, $0x0, v33;
	vm12 =	vnez.u8 v57;
	v57 =	vld [tilespmem:$0x1FEC0]  }
0x118: {  	v40 =	vnsel vm9, $0x0, v38;
	v55 =	vnsel vm2, $0x0, v38;
	v59 =	vnsel vm13, $0x0, v38  }
0x119: {  	vm13 =	vnez.u8 v61;
	v34 =	vmul.u32 $0x61, v35;
	v61 =	vimm.s32 $0x0;
	[tilespmem:v52+s13+$0x0] =	vst.idx.msk $0xffff, v40  }
0x11a: {  	v62 =	vnsel vm13, $0x0, v38;
	v43 =	vnsel vm12, $0x0, v38;
	[tilespmem:v53+s13+$0x0] =	vst.idx.msk $0xffff, v55;
	v53 =	vadd.s32 $0x43, v28  }
0x11b: {  	v52 =	vnsel vm1, $0x0, v38;
	v40 =	vld [tilespmem:s25+$0x5];
	v55 =	vadd.s32 $0x47, v28;
	[tilespmem:v56+s13+$0x0] =	vst.idx.msk $0xffff, v43;
	v54 =	vmul.u32 v23, v39  }
0x11c: {  	v56 =	vadd.s32 v23, v39;
	[tilespmem:v58+s13+$0x0] =	vst.idx.msk $0xffff, v59;
	vm8 =	vnez.u8 v57;
	v58 =	vadd.s32 $0x4, v34  }
0x11d: {  	v59 =	vadd.s32 $0x1, v34;
	vm2 =	veq.s32 v56, $0x3;
	[tilespmem:v60+s13+$0x0] =	vst.idx.msk $0xffff, v62;
	vm12 =	veq.s32 v54, $0x6  }
0x11e: {  	v44 =	vnsel vm8, $0x0, v38;
	[tilespmem:v63+s13+$0x0] =	vst.idx.msk $0xffff, v52;
	vm4 =	vmor vm2, vm12;
	vm2 =	veq.s32 v36, $0x3  }
0x11f: {  	s28 =	sand.u32 $0x60, s30;
	vm1 =	vgt.u32 v31, v14;
	v60 =	vadd.s32 $0x5, v34;
	[tilespmem:v53+s13+$0x0] =	vst.idx.msk $0xffff, v44;
	v36 =	vnsel vm2, $0x0, v38  }
0x120: {  	s28 =	sadd.s32 s28, s26;
	v62 =	vadd.s32 $0x2, v34;
	v56 =	vadd.s32 $0x7, v34;
	vm5 =	veq.s32 v40, $0x0;
	[tilespmem:v55+s13+$0x0] =	vst.idx.msk $0xffff, v36  }
0x121: {  	v52 =	vadd.s32 $0x6, v34;
	v54 =	vadd.s32 $0x3, v34;
	v63 =	vsel vm5, $0x3F800000, v0;
	v36 =	vld [tilespmem:s28+$0x0];
	[tilespmem:v34+s13+$0x0] =	vst.idx.msk $0xffff, v3  }
0x122: {  	v44 =	vsel vm5, $0xFFFFFFFF, v61;
	vm5 =	veq.s32 v40, $0x1;
	vm4 =	vmand vm1, vm4;
	[tilespmem:v58+s13+$0x0] =	vst.idx.msk $0xffff, v63  }
0x123: {  	vm12 =	veq.s32 v39, $0x0;
	v38 =	vnsel vm4, $0x0, v30;
	v55 =	vsel vm5, $0x3F800000, v0;
	[tilespmem:v59+s13+$0x0] =	vst.idx.msk $0xffff, v5  }
0x124: {  	v47 =	vnsel vm12, $0x0, v38;
	vm12 =	veq.s32 v40, $0x2;
	[tilespmem:v60+s13+$0x0] =	vst.idx.msk $0xffff, v55  }
0x125: {  	v57 =	vimm.s32 $0x0;
	v58 =	vsel vm12, $0x3F800000, v0;
	[tilespmem:v62+s13+$0x0] =	vst.idx.msk $0xffff, v7  }
0x126: {  	v41 =	vsel vm12, $0xFFFFFFFF, v57;
	vm12 =	veq.s32 v40, $0x3;
	v62 =	vld [tilespmem:$0x1FF70];
	[tilespmem:v52+s13+$0x0] =	vst.idx.msk $0xffff, v58  }
0x127: {  	v61 =	vsel vm12, $0x3F800000, v0;
	[tilespmem:v54+s13+$0x0] =	vst.idx.msk $0xffff, v8  }
0x128: {  	v46 =	vadd.s32 $0x2C, v29;
	v42 =	vadd.s32 $0x28, v29;
	v50 =	vadd.s32 $0x29, v29;
	[tilespmem:v56+s13+$0x0] =	vst.idx.msk $0xffff, v61;
	v56 =	vld [tilespmem:$0x1FF60]  }
0x129: {  	vm2 =	veq.s32 v39, $0x2;
	vm4 =	veq.s32 v39, $0x1;
	v59 =	vimm.s32 $0x0  }
0x12a: {  	[tilespmem:$0x1FD70] =	vst v41;
	v41 =	vnsel vm4, $0x0, v38;
	vm4 =	veq.s32 v39, $0x3;
	v39 =	vsel vm12, $0xFFFFFFFF, v59  }
0x12b: {  	v60 =	vadd.s32 $0x2D, v29;
	[tilespmem:$0x1FD80] =	vst v39;
	v39 =	vnsel vm4, $0x0, v38;
	vm4 =	vnez.u8 v62  }
0x12c: {  	v53 =	vimm.s32 $0x0;
	v48 =	vnsel vm4, $0x0, v38  }
0x12d: {  	v43 =	vsel vm5, $0xFFFFFFFF, v53;
	[tilespmem:v42+s13+$0x0] =	vst.idx.msk $0xffff, v48;
	vm5 =	vnez.u8 v56  }
0x12e: {  	[tilespmem:v46+s13+$0x0] =	vst.idx.msk $0xffff, v47;
	v42 =	vnsel vm5, $0x0, v38  }
0x12f: {  	[tilespmem:v50+s13+$0x0] =	vst.idx.msk $0xffff, v42  }
0x130: {  	[tilespmem:v60+s13+$0x0] =	vst.idx.msk $0xffff, v41;
	v60 =	vld [tilespmem:$0x1FF50];
	_ =	sdelay $0x1  }
0x131: {  	v45 =	vnsel vm2, $0x0, v38;
	v63 =	vadd.s32 $0x2A, v29;
	v52 =	vmul.u32 v2, v37;
	v62 =	vld [tilespmem:$0x1FF40]  }
0x132: {  	vm2 =	vgt.u32 v31, v15;
	v57 =	vadd.s32 $0x2E, v29;
	v37 =	vadd.s32 v2, v37;
	v48 =	vld [tilespmem:s25+$0xA]  }
0x133: {  	v58 =	vadd.s32 $0x2B, v29;
	vm12 =	veq.s32 v37, $0x3;
	vm1 =	veq.s32 v52, $0x6  }
0x134: {  	v59 =	vadd.s32 $0x2F, v29;
	v55 =	vld [tilespmem:$0x1FC90];
	vm4 =	vmor vm12, vm1;
	vm12 =	vnez.u8 v60  }
0x135: {  	[tilespmem:$0x1FD50] =	vst v44;
	v61 =	vadd.s32 $0x30, v29;
	vm4 =	vmand vm2, vm4;
	v41 =	vnsel vm12, $0x0, v38  }
0x136: {  	v53 =	vadd.s32 $0x31, v29;
	v44 =	vnsel vm4, $0x0, v30;
	vm4 =	vnez.u8 v62;
	[tilespmem:v63+s13+$0x0] =	vst.idx.msk $0xffff, v41  }
0x137: {  	v62 =	vld [tilespmem:$0x1FCA0];
	v54 =	vmul.u32 v26, v48;
	v38 =	vnsel vm4, $0x0, v38;
	v63 =	vadd.s32 $0x34, v29;
	[tilespmem:v57+s13+$0x0] =	vst.idx.msk $0xffff, v45  }
0x138: {  	vm2 =	vgt.s32 v35, v9;
	v56 =	vadd.s32 $0x35, v29;
	v47 =	vld [tilespmem:$0x1FCF0];
	v52 =	vnsel vm3, $0x0, v44;
	[tilespmem:v58+s13+$0x0] =	vst.idx.msk $0xffff, v38  }
0x139: {  	vm5 =	vnez.u8 v55;
	vm1 =	veq.s32 v54, $0x6;
	v57 =	vadd.s32 v26, v48;
	[tilespmem:v59+s13+$0x0] =	vst.idx.msk $0xffff, v39  }
0x13a: {  	v60 =	vnsel vm10, $0x0, v44;
	vm12 =	veq.s32 v57, $0x3;
	v58 =	vadd.s32 $0x8, v34;
	[tilespmem:v61+s13+$0x0] =	vst.idx.msk $0xffff, v52;
	v52 =	vld [tilespmem:$0x1FD00]  }
0x13b: {  	v38 =	vnsel vm5, $0x0, v44;
	vm3 =	vmor vm12, vm1;
	v59 =	vadd.s32 $0xC, v34  }
0x13c: {  	vm5 =	vnez.u8 v62;
	vm3 =	vmand vm2, vm3;
	v61 =	vadd.s32 $0x9, v34;
	[tilespmem:v63+s13+$0x0] =	vst.idx.msk $0xffff, v38  }
0x13d: {  	vm10 =	vnez.u8 v47;
	v38 =	vnsel vm5, $0x0, v44;
	v42 =	vnsel vm3, $0x0, v36;
	[tilespmem:v53+s13+$0x0] =	vst.idx.msk $0xffff, v60  }
0x13e: {  	vm12 =	veq.s32 v48, $0x0;
	[tilespmem:v56+s13+$0x0] =	vst.idx.msk $0xffff, v38;
	v38 =	vnsel vm10, $0x0, v42  }
0x13f: {  	v57 =	vld [tilespmem:$0x1FCB0];
	v50 =	vnsel vm12, $0x0, v42;
	[tilespmem:v58+s13+$0x0] =	vst.idx.msk $0xffff, v38;
	vm4 =	vnez.u8 v52  }
0x140: {  	v63 =	vadd.s32 $0xD, v34;
	[tilespmem:v59+s13+$0x0] =	vst.idx.msk $0xffff, v50;
	v38 =	vnsel vm4, $0x0, v42  }
0x141: {  	v49 =	vadd.s32 $0xA, v34;
	[tilespmem:v61+s13+$0x0] =	vst.idx.msk $0xffff, v38;
	v61 =	vld [tilespmem:$0x1FCC0]  }
0x142: {  	v51 =	vadd.s32 $0xE, v34  }
0x143: {  	vm5 =	veq.s32 v48, $0x1;
	v53 =	vadd.s32 $0xB, v34  }
0x144: {  	v55 =	vadd.s32 $0xF, v34;
	v54 =	vnsel vm5, $0x0, v42;
	vm12 =	vnez.u8 v57  }
0x145: {  	v56 =	vadd.s32 $0x32, v29;
	vm10 =	veq.s32 v48, $0x2;
	v38 =	vnsel vm12, $0x0, v42;
	[tilespmem:v63+s13+$0x0] =	vst.idx.msk $0xffff, v54  }
0x146: {  	v59 =	vnsel vm10, $0x0, v42;
	[tilespmem:v49+s13+$0x0] =	vst.idx.msk $0xffff, v38;
	vm10 =	vnez.u8 v61  }
0x147: {  	vm4 =	veq.s32 v48, $0x3;
	[tilespmem:v51+s13+$0x0] =	vst.idx.msk $0xffff, v59;
	v38 =	vnsel vm10, $0x0, v42  }
0x148: {  	v37 =	vld [tilespmem:s25+$0xFFFFFFE2];
	v52 =	vnsel vm4, $0x0, v42;
	[tilespmem:v53+s13+$0x0] =	vst.idx.msk $0xffff, v38  }
0x149: {  	v54 =	vnsel vm0, $0x0, v44;
	[tilespmem:v55+s13+$0x0] =	vst.idx.msk $0xffff, v52;
	v55 =	vld [tilespmem:$0x1FCD0]  }
0x14a: {  	[tilespmem:v56+s13+$0x0] =	vst.idx.msk $0xffff, v54;
	v56 =	vld [tilespmem:$0x1FDF0]  }
0x14b: {  	v58 =	vadd.s32 $0x36, v29  }
0x14c: {  	v60 =	vadd.s32 $0x33, v29  }
0x14d: {  	v57 =	vld [tilespmem:$0x1FCE0]  }
0x14e: {  	v62 =	vmul.u32 v13, v37;
	v63 =	vadd.s32 $0x37, v29;
	v59 =	vld [tilespmem:$0x1FEB0];
	vm5 =	vnez.u8 v55  }
0x14f: {  	v53 =	vadd.s32 v13, v37;
	v41 =	vld [tilespmem:s25+$0x9];
	v38 =	vnsel vm5, $0x0, v44;
	vm5 =	vnez.u8 v56  }
0x150: {  	vm3 =	veq.s32 v62, $0x6;
	vm2 =	veq.s32 v53, $0x3;
	[tilespmem:v58+s13+$0x0] =	vst.idx.msk $0xffff, v38;
	v38 =	vnsel vm5, $0x0, v44  }
0x151: {  	vm4 =	vgt.u32 v32, v19;
	vm1 =	vmor vm2, vm3;
	[tilespmem:v60+s13+$0x0] =	vst.idx.msk $0xffff, v38;
	v60 =	vld [tilespmem:$0x1FEA0]  }
0x152: {  	vm1 =	vmand vm4, vm1;
	vm4 =	vnez.u8 v57  }
0x153: {  	v58 =	vnsel vm4, $0x0, v44  }
0x154: {  	v54 =	vld [tilespmem:$0x1FD10];
	v61 =	vmul.u32 v27, v41;
	vm4 =	vnez.u8 v59;
	v38 =	vnsel vm1, $0x0, v33;
	[tilespmem:v63+s13+$0x0] =	vst.idx.msk $0xffff, v58  }
0x155: {  	[tilespmem:$0x1FD60] =	vst v43;
	v62 =	vadd.s32 v27, v41;
	vm5 =	veq.s32 v37, $0x0;
	v43 =	vnsel vm4, $0x0, v38;
	v46 =	vld [tilespmem:s25+$0xFFFFFFF4]  }
0x156: {  	v45 =	vnsel vm5, $0x0, v38;
	vm4 =	veq.s32 v62, $0x3;
	vm5 =	vnez.u8 v60  }
0x157: {  	v63 =	vadd.s32 $0x10, v34;
	v48 =	vnsel vm5, $0x0, v38;
	vm5 =	veq.s32 v61, $0x6  }
0x158: {  	v50 =	vadd.s32 $0x14, v34;
	vm1 =	vmor vm4, vm5;
	vm4 =	vgt.s32 v35, v10  }
0x159: {  	v58 =	vld [tilespmem:$0x1FD20];
	v61 =	vadd.s32 $0x11, v34;
	vm1 =	vmand vm4, vm1  }
0x15a: {  	v60 =	vadd.s32 v21, v46;
	vm5 =	vnez.u8 v54;
	v51 =	vnsel vm1, $0x0, v36  }
0x15b: {  	vm2 =	veq.s32 v60, $0x3;
	vm4 =	veq.s32 v41, $0x0;
	v60 =	vld [tilespmem:$0x1FD30];
	v54 =	vnsel vm5, $0x0, v51  }
0x15c: {  	v53 =	vadd.s32 $0x15, v34;
	v62 =	vnsel vm4, $0x0, v51;
	[tilespmem:v63+s13+$0x0] =	vst.idx.msk $0xffff, v54  }
0x15d: {  	v55 =	vadd.s32 $0x12, v34;
	v59 =	vadd.s32 $0x13, v34;
	v56 =	vmul.u32 v21, v46;
	[tilespmem:v50+s13+$0x0] =	vst.idx.msk $0xffff, v62;
	v62 =	vld [tilespmem:$0x1FD40]  }
0x15e: {  	vm1 =	veq.s32 v41, $0x1;
	vm5 =	vnez.u8 v58;
	v63 =	vadd.s32 $0x16, v34  }
0x15f: {  	vm3 =	veq.s32 v56, $0x6;
	v57 =	vnsel vm1, $0x0, v51;
	v49 =	vnsel vm5, $0x0, v51  }
0x160: {  	v58 =	vadd.s32 $0x17, v34;
	vm1 =	vmor vm2, vm3;
	[tilespmem:v61+s13+$0x0] =	vst.idx.msk $0xffff, v49;
	vm4 =	vnez.u8 v60;
	v60 =	vld [tilespmem:$0x1FF30]  }
0x161: {  	vm2 =	veq.s32 v41, $0x2;
	vm3 =	vgt.u32 v31, v16;
	[tilespmem:v53+s13+$0x0] =	vst.idx.msk $0xffff, v57;
	v49 =	vnsel vm4, $0x0, v51  }
0x162: {  	v61 =	vnsel vm2, $0x0, v51;
	v53 =	vadd.s32 $0x38, v29;
	[tilespmem:v55+s13+$0x0] =	vst.idx.msk $0xffff, v49;
	vm5 =	vnez.u8 v62  }
0x163: {  	vm4 =	veq.s32 v41, $0x3;
	v55 =	vadd.s32 $0x3C, v29;
	[tilespmem:v63+s13+$0x0] =	vst.idx.msk $0xffff, v61;
	v49 =	vnsel vm5, $0x0, v51  }
0x164: {  	vm1 =	vmand vm3, vm1;
	v63 =	vadd.s32 $0x39, v29;
	[tilespmem:v59+s13+$0x0] =	vst.idx.msk $0xffff, v49;
	v59 =	vnsel vm4, $0x0, v51  }
0x165: {  	v54 =	vadd.s32 $0x3D, v29;
	vm5 =	vnez.u8 v60;
	v51 =	vnsel vm1, $0x0, v30;
	[tilespmem:v58+s13+$0x0] =	vst.idx.msk $0xffff, v59  }
0x166: {  	v52 =	vadd.s32 $0x3A, v29;
	vm4 =	veq.s32 v46, $0x0;
	v49 =	vnsel vm5, $0x0, v51;
	v56 =	vld [tilespmem:s25+$0x8]  }
0x167: {  	vm0 =	veq.s32 v37, $0x1;
	v42 =	vadd.s32 $0x48, v28;
	v61 =	vnsel vm4, $0x0, v51;
	[tilespmem:v53+s13+$0x0] =	vst.idx.msk $0xffff, v49  }
0x168: {  	v50 =	vnsel vm0, $0x0, v38;
	vm0 =	veq.s32 v46, $0x1;
	v62 =	vnsel vm15, $0x0, v51;
	[tilespmem:v55+s13+$0x0] =	vst.idx.msk $0xffff, v61  }
0x169: {  	v53 =	vadd.s32 $0x3E, v29;
	[tilespmem:v63+s13+$0x0] =	vst.idx.msk $0xffff, v62;
	v63 =	vnsel vm0, $0x0, v51  }
0x16a: {  	v44 =	vadd.s32 $0x4C, v28;
	v60 =	vnsel vm6, $0x0, v51;
	v55 =	vadd.s32 $0x3B, v29;
	[tilespmem:v54+s13+$0x0] =	vst.idx.msk $0xffff, v63  }
0x16b: {  	vm5 =	veq.s32 v46, $0x2;
	v49 =	vadd.s32 $0x3F, v29;
	[tilespmem:v52+s13+$0x0] =	vst.idx.msk $0xffff, v60;
	v60 =	vadd.s32 v25, v56  }
0x16c: {  	v63 =	vnsel vm7, $0x0, v51;
	v62 =	vmul.u32 v25, v56;
	vm7 =	veq.s32 v60, $0x3;
	v60 =	vld [tilespmem:$0x1FFF0]  }
0x16d: {  	v47 =	vadd.s32 $0x49, v28;
	[tilespmem:v42+s13+$0x0] =	vst.idx.msk $0xffff, v43;
	vm6 =	veq.s32 v46, $0x3;
	v61 =	vnsel vm5, $0x0, v51  }
0x16e: {  	vm5 =	vgt.s32 v35, v11;
	[tilespmem:v53+s13+$0x0] =	vst.idx.msk $0xffff, v61;
	v61 =	vadd.s32 $0x18, v34;
	vm4 =	veq.s32 v62, $0x6  }
0x16f: {  	v51 =	vnsel vm6, $0x0, v51;
	[tilespmem:v55+s13+$0x0] =	vst.idx.msk $0xffff, v63;
	v62 =	vadd.s32 $0x1C, v34;
	vm0 =	vmor vm7, vm4  }
0x170: {  	v63 =	vadd.s32 $0x19, v34;
	[tilespmem:v49+s13+$0x0] =	vst.idx.msk $0xffff, v51;
	vm0 =	vmand vm5, vm0  }
0x171: {  	[tilespmem:v44+s13+$0x0] =	vst.idx.msk $0xffff, v45;
	v49 =	vadd.s32 $0x1D, v34;
	v42 =	vld [tilespmem:s25+$0xFFFFFFF3];
	v45 =	vnsel vm0, $0x0, v36;
	vm7 =	vnez.u8 v60  }
0x172: {  	[tilespmem:v47+s13+$0x0] =	vst.idx.msk $0xffff, v48;
	vm4 =	veq.s32 v56, $0x0;
	v47 =	vnsel vm7, $0x0, v45  }
0x173: {  	v58 =	vld [tilespmem:$0x1FE90];
	[tilespmem:v61+s13+$0x0] =	vst.idx.msk $0xffff, v47;
	v61 =	vnsel vm4, $0x0, v45  }
0x174: {  	v39 =	vadd.s32 $0x4D, v28;
	vm5 =	veq.s32 v56, $0x1;
	[tilespmem:v62+s13+$0x0] =	vst.idx.msk $0xffff, v61;
	v62 =	vnsel vm14, $0x0, v45  }
0x175: {  	v57 =	vadd.s32 $0x4A, v28;
	[tilespmem:v63+s13+$0x0] =	vst.idx.msk $0xffff, v62;
	v63 =	vnsel vm5, $0x0, v45  }
0x176: {  	v59 =	vadd.s32 $0x4E, v28;
	v52 =	vadd.s32 v17, v42;
	[tilespmem:v49+s13+$0x0] =	vst.idx.msk $0xffff, v63;
	v63 =	vld [tilespmem:$0x1FE80]  }
0x177: {  	v48 =	vadd.s32 $0x1A, v34;
	v62 =	vnsel vm11, $0x0, v45;
	vm11 =	veq.s32 v52, $0x3;
	v52 =	vld [tilespmem:$0x1FFC0]  }
0x178: {  	vm3 =	vnez.u8 v58;
	v47 =	vadd.s32 $0x1E, v34  }
0x179: {  	[tilespmem:v39+s13+$0x0] =	vst.idx.msk $0xffff, v50;
	v46 =	vadd.s32 $0x1B, v34;
	vm6 =	veq.s32 v37, $0x2;
	v58 =	vnsel vm3, $0x0, v38  }
0x17a: {  	v44 =	vnsel vm6, $0x0, v38;
	vm6 =	veq.s32 v56, $0x2;
	[tilespmem:v57+s13+$0x0] =	vst.idx.msk $0xffff, v58;
	v60 =	vadd.s32 $0x1F, v34  }
0x17b: {  	v51 =	vadd.s32 $0x4B, v28;
	[tilespmem:v59+s13+$0x0] =	vst.idx.msk $0xffff, v44;
	v61 =	vmul.u32 v17, v42;
	vm7 =	vnez.u8 v63  }
0x17c: {  	[tilespmem:v48+s13+$0x0] =	vst.idx.msk $0xffff, v62;
	v48 =	vnsel vm6, $0x0, v45;
	v49 =	vnsel vm7, $0x0, v38;
	vm7 =	vnez.u8 v52  }
0x17d: {  	v54 =	vadd.s32 $0x4F, v28;
	vm5 =	veq.s32 v56, $0x3;
	[tilespmem:v47+s13+$0x0] =	vst.idx.msk $0xffff, v48;
	v41 =	vnsel vm7, $0x0, v45  }
0x17e: {  	v55 =	vadd.s32 $0x40, v29;
	v59 =	vld [tilespmem:$0x1FEE0];
	vm14 =	veq.s32 v61, $0x6;
	v53 =	vnsel vm5, $0x0, v45;
	[tilespmem:v46+s13+$0x0] =	vst.idx.msk $0xffff, v41  }
0x17f: {  	v57 =	vadd.s32 $0x44, v29;
	vm0 =	vmor vm11, vm14;
	vm6 =	vgt.u32 v31, v18;
	[tilespmem:v60+s13+$0x0] =	vst.idx.msk $0xffff, v53  }
0x180: {  	vm11 =	veq.s32 v37, $0x3;
	vm0 =	vmand vm6, vm0;
	v47 =	vadd.s32 $0x41, v29;
	v43 =	vld [tilespmem:s25+$0x7]  }
0x181: {  	v37 =	vnsel vm11, $0x0, v38;
	v38 =	vnsel vm0, $0x0, v30;
	[tilespmem:v51+s13+$0x0] =	vst.idx.msk $0xffff, v49;
	v49 =	vadd.s32 $0x45, v29  }
0x182: {  	vm14 =	veq.s32 v42, $0x0;
	v56 =	vnsel vm9, $0x0, v38;
	[tilespmem:v54+s13+$0x0] =	vst.idx.msk $0xffff, v37;
	v37 =	vadd.s32 $0x42, v29  }
0x183: {  	v39 =	vadd.s32 $0x46, v29;
	vm5 =	vnez.u8 v59;
	v58 =	vnsel vm14, $0x0, v38;
	[tilespmem:v55+s13+$0x0] =	vst.idx.msk $0xffff, v56  }
0x184: {  	vm4 =	veq.s32 v42, $0x1;
	v48 =	vnsel vm5, $0x0, v38;
	v56 =	vadd.s32 $0x43, v29;
	[tilespmem:v57+s13+$0x0] =	vst.idx.msk $0xffff, v58  }
0x185: {  	vm6 =	veq.s32 v42, $0x2;
	v51 =	vld [tilespmem:$0x1FFB0];
	v60 =	vnsel vm4, $0x0, v38;
	[tilespmem:v47+s13+$0x0] =	vst.idx.msk $0xffff, v48;
	v63 =	vmul.u32 v24, v43  }
0x186: {  	v61 =	vnsel vm13, $0x0, v38;
	v62 =	vnsel vm6, $0x0, v38;
	[tilespmem:v49+s13+$0x0] =	vst.idx.msk $0xffff, v60;
	v58 =	vadd.s32 v24, v43  }
0x187: {  	v60 =	vadd.s32 $0x20, v34;
	[tilespmem:v37+s13+$0x0] =	vst.idx.msk $0xffff, v61;
	vm9 =	veq.s32 v58, $0x3;
	vm11 =	veq.s32 v63, $0x6  }
0x188: {  	vm13 =	vgt.s32 v35, v12;
	v57 =	vnsel vm8, $0x0, v38;
	[tilespmem:v39+s13+$0x0] =	vst.idx.msk $0xffff, v62;
	vm0 =	vmor vm9, vm11  }
0x189: {  	v59 =	vadd.s32 $0x47, v29;
	[tilespmem:v56+s13+$0x0] =	vst.idx.msk $0xffff, v57;
	v56 =	vld [tilespmem:$0x1FFA0];
	vm0 =	vmand vm13, vm0  }
0x18a: {  	vm4 =	vnez.u8 v51;
	v61 =	vadd.s32 $0x24, v34;
	v45 =	vnsel vm0, $0x0, v36  }
0x18b: {  	v41 =	vld [tilespmem:s25+$0x15];
	v63 =	vadd.s32 $0x21, v34;
	v52 =	vnsel vm4, $0x0, v45  }
0x18c: {  	s31 =	sadd.s32 $0x30, s22;
	vm14 =	veq.s32 v42, $0x3;
	v54 =	vadd.s32 $0x22, v34;
	v53 =	vadd.s32 $0x25, v34;
	[tilespmem:v60+s13+$0x0] =	vst.idx.msk $0xffff, v52;
	v60 =	vld [tilespmem:$0x1FF90]  }
0x18d: {  	v62 =	vnsel vm14, $0x0, v38;
	v38 =	vor.u32 s31, v1;
	vm5 =	veq.s32 v43, $0x0  }
0x18e: {  	v37 =	vmul.u32 $0x61, v38;
	[tilespmem:v59+s13+$0x0] =	vst.idx.msk $0xffff, v62;
	vm6 =	vnez.u8 v56;
	v55 =	vnsel vm5, $0x0, v45  }
0x18f: {  	vm8 =	veq.s32 v43, $0x1;
	v42 =	vnsel vm6, $0x0, v45;
	[tilespmem:v61+s13+$0x0] =	vst.idx.msk $0xffff, v55  }
0x190: {  	v48 =	vld [tilespmem:s25+$0xFFFFFFE1];
	vm11 =	veq.s32 v41, $0x1;
	v58 =	vnsel vm8, $0x0, v45;
	v55 =	vimm.s32 $0x0;
	[tilespmem:v63+s13+$0x0] =	vst.idx.msk $0xffff, v42  }
0x191: {  	v57 =	vadd.s32 $0x4, v37;
	v44 =	vsel vm11, $0xFFFFFFFF, v55;
	[tilespmem:v53+s13+$0x0] =	vst.idx.msk $0xffff, v58;
	vm9 =	vnez.u8 v60  }
0x192: {  	s28 =	sand.u32 $0x70, s31;
	v59 =	vadd.s32 $0x1, v37;
	[tilespmem:$0x1FD90] =	vst v44;
	v39 =	vnsel vm9, $0x0, v45  }
0x193: {  	s26 =	sadd.s32 s28, s26;
	vm6 =	veq.s32 v41, $0x2;
	v61 =	vadd.s32 $0x5, v37;
	v60 =	vimm.s32 $0x0;
	[tilespmem:v54+s13+$0x0] =	vst.idx.msk $0xffff, v39  }
0x194: {  	vm14 =	veq.s32 v41, $0x0;
	v47 =	vadd.s32 $0x2, v37;
	v42 =	vsel vm6, $0xFFFFFFFF, v60;
	v39 =	vld [tilespmem:s26+$0x0];
	[tilespmem:v37+s13+$0x0] =	vst.idx.msk $0xffff, v3  }
0x195: {  	v62 =	vsel vm14, $0x3F800000, v0;
	v50 =	vadd.s32 $0x6, v37;
	v56 =	vmul.u32 v6, v48;
	[tilespmem:$0x1FDA0] =	vst v42  }
0x196: {  	[tilespmem:v57+s13+$0x0] =	vst.idx.msk $0xffff, v62  }
0x197: {  	vm8 =	veq.s32 v56, $0x6;
	v44 =	vadd.s32 $0x3, v37;
	v57 =	vsel vm11, $0x3F800000, v0;
	[tilespmem:v59+s13+$0x0] =	vst.idx.msk $0xffff, v5  }
0x198: {  	v56 =	vld [tilespmem:$0x1FF80];
	v63 =	vadd.s32 v6, v48;
	v58 =	vadd.s32 $0x7, v37;
	v53 =	vimm.s32 $0x0;
	[tilespmem:v61+s13+$0x0] =	vst.idx.msk $0xffff, v57  }
0x199: {  	v62 =	vsel vm6, $0x3F800000, v0;
	vm11 =	veq.s32 v41, $0x3;
	v59 =	vadd.s32 $0x26, v34;
	[tilespmem:v47+s13+$0x0] =	vst.idx.msk $0xffff, v7  }
0x19a: {  	vm13 =	veq.s32 v63, $0x3;
	v61 =	vadd.s32 $0x23, v34;
	v47 =	vsel vm11, $0xFFFFFFFF, v53;
	[tilespmem:v50+s13+$0x0] =	vst.idx.msk $0xffff, v62  }
0x19b: {  	v63 =	vadd.s32 $0x27, v34;
	vm9 =	vmor vm13, vm8;
	[tilespmem:$0x1FDB0] =	vst v47  }
0x19c: {  	vm13 =	vgt.u32 v32, v20;
	vm6 =	veq.s32 v43, $0x2;
	v54 =	vsel vm11, $0x3F800000, v0;
	[tilespmem:v44+s13+$0x0] =	vst.idx.msk $0xffff, v8  }
0x19d: {  	v42 =	vld [tilespmem:s25+$0xFFFFFFF2];
	vm1 =	vmand vm13, vm9;
	vm13 =	vnez.u8 v56;
	v55 =	vnsel vm6, $0x0, v45;
	[tilespmem:v58+s13+$0x0] =	vst.idx.msk $0xffff, v54  }
0x19e: {  	vm8 =	veq.s32 v43, $0x3;
	v47 =	vnsel vm13, $0x0, v45;
	[tilespmem:v59+s13+$0x0] =	vst.idx.msk $0xffff, v55;
	v50 =	vld [tilespmem:s25+$0x1A]  }
0x19f: {  	v43 =	vnsel vm8, $0x0, v45;
	[tilespmem:v61+s13+$0x0] =	vst.idx.msk $0xffff, v47  }
0x1a0: {  	[tilespmem:v63+s13+$0x0] =	vst.idx.msk $0xffff, v43  }
0x1a1: {  	v51 =	vadd.s32 $0x50, v28;
	vm2 =	veq.s32 v48, $0x1;
	vm4 =	vgt.u32 v31, v19;
	v49 =	vld [tilespmem:s25+$0x6]  }
0x1a2: {  	vm9 =	veq.s32 v48, $0x0;
	vm11 =	veq.s32 v48, $0x2;
	v57 =	vmul.u32 v13, v42  }
0x1a3: {  	v62 =	vadd.s32 $0x54, v28;
	v44 =	vnsel vm1, $0x0, v33;
	v60 =	vadd.s32 v26, v50  }
0x1a4: {  	v46 =	vnsel vm9, $0x0, v44;
	v58 =	vadd.s32 v13, v42;
	vm5 =	veq.s32 v60, $0x3;
	v60 =	vld [tilespmem:$0x1FE70]  }
0x1a5: {  	vm9 =	veq.s32 v57, $0x6;
	vm8 =	veq.s32 v58, $0x3;
	v59 =	vmul.u32 v26, v50  }
0x1a6: {  	v47 =	vnsel vm11, $0x0, v44;
	vm11 =	veq.s32 v48, $0x3;
	v61 =	vmul.u32 v23, v49  }
0x1a7: {  	vm0 =	vmor vm8, vm9;
	vm6 =	veq.s32 v59, $0x6;
	v59 =	vadd.s32 v23, v49  }
0x1a8: {  	vm0 =	vmand vm4, vm0;
	vm8 =	veq.s32 v59, $0x3;
	vm9 =	veq.s32 v61, $0x6;
	v61 =	vld [tilespmem:$0x1FCF0]  }
0x1a9: {  	v43 =	vnsel vm0, $0x0, v30;
	vm0 =	vmor vm8, vm9;
	vm8 =	vnez.u8 v60  }
0x1aa: {  	v57 =	vadd.s32 $0x8, v37;
	v48 =	vnsel vm11, $0x0, v44;
	v56 =	vnsel vm8, $0x0, v44  }
0x1ab: {  	vm11 =	vgt.s32 v38, v9;
	vm1 =	vmor vm5, vm6;
	[tilespmem:v51+s13+$0x0] =	vst.idx.msk $0xffff, v56;
	v51 =	vadd.s32 $0xC, v37  }
0x1ac: {  	vm1 =	vmand vm11, vm1  }
0x1ad: {  	v55 =	vnsel vm1, $0x0, v39;
	vm9 =	vnez.u8 v61;
	[tilespmem:v62+s13+$0x0] =	vst.idx.msk $0xffff, v46;
	v62 =	vld [tilespmem:$0x1FE60]  }
0x1ae: {  	vm11 =	veq.s32 v50, $0x0;
	v58 =	vnsel vm9, $0x0, v55  }
0x1af: {  	v63 =	vadd.s32 $0x51, v28;
	v56 =	vnsel vm11, $0x0, v55;
	[tilespmem:v57+s13+$0x0] =	vst.idx.msk $0xffff, v58  }
0x1b0: {  	[tilespmem:v51+s13+$0x0] =	vst.idx.msk $0xffff, v56;
	v56 =	vld [tilespmem:$0x1FD00]  }
0x1b1: {  	v52 =	vadd.s32 $0x55, v28  }
0x1b2: {  	v53 =	vadd.s32 $0x9, v37;
	v61 =	vld [tilespmem:$0x1FE40];
	vm4 =	vnez.u8 v62  }
0x1b3: {  	v59 =	vadd.s32 $0xD, v37;
	v46 =	vnsel vm4, $0x0, v44  }
0x1b4: {  	v60 =	vadd.s32 $0xA, v37;
	[tilespmem:v63+s13+$0x0] =	vst.idx.msk $0xffff, v46;
	v63 =	vld [tilespmem:$0x1FE50]  }
0x1b5: {  	v45 =	vnsel vm2, $0x0, v44;
	v58 =	vadd.s32 $0xE, v37;
	vm8 =	vnez.u8 v56  }
0x1b6: {  	vm9 =	veq.s32 v50, $0x1;
	[tilespmem:v52+s13+$0x0] =	vst.idx.msk $0xffff, v45;
	v56 =	vadd.s32 $0xB, v37;
	v51 =	vnsel vm8, $0x0, v55  }
0x1b7: {  	vm6 =	vnez.u8 v61;
	v61 =	vadd.s32 $0xF, v37;
	[tilespmem:v53+s13+$0x0] =	vst.idx.msk $0xffff, v51;
	v53 =	vnsel vm9, $0x0, v55  }
0x1b8: {  	v62 =	vnsel vm10, $0x0, v55;
	[tilespmem:v59+s13+$0x0] =	vst.idx.msk $0xffff, v53;
	v59 =	vnsel vm12, $0x0, v55;
	vm12 =	veq.s32 v50, $0x2  }
0x1b9: {  	v46 =	vadd.s32 $0x52, v28;
	vm5 =	vnez.u8 v63;
	[tilespmem:v60+s13+$0x0] =	vst.idx.msk $0xffff, v59;
	v59 =	vnsel vm12, $0x0, v55  }
0x1ba: {  	v45 =	vadd.s32 $0x56, v28;
	v63 =	vld [tilespmem:$0x1FF70];
	v54 =	vnsel vm5, $0x0, v44;
	vm5 =	veq.s32 v50, $0x3;
	[tilespmem:v58+s13+$0x0] =	vst.idx.msk $0xffff, v59  }
0x1bb: {  	v52 =	vadd.s32 $0x53, v28;
	v60 =	vld [tilespmem:$0x1FEB0];
	v55 =	vnsel vm5, $0x0, v55;
	[tilespmem:v56+s13+$0x0] =	vst.idx.msk $0xffff, v62  }
0x1bc: {  	v57 =	vadd.s32 $0x57, v28;
	[tilespmem:v61+s13+$0x0] =	vst.idx.msk $0xffff, v55;
	v61 =	vld [tilespmem:$0x1FF60]  }
0x1bd: {  	vm11 =	vgt.u32 v35, v14;
	v50 =	vadd.s32 $0x28, v34  }
0x1be: {  	vm0 =	vmand vm11, vm0;
	v44 =	vnsel vm6, $0x0, v44;
	v58 =	vadd.s32 $0x2C, v34;
	[tilespmem:v46+s13+$0x0] =	vst.idx.msk $0xffff, v54  }
0x1bf: {  	vm6 =	veq.s32 v49, $0x0;
	v46 =	vadd.s32 $0x29, v34;
	[tilespmem:v45+s13+$0x0] =	vst.idx.msk $0xffff, v47;
	v45 =	vadd.s32 $0x2D, v34;
	v62 =	vld [tilespmem:$0x1FF50]  }
0x1c0: {  	[tilespmem:v52+s13+$0x0] =	vst.idx.msk $0xffff, v44;
	vm11 =	vnez.u8 v63;
	vm4 =	vnez.u8 v60;
	v60 =	vnsel vm0, $0x0, v36  }
0x1c1: {  	[tilespmem:v57+s13+$0x0] =	vst.idx.msk $0xffff, v48;
	v56 =	vnsel vm11, $0x0, v60;
	vm12 =	vnez.u8 v61;
	v61 =	vadd.s32 $0x2A, v34  }
0x1c2: {  	v52 =	vadd.s32 $0x2E, v34;
	v59 =	vnsel vm6, $0x0, v60;
	[tilespmem:v50+s13+$0x0] =	vst.idx.msk $0xffff, v56  }
0x1c3: {  	vm10 =	veq.s32 v49, $0x1;
	v51 =	vadd.s32 $0x48, v29;
	v55 =	vld [tilespmem:s25+$0x19];
	[tilespmem:v58+s13+$0x0] =	vst.idx.msk $0xffff, v59;
	v54 =	vnsel vm12, $0x0, v60  }
0x1c4: {  	v63 =	vmul.u32 v2, v40;
	v47 =	vnsel vm10, $0x0, v60;
	vm10 =	vnez.u8 v62;
	[tilespmem:v46+s13+$0x0] =	vst.idx.msk $0xffff, v54  }
0x1c5: {  	v53 =	vnsel vm4, $0x0, v43;
	vm4 =	veq.s32 v49, $0x2;
	v44 =	vnsel vm10, $0x0, v60;
	[tilespmem:v45+s13+$0x0] =	vst.idx.msk $0xffff, v47  }
0x1c6: {  	vm5 =	veq.s32 v49, $0x3;
	v40 =	vadd.s32 v2, v40;
	v48 =	vnsel vm4, $0x0, v60;
	[tilespmem:v61+s13+$0x0] =	vst.idx.msk $0xffff, v44  }
0x1c7: {  	vm6 =	veq.s32 v40, $0x3;
	vm8 =	veq.s32 v63, $0x6;
	v63 =	vadd.s32 $0x11, v37;
	[tilespmem:v52+s13+$0x0] =	vst.idx.msk $0xffff, v48;
	v52 =	vld [tilespmem:$0x1FF40]  }
0x1c8: {  	v49 =	vadd.s32 $0x12, v37;
	v56 =	vld [tilespmem:$0x1FD10];
	v57 =	vmul.u32 v27, v55;
	v58 =	vadd.s32 v27, v55  }
0x1c9: {  	[tilespmem:v51+s13+$0x0] =	vst.idx.msk $0xffff, v53;
	v51 =	vadd.s32 $0x2B, v34;
	v53 =	vnsel vm5, $0x0, v60;
	vm9 =	veq.s32 v58, $0x3;
	v58 =	vld [tilespmem:$0x1FD20]  }
0x1ca: {  	vm0 =	vmor vm6, vm8;
	v59 =	vadd.s32 $0x10, v37;
	vm8 =	veq.s32 v57, $0x6  }
0x1cb: {  	v62 =	vadd.s32 $0x14, v37;
	vm2 =	vmor vm9, vm8;
	vm9 =	vgt.s32 v38, v10  }
0x1cc: {  	v54 =	vadd.s32 $0x15, v37;
	vm5 =	vmand vm9, vm2;
	v61 =	vld [tilespmem:$0x1FD30];
	vm9 =	vnez.u8 v52  }
0x1cd: {  	vm6 =	vnez.u8 v56;
	v46 =	vnsel vm5, $0x0, v39;
	v47 =	vnsel vm9, $0x0, v60  }
0x1ce: {  	vm8 =	veq.s32 v55, $0x0;
	vm5 =	vnez.u8 v58;
	v58 =	vld [tilespmem:$0x1FD40];
	[tilespmem:v51+s13+$0x0] =	vst.idx.msk $0xffff, v47;
	v47 =	vnsel vm6, $0x0, v46  }
0x1cf: {  	vm4 =	veq.s32 v42, $0x0;
	v57 =	vnsel vm8, $0x0, v46;
	[tilespmem:v59+s13+$0x0] =	vst.idx.msk $0xffff, v47;
	v47 =	vadd.s32 $0x16, v37  }
0x1d0: {  	v40 =	vnsel vm5, $0x0, v46;
	vm6 =	veq.s32 v55, $0x1;
	v59 =	vadd.s32 $0x13, v37;
	[tilespmem:v62+s13+$0x0] =	vst.idx.msk $0xffff, v57  }
0x1d1: {  	vm8 =	vnez.u8 v61;
	v60 =	vadd.s32 $0x2F, v34;
	v56 =	vnsel vm6, $0x0, v46;
	[tilespmem:v63+s13+$0x0] =	vst.idx.msk $0xffff, v40  }
0x1d2: {  	v50 =	vnsel vm4, $0x0, v43;
	vm4 =	veq.s32 v55, $0x2;
	v48 =	vnsel vm8, $0x0, v46;
	[tilespmem:v54+s13+$0x0] =	vst.idx.msk $0xffff, v56  }
0x1d3: {  	vm5 =	vnez.u8 v58;
	v62 =	vnsel vm4, $0x0, v46;
	[tilespmem:v49+s13+$0x0] =	vst.idx.msk $0xffff, v48  }
0x1d4: {  	[tilespmem:v47+s13+$0x0] =	vst.idx.msk $0xffff, v62;
	v47 =	vnsel vm5, $0x0, v46  }
0x1d5: {  	[tilespmem:v59+s13+$0x0] =	vst.idx.msk $0xffff, v47;
	v59 =	vld [tilespmem:$0x1FEA0]  }
0x1d6: {  	[tilespmem:v60+s13+$0x0] =	vst.idx.msk $0xffff, v53;
	v60 =	vld [tilespmem:$0x1FDC0];
	_ =	sdelay $0x1  }
0x1d7: {  	vm1 =	vgt.u32 v35, v15;
	v62 =	vld [tilespmem:$0x1FD50]  }
0x1d8: {  	vm0 =	vmand vm1, vm0;
	v58 =	vld [tilespmem:$0x1FDD0];
	v63 =	vadd.s32 $0x30, v34  }
0x1d9: {  	vm6 =	veq.s32 v55, $0x3;
	v48 =	vadd.s32 $0x34, v34;
	vm8 =	vnez.u8 v59;
	v59 =	vld [tilespmem:$0x1FD60]  }
0x1da: {  	v52 =	vadd.s32 $0x31, v34;
	v46 =	vnsel vm6, $0x0, v46;
	vm6 =	vnez.u8 v60;
	v60 =	vld [tilespmem:$0x1FDE0]  }
0x1db: {  	v51 =	vnsel vm0, $0x0, v36;
	v55 =	vadd.s32 $0x35, v34  }
0x1dc: {  	v61 =	vadd.s32 $0x32, v34;
	v44 =	vnsel vm6, $0x0, v51;
	vm4 =	vnez.u8 v62  }
0x1dd: {  	[tilespmem:v63+s13+$0x0] =	vst.idx.msk $0xffff, v44;
	v56 =	vnsel vm4, $0x0, v51;
	vm4 =	vnez.u8 v58  }
0x1de: {  	v47 =	vnsel vm8, $0x0, v43;
	[tilespmem:v48+s13+$0x0] =	vst.idx.msk $0xffff, v56;
	v48 =	vnsel vm4, $0x0, v51;
	vm8 =	vnez.u8 v59  }
0x1df: {  	v58 =	vnsel vm3, $0x0, v43;
	[tilespmem:v52+s13+$0x0] =	vst.idx.msk $0xffff, v48;
	vm3 =	vnez.u8 v60;
	v48 =	vnsel vm8, $0x0, v51  }
0x1e0: {  	v57 =	vadd.s32 $0x17, v37;
	[tilespmem:v55+s13+$0x0] =	vst.idx.msk $0xffff, v48;
	v55 =	vnsel vm3, $0x0, v51  }
0x1e1: {  	[tilespmem:v61+s13+$0x0] =	vst.idx.msk $0xffff, v55;
	v61 =	vld [tilespmem:$0x1FD70];
	_ =	sdelay $0x1  }
0x1e2: {  	v63 =	vadd.s32 $0x36, v34;
	_ =	sdelay $0x1  }
0x1e3: {  	vm5 =	veq.s32 v42, $0x1;
	[tilespmem:v57+s13+$0x0] =	vst.idx.msk $0xffff, v46  }
0x1e4: {  	v54 =	vnsel vm5, $0x0, v43;
	v53 =	vld [tilespmem:s25+$0x18];
	vm5 =	vnez.u8 v61  }
0x1e5: {  	v59 =	vld [tilespmem:$0x1FD80];
	v46 =	vnsel vm5, $0x0, v51  }
0x1e6: {  	[tilespmem:v63+s13+$0x0] =	vst.idx.msk $0xffff, v46;
	v63 =	vld [tilespmem:$0x1FDF0]  }
0x1e7: {  	v49 =	vadd.s32 $0x4C, v29  }
0x1e8: {  	v45 =	vadd.s32 $0x49, v29  }
0x1e9: {  	v40 =	vadd.s32 $0x4D, v29;
	v56 =	vadd.s32 $0x33, v34;
	v52 =	vadd.s32 $0x37, v34  }
0x1ea: {  	v62 =	vmul.u32 v25, v53;
	v60 =	vadd.s32 v25, v53;
	vm5 =	vnez.u8 v59;
	v59 =	vld [tilespmem:$0x1FFF0]  }
0x1eb: {  	v61 =	vadd.s32 $0x18, v37;
	v46 =	vnsel vm5, $0x0, v51;
	vm8 =	vnez.u8 v63  }
0x1ec: {  	[tilespmem:v49+s13+$0x0] =	vst.idx.msk $0xffff, v50;
	vm5 =	veq.s32 v62, $0x6;
	v44 =	vnsel vm8, $0x0, v51;
	vm8 =	veq.s32 v60, $0x3  }
0x1ed: {  	[tilespmem:v45+s13+$0x0] =	vst.idx.msk $0xffff, v47;
	v62 =	vadd.s32 $0x1C, v37;
	vm1 =	vmor vm8, vm5;
	vm8 =	vgt.s32 v38, v11  }
0x1ee: {  	[tilespmem:v40+s13+$0x0] =	vst.idx.msk $0xffff, v54;
	vm5 =	vmand vm8, vm1  }
0x1ef: {  	v57 =	vadd.s32 $0x4A, v29;
	[tilespmem:v56+s13+$0x0] =	vst.idx.msk $0xffff, v44;
	vm8 =	vnez.u8 v59;
	v47 =	vnsel vm5, $0x0, v39  }
0x1f0: {  	v60 =	vld [tilespmem:$0x1FE80];
	[tilespmem:v52+s13+$0x0] =	vst.idx.msk $0xffff, v46;
	vm5 =	veq.s32 v53, $0x0;
	v40 =	vnsel vm8, $0x0, v47  }
0x1f1: {  	v50 =	vld [tilespmem:s25+$0x4];
	[tilespmem:v61+s13+$0x0] =	vst.idx.msk $0xffff, v40;
	v61 =	vnsel vm5, $0x0, v47  }
0x1f2: {  	vm0 =	veq.s32 v42, $0x2;
	v48 =	vadd.s32 $0x4E, v29;
	[tilespmem:v62+s13+$0x0] =	vst.idx.msk $0xffff, v61;
	v62 =	vld [tilespmem:$0x1FFE0]  }
0x1f3: {  	v49 =	vnsel vm0, $0x0, v43;
	v45 =	vadd.s32 $0x4B, v29;
	v54 =	vadd.s32 $0x1A, v37  }
0x1f4: {  	[tilespmem:v57+s13+$0x0] =	vst.idx.msk $0xffff, v58;
	v57 =	vadd.s32 $0x3C, v34;
	v63 =	vadd.s32 $0x19, v37;
	v51 =	vadd.s32 $0x1F, v37;
	v61 =	vld [tilespmem:$0x1FFD0]  }
0x1f5: {  	v44 =	vadd.s32 $0x1E, v37;
	v52 =	vadd.s32 $0x1D, v37;
	vm8 =	vnez.u8 v60  }
0x1f6: {  	v46 =	vadd.s32 $0x1B, v37;
	v59 =	vadd.s32 $0x39, v34;
	v55 =	vnsel vm8, $0x0, v43  }
0x1f7: {  	[tilespmem:v48+s13+$0x0] =	vst.idx.msk $0xffff, v49;
	vm8 =	veq.s32 v53, $0x1;
	v56 =	vadd.s32 v21, v50;
	vm5 =	vnez.u8 v62  }
0x1f8: {  	[tilespmem:v45+s13+$0x0] =	vst.idx.msk $0xffff, v55;
	v60 =	vmul.u32 v21, v50;
	vm1 =	veq.s32 v56, $0x3;
	v40 =	vnsel vm5, $0x0, v47  }
0x1f9: {  	v58 =	vld [tilespmem:$0x1FF30];
	v56 =	vadd.s32 $0x38, v34;
	vm5 =	vnez.u8 v61;
	[tilespmem:v63+s13+$0x0] =	vst.idx.msk $0xffff, v40;
	v63 =	vnsel vm8, $0x0, v47  }
0x1fa: {  	v62 =	vadd.s32 $0x4F, v29;
	v40 =	vnsel vm5, $0x0, v47;
	vm8 =	veq.s32 v53, $0x2;
	[tilespmem:v52+s13+$0x0] =	vst.idx.msk $0xffff, v63  }
0x1fb: {  	vm5 =	veq.s32 v60, $0x6;
	v63 =	vnsel vm8, $0x0, v47;
	v52 =	vnsel vm7, $0x0, v47;
	[tilespmem:v54+s13+$0x0] =	vst.idx.msk $0xffff, v40  }
0x1fc: {  	vm8 =	veq.s32 v53, $0x3;
	vm0 =	vmor vm1, vm5;
	vm5 =	vgt.u32 v35, v16;
	[tilespmem:v44+s13+$0x0] =	vst.idx.msk $0xffff, v63  }
0x1fd: {  	vm7 =	veq.s32 v42, $0x3;
	v54 =	vnsel vm8, $0x0, v47;
	vm0 =	vmand vm5, vm0;
	[tilespmem:v46+s13+$0x0] =	vst.idx.msk $0xffff, v52  }
0x1fe: {  	v43 =	vnsel vm7, $0x0, v43;
	vm8 =	vnez.u8 v58;
	v44 =	vnsel vm0, $0x0, v36;
	[tilespmem:v51+s13+$0x0] =	vst.idx.msk $0xffff, v54  }
0x1ff: {  	vm5 =	veq.s32 v50, $0x0;
	[tilespmem:v62+s13+$0x0] =	vst.idx.msk $0xffff, v43;
	v48 =	vnsel vm8, $0x0, v44;
	v47 =	vld [tilespmem:s25+$0x17]  }
0x200: {  	v60 =	vnsel vm5, $0x0, v44;
	v51 =	vadd.s32 $0x3D, v34;
	[tilespmem:v56+s13+$0x0] =	vst.idx.msk $0xffff, v48;
	v56 =	vld [tilespmem:$0x1FF10]  }
0x201: {  	vm1 =	vgt.s32 v38, v12;
	vm7 =	veq.s32 v50, $0x1;
	v61 =	vnsel vm15, $0x0, v44;
	[tilespmem:v57+s13+$0x0] =	vst.idx.msk $0xffff, v60  }
0x202: {  	v53 =	vadd.s32 $0x21, v37;
	v63 =	vadd.s32 $0x3A, v34;
	v62 =	vnsel vm7, $0x0, v44;
	[tilespmem:v59+s13+$0x0] =	vst.idx.msk $0xffff, v61;
	v59 =	vld [tilespmem:$0x1FF00]  }
0x203: {  	vm8 =	veq.s32 v50, $0x2;
	v46 =	vadd.s32 $0x25, v37;
	v48 =	vadd.s32 $0x3E, v34  }
0x204: {  	v55 =	vld [tilespmem:$0x1FFB0];
	v45 =	vnsel vm8, $0x0, v44;
	v57 =	vadd.s32 $0x3B, v34;
	v58 =	vmul.u32 v24, v47  }
0x205: {  	vm7 =	vnez.u8 v56;
	[tilespmem:v51+s13+$0x0] =	vst.idx.msk $0xffff, v62;
	v62 =	vadd.s32 $0x20, v37;
	v61 =	vadd.s32 v24, v47  }
0x206: {  	v42 =	vnsel vm7, $0x0, v44;
	vm0 =	veq.s32 v61, $0x3;
	vm5 =	veq.s32 v58, $0x6;
	v58 =	vld [tilespmem:$0x1FFA0]  }
0x207: {  	vm8 =	vnez.u8 v59;
	[tilespmem:v63+s13+$0x0] =	vst.idx.msk $0xffff, v42;
	v63 =	vadd.s32 $0x24, v37;
	vm0 =	vmor vm0, vm5  }
0x208: {  	v40 =	vnsel vm8, $0x0, v44;
	vm5 =	veq.s32 v50, $0x3;
	vm0 =	vmand vm1, vm0  }
0x209: {  	[tilespmem:v48+s13+$0x0] =	vst.idx.msk $0xffff, v45;
	v54 =	vnsel vm5, $0x0, v44;
	vm5 =	vnez.u8 v55;
	v44 =	vnsel vm0, $0x0, v39  }
0x20a: {  	[tilespmem:v57+s13+$0x0] =	vst.idx.msk $0xffff, v40;
	v40 =	vnsel vm5, $0x0, v44;
	vm5 =	veq.s32 v47, $0x0  }
0x20b: {  	[tilespmem:v62+s13+$0x0] =	vst.idx.msk $0xffff, v40;
	v56 =	vnsel vm5, $0x0, v44;
	vm5 =	vnez.u8 v58  }
0x20c: {  	[tilespmem:v63+s13+$0x0] =	vst.idx.msk $0xffff, v56;
	v40 =	vnsel vm5, $0x0, v44;
	vm5 =	veq.s32 v47, $0x1  }
0x20d: {  	v60 =	vadd.s32 $0x3F, v34;
	v42 =	vld [tilespmem:s25+$0xFFFFFFE0];
	[tilespmem:v53+s13+$0x0] =	vst.idx.msk $0xffff, v40;
	v61 =	vnsel vm5, $0x0, v44  }
0x20e: {  	[tilespmem:v46+s13+$0x0] =	vst.idx.msk $0xffff, v61;
	v46 =	vld [tilespmem:$0x1FF90];
	_ =	sdelay $0x1  }
0x20f: {  	v48 =	vadd.s32 $0x22, v37  }
0x210: {  	v45 =	vld [tilespmem:s25+$0xFFFFFFF1];
	v57 =	vadd.s32 $0x26, v37  }
0x211: {  	v51 =	vadd.s32 $0x2E, v37;
	v59 =	vadd.s32 $0x23, v37;
	[tilespmem:v60+s13+$0x0] =	vst.idx.msk $0xffff, v54;
	v60 =	vadd.s32 v4, v42  }
0x212: {  	v52 =	vnsel vm13, $0x0, v44;
	v62 =	vadd.s32 $0x27, v37;
	vm5 =	vnez.u8 v46  }
0x213: {  	vm13 =	veq.s32 v47, $0x3;
	v40 =	vnsel vm5, $0x0, v44;
	vm5 =	veq.s32 v47, $0x2  }
0x214: {  	vm1 =	veq.s32 v60, $0x3;
	v63 =	vmul.u32 v4, v42;
	[tilespmem:v48+s13+$0x0] =	vst.idx.msk $0xffff, v40;
	v50 =	vnsel vm5, $0x0, v44  }
0x215: {  	v54 =	vmul.u32 v6, v45;
	v55 =	vadd.s32 v6, v45;
	v53 =	vnsel vm13, $0x0, v44;
	v47 =	vld [tilespmem:s25+$0x3];
	[tilespmem:v57+s13+$0x0] =	vst.idx.msk $0xffff, v50  }
0x216: {  	vm13 =	veq.s32 v42, $0x0;
	v61 =	vadd.s32 $0x28, v37;
	vm5 =	veq.s32 v63, $0x6;
	[tilespmem:v59+s13+$0x0] =	vst.idx.msk $0xffff, v52  }
0x217: {  	v44 =	vadd.s32 $0x40, v34;
	vm0 =	vmor vm1, vm5;
	vm5 =	vgt.u32 v32, v22;
	[tilespmem:v62+s13+$0x0] =	vst.idx.msk $0xffff, v53  }
0x218: {  	vm0 =	vmand vm5, vm0;
	vm5 =	veq.s32 v55, $0x3;
	v55 =	vadd.s32 $0x29, v37;
	v43 =	vld [tilespmem:s25+$0x16]  }
0x219: {  	v32 =	vnsel vm0, $0x0, v33;
	vm0 =	veq.s32 v42, $0x1;
	v53 =	vadd.s32 $0x2C, v37  }
0x21a: {  	v33 =	vnsel vm13, $0x0, v32;
	vm13 =	veq.s32 v54, $0x6;
	v56 =	vmul.u32 v17, v47  }
0x21b: {  	v40 =	vnsel vm0, $0x0, v32;
	v57 =	vadd.s32 v17, v47;
	v54 =	vadd.s32 $0x2F, v37  }
0x21c: {  	vm1 =	vmor vm5, vm13;
	vm5 =	vgt.u32 v31, v20;
	vm13 =	veq.s32 v57, $0x3  }
0x21d: {  	v60 =	vld [tilespmem:$0x1FEF0];
	vm0 =	vmand vm5, vm1;
	vm5 =	veq.s32 v56, $0x6;
	v58 =	vmul.u32 v23, v43  }
0x21e: {  	vm1 =	vgt.u32 v35, v18;
	v46 =	vnsel vm0, $0x0, v30;
	v59 =	vadd.s32 v23, v43  }
0x21f: {  	vm0 =	vmor vm13, vm5;
	vm2 =	veq.s32 v59, $0x3;
	vm13 =	veq.s32 v58, $0x6  }
0x220: {  	vm0 =	vmand vm1, vm0;
	vm5 =	vmor vm2, vm13;
	vm13 =	vgt.u32 v38, v14  }
0x221: {  	v57 =	vadd.s32 $0x2D, v37;
	v48 =	vnsel vm0, $0x0, v36;
	vm5 =	vmand vm13, vm5  }
0x222: {  	vm13 =	vnez.u8 v60;
	v50 =	vnsel vm5, $0x0, v39;
	vm5 =	veq.s32 v43, $0x0  }
0x223: {  	v49 =	vnsel vm13, $0x0, v48;
	v62 =	vnsel vm11, $0x0, v50;
	v63 =	vnsel vm5, $0x0, v50  }
0x224: {  	vm11 =	veq.s32 v43, $0x1;
	v56 =	vnsel vm12, $0x0, v50;
	[tilespmem:v44+s13+$0x0] =	vst.idx.msk $0xffff, v49;
	v44 =	vadd.s32 $0x2A, v37  }
0x225: {  	v60 =	vnsel vm10, $0x0, v50;
	vm12 =	veq.s32 v43, $0x2;
	vm5 =	veq.s32 v43, $0x3;
	[tilespmem:v61+s13+$0x0] =	vst.idx.msk $0xffff, v62  }
0x226: {  	v58 =	vnsel vm11, $0x0, v50;
	v62 =	vmul.u32 v2, v41;
	[tilespmem:v53+s13+$0x0] =	vst.idx.msk $0xffff, v63;
	v63 =	vadd.s32 $0x2B, v37  }
0x227: {  	v61 =	vnsel vm12, $0x0, v50;
	v41 =	vadd.s32 v2, v41;
	vm12 =	vgt.u32 v38, v15;
	[tilespmem:v55+s13+$0x0] =	vst.idx.msk $0xffff, v56  }
0x228: {  	vm10 =	veq.s32 v41, $0x3;
	vm11 =	veq.s32 v62, $0x6;
	v55 =	vadd.s32 $0x30, v37;
	[tilespmem:v57+s13+$0x0] =	vst.idx.msk $0xffff, v58  }
0x229: {  	v59 =	vld [tilespmem:$0x1FD90];
	v56 =	vnsel vm5, $0x0, v50;
	vm1 =	vmor vm10, vm11;
	[tilespmem:v44+s13+$0x0] =	vst.idx.msk $0xffff, v60;
	v60 =	vadd.s32 $0x34, v37  }
0x22a: {  	v53 =	vld [tilespmem:$0x1FE30];
	vm5 =	vmand vm12, vm1;
	[tilespmem:v51+s13+$0x0] =	vst.idx.msk $0xffff, v61;
	v61 =	vnsel vm9, $0x0, v50;
	v50 =	vadd.s32 $0x31, v37  }
0x22b: {  	v57 =	vnsel vm5, $0x0, v39;
	[tilespmem:v63+s13+$0x0] =	vst.idx.msk $0xffff, v61;
	v63 =	vadd.s32 $0x35, v37  }
0x22c: {  	v58 =	vnsel vm6, $0x0, v57;
	[tilespmem:v54+s13+$0x0] =	vst.idx.msk $0xffff, v56  }
0x22d: {  	v62 =	vnsel vm14, $0x0, v57;
	v61 =	vld [tilespmem:$0x1FE70];
	[tilespmem:v55+s13+$0x0] =	vst.idx.msk $0xffff, v58  }
0x22e: {  	vm6 =	vnez.u8 v59;
	[tilespmem:v60+s13+$0x0] =	vst.idx.msk $0xffff, v62;
	v60 =	vnsel vm4, $0x0, v57;
	v62 =	vld [tilespmem:$0x1FDA0]  }
0x22f: {  	vm14 =	vnez.u8 v53;
	v53 =	vnsel vm6, $0x0, v57;
	[tilespmem:v50+s13+$0x0] =	vst.idx.msk $0xffff, v60  }
0x230: {  	[tilespmem:v63+s13+$0x0] =	vst.idx.msk $0xffff, v53;
	v63 =	vld [tilespmem:$0x1FDF0]  }
0x231: {  	v54 =	vadd.s32 $0x32, v37  }
0x232: {  	v55 =	vadd.s32 $0x36, v37;
	vm12 =	vnez.u8 v61;
	v61 =	vld [tilespmem:$0x1FDB0]  }
0x233: {  	v51 =	vadd.s32 $0x33, v37;
	vm9 =	vnez.u8 v62;
	v62 =	vld [tilespmem:$0x1FEE0]  }
0x234: {  	v49 =	vadd.s32 $0x37, v37  }
0x235: {  	v52 =	vnsel vm3, $0x0, v57;
	v56 =	vadd.s32 $0x50, v29;
	vm11 =	vnez.u8 v63;
	v63 =	vld [tilespmem:$0x1FE60]  }
0x236: {  	v59 =	vadd.s32 $0x44, v34;
	vm4 =	veq.s32 v47, $0x0;
	[tilespmem:v54+s13+$0x0] =	vst.idx.msk $0xffff, v52;
	v53 =	vnsel vm9, $0x0, v57  }
0x237: {  	v60 =	vadd.s32 $0x41, v34;
	[tilespmem:v55+s13+$0x0] =	vst.idx.msk $0xffff, v53;
	vm5 =	vnez.u8 v61;
	v53 =	vnsel vm11, $0x0, v57  }
0x238: {  	[tilespmem:v51+s13+$0x0] =	vst.idx.msk $0xffff, v53;
	v51 =	vnsel vm5, $0x0, v57;
	v57 =	vnsel vm4, $0x0, v48;
	vm4 =	vnez.u8 v62;
	v62 =	vld [tilespmem:$0x1FED0]  }
0x239: {  	v58 =	vnsel vm12, $0x0, v46;
	v54 =	vadd.s32 $0x45, v34  }
0x23a: {  	[tilespmem:v56+s13+$0x0] =	vst.idx.msk $0xffff, v58;
	v55 =	vadd.s32 $0x42, v34;
	vm11 =	vnez.u8 v63;
	v63 =	vld [tilespmem:$0x1FEC0]  }
0x23b: {  	vm10 =	veq.s32 v45, $0x0;
	vm6 =	veq.s32 v47, $0x1;
	v61 =	vadd.s32 $0x46, v34;
	[tilespmem:v49+s13+$0x0] =	vst.idx.msk $0xffff, v51  }
0x23c: {  	v50 =	vadd.s32 $0x54, v29;
	[tilespmem:v59+s13+$0x0] =	vst.idx.msk $0xffff, v57;
	v51 =	vadd.s32 $0x43, v34;
	v49 =	vnsel vm4, $0x0, v48  }
0x23d: {  	v52 =	vnsel vm10, $0x0, v46;
	[tilespmem:v60+s13+$0x0] =	vst.idx.msk $0xffff, v49;
	v49 =	vnsel vm6, $0x0, v48;
	vm3 =	vnez.u8 v62  }
0x23e: {  	vm10 =	veq.s32 v47, $0x2;
	v53 =	vadd.s32 $0x51, v29;
	[tilespmem:v54+s13+$0x0] =	vst.idx.msk $0xffff, v49;
	v49 =	vnsel vm3, $0x0, v48  }
0x23f: {  	v57 =	vld [tilespmem:s25+$0x14];
	v60 =	vadd.s32 $0x47, v34;
	[tilespmem:v55+s13+$0x0] =	vst.idx.msk $0xffff, v49;
	v55 =	vnsel vm10, $0x0, v48;
	vm6 =	vnez.u8 v63  }
0x240: {  	vm2 =	veq.s32 v42, $0x2;
	v41 =	vadd.s32 $0x58, v28;
	[tilespmem:v61+s13+$0x0] =	vst.idx.msk $0xffff, v55;
	v55 =	vnsel vm6, $0x0, v48  }
0x241: {  	v44 =	vadd.s32 $0x5C, v28;
	v43 =	vnsel vm14, $0x0, v32;
	vm9 =	veq.s32 v45, $0x1;
	[tilespmem:v51+s13+$0x0] =	vst.idx.msk $0xffff, v55;
	v55 =	vld [tilespmem:$0x1FE50]  }
0x242: {  	[tilespmem:v50+s13+$0x0] =	vst.idx.msk $0xffff, v52;
	v50 =	vadd.s32 $0x56, v29;
	vm5 =	veq.s32 v47, $0x3;
	v59 =	vnsel vm11, $0x0, v46  }
0x243: {  	v47 =	vnsel vm5, $0x0, v48;
	v54 =	vnsel vm9, $0x0, v46;
	[tilespmem:v53+s13+$0x0] =	vst.idx.msk $0xffff, v59;
	v49 =	vadd.s32 $0x55, v29  }
0x244: {  	v59 =	vld [tilespmem:$0x1FF30];
	v62 =	vadd.s32 $0x52, v29;
	v48 =	vmul.u32 v21, v57;
	[tilespmem:v60+s13+$0x0] =	vst.idx.msk $0xffff, v47;
	v47 =	vadd.s32 v21, v57  }
0x245: {  	vm9 =	veq.s32 v45, $0x2;
	v61 =	vadd.s32 $0x38, v37;
	vm10 =	veq.s32 v47, $0x3  }
0x246: {  	[tilespmem:v41+s13+$0x0] =	vst.idx.msk $0xffff, v43;
	vm5 =	vnez.u8 v55;
	v55 =	vnsel vm9, $0x0, v46;
	vm9 =	veq.s32 v48, $0x6  }
0x247: {  	[tilespmem:v44+s13+$0x0] =	vst.idx.msk $0xffff, v33;
	v63 =	vadd.s32 $0x3C, v37;
	v60 =	vld [tilespmem:s25+$0x2];
	vm0 =	vmor vm10, vm9;
	vm10 =	vgt.u32 v38, v16  }
0x248: {  	v52 =	vadd.s32 $0x39, v37;
	[tilespmem:v49+s13+$0x0] =	vst.idx.msk $0xffff, v54;
	v51 =	vnsel vm5, $0x0, v46;
	vm0 =	vmand vm10, vm0  }
0x249: {  	v58 =	vadd.s32 $0x3D, v37;
	vm9 =	vnez.u8 v59;
	[tilespmem:v62+s13+$0x0] =	vst.idx.msk $0xffff, v51;
	v56 =	vnsel vm0, $0x0, v39  }
0x24a: {  	v54 =	vadd.s32 $0x3A, v37;
	vm10 =	veq.s32 v57, $0x0;
	[tilespmem:v50+s13+$0x0] =	vst.idx.msk $0xffff, v55;
	v49 =	vnsel vm9, $0x0, v56  }
0x24b: {  	v48 =	vadd.s32 $0x3B, v37;
	[tilespmem:v61+s13+$0x0] =	vst.idx.msk $0xffff, v49;
	v61 =	vnsel vm10, $0x0, v56;
	v49 =	vadd.s32 $0x3E, v37  }
0x24c: {  	v59 =	vadd.s32 v13, v60;
	[tilespmem:v63+s13+$0x0] =	vst.idx.msk $0xffff, v61;
	v63 =	vnsel vm15, $0x0, v56;
	vm15 =	veq.s32 v57, $0x1  }
0x24d: {  	v47 =	vmul.u32 v13, v60;
	v61 =	vadd.s32 $0x3F, v37;
	[tilespmem:v52+s13+$0x0] =	vst.idx.msk $0xffff, v63;
	v52 =	vnsel vm15, $0x0, v56  }
0x24e: {  	vm0 =	veq.s32 v59, $0x3;
	v59 =	vnsel vm7, $0x0, v56;
	vm9 =	veq.s32 v57, $0x2;
	[tilespmem:v58+s13+$0x0] =	vst.idx.msk $0xffff, v52  }
0x24f: {  	vm7 =	veq.s32 v57, $0x3;
	vm10 =	veq.s32 v47, $0x6;
	v57 =	vld [tilespmem:$0x1FEB0];
	v63 =	vnsel vm9, $0x0, v56;
	[tilespmem:v54+s13+$0x0] =	vst.idx.msk $0xffff, v59  }
0x250: {  	v33 =	vadd.s32 $0x51, v34;
	vm0 =	vmor vm0, vm10;
	v58 =	vnsel vm8, $0x0, v56;
	[tilespmem:v49+s13+$0x0] =	vst.idx.msk $0xffff, v63  }
0x251: {  	vm10 =	veq.s32 v45, $0x3;
	v45 =	vadd.s32 $0x48, v34;
	v54 =	vld [tilespmem:$0x1FE40];
	v59 =	vnsel vm7, $0x0, v56;
	[tilespmem:v48+s13+$0x0] =	vst.idx.msk $0xffff, v58  }
0x252: {  	v53 =	vadd.s32 $0x53, v29;
	v55 =	vadd.s32 $0x4A, v34;
	vm9 =	vgt.u32 v35, v19;
	[tilespmem:v61+s13+$0x0] =	vst.idx.msk $0xffff, v59  }
0x253: {  	vm0 =	vmand vm9, vm0;
	vm9 =	veq.s32 v60, $0x1;
	vm7 =	veq.s32 v60, $0x0;
	v52 =	vld [tilespmem:s25+$0x13]  }
0x254: {  	v49 =	vnsel vm0, $0x0, v36;
	v63 =	vadd.s32 $0x4C, v34;
	vm8 =	vnez.u8 v57  }
0x255: {  	v48 =	vadd.s32 $0x57, v29;
	v58 =	vnsel vm7, $0x0, v49;
	v50 =	vnsel vm8, $0x0, v49;
	v59 =	vld [tilespmem:$0x1FEA0]  }
0x256: {  	v57 =	vadd.s32 $0x44, v37;
	v61 =	vld [tilespmem:$0x1FE90];
	[tilespmem:v45+s13+$0x0] =	vst.idx.msk $0xffff, v50;
	v50 =	vadd.s32 $0x4E, v34;
	vm15 =	vnez.u8 v54  }
0x257: {  	v54 =	vadd.s32 $0x49, v34;
	v47 =	vnsel vm15, $0x0, v46;
	v46 =	vnsel vm10, $0x0, v46  }
0x258: {  	vm10 =	veq.s32 v60, $0x2;
	[tilespmem:v53+s13+$0x0] =	vst.idx.msk $0xffff, v47;
	v53 =	vadd.s32 $0x4D, v34;
	v62 =	vadd.s32 v17, v52  }
0x259: {  	[tilespmem:v63+s13+$0x0] =	vst.idx.msk $0xffff, v58;
	v58 =	vadd.s32 $0x41, v37;
	v47 =	vadd.s32 $0x4B, v34;
	vm0 =	veq.s32 v62, $0x3;
	v62 =	vld [tilespmem:$0x1FE80]  }
0x25a: {  	[tilespmem:v48+s13+$0x0] =	vst.idx.msk $0xffff, v46;
	vm7 =	vnez.u8 v59;
	v48 =	vnsel vm9, $0x0, v49;
	v63 =	vmul.u32 v17, v52  }
0x25b: {  	vm9 =	vnez.u8 v61;
	v59 =	vnsel vm10, $0x0, v49;
	v46 =	vnsel vm7, $0x0, v49  }
0x25c: {  	v61 =	vadd.s32 $0x4F, v34;
	v45 =	vnsel vm9, $0x0, v49;
	[tilespmem:v54+s13+$0x0] =	vst.idx.msk $0xffff, v46;
	vm1 =	veq.s32 v63, $0x6  }
0x25d: {  	v54 =	vnsel vm2, $0x0, v32;
	v63 =	vadd.s32 $0x40, v37;
	[tilespmem:v53+s13+$0x0] =	vst.idx.msk $0xffff, v48;
	vm0 =	vmor vm0, vm1  }
0x25e: {  	vm1 =	vgt.u32 v38, v18;
	v53 =	vadd.s32 $0x52, v34;
	[tilespmem:v55+s13+$0x0] =	vst.idx.msk $0xffff, v45;
	vm10 =	vnez.u8 v62  }
0x25f: {  	vm0 =	vmand vm1, vm0;
	vm1 =	veq.s32 v60, $0x3;
	[tilespmem:v50+s13+$0x0] =	vst.idx.msk $0xffff, v59;
	v48 =	vnsel vm10, $0x0, v49  }
0x260: {  	v45 =	vld [tilespmem:s25+$0xFFFFFFF0];
	v60 =	vadd.s32 $0x45, v37;
	v59 =	vnsel vm1, $0x0, v49;
	[tilespmem:v47+s13+$0x0] =	vst.idx.msk $0xffff, v48;
	v48 =	vnsel vm0, $0x0, v39  }
0x261: {  	v50 =	vadd.s32 $0x42, v37;
	[tilespmem:v61+s13+$0x0] =	vst.idx.msk $0xffff, v59;
	v61 =	vnsel vm13, $0x0, v48;
	vm13 =	veq.s32 v52, $0x0  }
0x262: {  	vm1 =	veq.s32 v42, $0x3;
	v47 =	vadd.s32 $0x46, v37;
	[tilespmem:v63+s13+$0x0] =	vst.idx.msk $0xffff, v61;
	v62 =	vnsel vm13, $0x0, v48  }
0x263: {  	v51 =	vld [tilespmem:s25+$0x1];
	v63 =	vnsel vm4, $0x0, v48;
	vm13 =	veq.s32 v52, $0x1;
	[tilespmem:v57+s13+$0x0] =	vst.idx.msk $0xffff, v62;
	v57 =	vadd.s32 $0x43, v37  }
0x264: {  	v59 =	vadd.s32 $0x47, v37;
	v49 =	vnsel vm6, $0x0, v48;
	[tilespmem:v58+s13+$0x0] =	vst.idx.msk $0xffff, v63;
	v58 =	vnsel vm13, $0x0, v48  }
0x265: {  	v61 =	vnsel vm3, $0x0, v48;
	vm4 =	veq.s32 v52, $0x2;
	v62 =	vmul.u32 v4, v45;
	[tilespmem:v60+s13+$0x0] =	vst.idx.msk $0xffff, v58  }
0x266: {  	v63 =	vnsel vm4, $0x0, v48;
	vm13 =	veq.s32 v52, $0x3;
	v60 =	vadd.s32 v4, v45;
	[tilespmem:v50+s13+$0x0] =	vst.idx.msk $0xffff, v61  }
0x267: {  	vm4 =	veq.s32 v62, $0x6;
	v56 =	vnsel vm13, $0x0, v48;
	vm2 =	veq.s32 v60, $0x3;
	[tilespmem:v47+s13+$0x0] =	vst.idx.msk $0xffff, v63  }
0x268: {  	vm13 =	vgt.u32 v31, v22;
	v55 =	vmul.u32 v6, v51;
	vm6 =	vmor vm2, vm4;
	[tilespmem:v57+s13+$0x0] =	vst.idx.msk $0xffff, v49  }
0x269: {  	v58 =	vadd.s32 $0x59, v28;
	v57 =	vadd.s32 v6, v51;
	vm0 =	vmand vm13, vm6;
	[tilespmem:v59+s13+$0x0] =	vst.idx.msk $0xffff, v56;
	v59 =	vld [tilespmem:$0x1FE20]  }
0x26a: {  	v49 =	vadd.s32 $0x50, v34;
	vm4 =	veq.s32 v57, $0x3;
	vm6 =	veq.s32 v55, $0x6;
	v31 =	vld [tilespmem:s25+$0x12]  }
0x26b: {  	v50 =	vnsel vm1, $0x0, v32;
	vm13 =	vgt.u32 v35, v20;
	vm1 =	vmor vm4, vm6  }
0x26c: {  	v62 =	vadd.s32 $0x54, v34;
	v60 =	vadd.s32 $0x5D, v28;
	vm1 =	vmand vm13, vm1  }
0x26d: {  	v57 =	vadd.s32 $0x55, v34;
	vm6 =	veq.s32 v51, $0x1;
	v48 =	vnsel vm1, $0x0, v36  }
0x26e: {  	vm13 =	veq.s32 v51, $0x0;
	v61 =	vnsel vm12, $0x0, v48;
	vm4 =	vnez.u8 v59  }
0x26f: {  	v63 =	vnsel vm13, $0x0, v48;
	[tilespmem:v49+s13+$0x0] =	vst.idx.msk $0xffff, v61;
	v46 =	vnsel vm4, $0x0, v32;
	v56 =	vmul.u32 v13, v31  }
0x270: {  	v61 =	vadd.s32 $0x4C, v37;
	v59 =	vadd.s32 v13, v31;
	[tilespmem:v58+s13+$0x0] =	vst.idx.msk $0xffff, v46;
	v58 =	vnsel vm6, $0x0, v48  }
0x271: {  	vm13 =	veq.s32 v59, $0x3;
	[tilespmem:v60+s13+$0x0] =	vst.idx.msk $0xffff, v40;
	vm6 =	veq.s32 v56, $0x6;
	v60 =	vadd.s32 $0x48, v37  }
0x272: {  	[tilespmem:v62+s13+$0x0] =	vst.idx.msk $0xffff, v63;
	v62 =	vnsel vm11, $0x0, v48;
	vm1 =	vmor vm13, vm6;
	vm13 =	vgt.u32 v38, v19  }
0x273: {  	v43 =	vadd.s32 $0x4D, v37;
	v63 =	vadd.s32 $0x49, v37;
	[tilespmem:v33+s13+$0x0] =	vst.idx.msk $0xffff, v62;
	vm1 =	vmand vm13, vm1  }
0x274: {  	v41 =	vadd.s32 $0x58, v29;
	v46 =	vnsel vm5, $0x0, v48;
	[tilespmem:v57+s13+$0x0] =	vst.idx.msk $0xffff, v58;
	v33 =	vnsel vm1, $0x0, v39  }
0x275: {  	v57 =	vadd.s32 $0x4A, v37;
	v58 =	vld [tilespmem:$0x1FE10];
	vm6 =	veq.s32 v31, $0x0;
	[tilespmem:v53+s13+$0x0] =	vst.idx.msk $0xffff, v46;
	v56 =	vnsel vm8, $0x0, v33  }
0x276: {  	v44 =	vadd.s32 $0x4F, v37;
	v59 =	vnsel vm6, $0x0, v33;
	[tilespmem:v60+s13+$0x0] =	vst.idx.msk $0xffff, v56;
	v60 =	vadd.s32 $0x4E, v37  }
0x277: {  	v62 =	vadd.s32 $0x4B, v37;
	[tilespmem:v61+s13+$0x0] =	vst.idx.msk $0xffff, v59;
	v61 =	vnsel vm7, $0x0, v33;
	vm7 =	veq.s32 v31, $0x1  }
0x278: {  	v52 =	vadd.s32 $0x5E, v28;
	v47 =	vadd.s32 $0x5A, v28;
	[tilespmem:v63+s13+$0x0] =	vst.idx.msk $0xffff, v61;
	v63 =	vnsel vm7, $0x0, v33  }
0x279: {  	v30 =	vnsel vm0, $0x0, v30;
	vm8 =	veq.s32 v31, $0x2;
	v56 =	vnsel vm9, $0x0, v33;
	[tilespmem:v43+s13+$0x0] =	vst.idx.msk $0xffff, v63  }
0x27a: {  	v40 =	vadd.s32 $0x5B, v28;
	vm3 =	vnez.u8 v58;
	v58 =	vnsel vm8, $0x0, v33;
	[tilespmem:v57+s13+$0x0] =	vst.idx.msk $0xffff, v56  }
0x27b: {  	v28 =	vadd.s32 $0x5F, v28;
	vm9 =	veq.s32 v31, $0x3;
	[tilespmem:v60+s13+$0x0] =	vst.idx.msk $0xffff, v58;
	v60 =	vnsel vm10, $0x0, v33  }
0x27c: {  	vm13 =	veq.s32 v51, $0x2;
	v57 =	vadd.s32 $0x56, v34;
	[tilespmem:v62+s13+$0x0] =	vst.idx.msk $0xffff, v60;
	v62 =	vnsel vm9, $0x0, v33  }
0x27d: {  	v46 =	vnsel vm14, $0x0, v30;
	v55 =	vnsel vm13, $0x0, v48;
	v59 =	vadd.s32 $0x53, v34;
	v61 =	vld [tilespmem:$0x1FE00];
	[tilespmem:v44+s13+$0x0] =	vst.idx.msk $0xffff, v62  }
0x27e: {  	[tilespmem:v41+s13+$0x0] =	vst.idx.msk $0xffff, v46;
	vm6 =	veq.s32 v51, $0x3;
	v49 =	vnsel vm3, $0x0, v32;
	v63 =	vadd.s32 $0x57, v34;
	v44 =	vld [tilespmem:s25+$0x11]  }
0x27f: {  	v51 =	vadd.s32 $0x5A, v29;
	vm8 =	veq.s32 v45, $0x1;
	[tilespmem:v47+s13+$0x0] =	vst.idx.msk $0xffff, v49;
	v43 =	vadd.s32 $0x5C, v29  }
0x280: {  	vm7 =	veq.s32 v45, $0x0;
	v47 =	vadd.s32 $0x5D, v34;
	[tilespmem:v52+s13+$0x0] =	vst.idx.msk $0xffff, v54;
	v52 =	vadd.s32 $0x53, v37  }
0x281: {  	v54 =	vadd.s32 $0x57, v37;
	v56 =	vnsel vm15, $0x0, v48;
	v58 =	vnsel vm7, $0x0, v30;
	[tilespmem:v57+s13+$0x0] =	vst.idx.msk $0xffff, v55  }
0x282: {  	vm10 =	veq.s32 v45, $0x2;
	v57 =	vnsel vm6, $0x0, v48;
	v48 =	vadd.s32 $0x59, v29;
	[tilespmem:v59+s13+$0x0] =	vst.idx.msk $0xffff, v56  }
0x283: {  	v60 =	vadd.s32 $0x5D, v29;
	vm2 =	vnez.u8 v61;
	[tilespmem:v63+s13+$0x0] =	vst.idx.msk $0xffff, v57;
	v63 =	vmul.u32 v6, v44  }
0x284: {  	v31 =	vnsel vm2, $0x0, v32;
	[tilespmem:v43+s13+$0x0] =	vst.idx.msk $0xffff, v58;
	v55 =	vadd.s32 $0x50, v37;
	v62 =	vadd.s32 v6, v44  }
0x285: {  	[tilespmem:v40+s13+$0x0] =	vst.idx.msk $0xffff, v31;
	vm6 =	vgt.u32 v38, v20;
	vm9 =	veq.s32 v62, $0x3;
	vm13 =	veq.s32 v63, $0x6  }
0x286: {  	v59 =	vnsel vm4, $0x0, v30;
	[tilespmem:v28+s13+$0x0] =	vst.idx.msk $0xffff, v50;
	v56 =	vadd.s32 $0x54, v37;
	vm0 =	vmor vm9, vm13  }
0x287: {  	v61 =	vnsel vm8, $0x0, v30;
	v58 =	vadd.s32 $0x51, v37;
	v49 =	vld [tilespmem:s25+$0x0];
	[tilespmem:v48+s13+$0x0] =	vst.idx.msk $0xffff, v59;
	vm0 =	vmand vm6, vm0  }
0x288: {  	v31 =	vnsel vm3, $0x0, v30;
	v59 =	vadd.s32 $0x55, v37;
	[tilespmem:v60+s13+$0x0] =	vst.idx.msk $0xffff, v61;
	v32 =	vnsel vm0, $0x0, v39  }
0x289: {  	vm8 =	veq.s32 v44, $0x0;
	v61 =	vadd.s32 $0x52, v37;
	[tilespmem:v51+s13+$0x0] =	vst.idx.msk $0xffff, v31;
	v60 =	vnsel vm12, $0x0, v32  }
0x28a: {  	v28 =	vnsel vm10, $0x0, v30;
	v48 =	vadd.s32 $0x56, v37;
	v63 =	vnsel vm8, $0x0, v32;
	[tilespmem:v55+s13+$0x0] =	vst.idx.msk $0xffff, v60  }
0x28b: {  	vm9 =	veq.s32 v44, $0x1;
	vm13 =	vgt.u32 v35, v22;
	v50 =	vnsel vm11, $0x0, v32;
	[tilespmem:v56+s13+$0x0] =	vst.idx.msk $0xffff, v63  }
0x28c: {  	v57 =	vadd.s32 v4, v49;
	v62 =	vmul.u32 v4, v49;
	v53 =	vnsel vm9, $0x0, v32;
	[tilespmem:v58+s13+$0x0] =	vst.idx.msk $0xffff, v50  }
0x28d: {  	vm7 =	veq.s32 v57, $0x3;
	vm11 =	veq.s32 v44, $0x2;
	v55 =	vnsel vm5, $0x0, v32;
	[tilespmem:v59+s13+$0x0] =	vst.idx.msk $0xffff, v53  }
0x28e: {  	v57 =	vadd.s32 $0x5E, v29;
	vm12 =	veq.s32 v44, $0x3;
	v56 =	vnsel vm11, $0x0, v32;
	[tilespmem:v61+s13+$0x0] =	vst.idx.msk $0xffff, v55  }
0x28f: {  	v58 =	vadd.s32 $0x5B, v29;
	v59 =	vnsel vm12, $0x0, v32;
	v32 =	vnsel vm15, $0x0, v32;
	[tilespmem:v48+s13+$0x0] =	vst.idx.msk $0xffff, v56  }
0x290: {  	v51 =	vadd.s32 $0x5E, v34;
	vm10 =	veq.s32 v62, $0x6;
	v29 =	vadd.s32 $0x5F, v29;
	[tilespmem:v52+s13+$0x0] =	vst.idx.msk $0xffff, v32  }
0x291: {  	vm6 =	veq.s32 v49, $0x1;
	vm0 =	vmor vm7, vm10;
	v61 =	vadd.s32 $0x58, v34;
	[tilespmem:v54+s13+$0x0] =	vst.idx.msk $0xffff, v59  }
0x292: {  	v60 =	vnsel vm2, $0x0, v30;
	vm5 =	veq.s32 v49, $0x0;
	v63 =	vadd.s32 $0x5C, v34;
	v40 =	vld [tilespmem:s25+$0x10]  }
0x293: {  	vm0 =	vmand vm13, vm0;
	vm15 =	veq.s32 v45, $0x3;
	[tilespmem:v57+s13+$0x0] =	vst.idx.msk $0xffff, v28;
	v45 =	vadd.s32 $0x59, v34  }
0x294: {  	vm7 =	veq.s32 v49, $0x2;
	v62 =	vnsel vm0, $0x0, v36;
	v30 =	vnsel vm15, $0x0, v30;
	[tilespmem:v58+s13+$0x0] =	vst.idx.msk $0xffff, v60  }
0x295: {  	vm10 =	vgt.u32 v38, v22;
	v50 =	vadd.s32 $0x5A, v34;
	v28 =	vnsel vm14, $0x0, v62;
	[tilespmem:v29+s13+$0x0] =	vst.idx.msk $0xffff, v30  }
0x296: {  	vm11 =	veq.s32 v49, $0x3;
	v46 =	vnsel vm5, $0x0, v62;
	v48 =	vnsel vm6, $0x0, v62;
	[tilespmem:v61+s13+$0x0] =	vst.idx.msk $0xffff, v28  }
0x297: {  	v52 =	vadd.s32 $0x5B, v34;
	v29 =	vnsel vm4, $0x0, v62;
	[tilespmem:v63+s13+$0x0] =	vst.idx.msk $0xffff, v46;
	v54 =	vmul.u32 v4, v40  }
0x298: {  	v56 =	vadd.s32 $0x58, v37;
	v34 =	vadd.s32 $0x5F, v34;
	[tilespmem:v45+s13+$0x0] =	vst.idx.msk $0xffff, v29;
	v53 =	vadd.s32 v4, v40  }
0x299: {  	v28 =	vnsel vm3, $0x0, v62;
	[tilespmem:v47+s13+$0x0] =	vst.idx.msk $0xffff, v48;
	vm8 =	veq.s32 v53, $0x3;
	vm9 =	veq.s32 v54, $0x6  }
0x29a: {  	v29 =	vnsel vm7, $0x0, v62;
	[tilespmem:v50+s13+$0x0] =	vst.idx.msk $0xffff, v28;
	v28 =	vadd.s32 $0x5C, v37;
	vm0 =	vmor vm8, vm9  }
0x29b: {  	v55 =	vnsel vm2, $0x0, v62;
	[tilespmem:v51+s13+$0x0] =	vst.idx.msk $0xffff, v29;
	v29 =	vadd.s32 $0x59, v37;
	vm0 =	vmand vm10, vm0  }
0x29c: {  	v31 =	vnsel vm11, $0x0, v62;
	v58 =	vadd.s32 $0x5D, v37;
	[tilespmem:v52+s13+$0x0] =	vst.idx.msk $0xffff, v55;
	v57 =	vnsel vm0, $0x0, v39  }
0x29d: {  	v60 =	vadd.s32 $0x5A, v37;
	vm12 =	veq.s32 v40, $0x0;
	[tilespmem:v34+s13+$0x0] =	vst.idx.msk $0xffff, v31;
	v59 =	vnsel vm14, $0x0, v57  }
0x29e: {  	v62 =	vadd.s32 $0x5E, v37;
	v61 =	vnsel vm12, $0x0, v57;
	[tilespmem:v56+s13+$0x0] =	vst.idx.msk $0xffff, v59  }
0x29f: {  	s24 =	sadd.s32 $0x4, s24;
	v63 =	vadd.s32 $0x5B, v37;
	vm13 =	veq.s32 v40, $0x1;
	[tilespmem:v28+s13+$0x0] =	vst.idx.msk $0xffff, v61;
	v28 =	vnsel vm4, $0x0, v57  }
0x2a0: {  	p0 =	slt.u32 s24, $0xC;
	[tilespmem:v29+s13+$0x0] =	vst.idx.msk $0xffff, v28;
	v28 =	vnsel vm13, $0x0, v57;
	v29 =	vadd.s32 $0x5F, v37  }
.Ltmp0:
0x2a1: {  	vm14 =	veq.s32 v40, $0x2;
	[tilespmem:v58+s13+$0x0] =	vst.idx.msk $0xffff, v28;
	v28 =	vnsel vm3, $0x0, v57;
	(pc) =	sbr.rel @p0 .LBB2_3-.Ltmp0, $4  }
0x2a2: {  	[tilespmem:v60+s13+$0x0] =	vst.idx.msk $0xffff, v28;
	v28 =	vnsel vm14, $0x0, v57  }
0x2a3: {  	vm15 =	veq.s32 v40, $0x3;
	[tilespmem:v62+s13+$0x0] =	vst.idx.msk $0xffff, v28;
	v28 =	vnsel vm2, $0x0, v57  }
0x2a4: {  	v30 =	vnsel vm15, $0x0, v57;
	[tilespmem:v63+s13+$0x0] =	vst.idx.msk $0xffff, v28  }
0x2a5: {  	s22 =	sadd.s32 $0x40, s22;
	s25 =	sadd.s32 $0x40, s25;
	[tilespmem:v29+s13+$0x0] =	vst.idx.msk $0xffff, v30  }
0x2a6: {  	s22 =	simm.s32 $0xC2  }
0x2a7: {  	p0 =	seq.s32 s19, $0x0;
	s23 =	simm.s32 $0x0;
	v2 =	vadd.s32 s22, v1  }
0x2a8: {  	s22 =	simm.s32 @!p0 $0x1;
	v3 =	vadd.s32 s23, v1  }
0x2a9: {  	s24 =	simm.s32 $0x61;
	_ =	swait.ge @!p0 [sflag:s22], $0x8000  }
0x2aa: {  	v4 =	vadd.s32 s24, v1;
	[sflag:s22] =	ssyncset.done @!p0 $0x0  }
0x2ab: {  	[sflag:s22] =	ssyncadd.s32 @!p0 $0xFFFF8000  }
0x2ac: {  	s25 =	simm.s32 $0xD2;
	v2 =	vld.idx.msk [tilespmem:v2+s13+$0x0], $0xffff  }
0x2ad: {  	s26 =	simm.s32 $0x10;
	v5 =	vadd.s32 s25, v1;
	v3 =	vld.idx.msk [tilespmem:v3+s13+$0x0], $0xffff  }
0x2ae: {  	s29 =	simm.s32 $0x123;
	v6 =	vadd.s32 s26, v1  }
0x2af: {  	s30 =	simm.s32 $0x71;
	v7 =	vadd.s32 s29, v1;
	v4 =	vld.idx.msk [tilespmem:v4+s13+$0x0], $0xffff  }
0x2b0: {  	v8 =	vadd.s32 s30, v1;
	s22 =	simm.s32 $0x8680  }
0x2b1: {  	[tilespmem:s22+$0x0] =	vst v2  }
0x2b2: {  	s31 =	simm.s32 $0xE2;
	[tilespmem:s22+$0xFFFFFF00] =	vst v3;
	v2 =	vld.idx.msk [tilespmem:v5+s13+$0x0], $0xffff  }
0x2b3: {  	s24 =	simm.s32 $0x20;
	v3 =	vld.idx.msk [tilespmem:v6+s13+$0x0], $0xffff;
	v5 =	vadd.s32 s31, v1  }
0x2b4: {  	s25 =	simm.s32 $0x133;
	[tilespmem:s22+$0xFFFFFF80] =	vst v4;
	v4 =	vadd.s32 s24, v1;
	v6 =	vld.idx.msk [tilespmem:v7+s13+$0x0], $0xffff  }
0x2b5: {  	s26 =	simm.s32 $0x81;
	v7 =	vadd.s32 s25, v1;
	v8 =	vld.idx.msk [tilespmem:v8+s13+$0x0], $0xffff  }
0x2b6: {  	v9 =	vadd.s32 s26, v1  }
0x2b7: {  	s26 =	simm.s32 $0x246;
	[tilespmem:s22+$0x10] =	vst v2  }
0x2b8: {  	s29 =	simm.s32 $0xF2;
	v10 =	vadd.s32 s26, v1;
	[tilespmem:s22+$0xFFFFFF10] =	vst v3;
	v2 =	vld.idx.msk [tilespmem:v5+s13+$0x0], $0xffff  }
0x2b9: {  	s30 =	simm.s32 $0x30;
	[tilespmem:s22+$0x80] =	vst v6;
	v3 =	vld.idx.msk [tilespmem:v4+s13+$0x0], $0xffff;
	v4 =	vadd.s32 s29, v1  }
0x2ba: {  	s31 =	simm.s32 $0x143;
	[tilespmem:s22+$0xFFFFFF90] =	vst v8;
	v6 =	vadd.s32 s30, v1;
	v5 =	vld.idx.msk [tilespmem:v7+s13+$0x0], $0xffff  }
0x2bb: {  	s25 =	simm.s32 $0x91;
	v8 =	vadd.s32 s31, v1;
	v7 =	vld.idx.msk [tilespmem:v9+s13+$0x0], $0xffff  }
0x2bc: {  	v9 =	vadd.s32 s25, v1;
	s29 =	simm.s32 $0x184  }
0x2bd: {  	v10 =	vld.idx.msk [tilespmem:v10+s13+$0x0], $0xffff;
	s30 =	simm.s32 $0x1E5;
	[tilespmem:s22+$0x20] =	vst v2;
	v2 =	vadd.s32 s29, v1  }
0x2be: {  	s31 =	simm.s32 $0x2A7;
	[tilespmem:s22+$0xFFFFFF20] =	vst v3;
	v3 =	vld.idx.msk [tilespmem:v4+s13+$0x0], $0xffff;
	v4 =	vadd.s32 s30, v1  }
0x2bf: {  	s25 =	simm.s32 $0x40;
	[tilespmem:s22+$0x90] =	vst v5;
	v5 =	vld.idx.msk [tilespmem:v6+s13+$0x0], $0xffff;
	v6 =	vadd.s32 s31, v1  }
0x2c0: {  	s26 =	simm.s32 $0x153;
	[tilespmem:s22+$0xFFFFFFA0] =	vst v7;
	v7 =	vld.idx.msk [tilespmem:v8+s13+$0x0], $0xffff;
	v8 =	vadd.s32 s25, v1  }
0x2c1: {  	s23 =	simm.s32 $0x8880;
	v11 =	vadd.s32 s26, v1;
	s29 =	simm.s32 $0xA1;
	v9 =	vld.idx.msk [tilespmem:v9+s13+$0x0], $0xffff  }
0x2c2: {  	[tilespmem:s23+$0x0] =	vst v10;
	s30 =	simm.s32 $0x256;
	v12 =	vadd.s32 s29, v1;
	v2 =	vld.idx.msk [tilespmem:v2+s13+$0x0], $0xffff  }
0x2c3: {  	s31 =	simm.s32 $0x194;
	v13 =	vadd.s32 s30, v1;
	v4 =	vld.idx.msk [tilespmem:v4+s13+$0x0], $0xffff;
	[tilespmem:s22+$0x30] =	vst v3  }
0x2c4: {  	s24 =	simm.s32 $0x1F5;
	v3 =	vadd.s32 s31, v1;
	v6 =	vld.idx.msk [tilespmem:v6+s13+$0x0], $0xffff;
	[tilespmem:s22+$0xFFFFFF30] =	vst v5  }
0x2c5: {  	s25 =	simm.s32 $0x102;
	v5 =	vadd.s32 s24, v1;
	[tilespmem:s22+$0xA0] =	vst v7;
	v8 =	vld.idx.msk [tilespmem:v8+s13+$0x0], $0xffff  }
0x2c6: {  	s26 =	simm.s32 $0x50;
	[tilespmem:s22+$0xFFFFFFB0] =	vst v9;
	v7 =	vadd.s32 s25, v1;
	v9 =	vld.idx.msk [tilespmem:v11+s13+$0x0], $0xffff  }
0x2c7: {  	v10 =	vadd.s32 s26, v1;
	s25 =	simm.s32 $0x163;
	v11 =	vld.idx.msk [tilespmem:v12+s13+$0x0], $0xffff;
	[tilespmem:s23+$0xFFFFFF00] =	vst v2  }
0x2c8: {  	s29 =	simm.s32 $0x2B7;
	v62 =	vadd.s32 s25, v1;
	v2 =	vld.idx.msk [tilespmem:v13+s13+$0x0], $0xffff;
	[tilespmem:s23+$0xFFFFFF80] =	vst v4  }
0x2c9: {  	s30 =	simm.s32 $0x266;
	v3 =	vld.idx.msk [tilespmem:v3+s13+$0x0], $0xffff;
	v4 =	vadd.s32 s29, v1;
	[tilespmem:s23+$0x80] =	vst v6  }
0x2ca: {  	s31 =	simm.s32 $0x1A4;
	v63 =	vld.idx.msk [tilespmem:v5+s13+$0x0], $0xffff;
	v5 =	vadd.s32 s30, v1;
	[tilespmem:s22+$0xFFFFFF40] =	vst v8  }
0x2cb: {  	s26 =	simm.s32 $0xB1;
	v6 =	vadd.s32 s31, v1;
	v14 =	vld.idx.msk [tilespmem:v7+s13+$0x0], $0xffff;
	[tilespmem:s22+$0xB0] =	vst v9  }
0x2cc: {  	s25 =	simm.s32 $0x205;
	[tilespmem:s22+$0xFFFFFFC0] =	vst v11;
	v11 =	vadd.s32 s26, v1;
	v10 =	vld.idx.msk [tilespmem:v10+s13+$0x0], $0xffff  }
0x2cd: {  	v7 =	vadd.s32 s25, v1;
	s29 =	simm.s32 $0x112;
	v12 =	vld.idx.msk [tilespmem:v62+s13+$0x0], $0xffff  }
0x2ce: {  	v15 =	vadd.s32 s29, v1;
	s30 =	simm.s32 $0x173;
	[tilespmem:s23+$0x10] =	vst v2;
	v8 =	vld.idx.msk [tilespmem:v4+s13+$0x0], $0xffff  }
0x2cf: {  	v2 =	vadd.s32 s30, v1;
	[tilespmem:s23+$0xFFFFFF10] =	vst v3;
	v5 =	vld.idx.msk [tilespmem:v5+s13+$0x0], $0xffff  }
0x2d0: {  	s26 =	simm.s32 $0x276;
	[tilespmem:s22+$0x40] =	vst v14;
	v6 =	vld.idx.msk [tilespmem:v6+s13+$0x0], $0xffff  }
0x2d1: {  	s28 =	simm.s32 $0x1B4;
	v9 =	vadd.s32 s26, v1;
	[tilespmem:s23+$0xFFFFFF90] =	vst v63;
	v4 =	vld.idx.msk [tilespmem:v11+s13+$0x0], $0xffff  }
0x2d2: {  	s24 =	simm.s32 $0x2F7;
	s31 =	simm.s32 $0x2C7;
	v7 =	vld.idx.msk [tilespmem:v7+s13+$0x0], $0xffff;
	[tilespmem:s22+$0xFFFFFF50] =	vst v10;
	v10 =	vadd.s32 s28, v1  }
0x2d3: {  	s25 =	simm.s32 $0x4;
	s26 =	simm.s32 $0x47B;
	v11 =	vadd.s32 s31, v1;
	v3 =	vld.idx.msk [tilespmem:v15+s13+$0x0], $0xffff;
	s28 =	simm.s32 $0x215;
	[tilespmem:s22+$0xC0] =	vst v12  }
.LBB2_5:
0x2d4: {  	s29 =	sadd.s32 $0xFFFFFE8D, s26;
	s30 =	sadd.s32 $0xFFFFFF4F, s26;
	s31 =	sadd.s32 $0xFFFFFFB0, s26;
	v12 =	vadd.s32 s28, v1;
	[tilespmem:s23+$0x90] =	vst v8;
	v2 =	vld.idx.msk [tilespmem:v2+s13+$0x0], $0xffff  }
0x2d5: {  	s28 =	sadd.s32 $0xFFFFFEEE, s26;
	s25 =	sadd.s32 $0x4, s25;
	v8 =	vadd.s32 s29, v1;
	v13 =	vadd.s32 s30, v1;
	v14 =	vadd.s32 s31, v1;
	[tilespmem:s23+$0x20] =	vst v5  }
0x2d6: {  	v5 =	vadd.s32 s28, v1;
	p1 =	slt.u32 s25, $0xFC;
	[tilespmem:s23+$0xFFFFFF20] =	vst v6;
	v6 =	vld.idx.msk [tilespmem:v9+s13+$0x0], $0xffff  }
0x2d7: {  	s28 =	sadd.s32 $0xFFFFFFE0, s24;
	v9 =	vld.idx.msk [tilespmem:v10+s13+$0x0], $0xffff;
	[tilespmem:s23+$0xFFFFFFA0] =	vst v7  }
0x2d8: {  	s29 =	sadd.s32 $0xFFFFFECD, s24;
	v10 =	vadd.s32 s28, v1;
	v7 =	vld.idx.msk [tilespmem:v11+s13+$0x0], $0xffff;
	[tilespmem:s22+$0xFFFFFFD0] =	vst v4  }
0x2d9: {  	v4 =	vadd.s32 s29, v1;
	v11 =	vld.idx.msk [tilespmem:v12+s13+$0x0], $0xffff;
	[tilespmem:s22+$0x50] =	vst v3  }
0x2da: {  	s28 =	sadd.s32 $0xFFFFFF2E, s24;
	v3 =	vld.idx.msk [tilespmem:v13+s13+$0x0], $0xffff;
	[tilespmem:s22+$0xD0] =	vst v2;
	s22 =	smov.u32 s23  }
0x2db: {  	s29 =	sadd.s32 $0xFFFFFF5F, s26;
	v2 =	vld.idx.msk [tilespmem:v8+s13+$0x0], $0xffff;
	v8 =	vadd.s32 s28, v1  }
0x2dc: {  	v12 =	vadd.s32 s29, v1;
	s28 =	sadd.s32 $0xFFFFFE9D, s26;
	v5 =	vld.idx.msk [tilespmem:v5+s13+$0x0], $0xffff;
	[tilespmem:s23+$0x30] =	vst v6  }
0x2dd: {  	v6 =	vadd.s32 s28, v1;
	s28 =	sadd.s32 $0xFFFFFEFE, s26;
	v13 =	vld.idx.msk [tilespmem:v14+s13+$0x0], $0xffff;
	[tilespmem:s23+$0xFFFFFF30] =	vst v9  }
0x2de: {  	s29 =	sadd.s32 $0xFFFFFFF0, s24;
	v9 =	vadd.s32 s28, v1;
	s28 =	sadd.s32 $0xFFFFFF8F, s24;
	v4 =	vld.idx.msk [tilespmem:v4+s13+$0x0], $0xffff;
	[tilespmem:s23+$0xA0] =	vst v7  }
0x2df: {  	s30 =	sadd.s32 $0xFFFFFEDD, s24;
	v7 =	vadd.s32 s28, v1;
	s23 =	sadd.s32 $0x200, s23;
	[tilespmem:s22+$0xFFFFFFB0] =	vst v11;
	v10 =	vld.idx.msk [tilespmem:v10+s13+$0x0], $0xffff;
	v11 =	vadd.s32 s29, v1  }
0x2e0: {  	[tilespmem:s23+$0x0] =	vst v3;
	v3 =	vadd.s32 s30, v1;
	v8 =	vld.idx.msk [tilespmem:v8+s13+$0x0], $0xffff  }
0x2e1: {  	s28 =	sadd.s32 $0xFFFFFFC0, s26;
	[tilespmem:s23+$0xFFFFFF00] =	vst v2;
	v12 =	vld.idx.msk [tilespmem:v12+s13+$0x0], $0xffff  }
0x2e2: {  	s29 =	sadd.s32 $0xFFFFFF6F, s26;
	v6 =	vld.idx.msk [tilespmem:v6+s13+$0x0], $0xffff;
	[tilespmem:s23+$0xFFFFFF80] =	vst v5;
	v5 =	vadd.s32 s28, v1  }
0x2e3: {  	v14 =	vadd.s32 s29, v1;
	s28 =	sadd.s32 $0xFFFFFEAD, s26;
	v9 =	vld.idx.msk [tilespmem:v9+s13+$0x0], $0xffff;
	[tilespmem:s23+$0x80] =	vst v13  }
0x2e4: {  	v13 =	vadd.s32 s28, v1;
	s28 =	sadd.s32 $0xFFFFFF0E, s26;
	[tilespmem:s22+$0xFFFFFF40] =	vst v4;
	v4 =	vld.idx.msk [tilespmem:v7+s13+$0x0], $0xffff  }
0x2e5: {  	v7 =	vadd.s32 s28, v1;
	s28 =	sadd.s32 $0xFFFFFF3E, s24;
	v3 =	vld.idx.msk [tilespmem:v3+s13+$0x0], $0xffff;
	[tilespmem:s22+$0xB0] =	vst v10  }
0x2e6: {  	v2 =	vadd.s32 s24, v1;
	v15 =	vadd.s32 s28, v1;
	s28 =	sadd.s32 $0xFFFFFF9F, s24;
	s24 =	smov.u32 s26;
	[tilespmem:s22+$0xFFFFFFC0] =	vst v8;
	v16 =	vld.idx.msk [tilespmem:v11+s13+$0x0], $0xffff  }
0x2e7: {  	[tilespmem:s23+$0x10] =	vst v12;
	v8 =	vld.idx.msk [tilespmem:v5+s13+$0x0], $0xffff;
	v12 =	vadd.s32 s28, v1  }
.Ltmp1:
0x2e8: {  	[tilespmem:s23+$0xFFFFFF10] =	vst v6;
	v5 =	vld.idx.msk [tilespmem:v14+s13+$0x0], $0xffff;
	(pc) =	sbr.rel @p1 .LBB2_5-.Ltmp1, $4  }
0x2e9: {  	s28 =	sadd.s32 $0xFFFFFF7F, s26;
	v6 =	vld.idx.msk [tilespmem:v13+s13+$0x0], $0xffff;
	[tilespmem:s23+$0xFFFFFF90] =	vst v9  }
0x2ea: {  	s29 =	sadd.s32 $0xFFFFFEBD, s26;
	v9 =	vadd.s32 s28, v1;
	s28 =	sadd.s32 $0xFFFFFFD0, s26;
	v7 =	vld.idx.msk [tilespmem:v7+s13+$0x0], $0xffff;
	[tilespmem:s22+$0x40] =	vst v4  }
0x2eb: {  	v10 =	vadd.s32 s29, v1;
	v11 =	vadd.s32 s28, v1;
	[tilespmem:s22+$0xFFFFFF50] =	vst v3;
	v4 =	vld.idx.msk [tilespmem:v15+s13+$0x0], $0xffff  }
0x2ec: {  	s26 =	sadd.s32 $0x184, s26;
	s28 =	sadd.s32 $0xFFFFFF1E, s24;
	v3 =	vld.idx.msk [tilespmem:v12+s13+$0x0], $0xffff;
	[tilespmem:s22+$0xC0] =	vst v16  }
0x2ed: {  	_ =	sdelay $0x2  }
0x2ee: {  	[tilespmem:s23+$0x90] =	vst v8  }
0x2ef: {  	v12 =	vadd.s32 s28, v1;
	s25 =	sadd.s32 $0xFFFFFFE0, s24;
	v8 =	vld.idx.msk [tilespmem:v11+s13+$0x0], $0xffff  }
0x2f0: {  	v11 =	vadd.s32 s25, v1  }
0x2f1: {  	[tilespmem:s23+$0x20] =	vst v5  }
0x2f2: {  	[tilespmem:s23+$0xFFFFFF20] =	vst v6  }
0x2f3: {  	s26 =	sadd.s32 $0xFFFFFECD, s24;
	v6 =	vld.idx.msk [tilespmem:v10+s13+$0x0], $0xffff;
	[tilespmem:s23+$0xFFFFFFA0] =	vst v7  }
0x2f4: {  	s28 =	sadd.s32 $0xFFFFFF2E, s24;
	v5 =	vadd.s32 s26, v1;
	v7 =	vld.idx.msk [tilespmem:v12+s13+$0x0], $0xffff;
	[tilespmem:s23+$0xA0] =	vst v8  }
0x2f5: {  	s26 =	sadd.s32 $0xFFFFFFF0, s24;
	v10 =	vadd.s32 s28, v1;
	v11 =	vld.idx.msk [tilespmem:v11+s13+$0x0], $0xffff  }
0x2f6: {  	v12 =	vadd.s32 s26, v1  }
0x2f7: {  	s29 =	sadd.s32 $0xFFFFFF8F, s24;
	v9 =	vld.idx.msk [tilespmem:v9+s13+$0x0], $0xffff  }
0x2f8: {  	v8 =	vadd.s32 s29, v1;
	[tilespmem:s23+$0xFFFFFF30] =	vst v6  }
0x2f9: {  	v5 =	vld.idx.msk [tilespmem:v5+s13+$0x0], $0xffff;
	[tilespmem:s23+$0xFFFFFFB0] =	vst v7  }
0x2fa: {  	s30 =	sadd.s32 $0xFFFFFEDD, s24;
	v7 =	vld.idx.msk [tilespmem:v10+s13+$0x0], $0xffff;
	[tilespmem:s23+$0xB0] =	vst v11  }
0x2fb: {  	[tilespmem:s22+$0xFFFFFFD0] =	vst v4;
	v6 =	vadd.s32 s30, v1;
	v10 =	vld.idx.msk [tilespmem:v12+s13+$0x0], $0xffff  }
0x2fc: {  	s31 =	sadd.s32 $0xFFFFFF3E, s24;
	v4 =	vadd.s32 s24, v1;
	[tilespmem:s23+$0x30] =	vst v9  }
0x2fd: {  	s26 =	sadd.s32 $0xFFFFFF9F, s24;
	v9 =	vadd.s32 s31, v1;
	v8 =	vld.idx.msk [tilespmem:v8+s13+$0x0], $0xffff  }
0x2fe: {  	v2 =	vld.idx.msk [tilespmem:v2+s13+$0x0], $0xffff;
	[tilespmem:s22+$0x50] =	vst v3;
	v11 =	vadd.s32 s26, v1  }
0x2ff: {  	s24 =	sor.u32 $0x1, s20;
	[tilespmem:s23+$0xFFFFFF40] =	vst v5  }
0x300: {  	s20 =	sor.u32 s5, s24;
	v5 =	vld.idx.msk [tilespmem:v6+s13+$0x0], $0xffff;
	[tilespmem:s23+$0xC0] =	vst v10  }
0x301: {  	s25 =	sadd.s32 s7, s20;
	[tilespmem:s23+$0xFFFFFFC0] =	vst v7;
	v3 =	vld.idx.msk [tilespmem:v4+s13+$0x0], $0xffff  }
0x302: {  	s28 =	sadd.s32 $0x5, s25;
	[tilespmem:s23+$0x40] =	vst v8;
	v6 =	vld.idx.msk [tilespmem:v9+s13+$0x0], $0xffff  }
0x303: {  	s21 =	sshll.u32 s21, $0xF;
	[tilespmem:s22+$0xD0] =	vst v2;
	v2 =	vmov s28;
	v7 =	vld.idx.msk [tilespmem:v11+s13+$0x0], $0xffff  }
0x304: {  	s21 =	sadd.s32 s8, s21;
	s29 =	sadd.s32 $0x1, s25;
	v2 =	vand.u32 $0xFFFFFFFE, v2  }
0x305: {  	s21 =	sshrl.u32 s21, $0x3;
	v2 =	vbroadcast v2, $0x0;
	[tilespmem:s23+$0xFFFFFF50] =	vst v5;
	v4 =	vmov s29  }
0x306: {  	s30 =	sadd.s32 s4, s21;
	[tilespmem:s23+$0xD0] =	vst v3;
	v3 =	vand.u32 $0xFFFFFFFE, v4  }
0x307: {  	s21 =	simm.s32 $0x0;
	s31 =	sadd.s32 $0x3, s25;
	s28 =	sadd.s32 $0x4, s25;
	[tilespmem:s23+$0xFFFFFFD0] =	vst v6;
	v4 =	vmov s25;
	v5 =	vbroadcast v3, $0x0  }
0x308: {  	v13 =	vimm.s32 $0x0;
	v8 =	vmov s28;
	s28 =	sadd.s32 $0xFFFFFFFB, s20;
	s29 =	sadd.s32 $0x6, s25;
	[tilespmem:s23+$0x50] =	vst v7;
	s23 =	sadd.s32 $0x2, s25  }
0x309: {  	v11 =	vimm.s32 $0x0;
	[hbm4b:s30+s21] =	stream.linear.scatter [tilespmem:s14], [sflag:$0x1], $0x8000, $0x38;
	v3 =	vmov s31;
	v6 =	vmov s23;
	[tilespmem:$0x18580] =	vst v63  }
0x30a: {  	s26 =	sadd.s32 $0x7, s25;
	v15 =	vmov s28;
	v10 =	vmov s29;
	s31 =	sadd.s32 $0x8, s25;
	v3 =	vand.u32 $0xFFFFFFFE, v3  }
0x30b: {  	s28 =	sadd.s32 $0x7, s20;
	s23 =	sadd.s32 $0xA, s25;
	v2 =	vld.idx.msk [tilespmem:v2+s21+$0x0], $0xffff;
	v16 =	vmov s31;
	v7 =	vbroadcast v3, $0x0;
	v3 =	vmov s26  }
0x30c: {  	v23 =	vmov s28;
	s29 =	sadd.s32 $0xFFFFFFFD, s20;
	s30 =	sadd.s32 $0x9, s25;
	v24 =	vmov s23;
	v9 =	vand.u32 $0xFFFFFFFE, v3;
	v3 =	vld.idx.msk [tilespmem:v4+s21+$0x0], $0xffff  }
0x30d: {  	v17 =	vmov s29;
	s29 =	sadd.s32 $0x9, s20;
	s25 =	sshll.u32 s24, $0x8;
	s31 =	sadd.s32 $0x1, s20;
	v12 =	vbroadcast v9, $0x0;
	v9 =	vmov s30;
	v4 =	vld.idx.msk [tilespmem:v5+s21+$0x0], $0xffff  }
0x30e: {  	v25 =	vmov s29;
	s22 =	sand.u32 $0x3FFFFF00, s25;
	s25 =	sadd.s32 $0x3, s20;
	s26 =	sadd.s32 $0xFFFFFFF9, s20;
	v19 =	vmov s31;
	v9 =	vand.u32 $0xFFFFFFFE, v9;
	v5 =	vld.idx.msk [tilespmem:v6+s21+$0x0], $0xffff  }
0x30f: {  	v21 =	vmov s25;
	s31 =	sadd.s32 $0xD, s20;
	v14 =	vmov s26;
	v20 =	vbroadcast v9, $0x0;
	v9 =	vld.idx.msk [tilespmem:v10+s21+$0x0], $0xffff  }
0x310: {  	s26 =	sadd.s32 $0x5, s20;
	v27 =	vmov s31;
	vm14 =	veq.s32 v2, $0x1;
	v10 =	vimm.s32 $0x0;
	v16 =	vld.idx.msk [tilespmem:v16+s21+$0x0], $0xffff  }
0x311: {  	s30 =	sadd.s32 $0xFFFFFFFF, s20;
	v22 =	vmov s26;
	vm1 =	veq.s32 v2, $0x2;
	v24 =	vld.idx.msk [tilespmem:v24+s21+$0x0], $0xffff;
	v10 =	vsel vm14, $0xFFFFFFFF, v10  }
0x312: {  	v18 =	vmov s30;
	vm15 =	veq.s32 v2, $0x3;
	v11 =	vsel vm1, $0xFFFFFFFF, v11;
	v6 =	vld.idx.msk [tilespmem:v7+s21+$0x0], $0xffff;
	[tilespmem:$0x1FC40] =	vst v10  }
0x313: {  	s30 =	sadd.s32 $0xB, s20;
	vm0 =	veq.s32 v2, $0x0;
	v13 =	vsel vm15, $0xFFFFFFFF, v13;
	v7 =	vld.idx.msk [tilespmem:v8+s21+$0x0], $0xffff;
	v8 =	vimm.s32 $0x0;
	[tilespmem:$0x1FC50] =	vst v11  }
0x314: {  	v26 =	vmov s30;
	v10 =	vsel vm14, $0x3F800000, v0;
	[tilespmem:$0x1FC60] =	vst v13;
	v8 =	vsel vm0, $0xFFFFFFFF, v8;
	v12 =	vld.idx.msk [tilespmem:v12+s21+$0x0], $0xffff  }
0x315: {  	s24 =	smov.u32 s10;
	s23 =	simm.s32 $0xFFFFFFFC;
	s22 =	sadd.s32 $0x480, s22;
	v11 =	vsel vm1, $0x3F800000, v0;
	v13 =	vsel vm15, $0x3F800000, v0;
	[tilespmem:$0x1FC30] =	vst v8;
	v8 =	vsel vm0, $0x3F800000, v0;
	v20 =	vld.idx.msk [tilespmem:v20+s21+$0x0], $0xffff  }
.LBB2_7:
0x316: {  	v36 =	vor.u32 s21, v1  }
0x317: {  	v29 =	vld [tilespmem:s24+$0xFFFFFFE5];
	v28 =	vmul.u32 $0x61, v36;
	_ =	sdelay $0x1  }
0x318: {  	v30 =	vadd.s32 $0x4, v28  }
0x319: {  	s25 =	sand.u32 $0x80, s21;
	v31 =	vadd.s32 $0x1, v28  }
0x31a: {  	s26 =	sand.u32 $0x40, s21;
	s25 =	sadd.s32 s25, s22;
	v32 =	vadd.s32 $0x5, v28  }
0x31b: {  	s26 =	sadd.s32 s26, s25;
	v33 =	vadd.s32 $0x2, v28;
	vm11 =	veq.s32 v29, $0x0  }
0x31c: {  	v35 =	vld [tilespmem:s26+$0x0];
	v37 =	vadd.s32 $0x6, v28;
	v34 =	vsel vm11, $0x3F800000, v0;
	[tilespmem:v28+s13+$0x0] =	vst.idx.msk $0xffff, v8  }
0x31d: {  	v52 =	vadd.s32 $0x3, v28;
	vm10 =	veq.s32 v29, $0x1;
	[tilespmem:v30+s13+$0x0] =	vst.idx.msk $0xffff, v34  }
0x31e: {  	v54 =	vadd.s32 $0x7, v28;
	v53 =	vsel vm10, $0x3F800000, v0;
	[tilespmem:v31+s13+$0x0] =	vst.idx.msk $0xffff, v10  }
0x31f: {  	vm5 =	veq.s32 v29, $0x2;
	[tilespmem:v32+s13+$0x0] =	vst.idx.msk $0xffff, v53  }
0x320: {  	v55 =	vsel vm5, $0x3F800000, v0;
	[tilespmem:v33+s13+$0x0] =	vst.idx.msk $0xffff, v11  }
0x321: {  	vm4 =	veq.s32 v29, $0x3;
	[tilespmem:v37+s13+$0x0] =	vst.idx.msk $0xffff, v55  }
0x322: {  	v56 =	vsel vm4, $0x3F800000, v0;
	[tilespmem:v52+s13+$0x0] =	vst.idx.msk $0xffff, v13  }
0x323: {  	[tilespmem:v54+s13+$0x0] =	vst.idx.msk $0xffff, v56  }
0x324: {  	v30 =	vld [tilespmem:s24+$0xFFFFFFEA];
	_ =	sdelay $0x4  }
0x325: {  	v57 =	vmul.u32 v3, v30  }
0x326: {  	v58 =	vadd.s32 v3, v30  }
0x327: {  	v59 =	vadd.s32 $0x8, v28;
	vm0 =	veq.s32 v58, $0x3;
	vm1 =	veq.s32 v57, $0x6  }
0x328: {  	vm13 =	vgt.s32 v36, v14;
	v60 =	vadd.s32 $0xC, v28;
	vm0 =	vmor vm0, vm1  }
0x329: {  	v61 =	vadd.s32 $0x9, v28;
	vm0 =	vmand vm13, vm0  }
0x32a: {  	vm3 =	veq.s32 v3, $0x0;
	v63 =	vadd.s32 $0xD, v28;
	v62 =	vnsel vm0, $0x0, v35  }
0x32b: {  	v39 =	vadd.s32 $0xA, v28;
	vm14 =	veq.s32 v30, $0x0;
	v38 =	vnsel vm3, $0x0, v62  }
0x32c: {  	vm2 =	veq.s32 v3, $0x1;
	v43 =	vadd.s32 $0xE, v28;
	v42 =	vnsel vm14, $0x0, v62;
	[tilespmem:v59+s13+$0x0] =	vst.idx.msk $0xffff, v38  }
0x32d: {  	v46 =	vadd.s32 $0xB, v28;
	vm15 =	veq.s32 v30, $0x1;
	v44 =	vnsel vm2, $0x0, v62;
	[tilespmem:v60+s13+$0x0] =	vst.idx.msk $0xffff, v42  }
0x32e: {  	vm9 =	veq.s32 v3, $0x2;
	v48 =	vadd.s32 $0xF, v28;
	v47 =	vnsel vm15, $0x0, v62;
	[tilespmem:v61+s13+$0x0] =	vst.idx.msk $0xffff, v44  }
0x32f: {  	vm6 =	veq.s32 v30, $0x2;
	v49 =	vnsel vm9, $0x0, v62;
	[tilespmem:v63+s13+$0x0] =	vst.idx.msk $0xffff, v47  }
0x330: {  	vm15 =	veq.s32 v3, $0x3;
	v50 =	vnsel vm6, $0x0, v62;
	[tilespmem:v39+s13+$0x0] =	vst.idx.msk $0xffff, v49  }
0x331: {  	vm1 =	veq.s32 v30, $0x3;
	v51 =	vnsel vm15, $0x0, v62;
	[tilespmem:v43+s13+$0x0] =	vst.idx.msk $0xffff, v50  }
0x332: {  	v30 =	vnsel vm1, $0x0, v62;
	[tilespmem:v46+s13+$0x0] =	vst.idx.msk $0xffff, v51  }
0x333: {  	[tilespmem:v48+s13+$0x0] =	vst.idx.msk $0xffff, v30  }
0x334: {  	v30 =	vld [tilespmem:s24+$0xFFFFFFE9];
	_ =	sdelay $0x4  }
0x335: {  	v53 =	vmul.u32 v4, v30  }
0x336: {  	v54 =	vadd.s32 v4, v30  }
0x337: {  	v55 =	vadd.s32 $0x10, v28;
	vm12 =	veq.s32 v54, $0x3;
	vm7 =	veq.s32 v53, $0x6  }
0x338: {  	v56 =	vadd.s32 $0x14, v28;
	vm13 =	vgt.s32 v36, v15;
	vm6 =	vmor vm12, vm7  }
0x339: {  	v45 =	vimm.s32 $0x0;
	v57 =	vadd.s32 $0x11, v28;
	vm6 =	vmand vm13, vm6  }
0x33a: {  	v59 =	vadd.s32 $0x15, v28;
	vm7 =	veq.s32 v4, $0x0;
	v58 =	vnsel vm6, $0x0, v35  }
0x33b: {  	v62 =	vadd.s32 $0x12, v28;
	vm14 =	veq.s32 v30, $0x0;
	v60 =	vnsel vm7, $0x0, v58  }
0x33c: {  	v40 =	vadd.s32 $0x16, v28;
	vm1 =	veq.s32 v4, $0x1;
	v63 =	vnsel vm14, $0x0, v58;
	[tilespmem:v55+s13+$0x0] =	vst.idx.msk $0xffff, v60  }
0x33d: {  	v42 =	vadd.s32 $0x13, v28;
	vm12 =	veq.s32 v30, $0x1;
	v41 =	vnsel vm1, $0x0, v58;
	[tilespmem:v56+s13+$0x0] =	vst.idx.msk $0xffff, v63  }
0x33e: {  	v44 =	vadd.s32 $0x17, v28;
	vm13 =	veq.s32 v4, $0x2;
	v43 =	vnsel vm12, $0x0, v58;
	[tilespmem:v57+s13+$0x0] =	vst.idx.msk $0xffff, v41  }
0x33f: {  	v32 =	vsel vm2, $0xFFFFFFFF, v45;
	v45 =	vnsel vm13, $0x0, v58;
	vm12 =	veq.s32 v30, $0x2;
	[tilespmem:v59+s13+$0x0] =	vst.idx.msk $0xffff, v43  }
0x340: {  	vm14 =	veq.s32 v4, $0x3;
	v47 =	vnsel vm12, $0x0, v58;
	[tilespmem:v62+s13+$0x0] =	vst.idx.msk $0xffff, v45  }
0x341: {  	vm8 =	veq.s32 v30, $0x3;
	v48 =	vnsel vm14, $0x0, v58;
	[tilespmem:v40+s13+$0x0] =	vst.idx.msk $0xffff, v47  }
0x342: {  	v30 =	vnsel vm8, $0x0, v58;
	[tilespmem:v42+s13+$0x0] =	vst.idx.msk $0xffff, v48  }
0x343: {  	[tilespmem:v44+s13+$0x0] =	vst.idx.msk $0xffff, v30  }
0x344: {  	v30 =	vld [tilespmem:s24+$0xFFFFFFE8];
	_ =	sdelay $0x2  }
0x345: {  	v52 =	vimm.s32 $0x0  }
0x346: {  	v37 =	vsel vm15, $0xFFFFFFFF, v52;
	v52 =	vadd.s32 $0x1C, v28;
	v61 =	vimm.s32 $0x0  }
0x347: {  	v46 =	vimm.s32 $0x0;
	v51 =	vadd.s32 $0x18, v28;
	v49 =	vmul.u32 v5, v30  }
0x348: {  	v54 =	vimm.s32 $0x0;
	v53 =	vadd.s32 $0x19, v28;
	v50 =	vadd.s32 v5, v30  }
0x349: {  	vm6 =	vmmov vm13;
	vm0 =	veq.s32 v50, $0x3;
	vm13 =	veq.s32 v49, $0x6  }
0x34a: {  	v39 =	vsel vm7, $0xFFFFFFFF, v61;
	vm8 =	vgt.s32 v36, v17;
	vm12 =	vmor vm0, vm13  }
0x34b: {  	[tilespmem:$0x1F9D0] =	vst v37;
	v37 =	vsel vm14, $0xFFFFFFFF, v46;
	vm14 =	veq.s32 v5, $0x0;
	vm12 =	vmand vm8, vm12  }
0x34c: {  	v58 =	vadd.s32 $0x1A, v28;
	v56 =	vadd.s32 $0x1D, v28;
	v55 =	vnsel vm12, $0x0, v35  }
0x34d: {  	v60 =	vadd.s32 $0x1E, v28;
	vm0 =	veq.s32 v30, $0x0;
	v57 =	vnsel vm14, $0x0, v55  }
0x34e: {  	v34 =	vsel vm14, $0xFFFFFFFF, v54;
	vm14 =	veq.s32 v5, $0x1;
	v59 =	vnsel vm0, $0x0, v55;
	[tilespmem:v51+s13+$0x0] =	vst.idx.msk $0xffff, v57  }
0x34f: {  	v63 =	vadd.s32 $0x1B, v28;
	vm8 =	veq.s32 v30, $0x1;
	v61 =	vnsel vm14, $0x0, v55;
	[tilespmem:v52+s13+$0x0] =	vst.idx.msk $0xffff, v59  }
0x350: {  	v45 =	vadd.s32 $0x1F, v28;
	vm13 =	veq.s32 v5, $0x2;
	v44 =	vnsel vm8, $0x0, v55;
	[tilespmem:v53+s13+$0x0] =	vst.idx.msk $0xffff, v61  }
0x351: {  	v46 =	vnsel vm13, $0x0, v55;
	vm8 =	veq.s32 v30, $0x2;
	[tilespmem:v56+s13+$0x0] =	vst.idx.msk $0xffff, v44  }
0x352: {  	v47 =	vnsel vm8, $0x0, v55;
	vm8 =	veq.s32 v5, $0x3;
	[tilespmem:v58+s13+$0x0] =	vst.idx.msk $0xffff, v46  }
0x353: {  	vm0 =	veq.s32 v30, $0x3;
	v48 =	vnsel vm8, $0x0, v55;
	[tilespmem:v60+s13+$0x0] =	vst.idx.msk $0xffff, v47  }
0x354: {  	v30 =	vnsel vm0, $0x0, v55;
	[tilespmem:v63+s13+$0x0] =	vst.idx.msk $0xffff, v48  }
0x355: {  	[tilespmem:v45+s13+$0x0] =	vst.idx.msk $0xffff, v30  }
0x356: {  	v30 =	vld [tilespmem:s24+$0xFFFFFFE7];
	_ =	sdelay $0x2  }
0x357: {  	v54 =	vadd.s32 $0x21, v28;
	v40 =	vimm.s32 $0x0  }
0x358: {  	[tilespmem:$0x1F9C0] =	vst v32;
	v62 =	vimm.s32 $0x0;
	v49 =	vimm.s32 $0x0;
	v40 =	vsel vm13, $0xFFFFFFFF, v40  }
0x359: {  	[tilespmem:$0x1F9E0] =	vst v39;
	vm13 =	veq.s32 v6, $0x0;
	v32 =	vsel vm14, $0xFFFFFFFF, v62;
	v50 =	vmul.u32 v6, v30  }
0x35a: {  	[tilespmem:$0x1F9B0] =	vst v37;
	v62 =	vimm.s32 $0x0;
	v37 =	vsel vm8, $0xFFFFFFFF, v49;
	v51 =	vadd.s32 v6, v30  }
0x35b: {  	[tilespmem:$0x1F9F0] =	vst v34;
	v52 =	vadd.s32 $0x20, v28;
	vm12 =	veq.s32 v51, $0x3;
	vm0 =	veq.s32 v50, $0x6  }
0x35c: {  	[tilespmem:$0x1FA10] =	vst v40;
	v53 =	vadd.s32 $0x24, v28;
	vm12 =	vmor vm12, vm0;
	vm0 =	vgt.u32 v36, v18  }
0x35d: {  	[tilespmem:$0x1FA00] =	vst v32;
	v59 =	vadd.s32 $0x22, v28;
	v58 =	vimm.s32 $0x0;
	vm12 =	vmand vm0, vm12  }
0x35e: {  	[tilespmem:$0x1FA20] =	vst v37;
	v56 =	vadd.s32 $0x25, v28;
	v39 =	vsel vm13, $0xFFFFFFFF, v58;
	v55 =	vnsel vm12, $0x0, v35  }
0x35f: {  	v61 =	vadd.s32 $0x26, v28;
	[tilespmem:$0x1FA30] =	vst v39;
	vm0 =	veq.s32 v30, $0x0;
	v57 =	vnsel vm13, $0x0, v55  }
0x360: {  	v44 =	vadd.s32 $0x23, v28;
	v60 =	vnsel vm0, $0x0, v55;
	vm13 =	veq.s32 v6, $0x1;
	[tilespmem:v52+s13+$0x0] =	vst.idx.msk $0xffff, v57  }
0x361: {  	v46 =	vadd.s32 $0x27, v28;
	vm0 =	veq.s32 v30, $0x1;
	[tilespmem:v53+s13+$0x0] =	vst.idx.msk $0xffff, v60;
	v63 =	vnsel vm13, $0x0, v55  }
0x362: {  	v38 =	vsel vm13, $0xFFFFFFFF, v62;
	v45 =	vnsel vm0, $0x0, v55;
	vm13 =	veq.s32 v6, $0x2;
	[tilespmem:v54+s13+$0x0] =	vst.idx.msk $0xffff, v63  }
0x363: {  	v47 =	vimm.s32 $0x0;
	vm0 =	veq.s32 v30, $0x2;
	v48 =	vnsel vm13, $0x0, v55;
	[tilespmem:v56+s13+$0x0] =	vst.idx.msk $0xffff, v45  }
0x364: {  	v32 =	vsel vm13, $0xFFFFFFFF, v47;
	v49 =	vnsel vm0, $0x0, v55;
	vm13 =	veq.s32 v6, $0x3;
	[tilespmem:v59+s13+$0x0] =	vst.idx.msk $0xffff, v48  }
0x365: {  	vm0 =	veq.s32 v30, $0x3;
	v51 =	vnsel vm13, $0x0, v55;
	[tilespmem:v61+s13+$0x0] =	vst.idx.msk $0xffff, v49  }
0x366: {  	v30 =	vnsel vm0, $0x0, v55;
	[tilespmem:v44+s13+$0x0] =	vst.idx.msk $0xffff, v51  }
0x367: {  	[tilespmem:v46+s13+$0x0] =	vst.idx.msk $0xffff, v30  }
0x368: {  	v30 =	vld [tilespmem:s24+$0xFFFFFFE6];
	_ =	sdelay $0x2  }
0x369: {  	v41 =	vadd.s32 $0x2D, v28  }
0x36a: {  	v43 =	vmul.u32 v2, v29;
	v29 =	vadd.s32 v2, v29;
	v42 =	vadd.s32 $0x2A, v28  }
0x36b: {  	v58 =	vadd.s32 $0x2C, v28;
	v50 =	vimm.s32 $0x0;
	v52 =	vmul.u32 v7, v30  }
0x36c: {  	v60 =	vimm.s32 $0x0;
	[tilespmem:$0x1FA50] =	vst v32;
	v32 =	vsel vm13, $0xFFFFFFFF, v50;
	v53 =	vadd.s32 v7, v30  }
0x36d: {  	v55 =	vadd.s32 $0x28, v28;
	vm12 =	veq.s32 v53, $0x3;
	vm0 =	veq.s32 v52, $0x6  }
0x36e: {  	vm13 =	veq.s32 v7, $0x1;
	vm12 =	vmor vm12, vm0;
	vm0 =	vgt.u32 v36, v19  }
0x36f: {  	v45 =	vadd.s32 $0x2B, v28;
	v59 =	vadd.s32 $0x29, v28;
	vm12 =	vmand vm0, vm12  }
0x370: {  	v44 =	vimm.s32 $0x0;
	vm0 =	veq.s32 v30, $0x1;
	v54 =	vnsel vm12, $0x0, v35  }
0x371: {  	[tilespmem:$0x1FA60] =	vst v32;
	v44 =	vsel vm13, $0xFFFFFFFF, v44;
	v57 =	vnsel vm0, $0x0, v54;
	vm0 =	veq.s32 v7, $0x0  }
0x372: {  	v46 =	vimm.s32 $0x0;
	[tilespmem:$0x1FA80] =	vst v44;
	vm12 =	veq.s32 v30, $0x0;
	v62 =	vnsel vm0, $0x0, v54  }
0x373: {  	v44 =	vadd.s32 $0x2E, v28;
	v56 =	vnsel vm12, $0x0, v54;
	vm12 =	veq.s32 v30, $0x2;
	[tilespmem:v55+s13+$0x0] =	vst.idx.msk $0xffff, v62  }
0x374: {  	v63 =	vnsel vm13, $0x0, v54;
	vm13 =	veq.s32 v7, $0x2;
	v39 =	vsel vm0, $0xFFFFFFFF, v60;
	[tilespmem:v58+s13+$0x0] =	vst.idx.msk $0xffff, v56  }
0x375: {  	v61 =	vnsel vm12, $0x0, v54;
	vm12 =	veq.s32 v29, $0x3;
	v29 =	vadd.s32 $0x2F, v28;
	[tilespmem:v59+s13+$0x0] =	vst.idx.msk $0xffff, v63  }
0x376: {  	vm0 =	veq.s32 v43, $0x6;
	v32 =	vsel vm13, $0xFFFFFFFF, v46;
	v47 =	vnsel vm13, $0x0, v54;
	[tilespmem:v41+s13+$0x0] =	vst.idx.msk $0xffff, v57  }
0x377: {  	vm13 =	veq.s32 v7, $0x3;
	vm12 =	vmor vm12, vm0;
	vm0 =	vgt.u32 v36, v21;
	[tilespmem:v42+s13+$0x0] =	vst.idx.msk $0xffff, v47  }
0x378: {  	v51 =	vnsel vm13, $0x0, v54;
	vm12 =	vmand vm0, vm12;
	vm0 =	veq.s32 v30, $0x3;
	[tilespmem:v44+s13+$0x0] =	vst.idx.msk $0xffff, v61  }
0x379: {  	v30 =	vnsel vm0, $0x0, v54;
	[tilespmem:v45+s13+$0x0] =	vst.idx.msk $0xffff, v51  }
0x37a: {  	[tilespmem:v29+s13+$0x0] =	vst.idx.msk $0xffff, v30;
	v29 =	vld [tilespmem:$0x1FC30];
	_ =	sdelay $0x1  }
0x37b: {  	v48 =	vadd.s32 $0x30, v28;
	_ =	sdelay $0x1  }
0x37c: {  	v50 =	vimm.s32 $0x0  }
0x37d: {  	v37 =	vsel vm13, $0xFFFFFFFF, v50;
	v53 =	vnsel vm12, $0x0, v35;
	vm13 =	vnez.u8 v29  }
0x37e: {  	v29 =	vnsel vm13, $0x0, v53  }
0x37f: {  	[tilespmem:v48+s13+$0x0] =	vst.idx.msk $0xffff, v29;
	v29 =	vld [tilespmem:$0x1FC40]  }
0x380: {  	v49 =	vadd.s32 $0x34, v28  }
0x381: {  	v52 =	vadd.s32 $0x31, v28;
	v61 =	vld [tilespmem:$0x1FC50]  }
0x382: {  	s29 =	sadd.s32 $0x10, s21;
	[tilespmem:$0x1FA70] =	vst v39;
	v54 =	vadd.s32 $0x35, v28  }
0x383: {  	v31 =	vor.u32 s29, v1;
	v43 =	vld [tilespmem:$0x1FC60];
	[tilespmem:$0x1FA90] =	vst v32;
	v55 =	vadd.s32 $0x32, v28  }
0x384: {  	[tilespmem:$0x1FAA0] =	vst v37;
	v56 =	vnsel vm11, $0x0, v53;
	v57 =	vadd.s32 $0x36, v28;
	vm11 =	vnez.u8 v29  }
0x385: {  	v60 =	vadd.s32 $0x37, v28;
	v58 =	vadd.s32 $0x33, v28;
	[tilespmem:v49+s13+$0x0] =	vst.idx.msk $0xffff, v56;
	v29 =	vnsel vm11, $0x0, v53  }
0x386: {  	v37 =	vld [tilespmem:s24+$0xFFFFFFF5];
	v59 =	vnsel vm10, $0x0, v53;
	vm12 =	vnez.u8 v61;
	[tilespmem:v52+s13+$0x0] =	vst.idx.msk $0xffff, v29;
	v29 =	vmul.u32 $0x61, v31  }
0x387: {  	v33 =	vnsel vm12, $0x0, v53;
	[tilespmem:v54+s13+$0x0] =	vst.idx.msk $0xffff, v59  }
0x388: {  	v62 =	vnsel vm5, $0x0, v53;
	vm13 =	vnez.u8 v43;
	[tilespmem:v55+s13+$0x0] =	vst.idx.msk $0xffff, v33;
	v63 =	vadd.s32 $0x4, v29  }
0x389: {  	v30 =	vnsel vm13, $0x0, v53;
	v44 =	vadd.s32 $0x1, v29;
	[tilespmem:v57+s13+$0x0] =	vst.idx.msk $0xffff, v62  }
0x38a: {  	s26 =	sand.u32 $0x50, s29;
	v39 =	vnsel vm4, $0x0, v53;
	v45 =	vadd.s32 $0x5, v29;
	[tilespmem:v58+s13+$0x0] =	vst.idx.msk $0xffff, v30  }
0x38b: {  	s26 =	sadd.s32 s26, s25;
	vm4 =	veq.s32 v37, $0x0;
	v46 =	vadd.s32 $0x2, v29;
	[tilespmem:v60+s13+$0x0] =	vst.idx.msk $0xffff, v39  }
0x38c: {  	v47 =	vsel vm4, $0x3F800000, v0;
	v48 =	vadd.s32 $0x6, v29;
	v30 =	vld [tilespmem:s26+$0x0];
	[tilespmem:v29+s13+$0x0] =	vst.idx.msk $0xffff, v8  }
0x38d: {  	vm5 =	veq.s32 v37, $0x1;
	v49 =	vadd.s32 $0x3, v29;
	[tilespmem:v63+s13+$0x0] =	vst.idx.msk $0xffff, v47  }
0x38e: {  	v50 =	vsel vm5, $0x3F800000, v0;
	v51 =	vadd.s32 $0x7, v29;
	[tilespmem:v44+s13+$0x0] =	vst.idx.msk $0xffff, v10  }
0x38f: {  	vm10 =	veq.s32 v37, $0x2;
	[tilespmem:v45+s13+$0x0] =	vst.idx.msk $0xffff, v50  }
0x390: {  	v52 =	vsel vm10, $0x3F800000, v0;
	[tilespmem:v46+s13+$0x0] =	vst.idx.msk $0xffff, v11  }
0x391: {  	vm11 =	veq.s32 v37, $0x3;
	v32 =	vld [tilespmem:s24+$0xFFFFFFE4];
	[tilespmem:v48+s13+$0x0] =	vst.idx.msk $0xffff, v52  }
0x392: {  	v53 =	vsel vm11, $0x3F800000, v0;
	[tilespmem:v49+s13+$0x0] =	vst.idx.msk $0xffff, v13  }
0x393: {  	[tilespmem:v51+s13+$0x0] =	vst.idx.msk $0xffff, v53  }
0x394: {  	v33 =	vld [tilespmem:s24+$0xFFFFFFFA]  }
0x395: {  	vm13 =	veq.s32 v9, $0x0;
	v59 =	vadd.s32 $0x3C, v28  }
0x396: {  	v61 =	vadd.s32 $0xC, v29;
	v62 =	vimm.s32 $0x0;
	v54 =	vmul.u32 v9, v32  }
0x397: {  	v57 =	vadd.s32 $0x38, v28;
	v42 =	vsel vm13, $0xFFFFFFFF, v62;
	v55 =	vadd.s32 v9, v32  }
0x398: {  	v62 =	vadd.s32 $0x3A, v28;
	vm12 =	veq.s32 v55, $0x3;
	vm0 =	veq.s32 v54, $0x6  }
0x399: {  	vm12 =	vmor vm12, vm0;
	vm0 =	vgt.u32 v36, v22;
	v56 =	vmul.u32 v3, v33  }
0x39a: {  	v60 =	vadd.s32 $0x8, v29;
	vm12 =	vmand vm0, vm12;
	v58 =	vadd.s32 v3, v33  }
0x39b: {  	[tilespmem:$0x1FA40] =	vst v38;
	v38 =	vnsel vm12, $0x0, v35;
	vm12 =	veq.s32 v58, $0x3;
	vm0 =	veq.s32 v56, $0x6  }
0x39c: {  	v48 =	vadd.s32 $0x9, v29;
	vm12 =	vmor vm12, vm0;
	vm0 =	vgt.s32 v31, v14  }
0x39d: {  	v63 =	vnsel vm13, $0x0, v38;
	vm12 =	vmand vm0, vm12;
	vm0 =	veq.s32 v32, $0x0  }
0x39e: {  	v50 =	vadd.s32 $0xD, v29;
	[tilespmem:v57+s13+$0x0] =	vst.idx.msk $0xffff, v63;
	v49 =	vnsel vm0, $0x0, v38;
	v45 =	vnsel vm12, $0x0, v30  }
0x39f: {  	v52 =	vadd.s32 $0xA, v29;
	vm0 =	veq.s32 v33, $0x0;
	[tilespmem:v59+s13+$0x0] =	vst.idx.msk $0xffff, v49;
	v51 =	vnsel vm3, $0x0, v45  }
0x3a0: {  	v46 =	vadd.s32 $0x3D, v28;
	v53 =	vnsel vm0, $0x0, v45;
	v59 =	vadd.s32 $0x39, v28;
	[tilespmem:v60+s13+$0x0] =	vst.idx.msk $0xffff, v51  }
0x3a1: {  	v54 =	vadd.s32 $0xE, v29;
	v55 =	vnsel vm2, $0x0, v45;
	vm2 =	veq.s32 v33, $0x1;
	[tilespmem:v61+s13+$0x0] =	vst.idx.msk $0xffff, v53  }
0x3a2: {  	v58 =	vadd.s32 $0xF, v29;
	v56 =	vadd.s32 $0xB, v29;
	v57 =	vnsel vm2, $0x0, v45;
	[tilespmem:v48+s13+$0x0] =	vst.idx.msk $0xffff, v55  }
0x3a3: {  	v63 =	vnsel vm15, $0x0, v45;
	vm15 =	veq.s32 v9, $0x1;
	v60 =	vnsel vm9, $0x0, v45;
	[tilespmem:v50+s13+$0x0] =	vst.idx.msk $0xffff, v57  }
0x3a4: {  	vm0 =	veq.s32 v33, $0x2;
	vm2 =	veq.s32 v33, $0x3;
	v49 =	vnsel vm15, $0x0, v38;
	[tilespmem:v52+s13+$0x0] =	vst.idx.msk $0xffff, v60  }
0x3a5: {  	v61 =	vnsel vm0, $0x0, v45;
	v33 =	vnsel vm2, $0x0, v45;
	vm2 =	veq.s32 v32, $0x1;
	[tilespmem:v59+s13+$0x0] =	vst.idx.msk $0xffff, v49  }
0x3a6: {  	v47 =	vadd.s32 $0x3E, v28;
	v51 =	vnsel vm2, $0x0, v38;
	[tilespmem:v54+s13+$0x0] =	vst.idx.msk $0xffff, v61  }
0x3a7: {  	v48 =	vimm.s32 $0x0;
	v50 =	vadd.s32 $0x3B, v28;
	[tilespmem:v46+s13+$0x0] =	vst.idx.msk $0xffff, v51  }
0x3a8: {  	v34 =	vsel vm15, $0xFFFFFFFF, v48;
	vm15 =	veq.s32 v9, $0x2;
	v52 =	vadd.s32 $0x3F, v28;
	[tilespmem:v56+s13+$0x0] =	vst.idx.msk $0xffff, v63  }
0x3a9: {  	v53 =	vimm.s32 $0x0;
	vm2 =	veq.s32 v32, $0x2;
	v54 =	vnsel vm15, $0x0, v38;
	[tilespmem:v58+s13+$0x0] =	vst.idx.msk $0xffff, v33  }
0x3aa: {  	v55 =	vnsel vm2, $0x0, v38;
	v43 =	vsel vm15, $0xFFFFFFFF, v53;
	vm15 =	veq.s32 v9, $0x3;
	[tilespmem:v62+s13+$0x0] =	vst.idx.msk $0xffff, v54;
	v40 =	vld [tilespmem:s24+$0xFFFFFFF9]  }
0x3ab: {  	vm0 =	veq.s32 v32, $0x3;
	v57 =	vnsel vm15, $0x0, v38;
	[tilespmem:v47+s13+$0x0] =	vst.idx.msk $0xffff, v55  }
0x3ac: {  	v32 =	vnsel vm0, $0x0, v38;
	v56 =	vimm.s32 $0x0;
	[tilespmem:v50+s13+$0x0] =	vst.idx.msk $0xffff, v57  }
0x3ad: {  	v33 =	vsel vm15, $0xFFFFFFFF, v56;
	[tilespmem:v52+s13+$0x0] =	vst.idx.msk $0xffff, v32  }
0x3ae: {  	v60 =	vadd.s32 $0x10, v29;
	[tilespmem:$0x1FB10] =	vst v33;
	v33 =	vld [tilespmem:s24+$0xFFFFFFE3]  }
0x3af: {  	v53 =	vadd.s32 $0x12, v29;
	v61 =	vadd.s32 $0x14, v29;
	v58 =	vmul.u32 v4, v40  }
0x3b0: {  	v63 =	vadd.s32 $0x11, v29;
	v55 =	vadd.s32 $0x16, v29;
	v59 =	vadd.s32 v4, v40  }
0x3b1: {  	v47 =	vadd.s32 $0x13, v29;
	vm2 =	veq.s32 v59, $0x3;
	vm0 =	veq.s32 v58, $0x6  }
0x3b2: {  	v50 =	vadd.s32 $0x15, v29;
	vm12 =	vmor vm2, vm0;
	vm2 =	vgt.s32 v31, v15  }
0x3b3: {  	v57 =	vadd.s32 $0x17, v29;
	v51 =	vmul.u32 v12, v33;
	vm12 =	vmand vm2, vm12  }
0x3b4: {  	v49 =	vadd.s32 v12, v33;
	vm0 =	veq.s32 v40, $0x0;
	v62 =	vnsel vm12, $0x0, v30  }
0x3b5: {  	vm2 =	veq.s32 v51, $0x6;
	v51 =	vadd.s32 $0x45, v28;
	v52 =	vnsel vm7, $0x0, v62  }
0x3b6: {  	v48 =	vnsel vm0, $0x0, v62;
	v54 =	vnsel vm1, $0x0, v62;
	vm7 =	vmmov vm1;
	[tilespmem:v60+s13+$0x0] =	vst.idx.msk $0xffff, v52  }
0x3b7: {  	vm1 =	veq.s32 v49, $0x3;
	vm0 =	veq.s32 v40, $0x1;
	v58 =	vnsel vm6, $0x0, v62;
	[tilespmem:v61+s13+$0x0] =	vst.idx.msk $0xffff, v48;
	v61 =	vld [tilespmem:$0x1F9B0]  }
0x3b8: {  	vm12 =	vmor vm1, vm2;
	v56 =	vnsel vm0, $0x0, v62;
	vm1 =	vgt.u32 v36, v23  }
0x3b9: {  	[tilespmem:$0x1FBD0] =	vst v43;
	vm2 =	veq.s32 v40, $0x2;
	v60 =	vadd.s32 $0x40, v28;
	vm0 =	veq.s32 v40, $0x3  }
0x3ba: {  	v52 =	vadd.s32 $0x42, v28;
	vm12 =	vmand vm1, vm12;
	v59 =	vnsel vm2, $0x0, v62;
	[tilespmem:v63+s13+$0x0] =	vst.idx.msk $0xffff, v54  }
0x3bb: {  	v38 =	vnsel vm0, $0x0, v62;
	vm0 =	veq.s32 v12, $0x0;
	v48 =	vimm.s32 $0x0;
	[tilespmem:v50+s13+$0x0] =	vst.idx.msk $0xffff, v56  }
0x3bc: {  	vm2 =	veq.s32 v33, $0x0;
	v40 =	vnsel vm12, $0x0, v35;
	[tilespmem:v53+s13+$0x0] =	vst.idx.msk $0xffff, v58;
	vm1 =	vnez.u8 v61  }
0x3bd: {  	v50 =	vnsel vm0, $0x0, v40;
	[tilespmem:v55+s13+$0x0] =	vst.idx.msk $0xffff, v59;
	v39 =	vnsel vm1, $0x0, v62;
	v62 =	vadd.s32 $0x44, v28  }
0x3be: {  	v63 =	vadd.s32 $0x41, v28;
	v32 =	vsel vm0, $0xFFFFFFFF, v48;
	v49 =	vnsel vm2, $0x0, v40;
	[tilespmem:v60+s13+$0x0] =	vst.idx.msk $0xffff, v50  }
0x3bf: {  	vm0 =	veq.s32 v12, $0x1;
	vm2 =	veq.s32 v33, $0x1;
	v53 =	vimm.s32 $0x0;
	[tilespmem:v47+s13+$0x0] =	vst.idx.msk $0xffff, v39  }
0x3c0: {  	v56 =	vadd.s32 $0x46, v28;
	v54 =	vnsel vm2, $0x0, v40;
	v45 =	vsel vm0, $0xFFFFFFFF, v53;
	[tilespmem:v57+s13+$0x0] =	vst.idx.msk $0xffff, v38  }
0x3c1: {  	v58 =	vimm.s32 $0x0;
	vm2 =	veq.s32 v33, $0x2;
	v55 =	vnsel vm0, $0x0, v40;
	[tilespmem:$0x1FB70] =	vst v45;
	v43 =	vld [tilespmem:s24+$0xFFFFFFF8]  }
0x3c2: {  	vm0 =	veq.s32 v12, $0x2;
	v59 =	vnsel vm2, $0x0, v40;
	v57 =	vadd.s32 $0x43, v28;
	[tilespmem:v62+s13+$0x0] =	vst.idx.msk $0xffff, v49  }
0x3c3: {  	vm2 =	veq.s32 v33, $0x3;
	v50 =	vadd.s32 $0x18, v29;
	v61 =	vadd.s32 $0x47, v28;
	[tilespmem:v63+s13+$0x0] =	vst.idx.msk $0xffff, v55  }
0x3c4: {  	v41 =	vsel vm0, $0xFFFFFFFF, v58;
	v60 =	vnsel vm0, $0x0, v40;
	vm0 =	veq.s32 v12, $0x3;
	[tilespmem:v51+s13+$0x0] =	vst.idx.msk $0xffff, v54  }
0x3c5: {  	v33 =	vnsel vm2, $0x0, v40;
	v58 =	vadd.s32 $0x1E, v29;
	v63 =	vimm.s32 $0x0;
	[tilespmem:v52+s13+$0x0] =	vst.idx.msk $0xffff, v60  }
0x3c6: {  	v48 =	vnsel vm0, $0x0, v40;
	v55 =	vld [tilespmem:$0x1F9F0];
	v45 =	vsel vm0, $0xFFFFFFFF, v63;
	v62 =	vmul.u32 v5, v43;
	[tilespmem:v56+s13+$0x0] =	vst.idx.msk $0xffff, v59  }
0x3c7: {  	v51 =	vadd.s32 $0x1C, v29;
	v54 =	vadd.s32 $0x1D, v29;
	v49 =	vadd.s32 v5, v43;
	[tilespmem:v57+s13+$0x0] =	vst.idx.msk $0xffff, v48  }
0x3c8: {  	v47 =	vld [tilespmem:$0x1FA10];
	v52 =	vadd.s32 $0x19, v29;
	vm2 =	veq.s32 v49, $0x3;
	vm0 =	veq.s32 v62, $0x6;
	[tilespmem:v61+s13+$0x0] =	vst.idx.msk $0xffff, v33  }
0x3c9: {  	v60 =	vadd.s32 $0x1B, v29;
	vm12 =	vmor vm2, vm0;
	vm2 =	vgt.s32 v31, v17;
	v39 =	vld [tilespmem:s24+$0xFFFFFFE2]  }
0x3ca: {  	v56 =	vadd.s32 $0x1A, v29;
	v62 =	vadd.s32 $0x1F, v29;
	vm12 =	vmand vm2, vm12  }
0x3cb: {  	[tilespmem:$0x1FB00] =	vst v34;
	vm15 =	vnez.u8 v55;
	vm0 =	veq.s32 v43, $0x0;
	v53 =	vnsel vm12, $0x0, v30  }
0x3cc: {  	[tilespmem:$0x1FB80] =	vst v41;
	v55 =	vadd.s32 $0x49, v28;
	vm2 =	veq.s32 v43, $0x1;
	v41 =	vnsel vm15, $0x0, v53  }
0x3cd: {  	[tilespmem:$0x1FB60] =	vst v32;
	v57 =	vnsel vm0, $0x0, v53;
	v59 =	vnsel vm14, $0x0, v53;
	v61 =	vnsel vm2, $0x0, v53  }
0x3ce: {  	vm15 =	vnez.u8 v47;
	vm2 =	veq.s32 v43, $0x2;
	[tilespmem:v50+s13+$0x0] =	vst.idx.msk $0xffff, v41;
	v63 =	vmul.u32 v16, v39  }
0x3cf: {  	v40 =	vnsel vm15, $0x0, v53;
	v48 =	vnsel vm2, $0x0, v53;
	[tilespmem:v51+s13+$0x0] =	vst.idx.msk $0xffff, v57;
	v49 =	vadd.s32 v16, v39  }
0x3d0: {  	v50 =	vnsel vm8, $0x0, v53;
	[tilespmem:v52+s13+$0x0] =	vst.idx.msk $0xffff, v59;
	vm8 =	veq.s32 v49, $0x3;
	vm0 =	veq.s32 v63, $0x6  }
0x3d1: {  	vm2 =	veq.s32 v43, $0x3;
	[tilespmem:v54+s13+$0x0] =	vst.idx.msk $0xffff, v61;
	vm12 =	vmor vm8, vm0;
	vm8 =	vgt.u32 v36, v25  }
0x3d2: {  	v51 =	vnsel vm2, $0x0, v53;
	v52 =	vadd.s32 $0x48, v28;
	[tilespmem:v56+s13+$0x0] =	vst.idx.msk $0xffff, v40;
	vm12 =	vmand vm8, vm12  }
0x3d3: {  	v54 =	vadd.s32 $0x4C, v28;
	[tilespmem:v58+s13+$0x0] =	vst.idx.msk $0xffff, v48;
	vm0 =	veq.s32 v39, $0x0;
	v32 =	vnsel vm12, $0x0, v35  }
0x3d4: {  	s30 =	sadd.s32 $0x20, s21;
	v56 =	vimm.s32 $0x0;
	[tilespmem:v60+s13+$0x0] =	vst.idx.msk $0xffff, v50;
	v53 =	vnsel vm0, $0x0, v32;
	vm0 =	veq.s32 v16, $0x0  }
0x3d5: {  	v33 =	vor.u32 s30, v1;
	v58 =	vadd.s32 $0x4D, v28;
	[tilespmem:v62+s13+$0x0] =	vst.idx.msk $0xffff, v51;
	v43 =	vsel vm0, $0xFFFFFFFF, v56  }
0x3d6: {  	vm15 =	veq.s32 v16, $0x1;
	v59 =	vadd.s32 $0x4A, v28;
	v57 =	vnsel vm0, $0x0, v32;
	[tilespmem:$0x1FBF0] =	vst v43  }
0x3d7: {  	vm2 =	veq.s32 v39, $0x1;
	v48 =	vimm.s32 $0x0;
	v62 =	vadd.s32 $0x4E, v28;
	v34 =	vld [tilespmem:s24+$0xFFFFFFF7];
	[tilespmem:v52+s13+$0x0] =	vst.idx.msk $0xffff, v57  }
0x3d8: {  	vm8 =	veq.s32 v39, $0x2;
	v48 =	vsel vm15, $0xFFFFFFFF, v48;
	v61 =	vnsel vm15, $0x0, v32;
	[tilespmem:v54+s13+$0x0] =	vst.idx.msk $0xffff, v53  }
0x3d9: {  	v51 =	vadd.s32 $0x4B, v28;
	v40 =	vnsel vm2, $0x0, v32;
	vm15 =	veq.s32 v16, $0x2;
	[tilespmem:v55+s13+$0x0] =	vst.idx.msk $0xffff, v61  }
0x3da: {  	v56 =	vadd.s32 $0x24, v29;
	v43 =	vnsel vm8, $0x0, v32;
	v54 =	vnsel vm15, $0x0, v32;
	[tilespmem:v58+s13+$0x0] =	vst.idx.msk $0xffff, v40  }
0x3db: {  	v52 =	vadd.s32 $0x4F, v28;
	v57 =	vimm.s32 $0x0;
	v53 =	vimm.s32 $0x0;
	[tilespmem:v59+s13+$0x0] =	vst.idx.msk $0xffff, v54  }
0x3dc: {  	v41 =	vsel vm15, $0xFFFFFFFF, v53;
	v55 =	vadd.s32 $0x20, v29;
	v60 =	vmul.u32 v6, v34;
	[tilespmem:v62+s13+$0x0] =	vst.idx.msk $0xffff, v43;
	v62 =	vld [tilespmem:$0x1FA30]  }
0x3dd: {  	[tilespmem:$0x1FAF0] =	vst v42;
	vm15 =	veq.s32 v16, $0x3;
	v61 =	vadd.s32 $0x25, v29;
	v63 =	vadd.s32 v6, v34  }
0x3de: {  	v49 =	vld [tilespmem:$0x1FA40];
	[tilespmem:$0x1FC00] =	vst v48;
	v42 =	vsel vm15, $0xFFFFFFFF, v57;
	vm2 =	veq.s32 v63, $0x3;
	vm8 =	veq.s32 v60, $0x6  }
0x3df: {  	[tilespmem:$0x1FC10] =	vst v41;
	v58 =	vnsel vm15, $0x0, v32;
	vm12 =	vmor vm2, vm8;
	vm8 =	vgt.u32 v31, v18  }
0x3e0: {  	[tilespmem:$0x1FC20] =	vst v42;
	v59 =	vadd.s32 $0x21, v29;
	v54 =	vld [tilespmem:$0x1FA50];
	vm12 =	vmand vm8, vm12;
	vm8 =	veq.s32 v39, $0x3  }
0x3e1: {  	[tilespmem:v51+s13+$0x0] =	vst.idx.msk $0xffff, v58;
	v32 =	vnsel vm8, $0x0, v32;
	v60 =	vnsel vm12, $0x0, v30;
	vm15 =	vnez.u8 v62  }
0x3e2: {  	v41 =	vld [tilespmem:s24+$0x5];
	v63 =	vadd.s32 $0x22, v29;
	vm8 =	veq.s32 v34, $0x0;
	[tilespmem:v52+s13+$0x0] =	vst.idx.msk $0xffff, v32;
	v32 =	vnsel vm15, $0x0, v60  }
0x3e3: {  	v50 =	vadd.s32 $0x26, v29;
	v57 =	vld [tilespmem:$0x1FA60];
	v48 =	vnsel vm8, $0x0, v60;
	vm15 =	vnez.u8 v49;
	[tilespmem:v55+s13+$0x0] =	vst.idx.msk $0xffff, v32  }
0x3e4: {  	v53 =	vadd.s32 $0x27, v29;
	vm8 =	veq.s32 v34, $0x1;
	v32 =	vnsel vm15, $0x0, v60;
	[tilespmem:v56+s13+$0x0] =	vst.idx.msk $0xffff, v48  }
0x3e5: {  	v51 =	vadd.s32 $0x23, v29;
	v52 =	vnsel vm8, $0x0, v60;
	vm15 =	vnez.u8 v54;
	[tilespmem:v59+s13+$0x0] =	vst.idx.msk $0xffff, v32  }
0x3e6: {  	vm8 =	veq.s32 v34, $0x2;
	v38 =	vnsel vm15, $0x0, v60;
	v32 =	vmul.u32 $0x61, v33;
	[tilespmem:v61+s13+$0x0] =	vst.idx.msk $0xffff, v52  }
0x3e7: {  	vm12 =	veq.s32 v41, $0x0;
	v55 =	vnsel vm8, $0x0, v60;
	v61 =	vimm.s32 $0x0;
	[tilespmem:v63+s13+$0x0] =	vst.idx.msk $0xffff, v38  }
0x3e8: {  	vm15 =	vnez.u8 v57;
	v56 =	vadd.s32 $0x4, v32;
	v43 =	vsel vm12, $0xFFFFFFFF, v61;
	[tilespmem:v50+s13+$0x0] =	vst.idx.msk $0xffff, v55  }
0x3e9: {  	vm8 =	veq.s32 v34, $0x3;
	v42 =	vnsel vm15, $0x0, v60;
	v58 =	vadd.s32 $0x1, v32;
	[tilespmem:$0x1FAB0] =	vst v43  }
0x3ea: {  	s26 =	sand.u32 $0x60, s30;
	v34 =	vnsel vm8, $0x0, v60;
	v59 =	vadd.s32 $0x5, v32;
	[tilespmem:v51+s13+$0x0] =	vst.idx.msk $0xffff, v42  }
0x3eb: {  	s26 =	sadd.s32 s26, s25;
	vm2 =	vgt.u32 v36, v26;
	v39 =	vld [tilespmem:s24+$0xFFFFFFE1];
	v60 =	vadd.s32 $0x2, v32;
	[tilespmem:v53+s13+$0x0] =	vst.idx.msk $0xffff, v34  }
0x3ec: {  	vm13 =	veq.s32 v41, $0x1;
	v62 =	vsel vm12, $0x3F800000, v0;
	v63 =	vadd.s32 $0x6, v32;
	v34 =	vld [tilespmem:s26+$0x0];
	[tilespmem:v32+s13+$0x0] =	vst.idx.msk $0xffff, v8  }
0x3ed: {  	vm14 =	veq.s32 v41, $0x2;
	v49 =	vimm.s32 $0x0;
	v48 =	vadd.s32 $0x3, v32;
	[tilespmem:v56+s13+$0x0] =	vst.idx.msk $0xffff, v62  }
0x3ee: {  	vm15 =	veq.s32 v41, $0x3;
	v50 =	vsel vm13, $0x3F800000, v0;
	v51 =	vadd.s32 $0x7, v32;
	[tilespmem:v58+s13+$0x0] =	vst.idx.msk $0xffff, v10  }
0x3ef: {  	v54 =	vsel vm14, $0x3F800000, v0;
	v52 =	vimm.s32 $0x0;
	v57 =	vsel vm15, $0x3F800000, v0;
	[tilespmem:v59+s13+$0x0] =	vst.idx.msk $0xffff, v50  }
0x3f0: {  	v40 =	vsel vm14, $0xFFFFFFFF, v52;
	v61 =	vadd.s32 $0x50, v28;
	v53 =	vmul.u32 v20, v39;
	v46 =	vld [tilespmem:s24+$0xFFFFFFF6];
	[tilespmem:v60+s13+$0x0] =	vst.idx.msk $0xffff, v11  }
0x3f1: {  	v52 =	vimm.s32 $0x0;
	v43 =	vsel vm13, $0xFFFFFFFF, v49;
	v55 =	vadd.s32 v20, v39;
	[tilespmem:v63+s13+$0x0] =	vst.idx.msk $0xffff, v54  }
0x3f2: {  	vm8 =	veq.s32 v55, $0x3;
	v56 =	vimm.s32 $0x0;
	vm0 =	veq.s32 v53, $0x6;
	[tilespmem:v48+s13+$0x0] =	vst.idx.msk $0xffff, v13  }
0x3f3: {  	v49 =	vadd.s32 $0x28, v29;
	v42 =	vsel vm15, $0xFFFFFFFF, v56;
	vm12 =	vmor vm8, vm0;
	[tilespmem:v51+s13+$0x0] =	vst.idx.msk $0xffff, v57  }
0x3f4: {  	v53 =	vadd.s32 $0x2D, v29;
	vm8 =	veq.s32 v39, $0x0;
	[tilespmem:$0x1FAE0] =	vst v42;
	vm12 =	vmand vm2, vm12;
	v42 =	vld [tilespmem:s24+$0xA]  }
0x3f5: {  	[tilespmem:$0x1FAD0] =	vst v40;
	v40 =	vnsel vm12, $0x0, v35;
	v58 =	vmul.u32 v7, v46;
	v59 =	vadd.s32 v7, v46  }
0x3f6: {  	[tilespmem:$0x1FB90] =	vst v45;
	v45 =	vnsel vm8, $0x0, v40;
	vm8 =	veq.s32 v39, $0x1;
	v63 =	vadd.s32 $0x2C, v29;
	v57 =	vld [tilespmem:$0x1FA70]  }
0x3f7: {  	vm0 =	veq.s32 v59, $0x3;
	v44 =	vnsel vm8, $0x0, v40;
	vm2 =	veq.s32 v58, $0x6  }
0x3f8: {  	v51 =	vadd.s32 $0x29, v29;
	vm12 =	vmor vm0, vm2;
	vm0 =	vgt.u32 v31, v19  }
0x3f9: {  	v59 =	vld [tilespmem:$0x1FA80];
	vm2 =	veq.s32 v39, $0x2;
	vm12 =	vmand vm0, vm12;
	v60 =	vmul.u32 v3, v42  }
0x3fa: {  	[tilespmem:$0x1FAC0] =	vst v43;
	v43 =	vnsel vm2, $0x0, v40;
	v38 =	vnsel vm12, $0x0, v30;
	v50 =	vadd.s32 v3, v42  }
0x3fb: {  	vm15 =	vnez.u8 v57;
	vm0 =	veq.s32 v50, $0x3;
	vm2 =	veq.s32 v60, $0x6  }
0x3fc: {  	v48 =	vnsel vm15, $0x0, v38;
	vm12 =	vmor vm0, vm2;
	vm0 =	veq.s32 v20, $0x0  }
0x3fd: {  	vm8 =	veq.s32 v46, $0x0;
	v58 =	vadd.s32 $0x8, v32;
	[tilespmem:v49+s13+$0x0] =	vst.idx.msk $0xffff, v48;
	v56 =	vnsel vm0, $0x0, v40  }
0x3fe: {  	v62 =	vnsel vm8, $0x0, v38;
	vm8 =	vgt.s32 v33, v14;
	vm15 =	vnez.u8 v59;
	[tilespmem:v61+s13+$0x0] =	vst.idx.msk $0xffff, v56;
	v56 =	vld [tilespmem:$0x1F9C0]  }
0x3ff: {  	v48 =	vadd.s32 $0xC, v32;
	v47 =	vnsel vm15, $0x0, v38;
	v49 =	vadd.s32 $0x9, v32;
	[tilespmem:v63+s13+$0x0] =	vst.idx.msk $0xffff, v62  }
0x400: {  	[tilespmem:v51+s13+$0x0] =	vst.idx.msk $0xffff, v47;
	v52 =	vsel vm0, $0xFFFFFFFF, v52;
	vm12 =	vmand vm8, vm12;
	vm8 =	veq.s32 v46, $0x1  }
0x401: {  	v62 =	vadd.s32 $0xD, v32;
	[tilespmem:$0x1FBA0] =	vst v52;
	v54 =	vnsel vm8, $0x0, v38;
	v55 =	vnsel vm12, $0x0, v34  }
0x402: {  	vm2 =	veq.s32 v42, $0x0;
	[tilespmem:v53+s13+$0x0] =	vst.idx.msk $0xffff, v54;
	v63 =	vnsel vm3, $0x0, v55;
	v54 =	vadd.s32 $0xA, v32  }
0x403: {  	v60 =	vnsel vm2, $0x0, v55;
	vm2 =	vmmov vm3;
	[tilespmem:v58+s13+$0x0] =	vst.idx.msk $0xffff, v63;
	vm3 =	vnez.u8 v56  }
0x404: {  	vm0 =	veq.s32 v42, $0x1;
	[tilespmem:v48+s13+$0x0] =	vst.idx.msk $0xffff, v60;
	v52 =	vnsel vm3, $0x0, v55  }
0x405: {  	v57 =	vnsel vm0, $0x0, v55;
	[tilespmem:v49+s13+$0x0] =	vst.idx.msk $0xffff, v52  }
0x406: {  	v60 =	vnsel vm9, $0x0, v55;
	[tilespmem:v62+s13+$0x0] =	vst.idx.msk $0xffff, v57  }
0x407: {  	[tilespmem:v54+s13+$0x0] =	vst.idx.msk $0xffff, v60;
	v54 =	vld [tilespmem:$0x1F9D0]  }
0x408: {  	v61 =	vadd.s32 v2, v37;
	v37 =	vmul.u32 v2, v37;
	v53 =	vadd.s32 $0xE, v32  }
0x409: {  	v56 =	vadd.s32 $0xB, v32  }
0x40a: {  	vm12 =	veq.s32 v61, $0x3;
	vm8 =	veq.s32 v37, $0x6  }
0x40b: {  	vm12 =	vmor vm12, vm8;
	vm8 =	veq.s32 v42, $0x2  }
0x40c: {  	v61 =	vnsel vm8, $0x0, v55;
	vm8 =	vnez.u8 v54  }
0x40d: {  	[tilespmem:v53+s13+$0x0] =	vst.idx.msk $0xffff, v61;
	v37 =	vnsel vm8, $0x0, v55  }
0x40e: {  	[tilespmem:v56+s13+$0x0] =	vst.idx.msk $0xffff, v37;
	v56 =	vld [tilespmem:$0x1FA90];
	_ =	sdelay $0x1  }
0x40f: {  	v59 =	vadd.s32 $0x2A, v29;
	_ =	sdelay $0x2  }
0x410: {  	vm15 =	vnez.u8 v56  }
0x411: {  	v62 =	vadd.s32 $0x2E, v29;
	v37 =	vnsel vm15, $0x0, v38  }
0x412: {  	v58 =	vadd.s32 $0xF, v32;
	[tilespmem:v59+s13+$0x0] =	vst.idx.msk $0xffff, v37;
	v59 =	vld [tilespmem:$0x1FAA0]  }
0x413: {  	vm0 =	veq.s32 v42, $0x3  }
0x414: {  	v63 =	vadd.s32 $0x2B, v29;
	v42 =	vnsel vm0, $0x0, v55;
	vm0 =	veq.s32 v46, $0x2;
	v56 =	vld [tilespmem:$0x1FC30]  }
0x415: {  	vm13 =	vgt.u32 v31, v21;
	v49 =	vadd.s32 $0x2F, v29;
	v57 =	vnsel vm0, $0x0, v38  }
0x416: {  	vm12 =	vmand vm13, vm12;
	v52 =	vadd.s32 $0x30, v29;
	[tilespmem:v62+s13+$0x0] =	vst.idx.msk $0xffff, v57;
	v57 =	vld [tilespmem:$0x1FC40]  }
0x417: {  	v47 =	vnsel vm12, $0x0, v30;
	[tilespmem:v58+s13+$0x0] =	vst.idx.msk $0xffff, v42;
	v58 =	vadd.s32 $0x34, v29;
	vm15 =	vnez.u8 v59  }
0x418: {  	vm0 =	veq.s32 v46, $0x3;
	v60 =	vadd.s32 $0x31, v29;
	v42 =	vnsel vm15, $0x0, v38  }
0x419: {  	v62 =	vadd.s32 $0x35, v29;
	vm13 =	vnez.u8 v56;
	v38 =	vnsel vm0, $0x0, v38;
	[tilespmem:v63+s13+$0x0] =	vst.idx.msk $0xffff, v42  }
0x41a: {  	[tilespmem:v49+s13+$0x0] =	vst.idx.msk $0xffff, v38;
	v38 =	vnsel vm13, $0x0, v47  }
0x41b: {  	v61 =	vnsel vm4, $0x0, v47;
	vm14 =	vnez.u8 v57;
	[tilespmem:v52+s13+$0x0] =	vst.idx.msk $0xffff, v38  }
0x41c: {  	v37 =	vnsel vm14, $0x0, v47;
	[tilespmem:v58+s13+$0x0] =	vst.idx.msk $0xffff, v61  }
0x41d: {  	v63 =	vnsel vm5, $0x0, v47;
	[tilespmem:v60+s13+$0x0] =	vst.idx.msk $0xffff, v37  }
0x41e: {  	[tilespmem:v62+s13+$0x0] =	vst.idx.msk $0xffff, v63;
	v62 =	vld [tilespmem:$0x1FC50];
	_ =	sdelay $0x1  }
0x41f: {  	v49 =	vadd.s32 $0x32, v29  }
0x420: {  	v38 =	vadd.s32 $0x36, v29;
	_ =	sdelay $0x1  }
0x421: {  	v48 =	vld [tilespmem:s24+$0x9];
	vm15 =	vnez.u8 v62  }
0x422: {  	v42 =	vnsel vm15, $0x0, v47  }
0x423: {  	v53 =	vnsel vm10, $0x0, v47;
	[tilespmem:v49+s13+$0x0] =	vst.idx.msk $0xffff, v42  }
0x424: {  	v55 =	vadd.s32 $0x54, v28;
	[tilespmem:v38+s13+$0x0] =	vst.idx.msk $0xffff, v53;
	v53 =	vld [tilespmem:$0x1FC60]  }
0x425: {  	v54 =	vnsel vm11, $0x0, v47;
	vm11 =	vgt.s32 v33, v15;
	v63 =	vadd.s32 $0x51, v28  }
0x426: {  	v56 =	vadd.s32 $0x10, v32;
	v59 =	vmul.u32 v4, v48;
	v58 =	vadd.s32 $0x33, v29;
	v62 =	vld [tilespmem:$0x1F9E0]  }
0x427: {  	v57 =	vadd.s32 $0x14, v32;
	v61 =	vadd.s32 v4, v48;
	v60 =	vadd.s32 $0x37, v29  }
0x428: {  	vm10 =	veq.s32 v59, $0x6;
	vm14 =	veq.s32 v20, $0x1;
	vm0 =	veq.s32 v61, $0x3  }
0x429: {  	[tilespmem:v55+s13+$0x0] =	vst.idx.msk $0xffff, v45;
	v61 =	vnsel vm14, $0x0, v40;
	vm4 =	vmor vm0, vm10;
	vm12 =	vnez.u8 v53  }
0x42a: {  	vm4 =	vmand vm11, vm4;
	[tilespmem:v63+s13+$0x0] =	vst.idx.msk $0xffff, v61;
	v38 =	vnsel vm12, $0x0, v47  }
0x42b: {  	v59 =	vadd.s32 $0x11, v32;
	v47 =	vnsel vm4, $0x0, v34;
	vm12 =	vnez.u8 v62;
	[tilespmem:v58+s13+$0x0] =	vst.idx.msk $0xffff, v38  }
0x42c: {  	vm13 =	veq.s32 v48, $0x0;
	v52 =	vadd.s32 $0x15, v32;
	v51 =	vnsel vm12, $0x0, v47;
	[tilespmem:v60+s13+$0x0] =	vst.idx.msk $0xffff, v54  }
0x42d: {  	v45 =	vadd.s32 $0x12, v32;
	v58 =	vnsel vm13, $0x0, v47;
	v60 =	vimm.s32 $0x0;
	[tilespmem:v56+s13+$0x0] =	vst.idx.msk $0xffff, v51  }
0x42e: {  	vm0 =	veq.s32 v48, $0x2;
	vm10 =	veq.s32 v20, $0x2;
	v49 =	vsel vm14, $0xFFFFFFFF, v60;
	[tilespmem:v57+s13+$0x0] =	vst.idx.msk $0xffff, v58  }
0x42f: {  	s31 =	sadd.s32 $0x30, s21;
	vm15 =	veq.s32 v48, $0x1;
	v42 =	vadd.s32 $0x16, v32;
	v60 =	vnsel vm7, $0x0, v47;
	[tilespmem:$0x1FBB0] =	vst v49  }
0x430: {  	v63 =	vnsel vm15, $0x0, v47;
	v38 =	vor.u32 s31, v1;
	v51 =	vadd.s32 $0x55, v28;
	[tilespmem:v59+s13+$0x0] =	vst.idx.msk $0xffff, v60  }
0x431: {  	v54 =	vadd.s32 $0x52, v28;
	v59 =	vimm.s32 $0x0;
	[tilespmem:v52+s13+$0x0] =	vst.idx.msk $0xffff, v63;
	v63 =	vnsel vm6, $0x0, v47  }
0x432: {  	v61 =	vadd.s32 $0x13, v32;
	v37 =	vmul.u32 $0x61, v38;
	v46 =	vsel vm10, $0xFFFFFFFF, v59;
	[tilespmem:v45+s13+$0x0] =	vst.idx.msk $0xffff, v63  }
0x433: {  	v53 =	vnsel vm0, $0x0, v47;
	v49 =	vld [tilespmem:s24+$0xFFFFFFF4];
	[tilespmem:$0x1FBC0] =	vst v46  }
0x434: {  	v55 =	vadd.s32 $0x56, v28;
	v62 =	vadd.s32 $0x17, v32;
	[tilespmem:v42+s13+$0x0] =	vst.idx.msk $0xffff, v53  }
0x435: {  	vm5 =	veq.s32 v20, $0x3;
	vm11 =	veq.s32 v39, $0x3;
	v60 =	vnsel vm10, $0x0, v40;
	v42 =	vld [tilespmem:s24+$0x15];
	[tilespmem:v51+s13+$0x0] =	vst.idx.msk $0xffff, v44  }
0x436: {  	s26 =	sand.u32 $0x70, s31;
	vm13 =	vmmov vm7;
	v58 =	vnsel vm1, $0x0, v47;
	[tilespmem:v54+s13+$0x0] =	vst.idx.msk $0xffff, v60;
	v54 =	vadd.s32 $0x53, v28  }
0x437: {  	s25 =	sadd.s32 s26, s25;
	vm0 =	veq.s32 v48, $0x3;
	v48 =	vnsel vm11, $0x0, v40;
	v56 =	vadd.s32 $0x57, v28;
	[tilespmem:v61+s13+$0x0] =	vst.idx.msk $0xffff, v58  }
0x438: {  	v39 =	vld [tilespmem:s25+$0x0];
	v47 =	vnsel vm0, $0x0, v47;
	v45 =	vadd.s32 $0x4, v37;
	[tilespmem:v37+s13+$0x0] =	vst.idx.msk $0xffff, v8;
	v57 =	vmul.u32 v9, v49  }
0x439: {  	vm14 =	vmmov vm1;
	v40 =	vnsel vm5, $0x0, v40;
	v59 =	vimm.s32 $0x0;
	[tilespmem:v62+s13+$0x0] =	vst.idx.msk $0xffff, v47  }
0x43a: {  	[tilespmem:v55+s13+$0x0] =	vst.idx.msk $0xffff, v43;
	vm15 =	veq.s32 v57, $0x6;
	v57 =	vimm.s32 $0x0;
	vm10 =	veq.s32 v42, $0x0  }
0x43b: {  	v61 =	vadd.s32 $0x1, v37;
	v52 =	vadd.s32 v9, v49;
	v51 =	vsel vm10, $0xFFFFFFFF, v57;
	[tilespmem:v54+s13+$0x0] =	vst.idx.msk $0xffff, v40  }
0x43c: {  	v62 =	vadd.s32 $0x5, v37;
	vm11 =	veq.s32 v42, $0x1;
	v58 =	vsel vm10, $0x3F800000, v0;
	[tilespmem:$0x1FB20] =	vst v51  }
0x43d: {  	v63 =	vadd.s32 $0x2, v37;
	vm1 =	veq.s32 v52, $0x3;
	v52 =	vsel vm11, $0xFFFFFFFF, v59;
	[tilespmem:v45+s13+$0x0] =	vst.idx.msk $0xffff, v58  }
0x43e: {  	v53 =	vadd.s32 $0x6, v37;
	vm4 =	vmor vm1, vm15;
	vm1 =	vgt.u32 v31, v22;
	[tilespmem:$0x1FB30] =	vst v52  }
0x43f: {  	v55 =	vadd.s32 $0x7, v37;
	v44 =	vld [tilespmem:s24+$0x8];
	vm4 =	vmand vm1, vm4;
	v60 =	vsel vm11, $0x3F800000, v0;
	[tilespmem:v56+s13+$0x0] =	vst.idx.msk $0xffff, v48  }
0x440: {  	v50 =	vnsel vm4, $0x0, v30;
	vm4 =	veq.s32 v42, $0x3;
	v58 =	vimm.s32 $0x0;
	[tilespmem:v61+s13+$0x0] =	vst.idx.msk $0xffff, v10  }
0x441: {  	vm15 =	veq.s32 v49, $0x0;
	v45 =	vadd.s32 $0x3, v37;
	v43 =	vsel vm4, $0xFFFFFFFF, v58;
	[tilespmem:v62+s13+$0x0] =	vst.idx.msk $0xffff, v60  }
0x442: {  	v51 =	vnsel vm15, $0x0, v50;
	vm15 =	veq.s32 v42, $0x2;
	v62 =	vimm.s32 $0x0;
	[tilespmem:$0x1FB50] =	vst v43  }
0x443: {  	vm7 =	vmmov vm6;
	v48 =	vadd.s32 $0x3A, v29;
	v46 =	vsel vm15, $0xFFFFFFFF, v62;
	[tilespmem:v63+s13+$0x0] =	vst.idx.msk $0xffff, v11  }
0x444: {  	v56 =	vadd.s32 $0x1C, v32;
	v52 =	vmul.u32 v5, v44;
	v63 =	vsel vm15, $0x3F800000, v0;
	v62 =	vld [tilespmem:$0x1FAF0];
	[tilespmem:$0x1FB40] =	vst v46  }
0x445: {  	v61 =	vadd.s32 v5, v44;
	v59 =	vsel vm4, $0x3F800000, v0;
	vm4 =	veq.s32 v49, $0x2;
	[tilespmem:v53+s13+$0x0] =	vst.idx.msk $0xffff, v63  }
0x446: {  	v58 =	vadd.s32 $0x3E, v29;
	vm1 =	veq.s32 v61, $0x3;
	v43 =	vadd.s32 $0x3C, v29;
	[tilespmem:v45+s13+$0x0] =	vst.idx.msk $0xffff, v13  }
0x447: {  	v60 =	vimm.s32 $0x0;
	v61 =	vadd.s32 $0x39, v29;
	v46 =	vadd.s32 $0x38, v29;
	[tilespmem:v55+s13+$0x0] =	vst.idx.msk $0xffff, v59;
	v59 =	vld [tilespmem:$0x1FB00]  }
0x448: {  	v54 =	vnsel vm4, $0x0, v50;
	vm6 =	veq.s32 v52, $0x6;
	v47 =	vsel vm5, $0xFFFFFFFF, v60;
	v55 =	vld [tilespmem:$0x1FB10]  }
0x449: {  	v60 =	vadd.s32 $0x3B, v29;
	vm11 =	vmor vm1, vm6;
	vm10 =	vnez.u8 v62;
	v62 =	vld [tilespmem:$0x1FBD0]  }
0x44a: {  	[tilespmem:$0x1FBE0] =	vst v47;
	vm6 =	vgt.s32 v33, v17;
	v63 =	vadd.s32 $0x3D, v29;
	v47 =	vadd.s32 $0x18, v32;
	v52 =	vld [tilespmem:s24+$0x1A]  }
0x44b: {  	vm1 =	vmand vm6, vm11;
	vm11 =	veq.s32 v49, $0x1;
	v40 =	vnsel vm10, $0x0, v50  }
0x44c: {  	vm6 =	veq.s32 v49, $0x3;
	v57 =	vnsel vm11, $0x0, v50;
	[tilespmem:v46+s13+$0x0] =	vst.idx.msk $0xffff, v40;
	vm5 =	vnez.u8 v59  }
0x44d: {  	v49 =	vnsel vm6, $0x0, v50;
	[tilespmem:v43+s13+$0x0] =	vst.idx.msk $0xffff, v51;
	v51 =	vnsel vm1, $0x0, v34;
	v59 =	vld [tilespmem:$0x1F9F0];
	v43 =	vnsel vm5, $0x0, v50  }
0x44e: {  	vm11 =	vnez.u8 v55;
	[tilespmem:v61+s13+$0x0] =	vst.idx.msk $0xffff, v43;
	v61 =	vadd.s32 $0x3F, v29;
	vm10 =	vnez.u8 v62  }
0x44f: {  	v53 =	vld [tilespmem:$0x1FA00];
	vm5 =	veq.s32 v44, $0x0;
	[tilespmem:v63+s13+$0x0] =	vst.idx.msk $0xffff, v57;
	v45 =	vnsel vm10, $0x0, v50;
	v63 =	vmul.u32 v3, v52  }
0x450: {  	v62 =	vnsel vm5, $0x0, v51;
	v57 =	vadd.s32 v3, v52;
	vm10 =	vgt.s32 v38, v14;
	[tilespmem:v48+s13+$0x0] =	vst.idx.msk $0xffff, v45  }
0x451: {  	v45 =	vnsel vm11, $0x0, v50;
	vm15 =	veq.s32 v57, $0x3;
	[tilespmem:v58+s13+$0x0] =	vst.idx.msk $0xffff, v54;
	v58 =	vadd.s32 $0x19, v32  }
0x452: {  	vm4 =	veq.s32 v63, $0x6;
	vm6 =	vnez.u8 v59;
	[tilespmem:v60+s13+$0x0] =	vst.idx.msk $0xffff, v45;
	v60 =	vadd.s32 $0x1D, v32  }
0x453: {  	vm0 =	vmor vm15, vm4;
	v45 =	vnsel vm6, $0x0, v51;
	[tilespmem:v61+s13+$0x0] =	vst.idx.msk $0xffff, v49;
	v61 =	vadd.s32 $0x8, v37  }
0x454: {  	v63 =	vadd.s32 $0xC, v37;
	vm0 =	vmand vm10, vm0;
	[tilespmem:v47+s13+$0x0] =	vst.idx.msk $0xffff, v45;
	vm10 =	vnez.u8 v53  }
0x455: {  	vm11 =	veq.s32 v44, $0x1;
	v54 =	vadd.s32 $0x9, v37;
	[tilespmem:v56+s13+$0x0] =	vst.idx.msk $0xffff, v62;
	v47 =	vnsel vm10, $0x0, v51  }
0x456: {  	v55 =	vnsel vm11, $0x0, v51;
	v50 =	vnsel vm0, $0x0, v39;
	v56 =	vadd.s32 $0xD, v37;
	[tilespmem:v58+s13+$0x0] =	vst.idx.msk $0xffff, v47  }
0x457: {  	vm15 =	veq.s32 v52, $0x0;
	v57 =	vnsel vm2, $0x0, v50;
	[tilespmem:v60+s13+$0x0] =	vst.idx.msk $0xffff, v55  }
0x458: {  	v59 =	vnsel vm15, $0x0, v50;
	[tilespmem:v61+s13+$0x0] =	vst.idx.msk $0xffff, v57  }
0x459: {  	vm4 =	veq.s32 v52, $0x1;
	v58 =	vadd.s32 $0xA, v37;
	v61 =	vnsel vm3, $0x0, v50;
	[tilespmem:v63+s13+$0x0] =	vst.idx.msk $0xffff, v59  }
0x45a: {  	v62 =	vnsel vm4, $0x0, v50;
	v60 =	vadd.s32 $0xE, v37;
	[tilespmem:v54+s13+$0x0] =	vst.idx.msk $0xffff, v61  }
0x45b: {  	v45 =	vadd.s32 $0xB, v37;
	[tilespmem:v56+s13+$0x0] =	vst.idx.msk $0xffff, v62;
	v62 =	vld [tilespmem:$0x1FA10]  }
0x45c: {  	v47 =	vadd.s32 $0xF, v37  }
0x45d: {  	vm5 =	veq.s32 v52, $0x2;
	v53 =	vadd.s32 $0x1A, v32;
	v49 =	vld [tilespmem:$0x1FA20];
	v63 =	vnsel vm9, $0x0, v50  }
0x45e: {  	v57 =	vadd.s32 $0x1E, v32;
	v56 =	vnsel vm5, $0x0, v50;
	[tilespmem:v58+s13+$0x0] =	vst.idx.msk $0xffff, v63  }
0x45f: {  	v40 =	vld [tilespmem:s24+$0xFFFFFFE0];
	v59 =	vadd.s32 $0x1B, v32;
	v58 =	vnsel vm8, $0x0, v50;
	vm8 =	veq.s32 v52, $0x3;
	[tilespmem:v60+s13+$0x0] =	vst.idx.msk $0xffff, v56  }
0x460: {  	v61 =	vadd.s32 $0x1F, v32;
	v60 =	vnsel vm8, $0x0, v50;
	[tilespmem:v45+s13+$0x0] =	vst.idx.msk $0xffff, v58;
	vm5 =	vnez.u8 v62  }
0x461: {  	vm9 =	veq.s32 v44, $0x2;
	v45 =	vld [tilespmem:s24+$0xFFFFFFF3];
	[tilespmem:v47+s13+$0x0] =	vst.idx.msk $0xffff, v60;
	v46 =	vnsel vm5, $0x0, v51  }
0x462: {  	vm4 =	vnez.u8 v49;
	v63 =	vnsel vm9, $0x0, v51;
	[tilespmem:v53+s13+$0x0] =	vst.idx.msk $0xffff, v46  }
0x463: {  	vm11 =	veq.s32 v44, $0x3;
	v43 =	vnsel vm4, $0x0, v51;
	v46 =	vld [tilespmem:s24+$0x19];
	[tilespmem:v57+s13+$0x0] =	vst.idx.msk $0xffff, v63  }
0x464: {  	vm2 =	vgt.u32 v31, v23;
	v44 =	vnsel vm11, $0x0, v51;
	v52 =	vadd.s32 v24, v40;
	[tilespmem:v59+s13+$0x0] =	vst.idx.msk $0xffff, v43  }
0x465: {  	vm15 =	veq.s32 v52, $0x3;
	v50 =	vadd.s32 $0x15, v37;
	v53 =	vmul.u32 v24, v40;
	[tilespmem:v61+s13+$0x0] =	vst.idx.msk $0xffff, v44  }
0x466: {  	v60 =	vadd.s32 $0x10, v37;
	v54 =	vmul.u32 v12, v45;
	v55 =	vadd.s32 v12, v45;
	v48 =	vld [tilespmem:s24+$0x7]  }
0x467: {  	v62 =	vadd.s32 $0x11, v37;
	vm8 =	veq.s32 v53, $0x6;
	vm9 =	veq.s32 v55, $0x3  }
0x468: {  	v53 =	vadd.s32 $0x12, v37;
	vm11 =	veq.s32 v54, $0x6;
	v56 =	vmul.u32 v4, v46  }
0x469: {  	vm0 =	vmor vm15, vm8;
	v61 =	vadd.s32 $0x14, v37;
	v57 =	vadd.s32 v4, v46  }
0x46a: {  	vm1 =	vmor vm9, vm11;
	vm3 =	veq.s32 v57, $0x3;
	vm15 =	veq.s32 v56, $0x6  }
0x46b: {  	vm3 =	vmor vm3, vm15;
	vm15 =	vgt.s32 v38, v15;
	v58 =	vmul.u32 v6, v48  }
0x46c: {  	vm2 =	vmand vm2, vm1;
	v59 =	vadd.s32 v6, v48;
	vm3 =	vmand vm15, vm3  }
0x46d: {  	vm1 =	veq.s32 v59, $0x3;
	v44 =	vnsel vm3, $0x0, v39;
	vm8 =	veq.s32 v58, $0x6  }
0x46e: {  	v63 =	vnsel vm12, $0x0, v44;
	vm1 =	vmor vm1, vm8;
	vm8 =	veq.s32 v46, $0x0  }
0x46f: {  	v47 =	vadd.s32 $0x16, v37;
	[tilespmem:v60+s13+$0x0] =	vst.idx.msk $0xffff, v63;
	v57 =	vnsel vm8, $0x0, v44  }
0x470: {  	vm9 =	veq.s32 v46, $0x1;
	v58 =	vnsel vm13, $0x0, v44;
	[tilespmem:v61+s13+$0x0] =	vst.idx.msk $0xffff, v57  }
0x471: {  	v59 =	vnsel vm9, $0x0, v44;
	[tilespmem:v62+s13+$0x0] =	vst.idx.msk $0xffff, v58  }
0x472: {  	vm11 =	veq.s32 v46, $0x2;
	v60 =	vnsel vm7, $0x0, v44;
	[tilespmem:v50+s13+$0x0] =	vst.idx.msk $0xffff, v59  }
0x473: {  	v61 =	vnsel vm11, $0x0, v44;
	[tilespmem:v53+s13+$0x0] =	vst.idx.msk $0xffff, v60  }
0x474: {  	[tilespmem:v47+s13+$0x0] =	vst.idx.msk $0xffff, v61;
	v61 =	vld [tilespmem:$0x1FB60];
	_ =	sdelay $0x1  }
0x475: {  	v57 =	vadd.s32 $0x40, v29;
	_ =	sdelay $0x2  }
0x476: {  	vm12 =	veq.s32 v46, $0x3;
	v46 =	vnsel vm2, $0x0, v30;
	vm15 =	vnez.u8 v61  }
0x477: {  	v54 =	vnsel vm15, $0x0, v46  }
0x478: {  	[tilespmem:v57+s13+$0x0] =	vst.idx.msk $0xffff, v54;
	v57 =	vld [tilespmem:$0x1FB70]  }
0x479: {  	v58 =	vadd.s32 $0x44, v29  }
0x47a: {  	v59 =	vadd.s32 $0x41, v29  }
0x47b: {  	v49 =	vadd.s32 $0x13, v37  }
0x47c: {  	vm13 =	veq.s32 v45, $0x0  }
0x47d: {  	v62 =	vadd.s32 $0x17, v37;
	v60 =	vnsel vm13, $0x0, v46;
	vm9 =	vnez.u8 v57  }
0x47e: {  	[tilespmem:v58+s13+$0x0] =	vst.idx.msk $0xffff, v60;
	v47 =	vnsel vm9, $0x0, v46  }
0x47f: {  	v63 =	vnsel vm14, $0x0, v44;
	[tilespmem:v59+s13+$0x0] =	vst.idx.msk $0xffff, v47;
	v59 =	vld [tilespmem:$0x1FB80]  }
0x480: {  	[tilespmem:v49+s13+$0x0] =	vst.idx.msk $0xffff, v63;
	v49 =	vadd.s32 $0x45, v29  }
0x481: {  	v43 =	vadd.s32 $0x42, v29;
	v44 =	vnsel vm12, $0x0, v44  }
0x482: {  	[tilespmem:v62+s13+$0x0] =	vst.idx.msk $0xffff, v44;
	v62 =	vadd.s32 $0x46, v29  }
0x483: {  	vm14 =	veq.s32 v45, $0x1  }
0x484: {  	v53 =	vnsel vm14, $0x0, v46;
	vm11 =	vnez.u8 v59  }
0x485: {  	vm8 =	veq.s32 v45, $0x2;
	[tilespmem:v49+s13+$0x0] =	vst.idx.msk $0xffff, v53;
	v47 =	vnsel vm11, $0x0, v46  }
0x486: {  	v63 =	vnsel vm8, $0x0, v46;
	[tilespmem:v43+s13+$0x0] =	vst.idx.msk $0xffff, v47  }
0x487: {  	[tilespmem:v62+s13+$0x0] =	vst.idx.msk $0xffff, v63;
	v62 =	vld [tilespmem:$0x1FB90]  }
0x488: {  	v57 =	vld [tilespmem:$0x1FA30]  }
0x489: {  	v58 =	vadd.s32 $0x43, v29  }
0x48a: {  	v61 =	vadd.s32 $0x20, v32  }
0x48b: {  	vm7 =	vgt.u32 v33, v18  }
0x48c: {  	vm1 =	vmand vm7, vm1;
	v50 =	vld [tilespmem:s24+$0x18];
	vm14 =	vnez.u8 v62  }
0x48d: {  	v55 =	vnsel vm1, $0x0, v34;
	vm11 =	vnez.u8 v57;
	v44 =	vnsel vm14, $0x0, v46  }
0x48e: {  	v60 =	vadd.s32 $0x47, v29;
	[tilespmem:v58+s13+$0x0] =	vst.idx.msk $0xffff, v44;
	v44 =	vnsel vm11, $0x0, v55  }
0x48f: {  	[tilespmem:v61+s13+$0x0] =	vst.idx.msk $0xffff, v44;
	v61 =	vld [tilespmem:$0x1FA40]  }
0x490: {  	vm12 =	veq.s32 v45, $0x3;
	v43 =	vadd.s32 $0x24, v32  }
0x491: {  	v56 =	vld [tilespmem:$0x1FA50];
	v45 =	vnsel vm12, $0x0, v46;
	v63 =	vmul.u32 v5, v50;
	v46 =	vadd.s32 $0x21, v32  }
0x492: {  	vm13 =	veq.s32 v48, $0x0;
	v59 =	vadd.s32 v5, v50;
	v58 =	vadd.s32 $0x25, v32  }
0x493: {  	vm15 =	veq.s32 v59, $0x3;
	vm7 =	veq.s32 v63, $0x6;
	[tilespmem:v60+s13+$0x0] =	vst.idx.msk $0xffff, v45;
	v60 =	vadd.s32 $0x22, v32  }
0x494: {  	v53 =	vnsel vm13, $0x0, v55;
	vm1 =	vmor vm15, vm7;
	vm7 =	vnez.u8 v61  }
0x495: {  	vm8 =	veq.s32 v48, $0x1;
	vm9 =	vgt.s32 v38, v17;
	[tilespmem:v43+s13+$0x0] =	vst.idx.msk $0xffff, v53;
	v44 =	vnsel vm7, $0x0, v55  }
0x496: {  	v54 =	vnsel vm8, $0x0, v55;
	vm1 =	vmand vm9, vm1;
	vm9 =	vnez.u8 v56;
	[tilespmem:v46+s13+$0x0] =	vst.idx.msk $0xffff, v44  }
0x497: {  	v43 =	vnsel vm9, $0x0, v55;
	[tilespmem:v58+s13+$0x0] =	vst.idx.msk $0xffff, v54  }
0x498: {  	[tilespmem:v60+s13+$0x0] =	vst.idx.msk $0xffff, v43;
	v60 =	vld [tilespmem:$0x1FA60]  }
0x499: {  	vm13 =	veq.s32 v48, $0x3;
	v62 =	vadd.s32 $0x26, v32  }
0x49a: {  	vm12 =	veq.s32 v48, $0x2;
	v48 =	vnsel vm13, $0x0, v55;
	v63 =	vadd.s32 $0x23, v32  }
0x49b: {  	v57 =	vadd.s32 $0x18, v37;
	v59 =	vadd.s32 $0x1C, v37;
	v44 =	vadd.s32 $0x27, v32  }
0x49c: {  	vm15 =	veq.s32 v50, $0x0;
	v52 =	vnsel vm1, $0x0, v39;
	vm14 =	vgt.u32 v36, v27  }
0x49d: {  	v56 =	vnsel vm10, $0x0, v52;
	v58 =	vnsel vm12, $0x0, v55;
	vm8 =	vnez.u8 v60  }
0x49e: {  	vm10 =	veq.s32 v50, $0x2;
	vm0 =	vmand vm14, vm0;
	v43 =	vld [tilespmem:s24+$0xFFFFFFF2];
	[tilespmem:v62+s13+$0x0] =	vst.idx.msk $0xffff, v58;
	v47 =	vnsel vm8, $0x0, v55  }
0x49f: {  	vm14 =	veq.s32 v50, $0x3;
	v35 =	vnsel vm0, $0x0, v35;
	v61 =	vadd.s32 $0x19, v37;
	[tilespmem:v63+s13+$0x0] =	vst.idx.msk $0xffff, v47  }
0x4a0: {  	v46 =	vadd.s32 $0x1E, v37;
	v54 =	vmul.u32 v2, v41;
	v62 =	vnsel vm6, $0x0, v52;
	[tilespmem:v44+s13+$0x0] =	vst.idx.msk $0xffff, v48  }
0x4a1: {  	vm6 =	veq.s32 v50, $0x1;
	v50 =	vnsel vm14, $0x0, v52;
	v63 =	vadd.s32 $0x1D, v37;
	v49 =	vld [tilespmem:s24+$0x6]  }
0x4a2: {  	[tilespmem:v57+s13+$0x0] =	vst.idx.msk $0xffff, v62;
	v57 =	vadd.s32 $0x1B, v37;
	v58 =	vnsel vm6, $0x0, v52;
	v44 =	vadd.s32 $0x1A, v37  }
0x4a3: {  	vm6 =	vgt.u32 v33, v19;
	v62 =	vadd.s32 v16, v43;
	v55 =	vnsel vm15, $0x0, v52  }
0x4a4: {  	v60 =	vadd.s32 $0x1F, v37;
	vm12 =	veq.s32 v62, $0x3;
	vm15 =	vgt.u32 v31, v25;
	[tilespmem:v59+s13+$0x0] =	vst.idx.msk $0xffff, v55  }
0x4a5: {  	v59 =	vmul.u32 v16, v43;
	v55 =	vadd.s32 v2, v41;
	[tilespmem:v61+s13+$0x0] =	vst.idx.msk $0xffff, v56;
	v61 =	vnsel vm5, $0x0, v52  }
0x4a6: {  	v48 =	vnsel vm4, $0x0, v52;
	[tilespmem:v63+s13+$0x0] =	vst.idx.msk $0xffff, v58;
	v63 =	vnsel vm10, $0x0, v52;
	v58 =	vld [tilespmem:$0x1FA70];
	v52 =	vmul.u32 v7, v49  }
0x4a7: {  	v56 =	vadd.s32 $0x28, v32;
	vm13 =	veq.s32 v59, $0x6;
	[tilespmem:v44+s13+$0x0] =	vst.idx.msk $0xffff, v61;
	v53 =	vadd.s32 v7, v49  }
0x4a8: {  	vm1 =	vmor vm12, vm13;
	[tilespmem:v46+s13+$0x0] =	vst.idx.msk $0xffff, v63;
	vm4 =	veq.s32 v53, $0x3;
	vm5 =	veq.s32 v52, $0x6  }
0x4a9: {  	vm0 =	vmand vm15, vm1;
	[tilespmem:v57+s13+$0x0] =	vst.idx.msk $0xffff, v48;
	v57 =	vadd.s32 $0x2C, v32;
	vm1 =	vmor vm4, vm5  }
0x4aa: {  	vm12 =	veq.s32 v54, $0x6;
	vm10 =	veq.s32 v55, $0x3;
	[tilespmem:v60+s13+$0x0] =	vst.idx.msk $0xffff, v50;
	vm1 =	vmand vm6, vm1  }
0x4ab: {  	vm2 =	vmor vm10, vm12;
	v45 =	vld [tilespmem:s24+$0x17];
	vm12 =	vnez.u8 v58;
	v41 =	vnsel vm1, $0x0, v34  }
0x4ac: {  	vm14 =	veq.s32 v49, $0x0;
	v46 =	vnsel vm12, $0x0, v41  }
0x4ad: {  	v55 =	vnsel vm14, $0x0, v41;
	[tilespmem:v56+s13+$0x0] =	vst.idx.msk $0xffff, v46  }
0x4ae: {  	[tilespmem:v57+s13+$0x0] =	vst.idx.msk $0xffff, v55;
	v57 =	vld [tilespmem:$0x1FA80];
	_ =	sdelay $0x1  }
0x4af: {  	v59 =	vadd.s32 $0x29, v32;
	v53 =	vld [tilespmem:$0x1FA90];
	v60 =	vmul.u32 v6, v45  }
0x4b0: {  	v61 =	vadd.s32 $0x2D, v32;
	v63 =	vadd.s32 v6, v45  }
0x4b1: {  	v62 =	vadd.s32 $0x2A, v32;
	vm15 =	veq.s32 v63, $0x3;
	vm10 =	veq.s32 v60, $0x6  }
0x4b2: {  	vm13 =	vgt.u32 v33, v21;
	vm3 =	vmor vm15, vm10;
	vm10 =	vnez.u8 v57  }
0x4b3: {  	vm1 =	vmand vm13, vm2;
	vm13 =	veq.s32 v49, $0x1;
	v44 =	vnsel vm10, $0x0, v41  }
0x4b4: {  	v52 =	vnsel vm13, $0x0, v41;
	vm5 =	vnez.u8 v53;
	[tilespmem:v59+s13+$0x0] =	vst.idx.msk $0xffff, v44  }
0x4b5: {  	v56 =	vadd.s32 $0x2E, v32;
	v44 =	vnsel vm5, $0x0, v41;
	[tilespmem:v61+s13+$0x0] =	vst.idx.msk $0xffff, v52  }
0x4b6: {  	[tilespmem:v62+s13+$0x0] =	vst.idx.msk $0xffff, v44;
	v62 =	vld [tilespmem:$0x1FAA0];
	_ =	sdelay $0x1  }
0x4b7: {  	v58 =	vadd.s32 $0x2B, v32;
	vm14 =	veq.s32 v49, $0x2  }
0x4b8: {  	v54 =	vadd.s32 $0x2F, v32;
	v59 =	vnsel vm14, $0x0, v41  }
0x4b9: {  	[tilespmem:v56+s13+$0x0] =	vst.idx.msk $0xffff, v59;
	v56 =	vld [tilespmem:$0x1FC30]  }
0x4ba: {  	vm4 =	vnez.u8 v62  }
0x4bb: {  	v55 =	vadd.s32 $0x30, v32;
	vm15 =	veq.s32 v49, $0x3;
	v36 =	vnsel vm4, $0x0, v41  }
0x4bc: {  	v60 =	vnsel vm15, $0x0, v41;
	[tilespmem:v58+s13+$0x0] =	vst.idx.msk $0xffff, v36;
	v58 =	vld [tilespmem:$0x1FAB0]  }
0x4bd: {  	v48 =	vnsel vm0, $0x0, v30;
	[tilespmem:v54+s13+$0x0] =	vst.idx.msk $0xffff, v60;
	v60 =	vld [tilespmem:$0x1FC40]  }
0x4be: {  	v49 =	vnsel vm1, $0x0, v34;
	v61 =	vadd.s32 $0x34, v32;
	v62 =	vld [tilespmem:$0x1FAC0];
	vm15 =	vnez.u8 v56  }
0x4bf: {  	vm13 =	vgt.u32 v38, v18;
	v63 =	vadd.s32 $0x31, v32;
	v56 =	vld [tilespmem:$0x1FC50];
	v57 =	vnsel vm15, $0x0, v49  }
0x4c0: {  	v50 =	vadd.s32 $0x32, v32;
	v46 =	vadd.s32 $0x35, v32;
	vm2 =	vmand vm13, vm3;
	[tilespmem:v55+s13+$0x0] =	vst.idx.msk $0xffff, v57;
	v57 =	vld [tilespmem:$0x1FAD0]  }
0x4c1: {  	vm14 =	veq.s32 v40, $0x0;
	v59 =	vadd.s32 $0x36, v32;
	vm6 =	vnez.u8 v58  }
0x4c2: {  	v36 =	vnsel vm14, $0x0, v35;
	v51 =	vnsel vm6, $0x0, v49;
	vm6 =	vnez.u8 v60  }
0x4c3: {  	vm14 =	veq.s32 v43, $0x0;
	vm13 =	vnez.u8 v62;
	[tilespmem:v61+s13+$0x0] =	vst.idx.msk $0xffff, v51;
	v44 =	vnsel vm6, $0x0, v49  }
0x4c4: {  	v52 =	vnsel vm13, $0x0, v49;
	[tilespmem:v63+s13+$0x0] =	vst.idx.msk $0xffff, v44;
	v44 =	vnsel vm14, $0x0, v48;
	vm14 =	vnez.u8 v56  }
0x4c5: {  	vm13 =	vnez.u8 v57;
	[tilespmem:v46+s13+$0x0] =	vst.idx.msk $0xffff, v52;
	v46 =	vnsel vm14, $0x0, v49  }
0x4c6: {  	v58 =	vld [tilespmem:$0x1FAE0];
	v53 =	vnsel vm13, $0x0, v49;
	[tilespmem:v50+s13+$0x0] =	vst.idx.msk $0xffff, v46  }
0x4c7: {  	[tilespmem:v59+s13+$0x0] =	vst.idx.msk $0xffff, v53;
	v59 =	vld [tilespmem:$0x1FC60];
	_ =	sdelay $0x1  }
0x4c8: {  	v61 =	vadd.s32 $0x33, v32  }
0x4c9: {  	v63 =	vadd.s32 $0x37, v32  }
0x4ca: {  	v52 =	vadd.s32 $0x20, v37;
	vm13 =	vnez.u8 v58  }
0x4cb: {  	v46 =	vadd.s32 $0x24, v37;
	v54 =	vnsel vm13, $0x0, v49;
	vm13 =	vnez.u8 v59  }
0x4cc: {  	v47 =	vnsel vm13, $0x0, v49;
	v49 =	vadd.s32 $0x21, v37  }
0x4cd: {  	v60 =	vadd.s32 $0x25, v37;
	v53 =	vnsel vm2, $0x0, v39;
	[tilespmem:v61+s13+$0x0] =	vst.idx.msk $0xffff, v47  }
0x4ce: {  	v41 =	vadd.s32 $0x22, v37;
	v61 =	vnsel vm11, $0x0, v53;
	vm11 =	veq.s32 v45, $0x0;
	[tilespmem:v63+s13+$0x0] =	vst.idx.msk $0xffff, v54  }
0x4cf: {  	v57 =	vadd.s32 $0x26, v37;
	v62 =	vnsel vm11, $0x0, v53;
	[tilespmem:v52+s13+$0x0] =	vst.idx.msk $0xffff, v61  }
0x4d0: {  	v63 =	vnsel vm7, $0x0, v53;
	vm11 =	veq.s32 v45, $0x1;
	[tilespmem:v46+s13+$0x0] =	vst.idx.msk $0xffff, v62  }
0x4d1: {  	v58 =	vnsel vm11, $0x0, v53;
	[tilespmem:v49+s13+$0x0] =	vst.idx.msk $0xffff, v63  }
0x4d2: {  	v59 =	vnsel vm9, $0x0, v53;
	vm9 =	veq.s32 v45, $0x2;
	[tilespmem:v60+s13+$0x0] =	vst.idx.msk $0xffff, v58  }
0x4d3: {  	v60 =	vnsel vm9, $0x0, v53;
	[tilespmem:v41+s13+$0x0] =	vst.idx.msk $0xffff, v59  }
0x4d4: {  	[tilespmem:v57+s13+$0x0] =	vst.idx.msk $0xffff, v60;
	v60 =	vld [tilespmem:$0x1FBF0];
	_ =	sdelay $0x1  }
0x4d5: {  	v62 =	vadd.s32 $0x48, v29;
	_ =	sdelay $0x1  }
0x4d6: {  	v56 =	vld [tilespmem:s24+$0x4];
	vm11 =	veq.s32 v45, $0x3  }
0x4d7: {  	v45 =	vnsel vm11, $0x0, v53;
	vm11 =	vnez.u8 v60  }
0x4d8: {  	vm0 =	veq.s32 v43, $0x1;
	v51 =	vnsel vm11, $0x0, v48  }
0x4d9: {  	v50 =	vnsel vm0, $0x0, v48;
	[tilespmem:v62+s13+$0x0] =	vst.idx.msk $0xffff, v51;
	v62 =	vld [tilespmem:$0x1FC00]  }
0x4da: {  	v47 =	vadd.s32 $0x4C, v29;
	vm7 =	veq.s32 v43, $0x2;
	v61 =	vnsel vm8, $0x0, v53  }
0x4db: {  	v46 =	vadd.s32 $0x23, v37;
	v58 =	vadd.s32 $0x49, v29;
	v63 =	vmul.u32 v9, v56  }
0x4dc: {  	v52 =	vnsel vm7, $0x0, v48;
	vm7 =	veq.s32 v43, $0x3;
	v57 =	vadd.s32 v9, v56  }
0x4dd: {  	v43 =	vnsel vm7, $0x0, v48;
	vm7 =	veq.s32 v57, $0x3;
	vm8 =	veq.s32 v63, $0x6  }
0x4de: {  	v49 =	vadd.s32 $0x27, v37;
	vm0 =	vmor vm7, vm8;
	vm7 =	vnez.u8 v62  }
0x4df: {  	[tilespmem:v47+s13+$0x0] =	vst.idx.msk $0xffff, v44;
	v41 =	vnsel vm7, $0x0, v48  }
0x4e0: {  	[tilespmem:v58+s13+$0x0] =	vst.idx.msk $0xffff, v41;
	v58 =	vld [tilespmem:$0x1FC10]  }
0x4e1: {  	v59 =	vadd.s32 $0x4D, v29  }
0x4e2: {  	[tilespmem:v46+s13+$0x0] =	vst.idx.msk $0xffff, v61;
	v61 =	vadd.s32 $0x4A, v29;
	v60 =	vld [tilespmem:$0x1FC20]  }
0x4e3: {  	[tilespmem:v49+s13+$0x0] =	vst.idx.msk $0xffff, v45;
	v63 =	vadd.s32 $0x4E, v29  }
0x4e4: {  	v57 =	vadd.s32 $0x4B, v29;
	v49 =	vld [tilespmem:s24+$0x16]  }
0x4e5: {  	vm11 =	vnez.u8 v58  }
0x4e6: {  	[tilespmem:v59+s13+$0x0] =	vst.idx.msk $0xffff, v50;
	v45 =	vnsel vm11, $0x0, v48  }
0x4e7: {  	vm9 =	vgt.u32 v33, v22;
	v46 =	vadd.s32 $0x38, v32;
	vm7 =	vnez.u8 v60;
	[tilespmem:v61+s13+$0x0] =	vst.idx.msk $0xffff, v45  }
0x4e8: {  	vm8 =	veq.s32 v56, $0x0;
	vm0 =	vmand vm9, vm0;
	v45 =	vnsel vm7, $0x0, v48;
	[tilespmem:v63+s13+$0x0] =	vst.idx.msk $0xffff, v52  }
0x4e9: {  	vm9 =	veq.s32 v56, $0x1;
	v54 =	vnsel vm0, $0x0, v34;
	v59 =	vmul.u32 v7, v49;
	[tilespmem:v57+s13+$0x0] =	vst.idx.msk $0xffff, v45;
	v57 =	vld [tilespmem:$0x1FAF0]  }
0x4ea: {  	v55 =	vnsel vm9, $0x0, v54;
	v62 =	vadd.s32 v7, v49;
	v41 =	vadd.s32 $0x4F, v29  }
0x4eb: {  	v47 =	vnsel vm8, $0x0, v54;
	vm8 =	veq.s32 v62, $0x3;
	v60 =	vld [tilespmem:$0x1FB00];
	vm9 =	veq.s32 v59, $0x6  }
0x4ec: {  	vm0 =	vmor vm8, vm9;
	v61 =	vadd.s32 $0x3C, v32  }
0x4ed: {  	vm8 =	veq.s32 v56, $0x3;
	vm11 =	veq.s32 v56, $0x2;
	v56 =	vld [tilespmem:$0x1FBD0];
	v63 =	vadd.s32 $0x39, v32  }
0x4ee: {  	v58 =	vadd.s32 $0x3D, v32;
	vm3 =	vnez.u8 v57  }
0x4ef: {  	[tilespmem:v41+s13+$0x0] =	vst.idx.msk $0xffff, v43;
	v41 =	vadd.s32 $0x3A, v32;
	v44 =	vnsel vm3, $0x0, v54  }
0x4f0: {  	v59 =	vadd.s32 $0x3E, v32;
	vm9 =	vnez.u8 v60;
	[tilespmem:v46+s13+$0x0] =	vst.idx.msk $0xffff, v44  }
0x4f1: {  	v46 =	vnsel vm9, $0x0, v54;
	[tilespmem:v61+s13+$0x0] =	vst.idx.msk $0xffff, v47  }
0x4f2: {  	v43 =	vnsel vm11, $0x0, v54;
	vm11 =	vnez.u8 v56;
	[tilespmem:v63+s13+$0x0] =	vst.idx.msk $0xffff, v46  }
0x4f3: {  	v45 =	vnsel vm11, $0x0, v54;
	[tilespmem:v58+s13+$0x0] =	vst.idx.msk $0xffff, v55  }
0x4f4: {  	[tilespmem:v41+s13+$0x0] =	vst.idx.msk $0xffff, v45  }
0x4f5: {  	[tilespmem:v59+s13+$0x0] =	vst.idx.msk $0xffff, v43;
	v59 =	vld [tilespmem:$0x1FB10]  }
0x4f6: {  	v57 =	vadd.s32 $0x28, v37  }
0x4f7: {  	vm7 =	vgt.u32 v38, v19;
	v61 =	vadd.s32 $0x3B, v32  }
0x4f8: {  	vm0 =	vmand vm7, vm0;
	v63 =	vadd.s32 $0x3F, v32  }
0x4f9: {  	v50 =	vnsel vm0, $0x0, v39;
	v41 =	vadd.s32 $0x2C, v37  }
0x4fa: {  	v44 =	vadd.s32 $0x29, v37;
	v58 =	vnsel vm12, $0x0, v50;
	vm11 =	vnez.u8 v59  }
0x4fb: {  	v60 =	vadd.s32 $0x2D, v37;
	[tilespmem:v57+s13+$0x0] =	vst.idx.msk $0xffff, v58;
	v43 =	vnsel vm11, $0x0, v54  }
0x4fc: {  	v62 =	vnsel vm8, $0x0, v54;
	vm7 =	veq.s32 v49, $0x0;
	[tilespmem:v61+s13+$0x0] =	vst.idx.msk $0xffff, v43;
	v61 =	vadd.s32 $0x2A, v37  }
0x4fd: {  	v53 =	vnsel vm7, $0x0, v50;
	v43 =	vld [tilespmem:s24+$0xFFFFFFF1];
	[tilespmem:v63+s13+$0x0] =	vst.idx.msk $0xffff, v62;
	v62 =	vadd.s32 $0x2E, v37  }
0x4fe: {  	vm8 =	veq.s32 v49, $0x1;
	v45 =	vnsel vm10, $0x0, v50;
	[tilespmem:v41+s13+$0x0] =	vst.idx.msk $0xffff, v53  }
0x4ff: {  	v56 =	vnsel vm4, $0x0, v50;
	[tilespmem:v44+s13+$0x0] =	vst.idx.msk $0xffff, v45;
	v54 =	vnsel vm8, $0x0, v50  }
0x500: {  	v55 =	vnsel vm5, $0x0, v50;
	vm12 =	veq.s32 v49, $0x2;
	[tilespmem:v60+s13+$0x0] =	vst.idx.msk $0xffff, v54;
	v63 =	vmul.u32 v2, v42  }
0x501: {  	v48 =	vnsel vm12, $0x0, v50;
	v58 =	vadd.s32 $0x2B, v37;
	v59 =	vadd.s32 $0x2F, v37;
	[tilespmem:v61+s13+$0x0] =	vst.idx.msk $0xffff, v55  }
0x502: {  	v42 =	vadd.s32 v2, v42;
	vm7 =	veq.s32 v63, $0x6;
	v63 =	vmul.u32 v20, v43;
	[tilespmem:v62+s13+$0x0] =	vst.idx.msk $0xffff, v48;
	v62 =	vld [tilespmem:$0x1FB20]  }
0x503: {  	v45 =	vadd.s32 $0x34, v37;
	v60 =	vadd.s32 $0x30, v37;
	vm5 =	veq.s32 v42, $0x3  }
0x504: {  	vm8 =	vgt.u32 v38, v21;
	vm0 =	vmor vm5, vm7;
	vm5 =	veq.s32 v63, $0x6;
	v63 =	vld [tilespmem:$0x1FB30]  }
0x505: {  	vm10 =	veq.s32 v49, $0x3;
	vm0 =	vmand vm8, vm0;
	v48 =	vadd.s32 $0x31, v37  }
0x506: {  	v61 =	vnsel vm10, $0x0, v50;
	v55 =	vld [tilespmem:$0x1FB40];
	v47 =	vnsel vm0, $0x0, v39;
	[tilespmem:v58+s13+$0x0] =	vst.idx.msk $0xffff, v56;
	v56 =	vadd.s32 $0x35, v37  }
0x507: {  	v58 =	vnsel vm15, $0x0, v47;
	[tilespmem:v59+s13+$0x0] =	vst.idx.msk $0xffff, v61;
	v59 =	vadd.s32 $0x32, v37;
	vm12 =	vnez.u8 v62  }
0x508: {  	v52 =	vld [tilespmem:s24+$0x3];
	[tilespmem:v60+s13+$0x0] =	vst.idx.msk $0xffff, v58;
	v60 =	vadd.s32 $0x36, v37;
	v49 =	vnsel vm12, $0x0, v47  }
0x509: {  	v61 =	vnsel vm6, $0x0, v47;
	v62 =	vadd.s32 $0x33, v37;
	vm7 =	vnez.u8 v63;
	[tilespmem:v45+s13+$0x0] =	vst.idx.msk $0xffff, v49  }
0x50a: {  	v53 =	vadd.s32 $0x37, v37;
	v49 =	vnsel vm7, $0x0, v47;
	[tilespmem:v48+s13+$0x0] =	vst.idx.msk $0xffff, v61  }
0x50b: {  	v57 =	vadd.s32 v20, v43;
	v54 =	vnsel vm14, $0x0, v47;
	v58 =	vld [tilespmem:$0x1FB50];
	vm12 =	vnez.u8 v55;
	[tilespmem:v56+s13+$0x0] =	vst.idx.msk $0xffff, v49  }
0x50c: {  	vm8 =	vgt.u32 v31, v26;
	vm4 =	veq.s32 v57, $0x3;
	v50 =	vnsel vm12, $0x0, v47;
	[tilespmem:v59+s13+$0x0] =	vst.idx.msk $0xffff, v54  }
0x50d: {  	v57 =	vnsel vm13, $0x0, v47;
	vm0 =	vmor vm4, vm5;
	v56 =	vmul.u32 v12, v52;
	[tilespmem:v60+s13+$0x0] =	vst.idx.msk $0xffff, v50  }
0x50e: {  	vm0 =	vmand vm8, vm0;
	vm8 =	vgt.u32 v33, v23;
	v59 =	vadd.s32 v12, v52;
	[tilespmem:v62+s13+$0x0] =	vst.idx.msk $0xffff, v57;
	v62 =	vld [tilespmem:$0x1FB60]  }
0x50f: {  	v45 =	vadd.s32 $0x40, v32;
	vm5 =	veq.s32 v59, $0x3;
	vm6 =	veq.s32 v56, $0x6  }
0x510: {  	vm15 =	vnez.u8 v58;
	v49 =	vnsel vm0, $0x0, v30;
	v59 =	vld [tilespmem:$0x1FB70];
	vm7 =	vmor vm5, vm6  }
0x511: {  	v47 =	vnsel vm15, $0x0, v47;
	v50 =	vadd.s32 $0x44, v32;
	vm0 =	vmand vm8, vm7  }
0x512: {  	v51 =	vadd.s32 $0x41, v32;
	vm13 =	veq.s32 v52, $0x1;
	[tilespmem:v53+s13+$0x0] =	vst.idx.msk $0xffff, v47;
	v47 =	vnsel vm0, $0x0, v34  }
0x513: {  	v61 =	vadd.s32 $0x45, v32;
	v44 =	vld [tilespmem:s24+$0x14];
	v60 =	vnsel vm13, $0x0, v47;
	vm13 =	vnez.u8 v62  }
0x514: {  	vm12 =	veq.s32 v52, $0x0;
	v56 =	vnsel vm13, $0x0, v47  }
0x515: {  	v53 =	vnsel vm12, $0x0, v47;
	vm12 =	vnez.u8 v59;
	[tilespmem:v45+s13+$0x0] =	vst.idx.msk $0xffff, v56  }
0x516: {  	vm10 =	veq.s32 v40, $0x1;
	v45 =	vnsel vm12, $0x0, v47;
	[tilespmem:v50+s13+$0x0] =	vst.idx.msk $0xffff, v53  }
0x517: {  	v41 =	vnsel vm10, $0x0, v35;
	[tilespmem:v51+s13+$0x0] =	vst.idx.msk $0xffff, v45  }
0x518: {  	vm10 =	veq.s32 v43, $0x2;
	vm14 =	veq.s32 v43, $0x0;
	v58 =	vmul.u32 v9, v44;
	[tilespmem:v61+s13+$0x0] =	vst.idx.msk $0xffff, v60;
	v60 =	vld [tilespmem:$0x1FB80]  }
0x519: {  	vm4 =	veq.s32 v43, $0x1;
	v63 =	vadd.s32 $0x42, v32;
	v55 =	vadd.s32 $0x55, v29  }
0x51a: {  	v48 =	vnsel vm14, $0x0, v49;
	v42 =	vnsel vm4, $0x0, v49;
	vm15 =	veq.s32 v58, $0x6;
	v58 =	vld [tilespmem:$0x1FB90]  }
0x51b: {  	vm4 =	veq.s32 v52, $0x2;
	v56 =	vadd.s32 $0x46, v32;
	v59 =	vadd.s32 v9, v44  }
0x51c: {  	vm5 =	vgt.u32 v38, v22;
	v50 =	vadd.s32 $0x43, v32;
	vm14 =	veq.s32 v59, $0x3;
	v59 =	vld [tilespmem:$0x1FBA0]  }
0x51d: {  	v62 =	vadd.s32 $0x54, v29;
	v45 =	vadd.s32 $0x47, v32;
	vm6 =	vnez.u8 v60  }
0x51e: {  	v53 =	vadd.s32 $0x50, v29;
	vm0 =	vmor vm14, vm15;
	v60 =	vld [tilespmem:$0x1FBB0];
	v51 =	vnsel vm6, $0x0, v47  }
0x51f: {  	v61 =	vnsel vm4, $0x0, v47;
	vm0 =	vmand vm5, vm0;
	vm5 =	vnez.u8 v58;
	[tilespmem:v63+s13+$0x0] =	vst.idx.msk $0xffff, v51  }
0x520: {  	vm7 =	veq.s32 v52, $0x3;
	v54 =	vnsel vm5, $0x0, v47;
	v63 =	vadd.s32 $0x51, v29;
	[tilespmem:v56+s13+$0x0] =	vst.idx.msk $0xffff, v61  }
0x521: {  	v46 =	vnsel vm10, $0x0, v49;
	v47 =	vnsel vm7, $0x0, v47;
	vm7 =	vnez.u8 v59;
	v61 =	vld [tilespmem:$0x1FBC0];
	[tilespmem:v50+s13+$0x0] =	vst.idx.msk $0xffff, v54  }
0x522: {  	v57 =	vadd.s32 $0x3D, v37;
	v50 =	vadd.s32 $0x38, v37;
	v54 =	vnsel vm7, $0x0, v49;
	[tilespmem:v45+s13+$0x0] =	vst.idx.msk $0xffff, v47  }
0x523: {  	vm8 =	veq.s32 v44, $0x0;
	v45 =	vadd.s32 $0x3C, v37;
	[tilespmem:v53+s13+$0x0] =	vst.idx.msk $0xffff, v54;
	vm14 =	vnez.u8 v60  }
0x524: {  	v52 =	vnsel vm0, $0x0, v39;
	v54 =	vadd.s32 $0x39, v37;
	[tilespmem:v62+s13+$0x0] =	vst.idx.msk $0xffff, v48;
	v48 =	vnsel vm14, $0x0, v49  }
0x525: {  	vm10 =	veq.s32 v44, $0x1;
	vm4 =	veq.s32 v44, $0x2;
	v56 =	vnsel vm8, $0x0, v52;
	v53 =	vld [tilespmem:s24+$0x2];
	[tilespmem:v63+s13+$0x0] =	vst.idx.msk $0xffff, v48  }
0x526: {  	v47 =	vnsel vm3, $0x0, v52;
	v48 =	vadd.s32 $0x52, v29;
	vm8 =	vnez.u8 v61;
	v61 =	vld [tilespmem:$0x1FBD0];
	[tilespmem:v55+s13+$0x0] =	vst.idx.msk $0xffff, v42  }
0x527: {  	v58 =	vadd.s32 $0x3A, v37;
	v59 =	vadd.s32 $0x56, v29;
	v60 =	vadd.s32 $0x53, v29;
	[tilespmem:v50+s13+$0x0] =	vst.idx.msk $0xffff, v47  }
0x528: {  	vm3 =	veq.s32 v24, $0x1;
	v62 =	vnsel vm9, $0x0, v52;
	v63 =	vnsel vm10, $0x0, v52;
	[tilespmem:v45+s13+$0x0] =	vst.idx.msk $0xffff, v56  }
0x529: {  	v42 =	vadd.s32 $0x4A, v32;
	v51 =	vnsel vm8, $0x0, v49;
	v47 =	vadd.s32 $0x3E, v37;
	[tilespmem:v54+s13+$0x0] =	vst.idx.msk $0xffff, v62  }
0x52a: {  	v50 =	vadd.s32 $0x3B, v37;
	v56 =	vadd.s32 v16, v53;
	v54 =	vadd.s32 $0x3F, v37;
	v62 =	vld [tilespmem:$0x1FBE0];
	[tilespmem:v57+s13+$0x0] =	vst.idx.msk $0xffff, v63  }
0x52b: {  	v45 =	vmul.u32 v16, v53;
	vm9 =	veq.s32 v56, $0x3;
	[tilespmem:v48+s13+$0x0] =	vst.idx.msk $0xffff, v51;
	vm15 =	vnez.u8 v61  }
0x52c: {  	v63 =	vnsel vm4, $0x0, v52;
	vm4 =	veq.s32 v44, $0x3;
	[tilespmem:v59+s13+$0x0] =	vst.idx.msk $0xffff, v46;
	v57 =	vnsel vm15, $0x0, v52  }
0x52d: {  	vm10 =	veq.s32 v45, $0x6;
	v61 =	vnsel vm11, $0x0, v52;
	v44 =	vnsel vm4, $0x0, v52;
	[tilespmem:v58+s13+$0x0] =	vst.idx.msk $0xffff, v57  }
0x52e: {  	v56 =	vld [tilespmem:$0x1FBF0];
	v45 =	vadd.s32 $0x57, v29;
	vm11 =	veq.s32 v53, $0x0;
	v46 =	vadd.s32 $0x4B, v32;
	[tilespmem:v47+s13+$0x0] =	vst.idx.msk $0xffff, v63  }
0x52f: {  	vm0 =	vmor vm9, vm10;
	vm9 =	vgt.u32 v33, v25;
	vm15 =	vnez.u8 v62;
	[tilespmem:v50+s13+$0x0] =	vst.idx.msk $0xffff, v61  }
0x530: {  	vm10 =	veq.s32 v43, $0x3;
	v52 =	vadd.s32 $0x4D, v32;
	v57 =	vnsel vm15, $0x0, v49;
	[tilespmem:v54+s13+$0x0] =	vst.idx.msk $0xffff, v44  }
0x531: {  	vm0 =	vmand vm9, vm0;
	v58 =	vadd.s32 $0x4C, v32;
	v63 =	vadd.s32 $0x48, v32;
	[tilespmem:v60+s13+$0x0] =	vst.idx.msk $0xffff, v57;
	v60 =	vld [tilespmem:$0x1FC00]  }
0x532: {  	vm9 =	veq.s32 v53, $0x2;
	v62 =	vnsel vm10, $0x0, v49;
	v43 =	vnsel vm0, $0x0, v34;
	v47 =	vld [tilespmem:s24+$0x13]  }
0x533: {  	vm0 =	veq.s32 v53, $0x1;
	vm4 =	vnez.u8 v56;
	v59 =	vnsel vm11, $0x0, v43;
	[tilespmem:v45+s13+$0x0] =	vst.idx.msk $0xffff, v62;
	v62 =	vld [tilespmem:$0x1FC10]  }
0x534: {  	v50 =	vadd.s32 $0x49, v32;
	v61 =	vnsel vm0, $0x0, v43;
	v49 =	vadd.s32 $0x4F, v32  }
0x535: {  	vm0 =	veq.s32 v53, $0x3;
	v56 =	vadd.s32 $0x41, v37;
	v48 =	vnsel vm4, $0x0, v43  }
0x536: {  	v44 =	vadd.s32 $0x4E, v32;
	v57 =	vadd.s32 $0x45, v37;
	v54 =	vadd.s32 $0x55, v32;
	[tilespmem:v63+s13+$0x0] =	vst.idx.msk $0xffff, v48  }
0x537: {  	v55 =	vld [tilespmem:$0x1FC20];
	v48 =	vnsel vm9, $0x0, v43;
	[tilespmem:v58+s13+$0x0] =	vst.idx.msk $0xffff, v59;
	v59 =	vadd.s32 $0x42, v37;
	vm10 =	vnez.u8 v60  }
0x538: {  	v51 =	vnsel vm10, $0x0, v43;
	vm11 =	vnez.u8 v62;
	v63 =	vmul.u32 v12, v47  }
0x539: {  	v60 =	vadd.s32 v12, v47;
	v62 =	vnsel vm0, $0x0, v43;
	v45 =	vnsel vm11, $0x0, v43  }
0x53a: {  	[tilespmem:v50+s13+$0x0] =	vst.idx.msk $0xffff, v51;
	vm1 =	veq.s32 v60, $0x3;
	v50 =	vadd.s32 $0x46, v37;
	vm9 =	veq.s32 v63, $0x6  }
0x53b: {  	[tilespmem:v52+s13+$0x0] =	vst.idx.msk $0xffff, v61;
	v61 =	vadd.s32 $0x40, v37;
	vm1 =	vmor vm1, vm9;
	vm9 =	vgt.u32 v38, v23  }
0x53c: {  	v63 =	vadd.s32 $0x44, v37;
	[tilespmem:v42+s13+$0x0] =	vst.idx.msk $0xffff, v45;
	vm0 =	vmand vm9, vm1;
	vm9 =	vnez.u8 v55  }
0x53d: {  	v51 =	vadd.s32 $0x43, v37;
	v52 =	vadd.s32 $0x58, v28;
	v42 =	vld [tilespmem:s24+$0xFFFFFFF0];
	[tilespmem:v44+s13+$0x0] =	vst.idx.msk $0xffff, v48;
	v43 =	vnsel vm9, $0x0, v43  }
0x53e: {  	vm1 =	veq.s32 v40, $0x2;
	v48 =	vadd.s32 $0x47, v37;
	v44 =	vnsel vm0, $0x0, v39;
	[tilespmem:v46+s13+$0x0] =	vst.idx.msk $0xffff, v43  }
0x53f: {  	vm0 =	veq.s32 v24, $0x0;
	v58 =	vnsel vm13, $0x0, v44;
	vm13 =	veq.s32 v47, $0x0;
	[tilespmem:v49+s13+$0x0] =	vst.idx.msk $0xffff, v62  }
0x540: {  	v43 =	vnsel vm1, $0x0, v35;
	v60 =	vnsel vm13, $0x0, v44;
	[tilespmem:v61+s13+$0x0] =	vst.idx.msk $0xffff, v58;
	vm13 =	veq.s32 v47, $0x1  }
0x541: {  	v46 =	vadd.s32 $0x50, v32;
	v61 =	vnsel vm12, $0x0, v44;
	v53 =	vld [tilespmem:s24+$0x1];
	[tilespmem:v63+s13+$0x0] =	vst.idx.msk $0xffff, v60;
	v62 =	vnsel vm13, $0x0, v44  }
0x542: {  	v63 =	vadd.s32 v24, v42;
	v58 =	vmul.u32 v24, v42;
	vm13 =	veq.s32 v47, $0x3;
	[tilespmem:v56+s13+$0x0] =	vst.idx.msk $0xffff, v61  }
0x543: {  	vm12 =	veq.s32 v63, $0x3;
	[tilespmem:v57+s13+$0x0] =	vst.idx.msk $0xffff, v62;
	v57 =	vnsel vm6, $0x0, v44;
	vm6 =	veq.s32 v47, $0x2  }
0x544: {  	v61 =	vnsel vm5, $0x0, v44;
	v63 =	vnsel vm0, $0x0, v35;
	[tilespmem:v59+s13+$0x0] =	vst.idx.msk $0xffff, v57;
	v59 =	vnsel vm6, $0x0, v44  }
0x545: {  	vm6 =	veq.s32 v58, $0x6;
	v44 =	vnsel vm13, $0x0, v44;
	vm13 =	vgt.u32 v31, v27;
	[tilespmem:v50+s13+$0x0] =	vst.idx.msk $0xffff, v59  }
0x546: {  	v58 =	vadd.s32 $0x48, v37;
	vm1 =	vmor vm12, vm6;
	v60 =	vmul.u32 v20, v53;
	[tilespmem:v51+s13+$0x0] =	vst.idx.msk $0xffff, v61  }
0x547: {  	v50 =	vadd.s32 $0x51, v32;
	v62 =	vadd.s32 v20, v53;
	vm5 =	vmand vm13, vm1;
	[tilespmem:v48+s13+$0x0] =	vst.idx.msk $0xffff, v44  }
0x548: {  	vm6 =	veq.s32 v53, $0x0;
	vm2 =	veq.s32 v62, $0x3;
	vm12 =	veq.s32 v60, $0x6;
	v31 =	vld [tilespmem:s24+$0x12]  }
0x549: {  	v48 =	vadd.s32 $0x54, v32;
	vm2 =	vmor vm2, vm12;
	vm12 =	vgt.u32 v33, v26  }
0x54a: {  	v61 =	vadd.s32 $0x52, v32;
	vm1 =	veq.s32 v53, $0x2;
	vm13 =	vmand vm12, vm2  }
0x54b: {  	v62 =	vadd.s32 $0x56, v32;
	v44 =	vadd.s32 $0x57, v32;
	v45 =	vnsel vm13, $0x0, v34  }
0x54c: {  	[tilespmem:v52+s13+$0x0] =	vst.idx.msk $0xffff, v63;
	v30 =	vnsel vm5, $0x0, v30;
	vm12 =	veq.s32 v53, $0x1;
	v47 =	vnsel vm7, $0x0, v45  }
0x54d: {  	v49 =	vnsel vm6, $0x0, v45;
	v51 =	vnsel vm14, $0x0, v45;
	v60 =	vmul.u32 v16, v31;
	[tilespmem:v46+s13+$0x0] =	vst.idx.msk $0xffff, v47  }
0x54e: {  	v55 =	vnsel vm12, $0x0, v45;
	v63 =	vadd.s32 v16, v31;
	v46 =	vadd.s32 $0x53, v32;
	[tilespmem:v48+s13+$0x0] =	vst.idx.msk $0xffff, v49  }
0x54f: {  	vm12 =	vgt.u32 v38, v25;
	vm13 =	veq.s32 v63, $0x3;
	vm6 =	veq.s32 v60, $0x6;
	[tilespmem:v50+s13+$0x0] =	vst.idx.msk $0xffff, v51  }
0x550: {  	v59 =	vnsel vm8, $0x0, v45;
	v60 =	vadd.s32 $0x4C, v37;
	vm2 =	vmor vm13, vm6;
	[tilespmem:v54+s13+$0x0] =	vst.idx.msk $0xffff, v55  }
0x551: {  	v57 =	vnsel vm1, $0x0, v45;
	v50 =	vadd.s32 $0x49, v37;
	vm13 =	vmand vm12, vm2;
	[tilespmem:v61+s13+$0x0] =	vst.idx.msk $0xffff, v59  }
0x552: {  	v54 =	vadd.s32 $0x4D, v37;
	v49 =	vnsel vm13, $0x0, v39;
	[tilespmem:v62+s13+$0x0] =	vst.idx.msk $0xffff, v57;
	v62 =	vnsel vm15, $0x0, v45  }
0x553: {  	vm6 =	veq.s32 v31, $0x0;
	v57 =	vadd.s32 $0x4A, v37;
	v61 =	vnsel vm4, $0x0, v49;
	[tilespmem:v46+s13+$0x0] =	vst.idx.msk $0xffff, v62  }
0x554: {  	vm1 =	veq.s32 v24, $0x3;
	v59 =	vadd.s32 $0x4E, v37;
	v63 =	vnsel vm6, $0x0, v49;
	[tilespmem:v58+s13+$0x0] =	vst.idx.msk $0xffff, v61  }
0x555: {  	v56 =	vnsel vm10, $0x0, v49;
	vm10 =	veq.s32 v31, $0x1;
	v61 =	vadd.s32 $0x4B, v37;
	[tilespmem:v60+s13+$0x0] =	vst.idx.msk $0xffff, v63  }
0x556: {  	v47 =	vnsel vm3, $0x0, v35;
	v58 =	vnsel vm10, $0x0, v49;
	v63 =	vadd.s32 $0x4F, v37;
	[tilespmem:v50+s13+$0x0] =	vst.idx.msk $0xffff, v56  }
0x557: {  	v48 =	vadd.s32 $0x5E, v32;
	v60 =	vnsel vm11, $0x0, v49;
	vm11 =	veq.s32 v31, $0x2;
	[tilespmem:v54+s13+$0x0] =	vst.idx.msk $0xffff, v58  }
0x558: {  	v55 =	vadd.s32 $0x5C, v28;
	vm2 =	veq.s32 v24, $0x2;
	v62 =	vnsel vm11, $0x0, v49;
	[tilespmem:v57+s13+$0x0] =	vst.idx.msk $0xffff, v60  }
0x559: {  	vm12 =	veq.s32 v31, $0x3;
	v54 =	vadd.s32 $0x59, v28;
	v57 =	vnsel vm9, $0x0, v49;
	[tilespmem:v59+s13+$0x0] =	vst.idx.msk $0xffff, v62  }
0x55a: {  	vm13 =	veq.s32 v53, $0x3;
	v56 =	vadd.s32 $0x5D, v28;
	v59 =	vnsel vm12, $0x0, v49;
	[tilespmem:v61+s13+$0x0] =	vst.idx.msk $0xffff, v57  }
0x55b: {  	v53 =	vadd.s32 $0x51, v37;
	v45 =	vnsel vm13, $0x0, v45;
	v58 =	vadd.s32 $0x5A, v28;
	[tilespmem:v63+s13+$0x0] =	vst.idx.msk $0xffff, v59  }
0x55c: {  	v46 =	vadd.s32 $0x5A, v32;
	[tilespmem:v44+s13+$0x0] =	vst.idx.msk $0xffff, v45;
	vm10 =	veq.s32 v42, $0x0;
	v61 =	vadd.s32 $0x5E, v28;
	v44 =	vld [tilespmem:s24+$0x11]  }
0x55d: {  	[tilespmem:v55+s13+$0x0] =	vst.idx.msk $0xffff, v36;
	v36 =	vadd.s32 $0x58, v29;
	v50 =	vadd.s32 $0x5C, v29;
	vm11 =	veq.s32 v42, $0x1  }
0x55e: {  	v60 =	vnsel vm2, $0x0, v35;
	vm9 =	veq.s32 v40, $0x3;
	v62 =	vadd.s32 $0x5B, v28;
	[tilespmem:v54+s13+$0x0] =	vst.idx.msk $0xffff, v47  }
0x55f: {  	v45 =	vld [tilespmem:s24+$0x0];
	vm12 =	veq.s32 v42, $0x2;
	v49 =	vadd.s32 $0x54, v37;
	v28 =	vadd.s32 $0x5F, v28;
	[tilespmem:v56+s13+$0x0] =	vst.idx.msk $0xffff, v41  }
0x560: {  	v57 =	vnsel vm3, $0x0, v30;
	v63 =	vnsel vm1, $0x0, v35;
	v35 =	vnsel vm9, $0x0, v35;
	[tilespmem:v58+s13+$0x0] =	vst.idx.msk $0xffff, v60  }
0x561: {  	v47 =	vnsel vm0, $0x0, v30;
	v56 =	vadd.s32 $0x59, v29;
	[tilespmem:v61+s13+$0x0] =	vst.idx.msk $0xffff, v43;
	v61 =	vmul.u32 v20, v44  }
0x562: {  	v41 =	vnsel vm10, $0x0, v30;
	[tilespmem:v36+s13+$0x0] =	vst.idx.msk $0xffff, v47;
	v58 =	vadd.s32 $0x5D, v29;
	v60 =	vadd.s32 v20, v44  }
0x563: {  	[tilespmem:v62+s13+$0x0] =	vst.idx.msk $0xffff, v63;
	v63 =	vadd.s32 $0x50, v37;
	vm13 =	veq.s32 v60, $0x3;
	vm9 =	veq.s32 v61, $0x6  }
0x564: {  	vm10 =	vgt.u32 v38, v26;
	[tilespmem:v28+s13+$0x0] =	vst.idx.msk $0xffff, v35;
	v28 =	vmul.u32 v24, v45;
	vm5 =	vmor vm13, vm9  }
0x565: {  	v40 =	vnsel vm12, $0x0, v30;
	v59 =	vnsel vm11, $0x0, v30;
	[tilespmem:v50+s13+$0x0] =	vst.idx.msk $0xffff, v41;
	vm5 =	vmand vm10, vm5  }
0x566: {  	[tilespmem:v56+s13+$0x0] =	vst.idx.msk $0xffff, v57;
	vm12 =	veq.s32 v28, $0x6;
	v28 =	vadd.s32 $0x55, v37;
	v31 =	vnsel vm5, $0x0, v39  }
0x567: {  	v55 =	vadd.s32 $0x52, v37;
	[tilespmem:v58+s13+$0x0] =	vst.idx.msk $0xffff, v59;
	vm13 =	veq.s32 v44, $0x0;
	v54 =	vnsel vm7, $0x0, v31  }
0x568: {  	v62 =	vadd.s32 v24, v45;
	v57 =	vadd.s32 $0x56, v37;
	v56 =	vnsel vm13, $0x0, v31;
	[tilespmem:v63+s13+$0x0] =	vst.idx.msk $0xffff, v54  }
0x569: {  	v59 =	vadd.s32 $0x53, v37;
	v58 =	vnsel vm14, $0x0, v31;
	vm14 =	veq.s32 v44, $0x1;
	[tilespmem:v49+s13+$0x0] =	vst.idx.msk $0xffff, v56  }
0x56a: {  	vm11 =	veq.s32 v62, $0x3;
	v61 =	vadd.s32 $0x57, v37;
	v60 =	vnsel vm14, $0x0, v31;
	[tilespmem:v53+s13+$0x0] =	vst.idx.msk $0xffff, v58  }
0x56b: {  	vm9 =	veq.s32 v44, $0x2;
	v62 =	vnsel vm8, $0x0, v31;
	[tilespmem:v28+s13+$0x0] =	vst.idx.msk $0xffff, v60;
	v28 =	vadd.s32 $0x5A, v29  }
0x56c: {  	vm10 =	veq.s32 v44, $0x3;
	v63 =	vnsel vm9, $0x0, v31;
	v53 =	vadd.s32 $0x5E, v29;
	[tilespmem:v55+s13+$0x0] =	vst.idx.msk $0xffff, v62  }
0x56d: {  	vm5 =	vmor vm11, vm12;
	v52 =	vnsel vm15, $0x0, v31;
	v55 =	vadd.s32 $0x5B, v29;
	[tilespmem:v57+s13+$0x0] =	vst.idx.msk $0xffff, v63  }
0x56e: {  	vm11 =	vgt.u32 v33, v27;
	v31 =	vnsel vm10, $0x0, v31;
	v57 =	vadd.s32 $0x58, v32;
	[tilespmem:v59+s13+$0x0] =	vst.idx.msk $0xffff, v52  }
0x56f: {  	vm4 =	vmand vm11, vm5;
	v54 =	vnsel vm2, $0x0, v30;
	v29 =	vadd.s32 $0x5F, v29;
	[tilespmem:v61+s13+$0x0] =	vst.idx.msk $0xffff, v31  }
0x570: {  	vm12 =	veq.s32 v42, $0x3;
	v58 =	vnsel vm4, $0x0, v34;
	v59 =	vadd.s32 $0x5C, v32;
	[tilespmem:v28+s13+$0x0] =	vst.idx.msk $0xffff, v54;
	v34 =	vld [tilespmem:s24+$0x10]  }
0x571: {  	vm13 =	veq.s32 v45, $0x0;
	v56 =	vnsel vm1, $0x0, v30;
	v61 =	vadd.s32 $0x59, v32;
	[tilespmem:v53+s13+$0x0] =	vst.idx.msk $0xffff, v40  }
0x572: {  	vm15 =	veq.s32 v45, $0x2;
	v60 =	vnsel vm0, $0x0, v58;
	v63 =	vadd.s32 $0x5D, v32;
	[tilespmem:v55+s13+$0x0] =	vst.idx.msk $0xffff, v56  }
0x573: {  	vm11 =	veq.s32 v45, $0x3;
	vm14 =	veq.s32 v45, $0x1;
	v28 =	vnsel vm12, $0x0, v30;
	[tilespmem:v57+s13+$0x0] =	vst.idx.msk $0xffff, v60  }
0x574: {  	vm10 =	vgt.u32 v38, v27;
	v49 =	vadd.s32 $0x5B, v32;
	v62 =	vnsel vm13, $0x0, v58;
	[tilespmem:v29+s13+$0x0] =	vst.idx.msk $0xffff, v28  }
0x575: {  	v47 =	vnsel vm2, $0x0, v58;
	v28 =	vnsel vm3, $0x0, v58;
	[tilespmem:v59+s13+$0x0] =	vst.idx.msk $0xffff, v62;
	v51 =	vmul.u32 v24, v34  }
0x576: {  	v32 =	vadd.s32 $0x5F, v32;
	v29 =	vnsel vm14, $0x0, v58;
	[tilespmem:v61+s13+$0x0] =	vst.idx.msk $0xffff, v28;
	v50 =	vadd.s32 v24, v34  }
0x577: {  	v52 =	vadd.s32 $0x58, v37;
	[tilespmem:v63+s13+$0x0] =	vst.idx.msk $0xffff, v29;
	vm8 =	veq.s32 v50, $0x3;
	vm9 =	veq.s32 v51, $0x6  }
0x578: {  	v53 =	vadd.s32 $0x5C, v37;
	v28 =	vnsel vm15, $0x0, v58;
	[tilespmem:v46+s13+$0x0] =	vst.idx.msk $0xffff, v47;
	vm4 =	vmor vm8, vm9  }
0x579: {  	v29 =	vnsel vm1, $0x0, v58;
	[tilespmem:v48+s13+$0x0] =	vst.idx.msk $0xffff, v28;
	v28 =	vadd.s32 $0x59, v37;
	vm4 =	vmand vm10, vm4  }
0x57a: {  	v30 =	vnsel vm11, $0x0, v58;
	[tilespmem:v49+s13+$0x0] =	vst.idx.msk $0xffff, v29;
	v29 =	vadd.s32 $0x5D, v37;
	v54 =	vnsel vm4, $0x0, v39  }
0x57b: {  	v56 =	vadd.s32 $0x5A, v37;
	vm12 =	veq.s32 v34, $0x0;
	[tilespmem:v32+s13+$0x0] =	vst.idx.msk $0xffff, v30;
	v55 =	vnsel vm0, $0x0, v54  }
0x57c: {  	v58 =	vadd.s32 $0x5E, v37;
	v57 =	vnsel vm12, $0x0, v54;
	[tilespmem:v52+s13+$0x0] =	vst.idx.msk $0xffff, v55  }
0x57d: {  	s23 =	sadd.s32 $0x4, s23;
	v60 =	vadd.s32 $0x5B, v37;
	vm13 =	veq.s32 v34, $0x1;
	v59 =	vnsel vm3, $0x0, v54;
	[tilespmem:v53+s13+$0x0] =	vst.idx.msk $0xffff, v57  }
0x57e: {  	p1 =	slt.u32 s23, $0xC;
	v61 =	vnsel vm13, $0x0, v54;
	[tilespmem:v28+s13+$0x0] =	vst.idx.msk $0xffff, v59;
	v28 =	vadd.s32 $0x5F, v37  }
.Ltmp2:
0x57f: {  	vm14 =	veq.s32 v34, $0x2;
	[tilespmem:v29+s13+$0x0] =	vst.idx.msk $0xffff, v61;
	v29 =	vnsel vm2, $0x0, v54;
	(pc) =	sbr.rel @p1 .LBB2_7-.Ltmp2, $4  }
0x580: {  	v62 =	vnsel vm14, $0x0, v54;
	[tilespmem:v56+s13+$0x0] =	vst.idx.msk $0xffff, v29  }
0x581: {  	vm15 =	veq.s32 v34, $0x3;
	v29 =	vnsel vm1, $0x0, v54;
	[tilespmem:v58+s13+$0x0] =	vst.idx.msk $0xffff, v62  }
0x582: {  	v63 =	vnsel vm15, $0x0, v54;
	[tilespmem:v60+s13+$0x0] =	vst.idx.msk $0xffff, v29  }
0x583: {  	s21 =	sadd.s32 $0x40, s21;
	s24 =	sadd.s32 $0x40, s24;
	[tilespmem:v28+s13+$0x0] =	vst.idx.msk $0xffff, v63  }
0x584: {  	s21 =	simm.s32 $0xC2  }
0x585: {  	s22 =	simm.s32 $0x0;
	v2 =	vadd.s32 s21, v1  }
0x586: {  	s21 =	simm.s32 @!p0 $0x2;
	v3 =	vadd.s32 s22, v1  }
0x587: {  	s29 =	simm.s32 $0x61;
	_ =	swait.ge @!p0 [sflag:s21], $0x8000  }
0x588: {  	v4 =	vadd.s32 s29, v1;
	[sflag:s21] =	ssyncset.done @!p0 $0x0  }
0x589: {  	[sflag:s21] =	ssyncadd.s32 @!p0 $0xFFFF8000  }
0x58a: {  	s30 =	simm.s32 $0xD2;
	v2 =	vld.idx.msk [tilespmem:v2+s13+$0x0], $0xffff  }
0x58b: {  	s31 =	simm.s32 $0x10;
	v5 =	vadd.s32 s30, v1;
	v3 =	vld.idx.msk [tilespmem:v3+s13+$0x0], $0xffff  }
0x58c: {  	s23 =	simm.s32 $0x123;
	v6 =	vadd.s32 s31, v1  }
0x58d: {  	s24 =	simm.s32 $0x71;
	v7 =	vadd.s32 s23, v1;
	v4 =	vld.idx.msk [tilespmem:v4+s13+$0x0], $0xffff  }
0x58e: {  	v8 =	vadd.s32 s24, v1;
	s21 =	simm.s32 $0x10680  }
0x58f: {  	[tilespmem:s21+$0x0] =	vst v2  }
0x590: {  	s25 =	simm.s32 $0xE2;
	[tilespmem:s21+$0xFFFFFF00] =	vst v3;
	v2 =	vld.idx.msk [tilespmem:v5+s13+$0x0], $0xffff  }
0x591: {  	s23 =	simm.s32 $0x20;
	v3 =	vld.idx.msk [tilespmem:v6+s13+$0x0], $0xffff;
	v5 =	vadd.s32 s25, v1  }
0x592: {  	s26 =	simm.s32 $0x133;
	[tilespmem:s21+$0xFFFFFF80] =	vst v4;
	v4 =	vadd.s32 s23, v1;
	v6 =	vld.idx.msk [tilespmem:v7+s13+$0x0], $0xffff  }
0x593: {  	s28 =	simm.s32 $0x81;
	v7 =	vadd.s32 s26, v1;
	v8 =	vld.idx.msk [tilespmem:v8+s13+$0x0], $0xffff  }
0x594: {  	v9 =	vadd.s32 s28, v1  }
0x595: {  	s25 =	simm.s32 $0x246;
	[tilespmem:s21+$0x10] =	vst v2  }
0x596: {  	s29 =	simm.s32 $0xF2;
	v10 =	vadd.s32 s25, v1;
	[tilespmem:s21+$0xFFFFFF10] =	vst v3;
	v2 =	vld.idx.msk [tilespmem:v5+s13+$0x0], $0xffff  }
0x597: {  	s30 =	simm.s32 $0x30;
	[tilespmem:s21+$0x80] =	vst v6;
	v3 =	vld.idx.msk [tilespmem:v4+s13+$0x0], $0xffff;
	v4 =	vadd.s32 s29, v1  }
0x598: {  	s31 =	simm.s32 $0x143;
	[tilespmem:s21+$0xFFFFFF90] =	vst v8;
	v6 =	vadd.s32 s30, v1;
	v5 =	vld.idx.msk [tilespmem:v7+s13+$0x0], $0xffff  }
0x599: {  	s24 =	simm.s32 $0x91;
	v8 =	vadd.s32 s31, v1;
	v7 =	vld.idx.msk [tilespmem:v9+s13+$0x0], $0xffff  }
0x59a: {  	s26 =	simm.s32 $0x184;
	v9 =	vadd.s32 s24, v1  }
0x59b: {  	s28 =	simm.s32 $0x1E5;
	v10 =	vld.idx.msk [tilespmem:v10+s13+$0x0], $0xffff;
	[tilespmem:s21+$0x20] =	vst v2;
	v2 =	vadd.s32 s26, v1  }
0x59c: {  	s29 =	simm.s32 $0x2A7;
	[tilespmem:s21+$0xFFFFFF20] =	vst v3;
	v3 =	vld.idx.msk [tilespmem:v4+s13+$0x0], $0xffff;
	v4 =	vadd.s32 s28, v1  }
0x59d: {  	s30 =	simm.s32 $0x40;
	[tilespmem:s21+$0x90] =	vst v5;
	v5 =	vld.idx.msk [tilespmem:v6+s13+$0x0], $0xffff;
	v6 =	vadd.s32 s29, v1  }
0x59e: {  	s31 =	simm.s32 $0x153;
	[tilespmem:s21+$0xFFFFFFA0] =	vst v7;
	v7 =	vld.idx.msk [tilespmem:v8+s13+$0x0], $0xffff;
	v8 =	vadd.s32 s30, v1  }
0x59f: {  	s22 =	simm.s32 $0x10880;
	s23 =	simm.s32 $0xA1;
	v11 =	vadd.s32 s31, v1;
	v9 =	vld.idx.msk [tilespmem:v9+s13+$0x0], $0xffff  }
0x5a0: {  	v12 =	vadd.s32 s23, v1;
	s24 =	simm.s32 $0x256;
	[tilespmem:s22+$0x0] =	vst v10;
	v2 =	vld.idx.msk [tilespmem:v2+s13+$0x0], $0xffff  }
0x5a1: {  	s25 =	simm.s32 $0x194;
	v13 =	vadd.s32 s24, v1;
	v4 =	vld.idx.msk [tilespmem:v4+s13+$0x0], $0xffff;
	[tilespmem:s21+$0x30] =	vst v3  }
0x5a2: {  	s26 =	simm.s32 $0x1F5;
	v3 =	vadd.s32 s25, v1;
	v6 =	vld.idx.msk [tilespmem:v6+s13+$0x0], $0xffff;
	[tilespmem:s21+$0xFFFFFF30] =	vst v5  }
0x5a3: {  	s28 =	simm.s32 $0x102;
	v5 =	vadd.s32 s26, v1;
	[tilespmem:s21+$0xA0] =	vst v7;
	v8 =	vld.idx.msk [tilespmem:v8+s13+$0x0], $0xffff  }
0x5a4: {  	s29 =	simm.s32 $0x50;
	[tilespmem:s21+$0xFFFFFFB0] =	vst v9;
	v7 =	vadd.s32 s28, v1;
	v9 =	vld.idx.msk [tilespmem:v11+s13+$0x0], $0xffff  }
0x5a5: {  	s24 =	simm.s32 $0x163;
	v10 =	vadd.s32 s29, v1;
	v11 =	vld.idx.msk [tilespmem:v12+s13+$0x0], $0xffff;
	[tilespmem:s22+$0xFFFFFF00] =	vst v2  }
0x5a6: {  	v62 =	vadd.s32 s24, v1;
	s30 =	simm.s32 $0x2B7;
	v2 =	vld.idx.msk [tilespmem:v13+s13+$0x0], $0xffff;
	[tilespmem:s22+$0xFFFFFF80] =	vst v4  }
0x5a7: {  	s31 =	simm.s32 $0x266;
	v3 =	vld.idx.msk [tilespmem:v3+s13+$0x0], $0xffff;
	v4 =	vadd.s32 s30, v1;
	[tilespmem:s22+$0x80] =	vst v6  }
0x5a8: {  	s25 =	simm.s32 $0x1A4;
	v63 =	vld.idx.msk [tilespmem:v5+s13+$0x0], $0xffff;
	v5 =	vadd.s32 s31, v1;
	[tilespmem:s21+$0xFFFFFF40] =	vst v8  }
0x5a9: {  	s28 =	simm.s32 $0xB1;
	v6 =	vadd.s32 s25, v1;
	v14 =	vld.idx.msk [tilespmem:v7+s13+$0x0], $0xffff;
	[tilespmem:s21+$0xB0] =	vst v9  }
0x5aa: {  	s26 =	simm.s32 $0x205;
	[tilespmem:s21+$0xFFFFFFC0] =	vst v11;
	v11 =	vadd.s32 s28, v1;
	v10 =	vld.idx.msk [tilespmem:v10+s13+$0x0], $0xffff  }
0x5ab: {  	s29 =	simm.s32 $0x112;
	v7 =	vadd.s32 s26, v1;
	v12 =	vld.idx.msk [tilespmem:v62+s13+$0x0], $0xffff  }
0x5ac: {  	v15 =	vadd.s32 s29, v1;
	s30 =	simm.s32 $0x173;
	[tilespmem:s22+$0x10] =	vst v2;
	v8 =	vld.idx.msk [tilespmem:v4+s13+$0x0], $0xffff  }
0x5ad: {  	v2 =	vadd.s32 s30, v1;
	[tilespmem:s22+$0xFFFFFF10] =	vst v3;
	v5 =	vld.idx.msk [tilespmem:v5+s13+$0x0], $0xffff  }
0x5ae: {  	s25 =	simm.s32 $0x276;
	[tilespmem:s21+$0x40] =	vst v14;
	v6 =	vld.idx.msk [tilespmem:v6+s13+$0x0], $0xffff  }
0x5af: {  	s26 =	simm.s32 $0x1B4;
	v9 =	vadd.s32 s25, v1;
	[tilespmem:s22+$0xFFFFFF90] =	vst v63;
	v4 =	vld.idx.msk [tilespmem:v11+s13+$0x0], $0xffff  }
0x5b0: {  	s23 =	simm.s32 $0x2F7;
	s31 =	simm.s32 $0x2C7;
	v7 =	vld.idx.msk [tilespmem:v7+s13+$0x0], $0xffff;
	[tilespmem:s21+$0xFFFFFF50] =	vst v10;
	v10 =	vadd.s32 s26, v1  }
0x5b1: {  	s24 =	simm.s32 $0x4;
	s25 =	simm.s32 $0x47B;
	v11 =	vadd.s32 s31, v1;
	v3 =	vld.idx.msk [tilespmem:v15+s13+$0x0], $0xffff;
	s26 =	simm.s32 $0x215;
	[tilespmem:s21+$0xC0] =	vst v12  }
.LBB2_9:
0x5b2: {  	s28 =	sadd.s32 $0xFFFFFE8D, s25;
	s29 =	sadd.s32 $0xFFFFFF4F, s25;
	s30 =	sadd.s32 $0xFFFFFFB0, s25;
	v12 =	vadd.s32 s26, v1;
	[tilespmem:s22+$0x90] =	vst v8;
	v2 =	vld.idx.msk [tilespmem:v2+s13+$0x0], $0xffff  }
0x5b3: {  	s26 =	sadd.s32 $0xFFFFFEEE, s25;
	s24 =	sadd.s32 $0x4, s24;
	v8 =	vadd.s32 s28, v1;
	v13 =	vadd.s32 s29, v1;
	v14 =	vadd.s32 s30, v1;
	[tilespmem:s22+$0x20] =	vst v5  }
0x5b4: {  	v5 =	vadd.s32 s26, v1;
	p0 =	slt.u32 s24, $0xFC;
	[tilespmem:s22+$0xFFFFFF20] =	vst v6;
	v6 =	vld.idx.msk [tilespmem:v9+s13+$0x0], $0xffff  }
0x5b5: {  	s26 =	sadd.s32 $0xFFFFFFE0, s23;
	v9 =	vld.idx.msk [tilespmem:v10+s13+$0x0], $0xffff;
	[tilespmem:s22+$0xFFFFFFA0] =	vst v7  }
0x5b6: {  	s28 =	sadd.s32 $0xFFFFFECD, s23;
	v10 =	vadd.s32 s26, v1;
	v7 =	vld.idx.msk [tilespmem:v11+s13+$0x0], $0xffff;
	[tilespmem:s21+$0xFFFFFFD0] =	vst v4  }
0x5b7: {  	v4 =	vadd.s32 s28, v1;
	v11 =	vld.idx.msk [tilespmem:v12+s13+$0x0], $0xffff;
	[tilespmem:s21+$0x50] =	vst v3  }
0x5b8: {  	s26 =	sadd.s32 $0xFFFFFF2E, s23;
	v3 =	vld.idx.msk [tilespmem:v13+s13+$0x0], $0xffff;
	[tilespmem:s21+$0xD0] =	vst v2;
	s21 =	smov.u32 s22  }
0x5b9: {  	s28 =	sadd.s32 $0xFFFFFF5F, s25;
	v2 =	vld.idx.msk [tilespmem:v8+s13+$0x0], $0xffff;
	v8 =	vadd.s32 s26, v1  }
0x5ba: {  	v12 =	vadd.s32 s28, v1;
	s26 =	sadd.s32 $0xFFFFFE9D, s25;
	v5 =	vld.idx.msk [tilespmem:v5+s13+$0x0], $0xffff;
	[tilespmem:s22+$0x30] =	vst v6  }
0x5bb: {  	v6 =	vadd.s32 s26, v1;
	s26 =	sadd.s32 $0xFFFFFEFE, s25;
	v13 =	vld.idx.msk [tilespmem:v14+s13+$0x0], $0xffff;
	[tilespmem:s22+$0xFFFFFF30] =	vst v9  }
0x5bc: {  	s28 =	sadd.s32 $0xFFFFFFF0, s23;
	v9 =	vadd.s32 s26, v1;
	s26 =	sadd.s32 $0xFFFFFF8F, s23;
	v4 =	vld.idx.msk [tilespmem:v4+s13+$0x0], $0xffff;
	[tilespmem:s22+$0xA0] =	vst v7  }
0x5bd: {  	s29 =	sadd.s32 $0xFFFFFEDD, s23;
	v7 =	vadd.s32 s26, v1;
	s22 =	sadd.s32 $0x200, s22;
	[tilespmem:s21+$0xFFFFFFB0] =	vst v11;
	v10 =	vld.idx.msk [tilespmem:v10+s13+$0x0], $0xffff;
	v11 =	vadd.s32 s28, v1  }
0x5be: {  	[tilespmem:s22+$0x0] =	vst v3;
	v3 =	vadd.s32 s29, v1;
	v8 =	vld.idx.msk [tilespmem:v8+s13+$0x0], $0xffff  }
0x5bf: {  	s26 =	sadd.s32 $0xFFFFFFC0, s25;
	[tilespmem:s22+$0xFFFFFF00] =	vst v2;
	v12 =	vld.idx.msk [tilespmem:v12+s13+$0x0], $0xffff  }
0x5c0: {  	s28 =	sadd.s32 $0xFFFFFF6F, s25;
	v6 =	vld.idx.msk [tilespmem:v6+s13+$0x0], $0xffff;
	[tilespmem:s22+$0xFFFFFF80] =	vst v5;
	v5 =	vadd.s32 s26, v1  }
0x5c1: {  	v14 =	vadd.s32 s28, v1;
	s26 =	sadd.s32 $0xFFFFFEAD, s25;
	v9 =	vld.idx.msk [tilespmem:v9+s13+$0x0], $0xffff;
	[tilespmem:s22+$0x80] =	vst v13  }
0x5c2: {  	v13 =	vadd.s32 s26, v1;
	s26 =	sadd.s32 $0xFFFFFF0E, s25;
	[tilespmem:s21+$0xFFFFFF40] =	vst v4;
	v4 =	vld.idx.msk [tilespmem:v7+s13+$0x0], $0xffff  }
0x5c3: {  	v7 =	vadd.s32 s26, v1;
	s26 =	sadd.s32 $0xFFFFFF3E, s23;
	v3 =	vld.idx.msk [tilespmem:v3+s13+$0x0], $0xffff;
	[tilespmem:s21+$0xB0] =	vst v10  }
0x5c4: {  	v2 =	vadd.s32 s23, v1;
	v15 =	vadd.s32 s26, v1;
	s26 =	sadd.s32 $0xFFFFFF9F, s23;
	s23 =	smov.u32 s25;
	[tilespmem:s21+$0xFFFFFFC0] =	vst v8;
	v16 =	vld.idx.msk [tilespmem:v11+s13+$0x0], $0xffff  }
0x5c5: {  	[tilespmem:s22+$0x10] =	vst v12;
	v8 =	vld.idx.msk [tilespmem:v5+s13+$0x0], $0xffff;
	v12 =	vadd.s32 s26, v1  }
.Ltmp3:
0x5c6: {  	[tilespmem:s22+$0xFFFFFF10] =	vst v6;
	v5 =	vld.idx.msk [tilespmem:v14+s13+$0x0], $0xffff;
	(pc) =	sbr.rel @p0 .LBB2_9-.Ltmp3, $4  }
0x5c7: {  	s26 =	sadd.s32 $0xFFFFFF7F, s25;
	v6 =	vld.idx.msk [tilespmem:v13+s13+$0x0], $0xffff;
	[tilespmem:s22+$0xFFFFFF90] =	vst v9  }
0x5c8: {  	s28 =	sadd.s32 $0xFFFFFEBD, s25;
	v9 =	vadd.s32 s26, v1;
	s26 =	sadd.s32 $0xFFFFFFD0, s25;
	v7 =	vld.idx.msk [tilespmem:v7+s13+$0x0], $0xffff;
	[tilespmem:s21+$0x40] =	vst v4  }
0x5c9: {  	v10 =	vadd.s32 s28, v1;
	v11 =	vadd.s32 s26, v1;
	[tilespmem:s21+$0xFFFFFF50] =	vst v3;
	v4 =	vld.idx.msk [tilespmem:v15+s13+$0x0], $0xffff  }
0x5ca: {  	s25 =	sadd.s32 $0x184, s25;
	s26 =	sadd.s32 $0xFFFFFF1E, s23;
	v3 =	vld.idx.msk [tilespmem:v12+s13+$0x0], $0xffff;
	[tilespmem:s21+$0xC0] =	vst v16  }
0x5cb: {  	_ =	sdelay $0x2  }
0x5cc: {  	[tilespmem:s22+$0x90] =	vst v8  }
0x5cd: {  	v12 =	vadd.s32 s26, v1;
	s24 =	sadd.s32 $0xFFFFFFE0, s23;
	v8 =	vld.idx.msk [tilespmem:v11+s13+$0x0], $0xffff  }
0x5ce: {  	v52 =	vadd.s32 s24, v1  }
0x5cf: {  	[tilespmem:s22+$0x20] =	vst v5  }
0x5d0: {  	s28 =	sadd.s32 $0xFFFFFF8F, s23;
	[tilespmem:s22+$0xFFFFFF20] =	vst v6;
	v9 =	vld.idx.msk [tilespmem:v9+s13+$0x0], $0xffff  }
0x5d1: {  	s25 =	sadd.s32 $0xFFFFFECD, s23;
	v55 =	vadd.s32 s28, v1;
	v6 =	vld.idx.msk [tilespmem:v10+s13+$0x0], $0xffff;
	[tilespmem:s22+$0xFFFFFFA0] =	vst v7  }
0x5d2: {  	s26 =	sadd.s32 $0xFFFFFF2E, s23;
	v53 =	vadd.s32 s25, v1;
	v7 =	vld.idx.msk [tilespmem:v12+s13+$0x0], $0xffff;
	[tilespmem:s22+$0xA0] =	vst v8  }
0x5d3: {  	v54 =	vadd.s32 s26, v1;
	s25 =	sadd.s32 $0xFFFFFFF0, s23;
	v11 =	vld.idx.msk [tilespmem:v52+s13+$0x0], $0xffff  }
0x5d4: {  	v56 =	vadd.s32 s25, v1  }
0x5d5: {  	[tilespmem:s22+$0x30] =	vst v9  }
0x5d6: {  	s31 =	sadd.s32 $0xFFFFFF9F, s23;
	[tilespmem:s22+$0xFFFFFF30] =	vst v6;
	v8 =	vld.idx.msk [tilespmem:v55+s13+$0x0], $0xffff  }
0x5d7: {  	s29 =	sadd.s32 $0xFFFFFEDD, s23;
	v60 =	vadd.s32 s31, v1;
	v5 =	vld.idx.msk [tilespmem:v53+s13+$0x0], $0xffff;
	[tilespmem:s22+$0xFFFFFFB0] =	vst v7  }
0x5d8: {  	s30 =	sadd.s32 $0xFFFFFF3E, s23;
	v57 =	vadd.s32 s29, v1;
	v7 =	vld.idx.msk [tilespmem:v54+s13+$0x0], $0xffff;
	[tilespmem:s22+$0xB0] =	vst v11  }
0x5d9: {  	v58 =	vadd.s32 s30, v1;
	v59 =	vld.idx.msk [tilespmem:v56+s13+$0x0], $0xffff  }
0x5da: {  	v61 =	vadd.s32 s23, v1;
	[tilespmem:s21+$0xFFFFFFD0] =	vst v4  }
0x5db: {  	v2 =	vld.idx.msk [tilespmem:v2+s13+$0x0], $0xffff;
	[tilespmem:s22+$0x40] =	vst v8  }
0x5dc: {  	[tilespmem:s22+$0xFFFFFF40] =	vst v5;
	v63 =	vld.idx.msk [tilespmem:v60+s13+$0x0], $0xffff  }
0x5dd: {  	v5 =	vld.idx.msk [tilespmem:v57+s13+$0x0], $0xffff;
	[tilespmem:s22+$0xFFFFFFC0] =	vst v7  }
0x5de: {  	v62 =	vld.idx.msk [tilespmem:v58+s13+$0x0], $0xffff;
	[tilespmem:s22+$0xC0] =	vst v59  }
0x5df: {  	s19 =	sadd.s32 $0x1, s19;
	[tilespmem:s21+$0x50] =	vst v3;
	v3 =	vld.idx.msk [tilespmem:v61+s13+$0x0], $0xffff  }
0x5e0: {  	p0 =	sne.s32 s19, $0x10;
	[tilespmem:s21+$0xD0] =	vst v2  }
.Ltmp4:
0x5e1: {  	s20 =	sshll.u32 s20, $0xF;
	[tilespmem:s22+$0x50] =	vst v63;
	(pc) =	sbr.rel @p0 .LBB2_2-.Ltmp4, $4  }
0x5e2: {  	s20 =	sadd.s32 s8, s20;
	[tilespmem:s22+$0xFFFFFF50] =	vst v5  }
0x5e3: {  	s20 =	sshrl.u32 s20, $0x3;
	[tilespmem:s22+$0xFFFFFFD0] =	vst v62  }
0x5e4: {  	s20 =	sadd.s32 s4, s20;
	[tilespmem:s22+$0xD0] =	vst v3  }
0x5e5: {  	[hbm4b:s20+s2] =	stream.linear.scatter [tilespmem:s15], [sflag:$0x2], $0x8000, $0x38;
	[tilespmem:$0x18580] =	vst v63  }
0x5e6: {  	s18 =	sadd.s32 $0x1, s18  }
0x5e7: {  	_ =	swait.ge [sflag:s16], $0x8000;
	p0 =	sne.s32 s18, s9  }
.Ltmp5:
0x5e8: {  	[sflag:s16] =	ssyncset.done $0x0;
	(pc) =	sbr.rel @p0 .LBB2_1-.Ltmp5, $4  }
0x5e9: {  	[sflag:s16] =	ssyncadd.s32 $0xFFFF8000  }
0x5ea: {  	_ =	swait.ge [sflag:s17], $0x8000  }
0x5eb: {  	[sflag:s17] =	ssyncset.done $0x0  }
0x5ec: {  	[sflag:s17] =	ssyncadd.s32 $0xFFFF8000  }
0x5ed: {  	_ =	sfence.sel $0x180000  }
0x5ee: {  	[bflag:$0x0] =	sbarrier.arrive $0xFFFF  }
0x5ef: {  	p0 =	sne.s32 s3, $0x0;
	_ =	strace $0x90000047  }
0x5f0: {  	s0 =	sadd.s32 @!p0 $0x100000, s0;
	[bflag:$0x2] =	sbarrier.arrive $0xFFFF  }
0x5f1: {  	[sflag:s0] =	ssyncadd.tile.s32 @!p0 $0x1;
	_ =	shalt  }
.Lfunc_end2:
_tile_overlayer_lowered:
.L_overlay_start_2:
0x5f2: {  	(tag) =	ssettag $0x2  }
0x5f3: {  	s0 =	rddreg [dreg:$0x0];
	s2 =	stileid.u32  }
0x5f4: {  	s1 =	rddreg [dreg:$0x1];
	p0 =	sne.s32 s2, $0x0  }
0x5f5: {  	s3 =	rddreg [dreg:$0x2];
	[bflag:$0x3] =	sbarrier.arrive $0xFFFF;
	s2 =	simm.s32 @!p0 $0x1C03  }
0x5f6: {  	[timem:s3], [sflag:s2] =	dma.local @!p0 [hbm:s0], s1  }
0x5f7: {  	s0 =	simm.s32 @!p0 $0x3  }
0x5f8: {  	_ =	swait.ge @!p0 [sflag:s0], s1  }
0x5f9: {  	s1 =	ssub.s32 @!p0 $0x0, s1;
	[sflag:s0] =	ssyncset.done @!p0 $0x0  }
0x5fa: {  	[sflag:s0] =	ssyncadd.s32 @!p0 s1  }
0x5fb: {  	[bflag:$0x3] =	sbarrier.arrive $0xFFFF  }
0x5fc: {  	_ =	shalt  }

</sc_bundles>
